<compile_context>
chip_gen: v7x
topology: tpu7x:2x2x1
jax: 0.10.2.dev20260603
libtpu: 0.0.44.dev20260713+nightly
codegen_flags: <defaults>
</compile_context>

<pallas_src>
import functools

import jax
import jax.numpy as jnp
from jax import lax
from jax.experimental import pallas as pl
from jax.experimental.pallas import tpu as pltpu
from jax.experimental.pallas import tpu_sc as plsc

NC = 2
NS = 16
NW = NC * NS
CH = 128


def _cdiv(a, b):
  return (a + b - 1) // b




@functools.lru_cache(maxsize=None)
def _make_sc_degree(n_pad, rpt, nchunk):
  mesh = plsc.VectorSubcoreMesh(core_axis_name="c", subcore_axis_name="s", num_cores=NC, num_subcores=NS)

  @functools.partial(
      pl.kernel,
      out_type=jax.ShapeDtypeStruct((NC * n_pad,), jnp.float32),
      mesh=mesh,
      scratch_types=[
          pltpu.VMEM((nchunk, CH), jnp.int32),
          pltpu.VMEM((CH,), jnp.float32),
          pltpu.VMEM((rpt,), jnp.float32),
          pltpu.VMEM_SHARED((n_pad,), jnp.float32),
          pltpu.SemaphoreType.DMA,
      ],
  )
  def k(dst_hbm, zeros_hbm, ones_hbm, out_hbm, dst_v, ones_v, zbuf, acc, sem):
    cid = lax.axis_index("c")
    sid = lax.axis_index("s")
    wid = sid * NC + cid
    pltpu.sync_copy(zeros_hbm, zbuf)
    pltpu.sync_copy(zbuf, acc.at[pl.ds(sid * rpt, rpt)])
    pltpu.async_copy(dst_hbm.at[wid], dst_v, sem).wait()
    pltpu.sync_copy(ones_hbm, ones_v)
    plsc.subcore_barrier()

    def body(j, carry):
      pltpu.sync_copy(ones_v, acc.at[dst_v.at[j]], add=True)
      return carry

    lax.fori_loop(0, nchunk, body, 0)
    plsc.subcore_barrier()
    pltpu.sync_copy(acc.at[pl.ds(sid * rpt, rpt)], zbuf)
    pltpu.sync_copy(zbuf, out_hbm.at[pl.ds(cid * n_pad + sid * rpt, rpt)])

  return k


_NBUF = 2
_NHALF = 2


@functools.lru_cache(maxsize=None)
def _make_sc_scatter(n_rows, n_pad, rpt, nchunk, feat):
  mesh = plsc.VectorSubcoreMesh(core_axis_name="c", subcore_axis_name="s", num_cores=NC, num_subcores=NS)
  npiece = rpt // CH

  h0 = 2 * ((nchunk // 2 + 1) // 2)
  h1 = nchunk - h0
  dsth = max(h0, h1)

  @functools.partial(
      pl.kernel,
      out_type=jax.ShapeDtypeStruct((NC, n_pad, feat), jnp.float32),
      mesh=mesh,
      scratch_types=[
          pltpu.VMEM((nchunk, CH), jnp.int32),
          pltpu.VMEM((dsth, CH), jnp.int32),
          pltpu.VMEM((CH, feat), jnp.float32),
          pltpu.VMEM((CH, feat), jnp.float32),
          pltpu.VMEM_SHARED((n_pad, feat), jnp.float32),
          pltpu.SemaphoreType.DMA,
          pltpu.SemaphoreType.DMA,
          pltpu.SemaphoreType.DMA,
      ],
  )
  def k(hs_hbm, src_hbm, dst_hbm, zeros_hbm, out_hbm,
        src_v, dst_v, rows0, rows1, acc, sem, sem2, gsem1):
    bufs = (rows0, rows1)
    gsem = (sem, gsem1)
    cid = lax.axis_index("c")
    sid = lax.axis_index("s")
    wid = sid * NC + cid
    cp1 = pltpu.async_copy(src_hbm.at[wid], src_v, sem)
    cp2 = pltpu.async_copy(dst_hbm.at[wid, pl.ds(0, h0)],
                           dst_v.at[pl.ds(0, h0)], sem2)
    pltpu.sync_copy(zeros_hbm, rows1)
    zcps = [pltpu.async_copy(rows1, acc.at[pl.ds(sid * rpt + q * CH, CH)],
                             gsem1) for q in range(npiece)]
    for cp in zcps:
      cp.wait()
    cp1.wait()
    cp2.wait()
    plsc.subcore_barrier()

    def gstart(b, j):
      pltpu.async_copy(hs_hbm.at[src_v.at[j]], bufs[b], gsem[b])

    def gwait(b, j):
      pltpu.make_async_copy(hs_hbm.at[src_v.at[j]], bufs[b], gsem[b]).wait()

    def scat(b, dj):
      pltpu.sync_copy(bufs[b], acc.at[dst_v.at[dj]], add=True)

    gstart(0, 0)
    gstart(1, 1)

    def body0(r, carry):
      j = 2 * r
      gwait(0, j)
      scat(0, j)
      gstart(0, j + 2)
      gwait(1, j + 1)
      scat(1, j + 1)
      gstart(1, j + 3)
      return carry

    lax.fori_loop(0, h0 // 2 - 1, body0, 0)
    for j in (h0 - 2, h0 - 1):
      gwait(j % 2, j)
      scat(j % 2, j)
      if j + 2 < nchunk:
        gstart(j % 2, j + 2)
    if h1 > 0:
      pltpu.sync_copy(dst_hbm.at[wid, pl.ds(h0, h1)], dst_v.at[pl.ds(0, h1)])
    p1 = max(0, (h1 - 3) // 2)

    def body1(r, carry):
      j = h0 + 2 * r
      gwait(0, j)
      scat(0, j - h0)
      gstart(0, j + 2)
      gwait(1, j + 1)
      scat(1, j + 1 - h0)
      gstart(1, j + 3)
      return carry

    lax.fori_loop(0, p1, body1, 0)
    for j in range(h0 + 2 * p1, nchunk):
      gwait(j % 2, j)
      scat(j % 2, j - h0)
      if j + 2 < nchunk:
        gstart(j % 2, j + 2)
    plsc.subcore_barrier()

    wcps = [None] * npiece
    for q in range(npiece):
      b = q % 2
      if q >= 2:
        wcps[q - 2].wait()
      pltpu.sync_copy(acc.at[pl.ds(sid * rpt + q * CH, CH)], bufs[b])
      wcps[q] = pltpu.async_copy(
          bufs[b], out_hbm.at[cid, pl.ds(sid * rpt + q * CH, CH)], gsem[b])
    for q in range(max(0, npiece - 2), npiece):
      wcps[q].wait()

  return k



_BLK = 1000


def _tc_prep_body(deg_ref, x_ref, dinv_ref, hs_ref):
  d = deg_ref[0] + deg_ref[1] + 1.0
  dinv = lax.rsqrt(jnp.maximum(d, 1.0))
  dinv_ref[...] = dinv
  hs_ref[...] = dinv * x_ref[...]


def _tc_prep(deg2, x):
  n = x.shape[0]
  grid = n // _BLK
  return pl.pallas_call(
      _tc_prep_body,
      grid=(grid,),
      in_specs=[
          pl.BlockSpec((NC, _BLK, 1), lambda i: (0, i, 0)),
          pl.BlockSpec((_BLK, x.shape[1]), lambda i: (i, 0)),
      ],
      out_specs=[
          pl.BlockSpec((_BLK, 1), lambda i: (i, 0)),
          pl.BlockSpec((_BLK, x.shape[1]), lambda i: (i, 0)),
      ],
      out_shape=[
          jax.ShapeDtypeStruct((n, 1), jnp.float32),
          jax.ShapeDtypeStruct((n, x.shape[1]), jnp.float32),
      ],
  )(deg2, x)


def _tc_layer_body(s_ref, hs_ref, dinv_ref, w_ref, b_ref, out_ref):
  t = s_ref[0] + s_ref[1] + hs_ref[...]
  p = dinv_ref[...] * t
  h = jnp.maximum(
      lax.dot_general(p, w_ref[...], (((1,), (0,)), ((), ())),
                      preferred_element_type=jnp.float32) + b_ref[...],
      0.0)
  out_ref[...] = dinv_ref[...] * h


def _tc_layer(s, hs, dinv, w, b):
  n, f = hs.shape
  grid = n // _BLK
  return pl.pallas_call(
      _tc_layer_body,
      grid=(grid,),
      in_specs=[
          pl.BlockSpec((NC, _BLK, f), lambda i: (0, i, 0)),
          pl.BlockSpec((_BLK, f), lambda i: (i, 0)),
          pl.BlockSpec((_BLK, 1), lambda i: (i, 0)),
          pl.BlockSpec(w.shape, lambda i: (0, 0)),
          pl.BlockSpec(b.shape, lambda i: (0, 0)),
      ],
      out_specs=pl.BlockSpec((_BLK, f), lambda i: (i, 0)),
      out_shape=jax.ShapeDtypeStruct((n, f), jnp.float32),
  )(s, hs, dinv, w, b)


def _tc_final_body(ngrid, g, s_ref, hs_ref, dinv_ref, batch_ref,
                   w3_ref, b3_ref, fc1w_ref, fc1b_ref, fc2w_ref, fc2b_ref,
                   fcw_ref, fcb_ref, c_ref, z_ref, acc_ref, cnt_ref):
  i = pl.program_id(0)

  @pl.when(i == 0)
  def _():
    acc_ref[...] = jnp.zeros_like(acc_ref)
    cnt_ref[...] = jnp.zeros_like(cnt_ref)

  t = s_ref[0] + s_ref[1] + hs_ref[...]
  p2 = dinv_ref[...] * t
  iota_g = lax.broadcasted_iota(jnp.int32, (_BLK, g), 1)
  oh = (batch_ref[...] == iota_g).astype(jnp.float32)
  acc_ref[...] += lax.dot_general(p2, oh, (((0,), (0,)), ((), ())),
                                  preferred_element_type=jnp.float32)
  cnt_ref[...] += jnp.sum(oh, axis=0, keepdims=True)

  @pl.when(i == ngrid - 1)
  def _():
    pooled_t = acc_ref[...] / jnp.maximum(cnt_ref[...], 1.0)
    hg = lax.dot_general(pooled_t, w3_ref[...], (((0,), (0,)), ((), ())),
                         preferred_element_type=jnp.float32) + b3_ref[...]
    z1 = jnp.maximum(
        lax.dot_general(hg, fc1w_ref[...], (((1,), (0,)), ((), ())),
                        preferred_element_type=jnp.float32) + fc1b_ref[...],
        0.0)
    z2 = jnp.maximum(
        lax.dot_general(z1, fc2w_ref[...], (((1,), (0,)), ((), ())),
                        preferred_element_type=jnp.float32) + fc2b_ref[...],
        0.0)
    c = lax.dot_general(z2, fcw_ref[...], (((1,), (0,)), ((), ())),
                        preferred_element_type=jnp.float32) + fcb_ref[...]
    c_ref[...] = c
    z_ref[...] = z2


def _tc_final(s, hs, dinv, batch2, w3, b3, fc1w, fc1b, fc2wp, fc2bp,
              fcwp, fcbp, g):
  n, f = hs.shape
  grid = n // _BLK
  full = lambda a: pl.BlockSpec(a.shape, lambda i: tuple(0 for _ in a.shape))
  return pl.pallas_call(
      functools.partial(_tc_final_body, grid, g),
      grid=(grid,),
      in_specs=[
          pl.BlockSpec((NC, _BLK, f), lambda i: (0, i, 0)),
          pl.BlockSpec((_BLK, f), lambda i: (i, 0)),
          pl.BlockSpec((_BLK, 1), lambda i: (i, 0)),
          pl.BlockSpec((_BLK, 1), lambda i: (i, 0)),
          full(w3), full(b3), full(fc1w), full(fc1b),
          full(fc2wp), full(fc2bp), full(fcwp), full(fcbp),
      ],
      out_specs=[
          pl.BlockSpec((g, 128), lambda i: (0, 0)),
          pl.BlockSpec((g, 128), lambda i: (0, 0)),
      ],
      out_shape=[
          jax.ShapeDtypeStruct((g, 128), jnp.float32),
          jax.ShapeDtypeStruct((g, 128), jnp.float32),
      ],
      scratch_shapes=[
          pltpu.VMEM((f, g), jnp.float32),
          pltpu.VMEM((1, g), jnp.float32),
      ],
  )(s, hs, dinv, batch2, w3, b3, fc1w, fc1b, fc2wp, fc2bp, fcwp, fcbp)




def kernel(x, edge_index, batch, W1, b1, W2, b2, W3, b3,
           fc1_w, fc1_b, fc2_w, fc2_b, fc_w, fc_b):
  n, f = x.shape
  e = edge_index.shape[1]
  g = 64
  out_dim = fc_w.shape[1]
  h2_dim = fc2_w.shape[1]

  e_pad = _cdiv(e, NW * CH) * NW * CH
  nchunk = e_pad // (NW * CH)
  rpt = _cdiv(n + 1, NS * CH) * CH
  n_pad = rpt * NS

  src = jnp.concatenate([edge_index[0], jnp.zeros((e_pad - e,), jnp.int32)])
  dst = jnp.concatenate(
      [edge_index[1], jnp.full((e_pad - e,), n, jnp.int32)])
  src2 = src.reshape(NW, nchunk, CH)
  dst2 = dst.reshape(NW, nchunk, CH)
  dst = dst2
  zeros_deg = jnp.zeros((rpt,), jnp.float32)
  ones_ch = jnp.ones((CH,), jnp.float32)
  zeros_rows = jnp.zeros((CH, f), jnp.float32)
  batch2 = batch.reshape(n, 1)
  b1r = b1.reshape(1, -1)
  b2r = b2.reshape(1, -1)
  b3r = b3.reshape(1, -1)
  fc1br = fc1_b.reshape(1, -1)
  fc2wp = jnp.zeros((fc2_w.shape[0], 128), jnp.float32).at[:, :h2_dim].set(fc2_w)
  fc2bp = jnp.zeros((1, 128), jnp.float32).at[0, :h2_dim].set(fc2_b)
  fcwp = jnp.zeros((128, 128), jnp.float32).at[:h2_dim, :out_dim].set(fc_w)
  fcbp = jnp.zeros((1, 128), jnp.float32).at[0, :out_dim].set(fc_b)

  deg2 = _make_sc_degree(n_pad, rpt, nchunk)(dst, zeros_deg, ones_ch)
  deg2 = deg2.reshape(NC, n_pad)[:, :n].reshape(NC, n, 1)

  dinv, hs0 = _tc_prep(deg2, x)

  scatter = _make_sc_scatter(n, n_pad, rpt, nchunk, f)

  s = scatter(hs0, src2, dst2, zeros_rows)
  hs1 = _tc_layer(s[:, :n], hs0, dinv, W1, b1r)
  s = scatter(hs1, src2, dst2, zeros_rows)
  hs2 = _tc_layer(s[:, :n], hs1, dinv, W2, b2r)
  s = scatter(hs2, src2, dst2, zeros_rows)
  cpad, zpad = _tc_final(s[:, :n], hs2, dinv, batch2, W3, b3r,
                         fc1_w, fc1br, fc2wp, fc2bp, fcwp, fcbp, g)
  return cpad[:, :out_dim], zpad[:, :h2_dim]

# --- scband reference (transcript-rebuilt; emitter-appended) ---
"""Pipeline reference for scband-gcngraph-classifier-50397146251362 (READ-ONLY COPY).

The authoritative reference and input builder live on the scoring server;
editing this copy changes nothing except your own understanding.
"""

import jax, jax.numpy as jnp
import numpy as np

N = 10000
E = 320000
F_IN = 128
H = 128
OUT = 10
G = 64


def setup_inputs(seed: int = 0) -> dict:
    key = jax.random.key(seed)
    ks = jax.random.split(key, 16)
    x = jax.random.normal(ks[0], (N, F_IN), dtype=jnp.float32)
    edge_index = jax.random.randint(ks[1], (2, E), 0, N, dtype=jnp.int32)
    batch = jnp.sort(jax.random.randint(ks[2], (N,), 0, G, dtype=jnp.int32))

    def lin(k, fan_in, fan_out):
        kw, kb = jax.random.split(k)
        W = jax.random.normal(kw, (fan_in, fan_out), dtype=jnp.float32) * (1.0 / np.sqrt(fan_in))
        b = jax.random.normal(kb, (fan_out,), dtype=jnp.float32) * 0.01
        return W, b

    W1, b1 = lin(ks[3], F_IN, H)
    W2, b2 = lin(ks[4], H, H)
    W3, b3 = lin(ks[5], H, 2 * H)
    fc1_w, fc1_b = lin(ks[6], 2 * H, H)
    fc2_w, fc2_b = lin(ks[7], H, H // 2)
    fc_w, fc_b = lin(ks[8], H // 2, OUT)
    return {"x": x, "edge_index": edge_index, "batch": batch,
            "W1": W1, "b1": b1, "W2": W2, "b2": b2, "W3": W3, "b3": b3,
            "fc1_w": fc1_w, "fc1_b": fc1_b, "fc2_w": fc2_w, "fc2_b": fc2_b,
            "fc_w": fc_w, "fc_b": fc_b}


def gcn_conv(x, edge_index, W, b):
    n = x.shape[0]
    src = edge_index[0]
    dst = edge_index[1]
    loop = jnp.arange(n, dtype=src.dtype)
    src = jnp.concatenate([src, loop])
    dst = jnp.concatenate([dst, loop])
    deg = jnp.zeros((n,), jnp.float32).at[dst].add(1.0)
    dinv = jax.lax.rsqrt(jnp.maximum(deg, 1.0))
    norm = dinv[src] * dinv[dst]
    h = x @ W
    msg = h[src] * norm[:, None]
    out = jnp.zeros((n, W.shape[1]), jnp.float32).at[dst].add(msg)
    return out + b


def reference(x, edge_index, batch, W1, b1, W2, b2, W3, b3,
              fc1_w, fc1_b, fc2_w, fc2_b, fc_w, fc_b):
    # dropout layers are identity in eval mode
    h = jax.nn.relu(gcn_conv(x, edge_index, W1, b1))
    h = jax.nn.relu(gcn_conv(h, edge_index, W2, b2))
    h = gcn_conv(h, edge_index, W3, b3)
    sums = jax.ops.segment_sum(h, batch, num_segments=G)
    cnt = jax.ops.segment_sum(jnp.ones((h.shape[0],), jnp.float32), batch, num_segments=G)
    h_graph = sums / jnp.maximum(cnt, 1.0)[:, None]
    z = jax.nn.relu(h_graph @ fc1_w + fc1_b)
    z = jax.nn.relu(z @ fc2_w + fc2_b)
    c = z @ fc_w + fc_b
    return (c, z)

if __name__ == "__main__":
    import jax
    _d = setup_inputs()
    print(jax.jit(kernel)(*tuple(_d.values())))

</pallas_src>

<mosaic_0001>
#map = affine_map<(d0, d1) -> (0, 0, 0)>
#map1 = affine_map<(d0, d1) -> (0)>
module attributes {stable_mosaic.version = 14 : i64} {
  func.func @k(%arg0: i32, %arg1: i32, %arg2: memref<32x79x128xi32, #tpu.memory_space<hbm>>, %arg3: memref<640xf32, #tpu.memory_space<hbm>>, %arg4: memref<128xf32, #tpu.memory_space<hbm>>, %arg5: memref<20480xf32, #tpu.memory_space<hbm>>, %arg6: memref<79x128xi32, #tpu.memory_space<vmem>>, %arg7: memref<128xf32, #tpu.memory_space<vmem>>, %arg8: memref<640xf32, #tpu.memory_space<vmem>>, %arg9: memref<10240xf32, #tpu.memory_space<vmem_shared>>, %arg10: memref<!tpu.dma_semaphore, #tpu.memory_space<semaphore_mem>>) attributes {dimension_semantics = [#tpu.dimension_semantics<core_parallel>, #tpu.dimension_semantics<subcore_parallel>], iteration_bounds = array<i64: 2, 16>, scalar_prefetch = 0 : i64, scratch_operands = 5 : i64, tpu.core_type = #tpu.core_type<sc_vector_subcore>, window_params = [{transform_indices = #map}, {transform_indices = #map1}, {transform_indices = #map1}, {transform_indices = #map1}]} {
    %mul3A = arith.constant 2 : i32
    %mul3A_0 = arith.muli %arg1, %mul3A : i32
    %add3A = arith.addi %mul3A_0, %arg0 : i32
    "tpu.region"() ({
      %run_scoped3A = tpu.sem_alloc : memref<!tpu.dma_semaphore, #tpu.memory_space<semaphore_mem>>
      tpu.enqueue_dma source(%arg3 : memref<640xf32, #tpu.memory_space<hbm>>) target(%arg8 : memref<640xf32, #tpu.memory_space<vmem>>) target_semaphore(%run_scoped3A : memref<!tpu.dma_semaphore, #tpu.memory_space<semaphore_mem>>)
      tpu.wait_dma2 semaphore(%run_scoped3A : memref<!tpu.dma_semaphore, #tpu.memory_space<semaphore_mem>>) src(%arg3 : memref<640xf32, #tpu.memory_space<hbm>>) dst(%arg8 : memref<640xf32, #tpu.memory_space<vmem>>)
      tpu.yield
    }) : () -> ()
    %mul3A_1 = arith.constant 640 : i32
    %mul3A_2 = arith.muli %arg1, %mul3A_1 : i32
    "tpu.region"() ({
      %run_scoped3A = tpu.sem_alloc : memref<!tpu.dma_semaphore, #tpu.memory_space<semaphore_mem>>
      %dma_start3A_30 = tpu.memref_slice %arg9[%mul3A_2] : memref<10240xf32, #tpu.memory_space<vmem_shared>> -> memref<640xf32, #tpu.memory_space<vmem_shared>>
      %dma_start3A_31 = tpu.memref_slice %arg9[%mul3A_2] : memref<10240xf32, #tpu.memory_space<vmem_shared>> -> memref<640xf32, #tpu.memory_space<vmem_shared>>
      tpu.enqueue_dma source(%arg8 : memref<640xf32, #tpu.memory_space<vmem>>) target(%dma_start3A_31 : memref<640xf32, #tpu.memory_space<vmem_shared>>) target_semaphore(%run_scoped3A : memref<!tpu.dma_semaphore, #tpu.memory_space<semaphore_mem>>)
      %dma_wait3A_32 = tpu.memref_slice %arg9[%mul3A_2] : memref<10240xf32, #tpu.memory_space<vmem_shared>> -> memref<640xf32, #tpu.memory_space<vmem_shared>>
      %dma_wait3A_33 = tpu.memref_slice %arg9[%mul3A_2] : memref<10240xf32, #tpu.memory_space<vmem_shared>> -> memref<640xf32, #tpu.memory_space<vmem_shared>>
      tpu.wait_dma2 semaphore(%run_scoped3A : memref<!tpu.dma_semaphore, #tpu.memory_space<semaphore_mem>>) src(%arg8 : memref<640xf32, #tpu.memory_space<vmem>>) dst(%dma_wait3A_33 : memref<640xf32, #tpu.memory_space<vmem_shared>>)
      tpu.yield
    }) : () -> ()
    %dma_start3A = arith.constant 0 : i32
    %dma_start3A_3 = arith.constant 0 : i32
    %dma_start3A_4 = tpu.memref_slice %arg2[%add3A, %dma_start3A, %dma_start3A_3] : memref<32x79x128xi32, #tpu.memory_space<hbm>> -> memref<1x79x128xi32, #tpu.memory_space<hbm>>
    %dma_start3A_5 = tpu.memref_squeeze %dma_start3A_4 : memref<1x79x128xi32, #tpu.memory_space<hbm>> -> memref<79x128xi32, #tpu.memory_space<hbm>>
    %dma_start3A_6 = arith.constant 0 : i32
    %dma_start3A_7 = arith.constant 0 : i32
    %dma_start3A_8 = tpu.memref_slice %arg2[%add3A, %dma_start3A_6, %dma_start3A_7] : memref<32x79x128xi32, #tpu.memory_space<hbm>> -> memref<1x79x128xi32, #tpu.memory_space<hbm>>
    %dma_start3A_9 = tpu.memref_squeeze %dma_start3A_8 : memref<1x79x128xi32, #tpu.memory_space<hbm>> -> memref<79x128xi32, #tpu.memory_space<hbm>>
    tpu.enqueue_dma source(%dma_start3A_9 : memref<79x128xi32, #tpu.memory_space<hbm>>) target(%arg6 : memref<79x128xi32, #tpu.memory_space<vmem>>) target_semaphore(%arg10 : memref<!tpu.dma_semaphore, #tpu.memory_space<semaphore_mem>>)
    %dma_wait3A = arith.constant 0 : i32
    %dma_wait3A_10 = arith.constant 0 : i32
    %dma_wait3A_11 = tpu.memref_slice %arg2[%add3A, %dma_wait3A, %dma_wait3A_10] : memref<32x79x128xi32, #tpu.memory_space<hbm>> -> memref<1x79x128xi32, #tpu.memory_space<hbm>>
    %dma_wait3A_12 = tpu.memref_squeeze %dma_wait3A_11 : memref<1x79x128xi32, #tpu.memory_space<hbm>> -> memref<79x128xi32, #tpu.memory_space<hbm>>
    %dma_wait3A_13 = arith.constant 0 : i32
    %dma_wait3A_14 = arith.constant 0 : i32
    %dma_wait3A_15 = tpu.memref_slice %arg2[%add3A, %dma_wait3A_13, %dma_wait3A_14] : memref<32x79x128xi32, #tpu.memory_space<hbm>> -> memref<1x79x128xi32, #tpu.memory_space<hbm>>
    %dma_wait3A_16 = tpu.memref_squeeze %dma_wait3A_15 : memref<1x79x128xi32, #tpu.memory_space<hbm>> -> memref<79x128xi32, #tpu.memory_space<hbm>>
    tpu.wait_dma2 semaphore(%arg10 : memref<!tpu.dma_semaphore, #tpu.memory_space<semaphore_mem>>) src(%dma_wait3A_16 : memref<79x128xi32, #tpu.memory_space<hbm>>) dst(%arg6 : memref<79x128xi32, #tpu.memory_space<vmem>>)
    "tpu.region"() ({
      %run_scoped3A = tpu.sem_alloc : memref<!tpu.dma_semaphore, #tpu.memory_space<semaphore_mem>>
      tpu.enqueue_dma source(%arg4 : memref<128xf32, #tpu.memory_space<hbm>>) target(%arg7 : memref<128xf32, #tpu.memory_space<vmem>>) target_semaphore(%run_scoped3A : memref<!tpu.dma_semaphore, #tpu.memory_space<semaphore_mem>>)
      tpu.wait_dma2 semaphore(%run_scoped3A : memref<!tpu.dma_semaphore, #tpu.memory_space<semaphore_mem>>) src(%arg4 : memref<128xf32, #tpu.memory_space<hbm>>) dst(%arg7 : memref<128xf32, #tpu.memory_space<vmem>>)
      tpu.yield
    }) : () -> ()
    %barrier3A = arith.constant 0 : index
    tpu.barrier barrier_id(%barrier3A)
    %scan3A = arith.constant 0 : i32
    %scan3A_17 = arith.constant 0 : i32
    %scan3A_18 = arith.constant 79 : i32
    %scan3A_19 = arith.addi %scan3A_17, %scan3A_18 : i32
    %scan3A_20 = arith.constant 1 : i32
    scf.for %scan3A_30 = %scan3A_17 to %scan3A_19 step %scan3A_20  : i32 {
      "tpu.region"() ({
        %run_scoped3A = tpu.sem_alloc : memref<!tpu.dma_semaphore, #tpu.memory_space<semaphore_mem>>
        %dma_start3A_31 = arith.constant 0 : i32
        %dma_start3A_32 = tpu.memref_slice %arg6[%scan3A_30, %dma_start3A_31] : memref<79x128xi32, #tpu.memory_space<vmem>> -> memref<1x128xi32, #tpu.memory_space<vmem>>
        %dma_start3A_33 = tpu.memref_squeeze %dma_start3A_32 : memref<1x128xi32, #tpu.memory_space<vmem>> -> memref<128xi32, #tpu.memory_space<vmem>>
        %dma_start3A_34 = arith.constant 0 : i32
        %dma_start3A_35 = tpu.memref_slice %arg9[%dma_start3A_34] : memref<10240xf32, #tpu.memory_space<vmem_shared>> -> memref<10240xf32, #tpu.memory_space<vmem_shared>>
        tpu.enqueue_indirect_dma source(%arg7 : memref<128xf32, #tpu.memory_space<vmem>>) target(%dma_start3A_35 : memref<10240xf32, #tpu.memory_space<vmem_shared>>) offsets(%dma_start3A_33 : memref<128xi32, #tpu.memory_space<vmem>>) semaphore(%run_scoped3A : memref<!tpu.dma_semaphore, #tpu.memory_space<semaphore_mem>>) {add = true}
        %dma_wait3A_36 = arith.constant 0 : i32
        %dma_wait3A_37 = tpu.memref_slice %arg6[%scan3A_30, %dma_wait3A_36] : memref<79x128xi32, #tpu.memory_space<vmem>> -> memref<1x128xi32, #tpu.memory_space<vmem>>
        %dma_wait3A_38 = tpu.memref_squeeze %dma_wait3A_37 : memref<1x128xi32, #tpu.memory_space<vmem>> -> memref<128xi32, #tpu.memory_space<vmem>>
        %dma_wait3A_39 = arith.constant 0 : i32
        %dma_wait3A_40 = tpu.memref_slice %arg9[%dma_wait3A_39] : memref<10240xf32, #tpu.memory_space<vmem_shared>> -> memref<10240xf32, #tpu.memory_space<vmem_shared>>
        tpu.wait_indirect_dma semaphore(%run_scoped3A : memref<!tpu.dma_semaphore, #tpu.memory_space<semaphore_mem>>) src(%arg7 : memref<128xf32, #tpu.memory_space<vmem>>) dst(%dma_wait3A_40 : memref<10240xf32, #tpu.memory_space<vmem_shared>>)
        tpu.yield
      }) : () -> ()
    }
    %scan3A_21 = arith.constant 79 : i32
    %barrier3A_22 = arith.constant 0 : index
    tpu.barrier barrier_id(%barrier3A_22)
    %mul3A_23 = arith.constant 640 : i32
    %mul3A_24 = arith.muli %arg1, %mul3A_23 : i32
    "tpu.region"() ({
      %run_scoped3A = tpu.sem_alloc : memref<!tpu.dma_semaphore, #tpu.memory_space<semaphore_mem>>
      %dma_start3A_30 = tpu.memref_slice %arg9[%mul3A_24] : memref<10240xf32, #tpu.memory_space<vmem_shared>> -> memref<640xf32, #tpu.memory_space<vmem_shared>>
      %dma_start3A_31 = tpu.memref_slice %arg9[%mul3A_24] : memref<10240xf32, #tpu.memory_space<vmem_shared>> -> memref<640xf32, #tpu.memory_space<vmem_shared>>
      tpu.enqueue_dma source(%dma_start3A_31 : memref<640xf32, #tpu.memory_space<vmem_shared>>) target(%arg8 : memref<640xf32, #tpu.memory_space<vmem>>) target_semaphore(%run_scoped3A : memref<!tpu.dma_semaphore, #tpu.memory_space<semaphore_mem>>)
      %dma_wait3A_32 = tpu.memref_slice %arg9[%mul3A_24] : memref<10240xf32, #tpu.memory_space<vmem_shared>> -> memref<640xf32, #tpu.memory_space<vmem_shared>>
      %dma_wait3A_33 = tpu.memref_slice %arg9[%mul3A_24] : memref<10240xf32, #tpu.memory_space<vmem_shared>> -> memref<640xf32, #tpu.memory_space<vmem_shared>>
      tpu.wait_dma2 semaphore(%run_scoped3A : memref<!tpu.dma_semaphore, #tpu.memory_space<semaphore_mem>>) src(%dma_wait3A_33 : memref<640xf32, #tpu.memory_space<vmem_shared>>) dst(%arg8 : memref<640xf32, #tpu.memory_space<vmem>>)
      tpu.yield
    }) : () -> ()
    %mul3A_25 = arith.constant 10240 : i32
    %mul3A_26 = arith.muli %arg0, %mul3A_25 : i32
    %mul3A_27 = arith.constant 640 : i32
    %mul3A_28 = arith.muli %arg1, %mul3A_27 : i32
    %add3A_29 = arith.addi %mul3A_26, %mul3A_28 : i32
    "tpu.region"() ({
      %run_scoped3A = tpu.sem_alloc : memref<!tpu.dma_semaphore, #tpu.memory_space<semaphore_mem>>
      %dma_start3A_30 = tpu.memref_slice %arg5[%add3A_29] : memref<20480xf32, #tpu.memory_space<hbm>> -> memref<640xf32, #tpu.memory_space<hbm>>
      %dma_start3A_31 = tpu.memref_slice %arg5[%add3A_29] : memref<20480xf32, #tpu.memory_space<hbm>> -> memref<640xf32, #tpu.memory_space<hbm>>
      tpu.enqueue_dma source(%arg8 : memref<640xf32, #tpu.memory_space<vmem>>) target(%dma_start3A_31 : memref<640xf32, #tpu.memory_space<hbm>>) target_semaphore(%run_scoped3A : memref<!tpu.dma_semaphore, #tpu.memory_space<semaphore_mem>>)
      %dma_wait3A_32 = tpu.memref_slice %arg5[%add3A_29] : memref<20480xf32, #tpu.memory_space<hbm>> -> memref<640xf32, #tpu.memory_space<hbm>>
      %dma_wait3A_33 = tpu.memref_slice %arg5[%add3A_29] : memref<20480xf32, #tpu.memory_space<hbm>> -> memref<640xf32, #tpu.memory_space<hbm>>
      tpu.wait_dma2 semaphore(%run_scoped3A : memref<!tpu.dma_semaphore, #tpu.memory_space<semaphore_mem>>) src(%arg8 : memref<640xf32, #tpu.memory_space<vmem>>) dst(%dma_wait3A_33 : memref<640xf32, #tpu.memory_space<hbm>>)
      tpu.yield
    }) : () -> ()
    return
  }
}

#map = affine_map<(d0, d1) -> (0, 0)>
#map1 = affine_map<(d0, d1) -> (0, 0, 0)>
module attributes {stable_mosaic.version = 14 : i64} {
  func.func @k(%arg0: i32, %arg1: i32, %arg2: memref<10000x128xf32, #tpu.memory_space<hbm>>, %arg3: memref<32x79x128xi32, #tpu.memory_space<hbm>>, %arg4: memref<32x79x128xi32, #tpu.memory_space<hbm>>, %arg5: memref<128x128xf32, #tpu.memory_space<hbm>>, %arg6: memref<2x10240x128xf32, #tpu.memory_space<hbm>>, %arg7: memref<79x128xi32, #tpu.memory_space<vmem>>, %arg8: memref<40x128xi32, #tpu.memory_space<vmem>>, %arg9: memref<128x128xf32, #tpu.memory_space<vmem>>, %arg10: memref<128x128xf32, #tpu.memory_space<vmem>>, %arg11: memref<10240x128xf32, #tpu.memory_space<vmem_shared>>, %arg12: memref<!tpu.dma_semaphore, #tpu.memory_space<semaphore_mem>>, %arg13: memref<!tpu.dma_semaphore, #tpu.memory_space<semaphore_mem>>, %arg14: memref<!tpu.dma_semaphore, #tpu.memory_space<semaphore_mem>>) attributes {dimension_semantics = [#tpu.dimension_semantics<core_parallel>, #tpu.dimension_semantics<subcore_parallel>], iteration_bounds = array<i64: 2, 16>, scalar_prefetch = 0 : i64, scratch_operands = 8 : i64, tpu.core_type = #tpu.core_type<sc_vector_subcore>, window_params = [{transform_indices = #map}, {transform_indices = #map1}, {transform_indices = #map1}, {transform_indices = #map}, {transform_indices = #map1}]} {
    %mul3A = arith.constant 2 : i32
    %mul3A_0 = arith.muli %arg1, %mul3A : i32
    %add3A = arith.addi %mul3A_0, %arg0 : i32
    %dma_start3A = arith.constant 0 : i32
    %dma_start3A_1 = arith.constant 0 : i32
    %dma_start3A_2 = tpu.memref_slice %arg3[%add3A, %dma_start3A, %dma_start3A_1] : memref<32x79x128xi32, #tpu.memory_space<hbm>> -> memref<1x79x128xi32, #tpu.memory_space<hbm>>
    %dma_start3A_3 = tpu.memref_squeeze %dma_start3A_2 : memref<1x79x128xi32, #tpu.memory_space<hbm>> -> memref<79x128xi32, #tpu.memory_space<hbm>>
    %dma_start3A_4 = arith.constant 0 : i32
    %dma_start3A_5 = arith.constant 0 : i32
    %dma_start3A_6 = tpu.memref_slice %arg3[%add3A, %dma_start3A_4, %dma_start3A_5] : memref<32x79x128xi32, #tpu.memory_space<hbm>> -> memref<1x79x128xi32, #tpu.memory_space<hbm>>
    %dma_start3A_7 = tpu.memref_squeeze %dma_start3A_6 : memref<1x79x128xi32, #tpu.memory_space<hbm>> -> memref<79x128xi32, #tpu.memory_space<hbm>>
    tpu.enqueue_dma source(%dma_start3A_7 : memref<79x128xi32, #tpu.memory_space<hbm>>) target(%arg7 : memref<79x128xi32, #tpu.memory_space<vmem>>) target_semaphore(%arg12 : memref<!tpu.dma_semaphore, #tpu.memory_space<semaphore_mem>>)
    %dma_start3A_8 = arith.constant 0 : i32
    %dma_start3A_9 = arith.constant 0 : i32
    %dma_start3A_10 = tpu.memref_slice %arg8[%dma_start3A_8, %dma_start3A_9] : memref<40x128xi32, #tpu.memory_space<vmem>> -> memref<40x128xi32, #tpu.memory_space<vmem>>
    %dma_start3A_11 = arith.constant 0 : i32
    %dma_start3A_12 = arith.constant 0 : i32
    %dma_start3A_13 = tpu.memref_slice %arg4[%add3A, %dma_start3A_11, %dma_start3A_12] : memref<32x79x128xi32, #tpu.memory_space<hbm>> -> memref<1x40x128xi32, #tpu.memory_space<hbm>>
    %dma_start3A_14 = tpu.memref_squeeze %dma_start3A_13 : memref<1x40x128xi32, #tpu.memory_space<hbm>> -> memref<40x128xi32, #tpu.memory_space<hbm>>
    %dma_start3A_15 = arith.constant 0 : i32
    %dma_start3A_16 = arith.constant 0 : i32
    %dma_start3A_17 = tpu.memref_slice %arg8[%dma_start3A_15, %dma_start3A_16] : memref<40x128xi32, #tpu.memory_space<vmem>> -> memref<40x128xi32, #tpu.memory_space<vmem>>
    %dma_start3A_18 = arith.constant 0 : i32
    %dma_start3A_19 = arith.constant 0 : i32
    %dma_start3A_20 = tpu.memref_slice %arg4[%add3A, %dma_start3A_18, %dma_start3A_19] : memref<32x79x128xi32, #tpu.memory_space<hbm>> -> memref<1x40x128xi32, #tpu.memory_space<hbm>>
    %dma_start3A_21 = tpu.memref_squeeze %dma_start3A_20 : memref<1x40x128xi32, #tpu.memory_space<hbm>> -> memref<40x128xi32, #tpu.memory_space<hbm>>
    tpu.enqueue_dma source(%dma_start3A_21 : memref<40x128xi32, #tpu.memory_space<hbm>>) target(%dma_start3A_17 : memref<40x128xi32, #tpu.memory_space<vmem>>) target_semaphore(%arg13 : memref<!tpu.dma_semaphore, #tpu.memory_space<semaphore_mem>>)
    "tpu.region"() ({
      %run_scoped3A_289 = tpu.sem_alloc : memref<!tpu.dma_semaphore, #tpu.memory_space<semaphore_mem>>
      tpu.enqueue_dma source(%arg5 : memref<128x128xf32, #tpu.memory_space<hbm>>) target(%arg10 : memref<128x128xf32, #tpu.memory_space<vmem>>) target_semaphore(%run_scoped3A_289 : memref<!tpu.dma_semaphore, #tpu.memory_space<semaphore_mem>>)
      tpu.wait_dma2 semaphore(%run_scoped3A_289 : memref<!tpu.dma_semaphore, #tpu.memory_space<semaphore_mem>>) src(%arg5 : memref<128x128xf32, #tpu.memory_space<hbm>>) dst(%arg10 : memref<128x128xf32, #tpu.memory_space<vmem>>)
      tpu.yield
    }) : () -> ()
    %mul3A_22 = arith.constant 640 : i32
    %mul3A_23 = arith.muli %arg1, %mul3A_22 : i32
    %add3A_24 = arith.constant 0 : i32
    %add3A_25 = arith.addi %mul3A_23, %add3A_24 : i32
    %dma_start3A_26 = arith.constant 0 : i32
    %dma_start3A_27 = tpu.memref_slice %arg11[%add3A_25, %dma_start3A_26] : memref<10240x128xf32, #tpu.memory_space<vmem_shared>> -> memref<128x128xf32, #tpu.memory_space<vmem_shared>>
    %dma_start3A_28 = arith.constant 0 : i32
    %dma_start3A_29 = tpu.memref_slice %arg11[%add3A_25, %dma_start3A_28] : memref<10240x128xf32, #tpu.memory_space<vmem_shared>> -> memref<128x128xf32, #tpu.memory_space<vmem_shared>>
    tpu.enqueue_dma source(%arg10 : memref<128x128xf32, #tpu.memory_space<vmem>>) target(%dma_start3A_29 : memref<128x128xf32, #tpu.memory_space<vmem_shared>>) target_semaphore(%arg14 : memref<!tpu.dma_semaphore, #tpu.memory_space<semaphore_mem>>)
    %mul3A_30 = arith.constant 640 : i32
    %mul3A_31 = arith.muli %arg1, %mul3A_30 : i32
    %add3A_32 = arith.constant 128 : i32
    %add3A_33 = arith.addi %mul3A_31, %add3A_32 : i32
    %dma_start3A_34 = arith.constant 0 : i32
    %dma_start3A_35 = tpu.memref_slice %arg11[%add3A_33, %dma_start3A_34] : memref<10240x128xf32, #tpu.memory_space<vmem_shared>> -> memref<128x128xf32, #tpu.memory_space<vmem_shared>>
    %dma_start3A_36 = arith.constant 0 : i32
    %dma_start3A_37 = tpu.memref_slice %arg11[%add3A_33, %dma_start3A_36] : memref<10240x128xf32, #tpu.memory_space<vmem_shared>> -> memref<128x128xf32, #tpu.memory_space<vmem_shared>>
    tpu.enqueue_dma source(%arg10 : memref<128x128xf32, #tpu.memory_space<vmem>>) target(%dma_start3A_37 : memref<128x128xf32, #tpu.memory_space<vmem_shared>>) target_semaphore(%arg14 : memref<!tpu.dma_semaphore, #tpu.memory_space<semaphore_mem>>)
    %mul3A_38 = arith.constant 640 : i32
    %mul3A_39 = arith.muli %arg1, %mul3A_38 : i32
    %add3A_40 = arith.constant 256 : i32
    %add3A_41 = arith.addi %mul3A_39, %add3A_40 : i32
    %dma_start3A_42 = arith.constant 0 : i32
    %dma_start3A_43 = tpu.memref_slice %arg11[%add3A_41, %dma_start3A_42] : memref<10240x128xf32, #tpu.memory_space<vmem_shared>> -> memref<128x128xf32, #tpu.memory_space<vmem_shared>>
    %dma_start3A_44 = arith.constant 0 : i32
    %dma_start3A_45 = tpu.memref_slice %arg11[%add3A_41, %dma_start3A_44] : memref<10240x128xf32, #tpu.memory_space<vmem_shared>> -> memref<128x128xf32, #tpu.memory_space<vmem_shared>>
    tpu.enqueue_dma source(%arg10 : memref<128x128xf32, #tpu.memory_space<vmem>>) target(%dma_start3A_45 : memref<128x128xf32, #tpu.memory_space<vmem_shared>>) target_semaphore(%arg14 : memref<!tpu.dma_semaphore, #tpu.memory_space<semaphore_mem>>)
    %mul3A_46 = arith.constant 640 : i32
    %mul3A_47 = arith.muli %arg1, %mul3A_46 : i32
    %add3A_48 = arith.constant 384 : i32
    %add3A_49 = arith.addi %mul3A_47, %add3A_48 : i32
    %dma_start3A_50 = arith.constant 0 : i32
    %dma_start3A_51 = tpu.memref_slice %arg11[%add3A_49, %dma_start3A_50] : memref<10240x128xf32, #tpu.memory_space<vmem_shared>> -> memref<128x128xf32, #tpu.memory_space<vmem_shared>>
    %dma_start3A_52 = arith.constant 0 : i32
    %dma_start3A_53 = tpu.memref_slice %arg11[%add3A_49, %dma_start3A_52] : memref<10240x128xf32, #tpu.memory_space<vmem_shared>> -> memref<128x128xf32, #tpu.memory_space<vmem_shared>>
    tpu.enqueue_dma source(%arg10 : memref<128x128xf32, #tpu.memory_space<vmem>>) target(%dma_start3A_53 : memref<128x128xf32, #tpu.memory_space<vmem_shared>>) target_semaphore(%arg14 : memref<!tpu.dma_semaphore, #tpu.memory_space<semaphore_mem>>)
    %mul3A_54 = arith.constant 640 : i32
    %mul3A_55 = arith.muli %arg1, %mul3A_54 : i32
    %add3A_56 = arith.constant 512 : i32
    %add3A_57 = arith.addi %mul3A_55, %add3A_56 : i32
    %dma_start3A_58 = arith.constant 0 : i32
    %dma_start3A_59 = tpu.memref_slice %arg11[%add3A_57, %dma_start3A_58] : memref<10240x128xf32, #tpu.memory_space<vmem_shared>> -> memref<128x128xf32, #tpu.memory_space<vmem_shared>>
    %dma_start3A_60 = arith.constant 0 : i32
    %dma_start3A_61 = tpu.memref_slice %arg11[%add3A_57, %dma_start3A_60] : memref<10240x128xf32, #tpu.memory_space<vmem_shared>> -> memref<128x128xf32, #tpu.memory_space<vmem_shared>>
    tpu.enqueue_dma source(%arg10 : memref<128x128xf32, #tpu.memory_space<vmem>>) target(%dma_start3A_61 : memref<128x128xf32, #tpu.memory_space<vmem_shared>>) target_semaphore(%arg14 : memref<!tpu.dma_semaphore, #tpu.memory_space<semaphore_mem>>)
    %dma_wait3A = arith.constant 0 : i32
    %dma_wait3A_62 = tpu.memref_slice %arg11[%add3A_25, %dma_wait3A] : memref<10240x128xf32, #tpu.memory_space<vmem_shared>> -> memref<128x128xf32, #tpu.memory_space<vmem_shared>>
    %dma_wait3A_63 = arith.constant 0 : i32
    %dma_wait3A_64 = tpu.memref_slice %arg11[%add3A_25, %dma_wait3A_63] : memref<10240x128xf32, #tpu.memory_space<vmem_shared>> -> memref<128x128xf32, #tpu.memory_space<vmem_shared>>
    tpu.wait_dma2 semaphore(%arg14 : memref<!tpu.dma_semaphore, #tpu.memory_space<semaphore_mem>>) src(%arg10 : memref<128x128xf32, #tpu.memory_space<vmem>>) dst(%dma_wait3A_64 : memref<128x128xf32, #tpu.memory_space<vmem_shared>>)
    %dma_wait3A_65 = arith.constant 0 : i32
    %dma_wait3A_66 = tpu.memref_slice %arg11[%add3A_33, %dma_wait3A_65] : memref<10240x128xf32, #tpu.memory_space<vmem_shared>> -> memref<128x128xf32, #tpu.memory_space<vmem_shared>>
    %dma_wait3A_67 = arith.constant 0 : i32
    %dma_wait3A_68 = tpu.memref_slice %arg11[%add3A_33, %dma_wait3A_67] : memref<10240x128xf32, #tpu.memory_space<vmem_shared>> -> memref<128x128xf32, #tpu.memory_space<vmem_shared>>
    tpu.wait_dma2 semaphore(%arg14 : memref<!tpu.dma_semaphore, #tpu.memory_space<semaphore_mem>>) src(%arg10 : memref<128x128xf32, #tpu.memory_space<vmem>>) dst(%dma_wait3A_68 : memref<128x128xf32, #tpu.memory_space<vmem_shared>>)
    %dma_wait3A_69 = arith.constant 0 : i32
    %dma_wait3A_70 = tpu.memref_slice %arg11[%add3A_41, %dma_wait3A_69] : memref<10240x128xf32, #tpu.memory_space<vmem_shared>> -> memref<128x128xf32, #tpu.memory_space<vmem_shared>>
    %dma_wait3A_71 = arith.constant 0 : i32
    %dma_wait3A_72 = tpu.memref_slice %arg11[%add3A_41, %dma_wait3A_71] : memref<10240x128xf32, #tpu.memory_space<vmem_shared>> -> memref<128x128xf32, #tpu.memory_space<vmem_shared>>
    tpu.wait_dma2 semaphore(%arg14 : memref<!tpu.dma_semaphore, #tpu.memory_space<semaphore_mem>>) src(%arg10 : memref<128x128xf32, #tpu.memory_space<vmem>>) dst(%dma_wait3A_72 : memref<128x128xf32, #tpu.memory_space<vmem_shared>>)
    %dma_wait3A_73 = arith.constant 0 : i32
    %dma_wait3A_74 = tpu.memref_slice %arg11[%add3A_49, %dma_wait3A_73] : memref<10240x128xf32, #tpu.memory_space<vmem_shared>> -> memref<128x128xf32, #tpu.memory_space<vmem_shared>>
    %dma_wait3A_75 = arith.constant 0 : i32
    %dma_wait3A_76 = tpu.memref_slice %arg11[%add3A_49, %dma_wait3A_75] : memref<10240x128xf32, #tpu.memory_space<vmem_shared>> -> memref<128x128xf32, #tpu.memory_space<vmem_shared>>
    tpu.wait_dma2 semaphore(%arg14 : memref<!tpu.dma_semaphore, #tpu.memory_space<semaphore_mem>>) src(%arg10 : memref<128x128xf32, #tpu.memory_space<vmem>>) dst(%dma_wait3A_76 : memref<128x128xf32, #tpu.memory_space<vmem_shared>>)
    %dma_wait3A_77 = arith.constant 0 : i32
    %dma_wait3A_78 = tpu.memref_slice %arg11[%add3A_57, %dma_wait3A_77] : memref<10240x128xf32, #tpu.memory_space<vmem_shared>> -> memref<128x128xf32, #tpu.memory_space<vmem_shared>>
    %dma_wait3A_79 = arith.constant 0 : i32
    %dma_wait3A_80 = tpu.memref_slice %arg11[%add3A_57, %dma_wait3A_79] : memref<10240x128xf32, #tpu.memory_space<vmem_shared>> -> memref<128x128xf32, #tpu.memory_space<vmem_shared>>
    tpu.wait_dma2 semaphore(%arg14 : memref<!tpu.dma_semaphore, #tpu.memory_space<semaphore_mem>>) src(%arg10 : memref<128x128xf32, #tpu.memory_space<vmem>>) dst(%dma_wait3A_80 : memref<128x128xf32, #tpu.memory_space<vmem_shared>>)
    %dma_wait3A_81 = arith.constant 0 : i32
    %dma_wait3A_82 = arith.constant 0 : i32
    %dma_wait3A_83 = tpu.memref_slice %arg3[%add3A, %dma_wait3A_81, %dma_wait3A_82] : memref<32x79x128xi32, #tpu.memory_space<hbm>> -> memref<1x79x128xi32, #tpu.memory_space<hbm>>
    %dma_wait3A_84 = tpu.memref_squeeze %dma_wait3A_83 : memref<1x79x128xi32, #tpu.memory_space<hbm>> -> memref<79x128xi32, #tpu.memory_space<hbm>>
    %dma_wait3A_85 = arith.constant 0 : i32
    %dma_wait3A_86 = arith.constant 0 : i32
    %dma_wait3A_87 = tpu.memref_slice %arg3[%add3A, %dma_wait3A_85, %dma_wait3A_86] : memref<32x79x128xi32, #tpu.memory_space<hbm>> -> memref<1x79x128xi32, #tpu.memory_space<hbm>>
    %dma_wait3A_88 = tpu.memref_squeeze %dma_wait3A_87 : memref<1x79x128xi32, #tpu.memory_space<hbm>> -> memref<79x128xi32, #tpu.memory_space<hbm>>
    tpu.wait_dma2 semaphore(%arg12 : memref<!tpu.dma_semaphore, #tpu.memory_space<semaphore_mem>>) src(%dma_wait3A_88 : memref<79x128xi32, #tpu.memory_space<hbm>>) dst(%arg7 : memref<79x128xi32, #tpu.memory_space<vmem>>)
    %dma_wait3A_89 = arith.constant 0 : i32
    %dma_wait3A_90 = arith.constant 0 : i32
    %dma_wait3A_91 = tpu.memref_slice %arg8[%dma_wait3A_89, %dma_wait3A_90] : memref<40x128xi32, #tpu.memory_space<vmem>> -> memref<40x128xi32, #tpu.memory_space<vmem>>
    %dma_wait3A_92 = arith.constant 0 : i32
    %dma_wait3A_93 = arith.constant 0 : i32
    %dma_wait3A_94 = tpu.memref_slice %arg4[%add3A, %dma_wait3A_92, %dma_wait3A_93] : memref<32x79x128xi32, #tpu.memory_space<hbm>> -> memref<1x40x128xi32, #tpu.memory_space<hbm>>
    %dma_wait3A_95 = tpu.memref_squeeze %dma_wait3A_94 : memref<1x40x128xi32, #tpu.memory_space<hbm>> -> memref<40x128xi32, #tpu.memory_space<hbm>>
    %dma_wait3A_96 = arith.constant 0 : i32
    %dma_wait3A_97 = arith.constant 0 : i32
    %dma_wait3A_98 = tpu.memref_slice %arg8[%dma_wait3A_96, %dma_wait3A_97] : memref<40x128xi32, #tpu.memory_space<vmem>> -> memref<40x128xi32, #tpu.memory_space<vmem>>
    %dma_wait3A_99 = arith.constant 0 : i32
    %dma_wait3A_100 = arith.constant 0 : i32
    %dma_wait3A_101 = tpu.memref_slice %arg4[%add3A, %dma_wait3A_99, %dma_wait3A_100] : memref<32x79x128xi32, #tpu.memory_space<hbm>> -> memref<1x40x128xi32, #tpu.memory_space<hbm>>
    %dma_wait3A_102 = tpu.memref_squeeze %dma_wait3A_101 : memref<1x40x128xi32, #tpu.memory_space<hbm>> -> memref<40x128xi32, #tpu.memory_space<hbm>>
    tpu.wait_dma2 semaphore(%arg13 : memref<!tpu.dma_semaphore, #tpu.memory_space<semaphore_mem>>) src(%dma_wait3A_102 : memref<40x128xi32, #tpu.memory_space<hbm>>) dst(%dma_wait3A_98 : memref<40x128xi32, #tpu.memory_space<vmem>>)
    %barrier3A = arith.constant 0 : index
    tpu.barrier barrier_id(%barrier3A)
    %dma_start3A_103 = arith.constant 0 : i32
    %dma_start3A_104 = arith.constant 0 : i32
    %dma_start3A_105 = tpu.memref_slice %arg7[%dma_start3A_103, %dma_start3A_104] : memref<79x128xi32, #tpu.memory_space<vmem>> -> memref<1x128xi32, #tpu.memory_space<vmem>>
    %dma_start3A_106 = tpu.memref_squeeze %dma_start3A_105 : memref<1x128xi32, #tpu.memory_space<vmem>> -> memref<128xi32, #tpu.memory_space<vmem>>
    %dma_start3A_107 = arith.constant 0 : i32
    %dma_start3A_108 = arith.constant 0 : i32
    %dma_start3A_109 = tpu.memref_slice %arg2[%dma_start3A_107, %dma_start3A_108] : memref<10000x128xf32, #tpu.memory_space<hbm>> -> memref<10000x128xf32, #tpu.memory_space<hbm>>
    tpu.enqueue_indirect_dma source(%dma_start3A_109 : memref<10000x128xf32, #tpu.memory_space<hbm>>) target(%arg9 : memref<128x128xf32, #tpu.memory_space<vmem>>) offsets(%dma_start3A_106 : memref<128xi32, #tpu.memory_space<vmem>>) semaphore(%arg12 : memref<!tpu.dma_semaphore, #tpu.memory_space<semaphore_mem>>)
    %dma_start3A_110 = arith.constant 1 : i32
    %dma_start3A_111 = arith.constant 0 : i32
    %dma_start3A_112 = tpu.memref_slice %arg7[%dma_start3A_110, %dma_start3A_111] : memref<79x128xi32, #tpu.memory_space<vmem>> -> memref<1x128xi32, #tpu.memory_space<vmem>>
    %dma_start3A_113 = tpu.memref_squeeze %dma_start3A_112 : memref<1x128xi32, #tpu.memory_space<vmem>> -> memref<128xi32, #tpu.memory_space<vmem>>
    %dma_start3A_114 = arith.constant 0 : i32
    %dma_start3A_115 = arith.constant 0 : i32
    %dma_start3A_116 = tpu.memref_slice %arg2[%dma_start3A_114, %dma_start3A_115] : memref<10000x128xf32, #tpu.memory_space<hbm>> -> memref<10000x128xf32, #tpu.memory_space<hbm>>
    tpu.enqueue_indirect_dma source(%dma_start3A_116 : memref<10000x128xf32, #tpu.memory_space<hbm>>) target(%arg10 : memref<128x128xf32, #tpu.memory_space<vmem>>) offsets(%dma_start3A_113 : memref<128xi32, #tpu.memory_space<vmem>>) semaphore(%arg14 : memref<!tpu.dma_semaphore, #tpu.memory_space<semaphore_mem>>)
    %scan3A = arith.constant 0 : i32
    %scan3A_117 = arith.constant 0 : i32
    %scan3A_118 = arith.constant 19 : i32
    %scan3A_119 = arith.addi %scan3A_117, %scan3A_118 : i32
    %scan3A_120 = arith.constant 1 : i32
    scf.for %scan3A_289 = %scan3A_117 to %scan3A_119 step %scan3A_120  : i32 {
      %mul3A_290 = arith.constant 2 : i32
      %mul3A_291 = arith.muli %mul3A_290, %scan3A_289 : i32
      %dma_wait3A_292 = arith.constant 0 : i32
      %dma_wait3A_293 = tpu.memref_slice %arg7[%mul3A_291, %dma_wait3A_292] : memref<79x128xi32, #tpu.memory_space<vmem>> -> memref<1x128xi32, #tpu.memory_space<vmem>>
      %dma_wait3A_294 = tpu.memref_squeeze %dma_wait3A_293 : memref<1x128xi32, #tpu.memory_space<vmem>> -> memref<128xi32, #tpu.memory_space<vmem>>
      %dma_wait3A_295 = arith.constant 0 : i32
      %dma_wait3A_296 = arith.constant 0 : i32
      %dma_wait3A_297 = tpu.memref_slice %arg2[%dma_wait3A_295, %dma_wait3A_296] : memref<10000x128xf32, #tpu.memory_space<hbm>> -> memref<10000x128xf32, #tpu.memory_space<hbm>>
      tpu.wait_indirect_dma semaphore(%arg12 : memref<!tpu.dma_semaphore, #tpu.memory_space<semaphore_mem>>) src(%dma_wait3A_297 : memref<10000x128xf32, #tpu.memory_space<hbm>>) dst(%arg9 : memref<128x128xf32, #tpu.memory_space<vmem>>)
      "tpu.region"() ({
        %run_scoped3A_324 = tpu.sem_alloc : memref<!tpu.dma_semaphore, #tpu.memory_space<semaphore_mem>>
        %dma_start3A_325 = arith.constant 0 : i32
        %dma_start3A_326 = tpu.memref_slice %arg8[%mul3A_291, %dma_start3A_325] : memref<40x128xi32, #tpu.memory_space<vmem>> -> memref<1x128xi32, #tpu.memory_space<vmem>>
        %dma_start3A_327 = tpu.memref_squeeze %dma_start3A_326 : memref<1x128xi32, #tpu.memory_space<vmem>> -> memref<128xi32, #tpu.memory_space<vmem>>
        %dma_start3A_328 = arith.constant 0 : i32
        %dma_start3A_329 = arith.constant 0 : i32
        %dma_start3A_330 = tpu.memref_slice %arg11[%dma_start3A_328, %dma_start3A_329] : memref<10240x128xf32, #tpu.memory_space<vmem_shared>> -> memref<10240x128xf32, #tpu.memory_space<vmem_shared>>
        tpu.enqueue_indirect_dma source(%arg9 : memref<128x128xf32, #tpu.memory_space<vmem>>) target(%dma_start3A_330 : memref<10240x128xf32, #tpu.memory_space<vmem_shared>>) offsets(%dma_start3A_327 : memref<128xi32, #tpu.memory_space<vmem>>) semaphore(%run_scoped3A_324 : memref<!tpu.dma_semaphore, #tpu.memory_space<semaphore_mem>>) {add = true}
        %dma_wait3A_331 = arith.constant 0 : i32
        %dma_wait3A_332 = tpu.memref_slice %arg8[%mul3A_291, %dma_wait3A_331] : memref<40x128xi32, #tpu.memory_space<vmem>> -> memref<1x128xi32, #tpu.memory_space<vmem>>
        %dma_wait3A_333 = tpu.memref_squeeze %dma_wait3A_332 : memref<1x128xi32, #tpu.memory_space<vmem>> -> memref<128xi32, #tpu.memory_space<vmem>>
        %dma_wait3A_334 = arith.constant 0 : i32
        %dma_wait3A_335 = arith.constant 0 : i32
        %dma_wait3A_336 = tpu.memref_slice %arg11[%dma_wait3A_334, %dma_wait3A_335] : memref<10240x128xf32, #tpu.memory_space<vmem_shared>> -> memref<10240x128xf32, #tpu.memory_space<vmem_shared>>
        tpu.wait_indirect_dma semaphore(%run_scoped3A_324 : memref<!tpu.dma_semaphore, #tpu.memory_space<semaphore_mem>>) src(%arg9 : memref<128x128xf32, #tpu.memory_space<vmem>>) dst(%dma_wait3A_336 : memref<10240x128xf32, #tpu.memory_space<vmem_shared>>)
        tpu.yield
      }) : () -> ()
      %add3A_298 = arith.constant 2 : i32
      %add3A_299 = arith.addi %mul3A_291, %add3A_298 : i32
      %dma_start3A_300 = arith.constant 0 : i32
      %dma_start3A_301 = tpu.memref_slice %arg7[%add3A_299, %dma_start3A_300] : memref<79x128xi32, #tpu.memory_space<vmem>> -> memref<1x128xi32, #tpu.memory_space<vmem>>
      %dma_start3A_302 = tpu.memref_squeeze %dma_start3A_301 : memref<1x128xi32, #tpu.memory_space<vmem>> -> memref<128xi32, #tpu.memory_space<vmem>>
      %dma_start3A_303 = arith.constant 0 : i32
      %dma_start3A_304 = arith.constant 0 : i32
      %dma_start3A_305 = tpu.memref_slice %arg2[%dma_start3A_303, %dma_start3A_304] : memref<10000x128xf32, #tpu.memory_space<hbm>> -> memref<10000x128xf32, #tpu.memory_space<hbm>>
      tpu.enqueue_indirect_dma source(%dma_start3A_305 : memref<10000x128xf32, #tpu.memory_space<hbm>>) target(%arg9 : memref<128x128xf32, #tpu.memory_space<vmem>>) offsets(%dma_start3A_302 : memref<128xi32, #tpu.memory_space<vmem>>) semaphore(%arg12 : memref<!tpu.dma_semaphore, #tpu.memory_space<semaphore_mem>>)
      %add3A_306 = arith.constant 1 : i32
      %add3A_307 = arith.addi %mul3A_291, %add3A_306 : i32
      %dma_wait3A_308 = arith.constant 0 : i32
      %dma_wait3A_309 = tpu.memref_slice %arg7[%add3A_307, %dma_wait3A_308] : memref<79x128xi32, #tpu.memory_space<vmem>> -> memref<1x128xi32, #tpu.memory_space<vmem>>
      %dma_wait3A_310 = tpu.memref_squeeze %dma_wait3A_309 : memref<1x128xi32, #tpu.memory_space<vmem>> -> memref<128xi32, #tpu.memory_space<vmem>>
      %dma_wait3A_311 = arith.constant 0 : i32
      %dma_wait3A_312 = arith.constant 0 : i32
      %dma_wait3A_313 = tpu.memref_slice %arg2[%dma_wait3A_311, %dma_wait3A_312] : memref<10000x128xf32, #tpu.memory_space<hbm>> -> memref<10000x128xf32, #tpu.memory_space<hbm>>
      tpu.wait_indirect_dma semaphore(%arg14 : memref<!tpu.dma_semaphore, #tpu.memory_space<semaphore_mem>>) src(%dma_wait3A_313 : memref<10000x128xf32, #tpu.memory_space<hbm>>) dst(%arg10 : memref<128x128xf32, #tpu.memory_space<vmem>>)
      %add3A_314 = arith.constant 1 : i32
      %add3A_315 = arith.addi %mul3A_291, %add3A_314 : i32
      "tpu.region"() ({
        %run_scoped3A_324 = tpu.sem_alloc : memref<!tpu.dma_semaphore, #tpu.memory_space<semaphore_mem>>
        %dma_start3A_325 = arith.constant 0 : i32
        %dma_start3A_326 = tpu.memref_slice %arg8[%add3A_315, %dma_start3A_325] : memref<40x128xi32, #tpu.memory_space<vmem>> -> memref<1x128xi32, #tpu.memory_space<vmem>>
        %dma_start3A_327 = tpu.memref_squeeze %dma_start3A_326 : memref<1x128xi32, #tpu.memory_space<vmem>> -> memref<128xi32, #tpu.memory_space<vmem>>
        %dma_start3A_328 = arith.constant 0 : i32
        %dma_start3A_329 = arith.constant 0 : i32
        %dma_start3A_330 = tpu.memref_slice %arg11[%dma_start3A_328, %dma_start3A_329] : memref<10240x128xf32, #tpu.memory_space<vmem_shared>> -> memref<10240x128xf32, #tpu.memory_space<vmem_shared>>
        tpu.enqueue_indirect_dma source(%arg10 : memref<128x128xf32, #tpu.memory_space<vmem>>) target(%dma_start3A_330 : memref<10240x128xf32, #tpu.memory_space<vmem_shared>>) offsets(%dma_start3A_327 : memref<128xi32, #tpu.memory_space<vmem>>) semaphore(%run_scoped3A_324 : memref<!tpu.dma_semaphore, #tpu.memory_space<semaphore_mem>>) {add = true}
        %dma_wait3A_331 = arith.constant 0 : i32
        %dma_wait3A_332 = tpu.memref_slice %arg8[%add3A_315, %dma_wait3A_331] : memref<40x128xi32, #tpu.memory_space<vmem>> -> memref<1x128xi32, #tpu.memory_space<vmem>>
        %dma_wait3A_333 = tpu.memref_squeeze %dma_wait3A_332 : memref<1x128xi32, #tpu.memory_space<vmem>> -> memref<128xi32, #tpu.memory_space<vmem>>
        %dma_wait3A_334 = arith.constant 0 : i32
        %dma_wait3A_335 = arith.constant 0 : i32
        %dma_wait3A_336 = tpu.memref_slice %arg11[%dma_wait3A_334, %dma_wait3A_335] : memref<10240x128xf32, #tpu.memory_space<vmem_shared>> -> memref<10240x128xf32, #tpu.memory_space<vmem_shared>>
        tpu.wait_indirect_dma semaphore(%run_scoped3A_324 : memref<!tpu.dma_semaphore, #tpu.memory_space<semaphore_mem>>) src(%arg10 : memref<128x128xf32, #tpu.memory_space<vmem>>) dst(%dma_wait3A_336 : memref<10240x128xf32, #tpu.memory_space<vmem_shared>>)
        tpu.yield
      }) : () -> ()
      %add3A_316 = arith.constant 3 : i32
      %add3A_317 = arith.addi %mul3A_291, %add3A_316 : i32
      %dma_start3A_318 = arith.constant 0 : i32
      %dma_start3A_319 = tpu.memref_slice %arg7[%add3A_317, %dma_start3A_318] : memref<79x128xi32, #tpu.memory_space<vmem>> -> memref<1x128xi32, #tpu.memory_space<vmem>>
      %dma_start3A_320 = tpu.memref_squeeze %dma_start3A_319 : memref<1x128xi32, #tpu.memory_space<vmem>> -> memref<128xi32, #tpu.memory_space<vmem>>
      %dma_start3A_321 = arith.constant 0 : i32
      %dma_start3A_322 = arith.constant 0 : i32
      %dma_start3A_323 = tpu.memref_slice %arg2[%dma_start3A_321, %dma_start3A_322] : memref<10000x128xf32, #tpu.memory_space<hbm>> -> memref<10000x128xf32, #tpu.memory_space<hbm>>
      tpu.enqueue_indirect_dma source(%dma_start3A_323 : memref<10000x128xf32, #tpu.memory_space<hbm>>) target(%arg10 : memref<128x128xf32, #tpu.memory_space<vmem>>) offsets(%dma_start3A_320 : memref<128xi32, #tpu.memory_space<vmem>>) semaphore(%arg14 : memref<!tpu.dma_semaphore, #tpu.memory_space<semaphore_mem>>)
    }
    %scan3A_121 = arith.constant 19 : i32
    %dma_wait3A_122 = arith.constant 38 : i32
    %dma_wait3A_123 = arith.constant 0 : i32
    %dma_wait3A_124 = tpu.memref_slice %arg7[%dma_wait3A_122, %dma_wait3A_123] : memref<79x128xi32, #tpu.memory_space<vmem>> -> memref<1x128xi32, #tpu.memory_space<vmem>>
    %dma_wait3A_125 = tpu.memref_squeeze %dma_wait3A_124 : memref<1x128xi32, #tpu.memory_space<vmem>> -> memref<128xi32, #tpu.memory_space<vmem>>
    %dma_wait3A_126 = arith.constant 0 : i32
    %dma_wait3A_127 = arith.constant 0 : i32
    %dma_wait3A_128 = tpu.memref_slice %arg2[%dma_wait3A_126, %dma_wait3A_127] : memref<10000x128xf32, #tpu.memory_space<hbm>> -> memref<10000x128xf32, #tpu.memory_space<hbm>>
    tpu.wait_indirect_dma semaphore(%arg12 : memref<!tpu.dma_semaphore, #tpu.memory_space<semaphore_mem>>) src(%dma_wait3A_128 : memref<10000x128xf32, #tpu.memory_space<hbm>>) dst(%arg9 : memref<128x128xf32, #tpu.memory_space<vmem>>)
    %run_scoped3A = arith.constant 38 : i32
    "tpu.region"() ({
      %run_scoped3A_289 = tpu.sem_alloc : memref<!tpu.dma_semaphore, #tpu.memory_space<semaphore_mem>>
      %dma_start3A_290 = arith.constant 0 : i32
      %dma_start3A_291 = tpu.memref_slice %arg8[%run_scoped3A, %dma_start3A_290] : memref<40x128xi32, #tpu.memory_space<vmem>> -> memref<1x128xi32, #tpu.memory_space<vmem>>
      %dma_start3A_292 = tpu.memref_squeeze %dma_start3A_291 : memref<1x128xi32, #tpu.memory_space<vmem>> -> memref<128xi32, #tpu.memory_space<vmem>>
      %dma_start3A_293 = arith.constant 0 : i32
      %dma_start3A_294 = arith.constant 0 : i32
      %dma_start3A_295 = tpu.memref_slice %arg11[%dma_start3A_293, %dma_start3A_294] : memref<10240x128xf32, #tpu.memory_space<vmem_shared>> -> memref<10240x128xf32, #tpu.memory_space<vmem_shared>>
      tpu.enqueue_indirect_dma source(%arg9 : memref<128x128xf32, #tpu.memory_space<vmem>>) target(%dma_start3A_295 : memref<10240x128xf32, #tpu.memory_space<vmem_shared>>) offsets(%dma_start3A_292 : memref<128xi32, #tpu.memory_space<vmem>>) semaphore(%run_scoped3A_289 : memref<!tpu.dma_semaphore, #tpu.memory_space<semaphore_mem>>) {add = true}
      %dma_wait3A_296 = arith.constant 0 : i32
      %dma_wait3A_297 = tpu.memref_slice %arg8[%run_scoped3A, %dma_wait3A_296] : memref<40x128xi32, #tpu.memory_space<vmem>> -> memref<1x128xi32, #tpu.memory_space<vmem>>
      %dma_wait3A_298 = tpu.memref_squeeze %dma_wait3A_297 : memref<1x128xi32, #tpu.memory_space<vmem>> -> memref<128xi32, #tpu.memory_space<vmem>>
      %dma_wait3A_299 = arith.constant 0 : i32
      %dma_wait3A_300 = arith.constant 0 : i32
      %dma_wait3A_301 = tpu.memref_slice %arg11[%dma_wait3A_299, %dma_wait3A_300] : memref<10240x128xf32, #tpu.memory_space<vmem_shared>> -> memref<10240x128xf32, #tpu.memory_space<vmem_shared>>
      tpu.wait_indirect_dma semaphore(%run_scoped3A_289 : memref<!tpu.dma_semaphore, #tpu.memory_space<semaphore_mem>>) src(%arg9 : memref<128x128xf32, #tpu.memory_space<vmem>>) dst(%dma_wait3A_301 : memref<10240x128xf32, #tpu.memory_space<vmem_shared>>)
      tpu.yield
    }) : () -> ()
    %dma_start3A_129 = arith.constant 40 : i32
    %dma_start3A_130 = arith.constant 0 : i32
    %dma_start3A_131 = tpu.memref_slice %arg7[%dma_start3A_129, %dma_start3A_130] : memref<79x128xi32, #tpu.memory_space<vmem>> -> memref<1x128xi32, #tpu.memory_space<vmem>>
    %dma_start3A_132 = tpu.memref_squeeze %dma_start3A_131 : memref<1x128xi32, #tpu.memory_space<vmem>> -> memref<128xi32, #tpu.memory_space<vmem>>
    %dma_start3A_133 = arith.constant 0 : i32
    %dma_start3A_134 = arith.constant 0 : i32
    %dma_start3A_135 = tpu.memref_slice %arg2[%dma_start3A_133, %dma_start3A_134] : memref<10000x128xf32, #tpu.memory_space<hbm>> -> memref<10000x128xf32, #tpu.memory_space<hbm>>
    tpu.enqueue_indirect_dma source(%dma_start3A_135 : memref<10000x128xf32, #tpu.memory_space<hbm>>) target(%arg9 : memref<128x128xf32, #tpu.memory_space<vmem>>) offsets(%dma_start3A_132 : memref<128xi32, #tpu.memory_space<vmem>>) semaphore(%arg12 : memref<!tpu.dma_semaphore, #tpu.memory_space<semaphore_mem>>)
    %dma_wait3A_136 = arith.constant 39 : i32
    %dma_wait3A_137 = arith.constant 0 : i32
    %dma_wait3A_138 = tpu.memref_slice %arg7[%dma_wait3A_136, %dma_wait3A_137] : memref<79x128xi32, #tpu.memory_space<vmem>> -> memref<1x128xi32, #tpu.memory_space<vmem>>
    %dma_wait3A_139 = tpu.memref_squeeze %dma_wait3A_138 : memref<1x128xi32, #tpu.memory_space<vmem>> -> memref<128xi32, #tpu.memory_space<vmem>>
    %dma_wait3A_140 = arith.constant 0 : i32
    %dma_wait3A_141 = arith.constant 0 : i32
    %dma_wait3A_142 = tpu.memref_slice %arg2[%dma_wait3A_140, %dma_wait3A_141] : memref<10000x128xf32, #tpu.memory_space<hbm>> -> memref<10000x128xf32, #tpu.memory_space<hbm>>
    tpu.wait_indirect_dma semaphore(%arg14 : memref<!tpu.dma_semaphore, #tpu.memory_space<semaphore_mem>>) src(%dma_wait3A_142 : memref<10000x128xf32, #tpu.memory_space<hbm>>) dst(%arg10 : memref<128x128xf32, #tpu.memory_space<vmem>>)
    %run_scoped3A_143 = arith.constant 39 : i32
    "tpu.region"() ({
      %run_scoped3A_289 = tpu.sem_alloc : memref<!tpu.dma_semaphore, #tpu.memory_space<semaphore_mem>>
      %dma_start3A_290 = arith.constant 0 : i32
      %dma_start3A_291 = tpu.memref_slice %arg8[%run_scoped3A_143, %dma_start3A_290] : memref<40x128xi32, #tpu.memory_space<vmem>> -> memref<1x128xi32, #tpu.memory_space<vmem>>
      %dma_start3A_292 = tpu.memref_squeeze %dma_start3A_291 : memref<1x128xi32, #tpu.memory_space<vmem>> -> memref<128xi32, #tpu.memory_space<vmem>>
      %dma_start3A_293 = arith.constant 0 : i32
      %dma_start3A_294 = arith.constant 0 : i32
      %dma_start3A_295 = tpu.memref_slice %arg11[%dma_start3A_293, %dma_start3A_294] : memref<10240x128xf32, #tpu.memory_space<vmem_shared>> -> memref<10240x128xf32, #tpu.memory_space<vmem_shared>>
      tpu.enqueue_indirect_dma source(%arg10 : memref<128x128xf32, #tpu.memory_space<vmem>>) target(%dma_start3A_295 : memref<10240x128xf32, #tpu.memory_space<vmem_shared>>) offsets(%dma_start3A_292 : memref<128xi32, #tpu.memory_space<vmem>>) semaphore(%run_scoped3A_289 : memref<!tpu.dma_semaphore, #tpu.memory_space<semaphore_mem>>) {add = true}
      %dma_wait3A_296 = arith.constant 0 : i32
      %dma_wait3A_297 = tpu.memref_slice %arg8[%run_scoped3A_143, %dma_wait3A_296] : memref<40x128xi32, #tpu.memory_space<vmem>> -> memref<1x128xi32, #tpu.memory_space<vmem>>
      %dma_wait3A_298 = tpu.memref_squeeze %dma_wait3A_297 : memref<1x128xi32, #tpu.memory_space<vmem>> -> memref<128xi32, #tpu.memory_space<vmem>>
      %dma_wait3A_299 = arith.constant 0 : i32
      %dma_wait3A_300 = arith.constant 0 : i32
      %dma_wait3A_301 = tpu.memref_slice %arg11[%dma_wait3A_299, %dma_wait3A_300] : memref<10240x128xf32, #tpu.memory_space<vmem_shared>> -> memref<10240x128xf32, #tpu.memory_space<vmem_shared>>
      tpu.wait_indirect_dma semaphore(%run_scoped3A_289 : memref<!tpu.dma_semaphore, #tpu.memory_space<semaphore_mem>>) src(%arg10 : memref<128x128xf32, #tpu.memory_space<vmem>>) dst(%dma_wait3A_301 : memref<10240x128xf32, #tpu.memory_space<vmem_shared>>)
      tpu.yield
    }) : () -> ()
    %dma_start3A_144 = arith.constant 41 : i32
    %dma_start3A_145 = arith.constant 0 : i32
    %dma_start3A_146 = tpu.memref_slice %arg7[%dma_start3A_144, %dma_start3A_145] : memref<79x128xi32, #tpu.memory_space<vmem>> -> memref<1x128xi32, #tpu.memory_space<vmem>>
    %dma_start3A_147 = tpu.memref_squeeze %dma_start3A_146 : memref<1x128xi32, #tpu.memory_space<vmem>> -> memref<128xi32, #tpu.memory_space<vmem>>
    %dma_start3A_148 = arith.constant 0 : i32
    %dma_start3A_149 = arith.constant 0 : i32
    %dma_start3A_150 = tpu.memref_slice %arg2[%dma_start3A_148, %dma_start3A_149] : memref<10000x128xf32, #tpu.memory_space<hbm>> -> memref<10000x128xf32, #tpu.memory_space<hbm>>
    tpu.enqueue_indirect_dma source(%dma_start3A_150 : memref<10000x128xf32, #tpu.memory_space<hbm>>) target(%arg10 : memref<128x128xf32, #tpu.memory_space<vmem>>) offsets(%dma_start3A_147 : memref<128xi32, #tpu.memory_space<vmem>>) semaphore(%arg14 : memref<!tpu.dma_semaphore, #tpu.memory_space<semaphore_mem>>)
    "tpu.region"() ({
      %run_scoped3A_289 = tpu.sem_alloc : memref<!tpu.dma_semaphore, #tpu.memory_space<semaphore_mem>>
      %dma_start3A_290 = arith.constant 0 : i32
      %dma_start3A_291 = arith.constant 0 : i32
      %dma_start3A_292 = tpu.memref_slice %arg8[%dma_start3A_290, %dma_start3A_291] : memref<40x128xi32, #tpu.memory_space<vmem>> -> memref<39x128xi32, #tpu.memory_space<vmem>>
      %dma_start3A_293 = arith.constant 40 : i32
      %dma_start3A_294 = arith.constant 0 : i32
      %dma_start3A_295 = tpu.memref_slice %arg4[%add3A, %dma_start3A_293, %dma_start3A_294] : memref<32x79x128xi32, #tpu.memory_space<hbm>> -> memref<1x39x128xi32, #tpu.memory_space<hbm>>
      %dma_start3A_296 = tpu.memref_squeeze %dma_start3A_295 : memref<1x39x128xi32, #tpu.memory_space<hbm>> -> memref<39x128xi32, #tpu.memory_space<hbm>>
      %dma_start3A_297 = arith.constant 0 : i32
      %dma_start3A_298 = arith.constant 0 : i32
      %dma_start3A_299 = tpu.memref_slice %arg8[%dma_start3A_297, %dma_start3A_298] : memref<40x128xi32, #tpu.memory_space<vmem>> -> memref<39x128xi32, #tpu.memory_space<vmem>>
      %dma_start3A_300 = arith.constant 40 : i32
      %dma_start3A_301 = arith.constant 0 : i32
      %dma_start3A_302 = tpu.memref_slice %arg4[%add3A, %dma_start3A_300, %dma_start3A_301] : memref<32x79x128xi32, #tpu.memory_space<hbm>> -> memref<1x39x128xi32, #tpu.memory_space<hbm>>
      %dma_start3A_303 = tpu.memref_squeeze %dma_start3A_302 : memref<1x39x128xi32, #tpu.memory_space<hbm>> -> memref<39x128xi32, #tpu.memory_space<hbm>>
      tpu.enqueue_dma source(%dma_start3A_303 : memref<39x128xi32, #tpu.memory_space<hbm>>) target(%dma_start3A_299 : memref<39x128xi32, #tpu.memory_space<vmem>>) target_semaphore(%run_scoped3A_289 : memref<!tpu.dma_semaphore, #tpu.memory_space<semaphore_mem>>)
      %dma_wait3A_304 = arith.constant 0 : i32
      %dma_wait3A_305 = arith.constant 0 : i32
      %dma_wait3A_306 = tpu.memref_slice %arg8[%dma_wait3A_304, %dma_wait3A_305] : memref<40x128xi32, #tpu.memory_space<vmem>> -> memref<39x128xi32, #tpu.memory_space<vmem>>
      %dma_wait3A_307 = arith.constant 40 : i32
      %dma_wait3A_308 = arith.constant 0 : i32
      %dma_wait3A_309 = tpu.memref_slice %arg4[%add3A, %dma_wait3A_307, %dma_wait3A_308] : memref<32x79x128xi32, #tpu.memory_space<hbm>> -> memref<1x39x128xi32, #tpu.memory_space<hbm>>
      %dma_wait3A_310 = tpu.memref_squeeze %dma_wait3A_309 : memref<1x39x128xi32, #tpu.memory_space<hbm>> -> memref<39x128xi32, #tpu.memory_space<hbm>>
      %dma_wait3A_311 = arith.constant 0 : i32
      %dma_wait3A_312 = arith.constant 0 : i32
      %dma_wait3A_313 = tpu.memref_slice %arg8[%dma_wait3A_311, %dma_wait3A_312] : memref<40x128xi32, #tpu.memory_space<vmem>> -> memref<39x128xi32, #tpu.memory_space<vmem>>
      %dma_wait3A_314 = arith.constant 40 : i32
      %dma_wait3A_315 = arith.constant 0 : i32
      %dma_wait3A_316 = tpu.memref_slice %arg4[%add3A, %dma_wait3A_314, %dma_wait3A_315] : memref<32x79x128xi32, #tpu.memory_space<hbm>> -> memref<1x39x128xi32, #tpu.memory_space<hbm>>
      %dma_wait3A_317 = tpu.memref_squeeze %dma_wait3A_316 : memref<1x39x128xi32, #tpu.memory_space<hbm>> -> memref<39x128xi32, #tpu.memory_space<hbm>>
      tpu.wait_dma2 semaphore(%run_scoped3A_289 : memref<!tpu.dma_semaphore, #tpu.memory_space<semaphore_mem>>) src(%dma_wait3A_317 : memref<39x128xi32, #tpu.memory_space<hbm>>) dst(%dma_wait3A_313 : memref<39x128xi32, #tpu.memory_space<vmem>>)
      tpu.yield
    }) : () -> ()
    %scan3A_151 = arith.constant 0 : i32
    %scan3A_152 = arith.constant 0 : i32
    %scan3A_153 = arith.constant 18 : i32
    %scan3A_154 = arith.addi %scan3A_152, %scan3A_153 : i32
    %scan3A_155 = arith.constant 1 : i32
    scf.for %scan3A_289 = %scan3A_152 to %scan3A_154 step %scan3A_155  : i32 {
      %mul3A_290 = arith.constant 2 : i32
      %mul3A_291 = arith.muli %mul3A_290, %scan3A_289 : i32
      %add3A_292 = arith.constant 40 : i32
      %add3A_293 = arith.addi %add3A_292, %mul3A_291 : i32
      %dma_wait3A_294 = arith.constant 0 : i32
      %dma_wait3A_295 = tpu.memref_slice %arg7[%add3A_293, %dma_wait3A_294] : memref<79x128xi32, #tpu.memory_space<vmem>> -> memref<1x128xi32, #tpu.memory_space<vmem>>
      %dma_wait3A_296 = tpu.memref_squeeze %dma_wait3A_295 : memref<1x128xi32, #tpu.memory_space<vmem>> -> memref<128xi32, #tpu.memory_space<vmem>>
      %dma_wait3A_297 = arith.constant 0 : i32
      %dma_wait3A_298 = arith.constant 0 : i32
      %dma_wait3A_299 = tpu.memref_slice %arg2[%dma_wait3A_297, %dma_wait3A_298] : memref<10000x128xf32, #tpu.memory_space<hbm>> -> memref<10000x128xf32, #tpu.memory_space<hbm>>
      tpu.wait_indirect_dma semaphore(%arg12 : memref<!tpu.dma_semaphore, #tpu.memory_space<semaphore_mem>>) src(%dma_wait3A_299 : memref<10000x128xf32, #tpu.memory_space<hbm>>) dst(%arg9 : memref<128x128xf32, #tpu.memory_space<vmem>>)
      %sub3A = arith.constant 40 : i32
      %sub3A_300 = arith.subi %add3A_293, %sub3A : i32
      "tpu.region"() ({
        %run_scoped3A_329 = tpu.sem_alloc : memref<!tpu.dma_semaphore, #tpu.memory_space<semaphore_mem>>
        %dma_start3A_330 = arith.constant 0 : i32
        %dma_start3A_331 = tpu.memref_slice %arg8[%sub3A_300, %dma_start3A_330] : memref<40x128xi32, #tpu.memory_space<vmem>> -> memref<1x128xi32, #tpu.memory_space<vmem>>
        %dma_start3A_332 = tpu.memref_squeeze %dma_start3A_331 : memref<1x128xi32, #tpu.memory_space<vmem>> -> memref<128xi32, #tpu.memory_space<vmem>>
        %dma_start3A_333 = arith.constant 0 : i32
        %dma_start3A_334 = arith.constant 0 : i32
        %dma_start3A_335 = tpu.memref_slice %arg11[%dma_start3A_333, %dma_start3A_334] : memref<10240x128xf32, #tpu.memory_space<vmem_shared>> -> memref<10240x128xf32, #tpu.memory_space<vmem_shared>>
        tpu.enqueue_indirect_dma source(%arg9 : memref<128x128xf32, #tpu.memory_space<vmem>>) target(%dma_start3A_335 : memref<10240x128xf32, #tpu.memory_space<vmem_shared>>) offsets(%dma_start3A_332 : memref<128xi32, #tpu.memory_space<vmem>>) semaphore(%run_scoped3A_329 : memref<!tpu.dma_semaphore, #tpu.memory_space<semaphore_mem>>) {add = true}
        %dma_wait3A_336 = arith.constant 0 : i32
        %dma_wait3A_337 = tpu.memref_slice %arg8[%sub3A_300, %dma_wait3A_336] : memref<40x128xi32, #tpu.memory_space<vmem>> -> memref<1x128xi32, #tpu.memory_space<vmem>>
        %dma_wait3A_338 = tpu.memref_squeeze %dma_wait3A_337 : memref<1x128xi32, #tpu.memory_space<vmem>> -> memref<128xi32, #tpu.memory_space<vmem>>
        %dma_wait3A_339 = arith.constant 0 : i32
        %dma_wait3A_340 = arith.constant 0 : i32
        %dma_wait3A_341 = tpu.memref_slice %arg11[%dma_wait3A_339, %dma_wait3A_340] : memref<10240x128xf32, #tpu.memory_space<vmem_shared>> -> memref<10240x128xf32, #tpu.memory_space<vmem_shared>>
        tpu.wait_indirect_dma semaphore(%run_scoped3A_329 : memref<!tpu.dma_semaphore, #tpu.memory_space<semaphore_mem>>) src(%arg9 : memref<128x128xf32, #tpu.memory_space<vmem>>) dst(%dma_wait3A_341 : memref<10240x128xf32, #tpu.memory_space<vmem_shared>>)
        tpu.yield
      }) : () -> ()
      %add3A_301 = arith.constant 2 : i32
      %add3A_302 = arith.addi %add3A_293, %add3A_301 : i32
      %dma_start3A_303 = arith.constant 0 : i32
      %dma_start3A_304 = tpu.memref_slice %arg7[%add3A_302, %dma_start3A_303] : memref<79x128xi32, #tpu.memory_space<vmem>> -> memref<1x128xi32, #tpu.memory_space<vmem>>
      %dma_start3A_305 = tpu.memref_squeeze %dma_start3A_304 : memref<1x128xi32, #tpu.memory_space<vmem>> -> memref<128xi32, #tpu.memory_space<vmem>>
      %dma_start3A_306 = arith.constant 0 : i32
      %dma_start3A_307 = arith.constant 0 : i32
      %dma_start3A_308 = tpu.memref_slice %arg2[%dma_start3A_306, %dma_start3A_307] : memref<10000x128xf32, #tpu.memory_space<hbm>> -> memref<10000x128xf32, #tpu.memory_space<hbm>>
      tpu.enqueue_indirect_dma source(%dma_start3A_308 : memref<10000x128xf32, #tpu.memory_space<hbm>>) target(%arg9 : memref<128x128xf32, #tpu.memory_space<vmem>>) offsets(%dma_start3A_305 : memref<128xi32, #tpu.memory_space<vmem>>) semaphore(%arg12 : memref<!tpu.dma_semaphore, #tpu.memory_space<semaphore_mem>>)
      %add3A_309 = arith.constant 1 : i32
      %add3A_310 = arith.addi %add3A_293, %add3A_309 : i32
      %dma_wait3A_311 = arith.constant 0 : i32
      %dma_wait3A_312 = tpu.memref_slice %arg7[%add3A_310, %dma_wait3A_311] : memref<79x128xi32, #tpu.memory_space<vmem>> -> memref<1x128xi32, #tpu.memory_space<vmem>>
      %dma_wait3A_313 = tpu.memref_squeeze %dma_wait3A_312 : memref<1x128xi32, #tpu.memory_space<vmem>> -> memref<128xi32, #tpu.memory_space<vmem>>
      %dma_wait3A_314 = arith.constant 0 : i32
      %dma_wait3A_315 = arith.constant 0 : i32
      %dma_wait3A_316 = tpu.memref_slice %arg2[%dma_wait3A_314, %dma_wait3A_315] : memref<10000x128xf32, #tpu.memory_space<hbm>> -> memref<10000x128xf32, #tpu.memory_space<hbm>>
      tpu.wait_indirect_dma semaphore(%arg14 : memref<!tpu.dma_semaphore, #tpu.memory_space<semaphore_mem>>) src(%dma_wait3A_316 : memref<10000x128xf32, #tpu.memory_space<hbm>>) dst(%arg10 : memref<128x128xf32, #tpu.memory_space<vmem>>)
      %add3A_317 = arith.constant 1 : i32
      %add3A_318 = arith.addi %add3A_293, %add3A_317 : i32
      %sub3A_319 = arith.constant 40 : i32
      %sub3A_320 = arith.subi %add3A_318, %sub3A_319 : i32
      "tpu.region"() ({
        %run_scoped3A_329 = tpu.sem_alloc : memref<!tpu.dma_semaphore, #tpu.memory_space<semaphore_mem>>
        %dma_start3A_330 = arith.constant 0 : i32
        %dma_start3A_331 = tpu.memref_slice %arg8[%sub3A_320, %dma_start3A_330] : memref<40x128xi32, #tpu.memory_space<vmem>> -> memref<1x128xi32, #tpu.memory_space<vmem>>
        %dma_start3A_332 = tpu.memref_squeeze %dma_start3A_331 : memref<1x128xi32, #tpu.memory_space<vmem>> -> memref<128xi32, #tpu.memory_space<vmem>>
        %dma_start3A_333 = arith.constant 0 : i32
        %dma_start3A_334 = arith.constant 0 : i32
        %dma_start3A_335 = tpu.memref_slice %arg11[%dma_start3A_333, %dma_start3A_334] : memref<10240x128xf32, #tpu.memory_space<vmem_shared>> -> memref<10240x128xf32, #tpu.memory_space<vmem_shared>>
        tpu.enqueue_indirect_dma source(%arg10 : memref<128x128xf32, #tpu.memory_space<vmem>>) target(%dma_start3A_335 : memref<10240x128xf32, #tpu.memory_space<vmem_shared>>) offsets(%dma_start3A_332 : memref<128xi32, #tpu.memory_space<vmem>>) semaphore(%run_scoped3A_329 : memref<!tpu.dma_semaphore, #tpu.memory_space<semaphore_mem>>) {add = true}
        %dma_wait3A_336 = arith.constant 0 : i32
        %dma_wait3A_337 = tpu.memref_slice %arg8[%sub3A_320, %dma_wait3A_336] : memref<40x128xi32, #tpu.memory_space<vmem>> -> memref<1x128xi32, #tpu.memory_space<vmem>>
        %dma_wait3A_338 = tpu.memref_squeeze %dma_wait3A_337 : memref<1x128xi32, #tpu.memory_space<vmem>> -> memref<128xi32, #tpu.memory_space<vmem>>
        %dma_wait3A_339 = arith.constant 0 : i32
        %dma_wait3A_340 = arith.constant 0 : i32
        %dma_wait3A_341 = tpu.memref_slice %arg11[%dma_wait3A_339, %dma_wait3A_340] : memref<10240x128xf32, #tpu.memory_space<vmem_shared>> -> memref<10240x128xf32, #tpu.memory_space<vmem_shared>>
        tpu.wait_indirect_dma semaphore(%run_scoped3A_329 : memref<!tpu.dma_semaphore, #tpu.memory_space<semaphore_mem>>) src(%arg10 : memref<128x128xf32, #tpu.memory_space<vmem>>) dst(%dma_wait3A_341 : memref<10240x128xf32, #tpu.memory_space<vmem_shared>>)
        tpu.yield
      }) : () -> ()
      %add3A_321 = arith.constant 3 : i32
      %add3A_322 = arith.addi %add3A_293, %add3A_321 : i32
      %dma_start3A_323 = arith.constant 0 : i32
      %dma_start3A_324 = tpu.memref_slice %arg7[%add3A_322, %dma_start3A_323] : memref<79x128xi32, #tpu.memory_space<vmem>> -> memref<1x128xi32, #tpu.memory_space<vmem>>
      %dma_start3A_325 = tpu.memref_squeeze %dma_start3A_324 : memref<1x128xi32, #tpu.memory_space<vmem>> -> memref<128xi32, #tpu.memory_space<vmem>>
      %dma_start3A_326 = arith.constant 0 : i32
      %dma_start3A_327 = arith.constant 0 : i32
      %dma_start3A_328 = tpu.memref_slice %arg2[%dma_start3A_326, %dma_start3A_327] : memref<10000x128xf32, #tpu.memory_space<hbm>> -> memref<10000x128xf32, #tpu.memory_space<hbm>>
      tpu.enqueue_indirect_dma source(%dma_start3A_328 : memref<10000x128xf32, #tpu.memory_space<hbm>>) target(%arg10 : memref<128x128xf32, #tpu.memory_space<vmem>>) offsets(%dma_start3A_325 : memref<128xi32, #tpu.memory_space<vmem>>) semaphore(%arg14 : memref<!tpu.dma_semaphore, #tpu.memory_space<semaphore_mem>>)
    }
    %scan3A_156 = arith.constant 18 : i32
    %dma_wait3A_157 = arith.constant 76 : i32
    %dma_wait3A_158 = arith.constant 0 : i32
    %dma_wait3A_159 = tpu.memref_slice %arg7[%dma_wait3A_157, %dma_wait3A_158] : memref<79x128xi32, #tpu.memory_space<vmem>> -> memref<1x128xi32, #tpu.memory_space<vmem>>
    %dma_wait3A_160 = tpu.memref_squeeze %dma_wait3A_159 : memref<1x128xi32, #tpu.memory_space<vmem>> -> memref<128xi32, #tpu.memory_space<vmem>>
    %dma_wait3A_161 = arith.constant 0 : i32
    %dma_wait3A_162 = arith.constant 0 : i32
    %dma_wait3A_163 = tpu.memref_slice %arg2[%dma_wait3A_161, %dma_wait3A_162] : memref<10000x128xf32, #tpu.memory_space<hbm>> -> memref<10000x128xf32, #tpu.memory_space<hbm>>
    tpu.wait_indirect_dma semaphore(%arg12 : memref<!tpu.dma_semaphore, #tpu.memory_space<semaphore_mem>>) src(%dma_wait3A_163 : memref<10000x128xf32, #tpu.memory_space<hbm>>) dst(%arg9 : memref<128x128xf32, #tpu.memory_space<vmem>>)
    %run_scoped3A_164 = arith.constant 36 : i32
    "tpu.region"() ({
      %run_scoped3A_289 = tpu.sem_alloc : memref<!tpu.dma_semaphore, #tpu.memory_space<semaphore_mem>>
      %dma_start3A_290 = arith.constant 0 : i32
      %dma_start3A_291 = tpu.memref_slice %arg8[%run_scoped3A_164, %dma_start3A_290] : memref<40x128xi32, #tpu.memory_space<vmem>> -> memref<1x128xi32, #tpu.memory_space<vmem>>
      %dma_start3A_292 = tpu.memref_squeeze %dma_start3A_291 : memref<1x128xi32, #tpu.memory_space<vmem>> -> memref<128xi32, #tpu.memory_space<vmem>>
      %dma_start3A_293 = arith.constant 0 : i32
      %dma_start3A_294 = arith.constant 0 : i32
      %dma_start3A_295 = tpu.memref_slice %arg11[%dma_start3A_293, %dma_start3A_294] : memref<10240x128xf32, #tpu.memory_space<vmem_shared>> -> memref<10240x128xf32, #tpu.memory_space<vmem_shared>>
      tpu.enqueue_indirect_dma source(%arg9 : memref<128x128xf32, #tpu.memory_space<vmem>>) target(%dma_start3A_295 : memref<10240x128xf32, #tpu.memory_space<vmem_shared>>) offsets(%dma_start3A_292 : memref<128xi32, #tpu.memory_space<vmem>>) semaphore(%run_scoped3A_289 : memref<!tpu.dma_semaphore, #tpu.memory_space<semaphore_mem>>) {add = true}
      %dma_wait3A_296 = arith.constant 0 : i32
      %dma_wait3A_297 = tpu.memref_slice %arg8[%run_scoped3A_164, %dma_wait3A_296] : memref<40x128xi32, #tpu.memory_space<vmem>> -> memref<1x128xi32, #tpu.memory_space<vmem>>
      %dma_wait3A_298 = tpu.memref_squeeze %dma_wait3A_297 : memref<1x128xi32, #tpu.memory_space<vmem>> -> memref<128xi32, #tpu.memory_space<vmem>>
      %dma_wait3A_299 = arith.constant 0 : i32
      %dma_wait3A_300 = arith.constant 0 : i32
      %dma_wait3A_301 = tpu.memref_slice %arg11[%dma_wait3A_299, %dma_wait3A_300] : memref<10240x128xf32, #tpu.memory_space<vmem_shared>> -> memref<10240x128xf32, #tpu.memory_space<vmem_shared>>
      tpu.wait_indirect_dma semaphore(%run_scoped3A_289 : memref<!tpu.dma_semaphore, #tpu.memory_space<semaphore_mem>>) src(%arg9 : memref<128x128xf32, #tpu.memory_space<vmem>>) dst(%dma_wait3A_301 : memref<10240x128xf32, #tpu.memory_space<vmem_shared>>)
      tpu.yield
    }) : () -> ()
    %dma_start3A_165 = arith.constant 78 : i32
    %dma_start3A_166 = arith.constant 0 : i32
    %dma_start3A_167 = tpu.memref_slice %arg7[%dma_start3A_165, %dma_start3A_166] : memref<79x128xi32, #tpu.memory_space<vmem>> -> memref<1x128xi32, #tpu.memory_space<vmem>>
    %dma_start3A_168 = tpu.memref_squeeze %dma_start3A_167 : memref<1x128xi32, #tpu.memory_space<vmem>> -> memref<128xi32, #tpu.memory_space<vmem>>
    %dma_start3A_169 = arith.constant 0 : i32
    %dma_start3A_170 = arith.constant 0 : i32
    %dma_start3A_171 = tpu.memref_slice %arg2[%dma_start3A_169, %dma_start3A_170] : memref<10000x128xf32, #tpu.memory_space<hbm>> -> memref<10000x128xf32, #tpu.memory_space<hbm>>
    tpu.enqueue_indirect_dma source(%dma_start3A_171 : memref<10000x128xf32, #tpu.memory_space<hbm>>) target(%arg9 : memref<128x128xf32, #tpu.memory_space<vmem>>) offsets(%dma_start3A_168 : memref<128xi32, #tpu.memory_space<vmem>>) semaphore(%arg12 : memref<!tpu.dma_semaphore, #tpu.memory_space<semaphore_mem>>)
    %dma_wait3A_172 = arith.constant 77 : i32
    %dma_wait3A_173 = arith.constant 0 : i32
    %dma_wait3A_174 = tpu.memref_slice %arg7[%dma_wait3A_172, %dma_wait3A_173] : memref<79x128xi32, #tpu.memory_space<vmem>> -> memref<1x128xi32, #tpu.memory_space<vmem>>
    %dma_wait3A_175 = tpu.memref_squeeze %dma_wait3A_174 : memref<1x128xi32, #tpu.memory_space<vmem>> -> memref<128xi32, #tpu.memory_space<vmem>>
    %dma_wait3A_176 = arith.constant 0 : i32
    %dma_wait3A_177 = arith.constant 0 : i32
    %dma_wait3A_178 = tpu.memref_slice %arg2[%dma_wait3A_176, %dma_wait3A_177] : memref<10000x128xf32, #tpu.memory_space<hbm>> -> memref<10000x128xf32, #tpu.memory_space<hbm>>
    tpu.wait_indirect_dma semaphore(%arg14 : memref<!tpu.dma_semaphore, #tpu.memory_space<semaphore_mem>>) src(%dma_wait3A_178 : memref<10000x128xf32, #tpu.memory_space<hbm>>) dst(%arg10 : memref<128x128xf32, #tpu.memory_space<vmem>>)
    %run_scoped3A_179 = arith.constant 37 : i32
    "tpu.region"() ({
      %run_scoped3A_289 = tpu.sem_alloc : memref<!tpu.dma_semaphore, #tpu.memory_space<semaphore_mem>>
      %dma_start3A_290 = arith.constant 0 : i32
      %dma_start3A_291 = tpu.memref_slice %arg8[%run_scoped3A_179, %dma_start3A_290] : memref<40x128xi32, #tpu.memory_space<vmem>> -> memref<1x128xi32, #tpu.memory_space<vmem>>
      %dma_start3A_292 = tpu.memref_squeeze %dma_start3A_291 : memref<1x128xi32, #tpu.memory_space<vmem>> -> memref<128xi32, #tpu.memory_space<vmem>>
      %dma_start3A_293 = arith.constant 0 : i32
      %dma_start3A_294 = arith.constant 0 : i32
      %dma_start3A_295 = tpu.memref_slice %arg11[%dma_start3A_293, %dma_start3A_294] : memref<10240x128xf32, #tpu.memory_space<vmem_shared>> -> memref<10240x128xf32, #tpu.memory_space<vmem_shared>>
      tpu.enqueue_indirect_dma source(%arg10 : memref<128x128xf32, #tpu.memory_space<vmem>>) target(%dma_start3A_295 : memref<10240x128xf32, #tpu.memory_space<vmem_shared>>) offsets(%dma_start3A_292 : memref<128xi32, #tpu.memory_space<vmem>>) semaphore(%run_scoped3A_289 : memref<!tpu.dma_semaphore, #tpu.memory_space<semaphore_mem>>) {add = true}
      %dma_wait3A_296 = arith.constant 0 : i32
      %dma_wait3A_297 = tpu.memref_slice %arg8[%run_scoped3A_179, %dma_wait3A_296] : memref<40x128xi32, #tpu.memory_space<vmem>> -> memref<1x128xi32, #tpu.memory_space<vmem>>
      %dma_wait3A_298 = tpu.memref_squeeze %dma_wait3A_297 : memref<1x128xi32, #tpu.memory_space<vmem>> -> memref<128xi32, #tpu.memory_space<vmem>>
      %dma_wait3A_299 = arith.constant 0 : i32
      %dma_wait3A_300 = arith.constant 0 : i32
      %dma_wait3A_301 = tpu.memref_slice %arg11[%dma_wait3A_299, %dma_wait3A_300] : memref<10240x128xf32, #tpu.memory_space<vmem_shared>> -> memref<10240x128xf32, #tpu.memory_space<vmem_shared>>
      tpu.wait_indirect_dma semaphore(%run_scoped3A_289 : memref<!tpu.dma_semaphore, #tpu.memory_space<semaphore_mem>>) src(%arg10 : memref<128x128xf32, #tpu.memory_space<vmem>>) dst(%dma_wait3A_301 : memref<10240x128xf32, #tpu.memory_space<vmem_shared>>)
      tpu.yield
    }) : () -> ()
    %dma_wait3A_180 = arith.constant 78 : i32
    %dma_wait3A_181 = arith.constant 0 : i32
    %dma_wait3A_182 = tpu.memref_slice %arg7[%dma_wait3A_180, %dma_wait3A_181] : memref<79x128xi32, #tpu.memory_space<vmem>> -> memref<1x128xi32, #tpu.memory_space<vmem>>
    %dma_wait3A_183 = tpu.memref_squeeze %dma_wait3A_182 : memref<1x128xi32, #tpu.memory_space<vmem>> -> memref<128xi32, #tpu.memory_space<vmem>>
    %dma_wait3A_184 = arith.constant 0 : i32
    %dma_wait3A_185 = arith.constant 0 : i32
    %dma_wait3A_186 = tpu.memref_slice %arg2[%dma_wait3A_184, %dma_wait3A_185] : memref<10000x128xf32, #tpu.memory_space<hbm>> -> memref<10000x128xf32, #tpu.memory_space<hbm>>
    tpu.wait_indirect_dma semaphore(%arg12 : memref<!tpu.dma_semaphore, #tpu.memory_space<semaphore_mem>>) src(%dma_wait3A_186 : memref<10000x128xf32, #tpu.memory_space<hbm>>) dst(%arg9 : memref<128x128xf32, #tpu.memory_space<vmem>>)
    %run_scoped3A_187 = arith.constant 38 : i32
    "tpu.region"() ({
      %run_scoped3A_289 = tpu.sem_alloc : memref<!tpu.dma_semaphore, #tpu.memory_space<semaphore_mem>>
      %dma_start3A_290 = arith.constant 0 : i32
      %dma_start3A_291 = tpu.memref_slice %arg8[%run_scoped3A_187, %dma_start3A_290] : memref<40x128xi32, #tpu.memory_space<vmem>> -> memref<1x128xi32, #tpu.memory_space<vmem>>
      %dma_start3A_292 = tpu.memref_squeeze %dma_start3A_291 : memref<1x128xi32, #tpu.memory_space<vmem>> -> memref<128xi32, #tpu.memory_space<vmem>>
      %dma_start3A_293 = arith.constant 0 : i32
      %dma_start3A_294 = arith.constant 0 : i32
      %dma_start3A_295 = tpu.memref_slice %arg11[%dma_start3A_293, %dma_start3A_294] : memref<10240x128xf32, #tpu.memory_space<vmem_shared>> -> memref<10240x128xf32, #tpu.memory_space<vmem_shared>>
      tpu.enqueue_indirect_dma source(%arg9 : memref<128x128xf32, #tpu.memory_space<vmem>>) target(%dma_start3A_295 : memref<10240x128xf32, #tpu.memory_space<vmem_shared>>) offsets(%dma_start3A_292 : memref<128xi32, #tpu.memory_space<vmem>>) semaphore(%run_scoped3A_289 : memref<!tpu.dma_semaphore, #tpu.memory_space<semaphore_mem>>) {add = true}
      %dma_wait3A_296 = arith.constant 0 : i32
      %dma_wait3A_297 = tpu.memref_slice %arg8[%run_scoped3A_187, %dma_wait3A_296] : memref<40x128xi32, #tpu.memory_space<vmem>> -> memref<1x128xi32, #tpu.memory_space<vmem>>
      %dma_wait3A_298 = tpu.memref_squeeze %dma_wait3A_297 : memref<1x128xi32, #tpu.memory_space<vmem>> -> memref<128xi32, #tpu.memory_space<vmem>>
      %dma_wait3A_299 = arith.constant 0 : i32
      %dma_wait3A_300 = arith.constant 0 : i32
      %dma_wait3A_301 = tpu.memref_slice %arg11[%dma_wait3A_299, %dma_wait3A_300] : memref<10240x128xf32, #tpu.memory_space<vmem_shared>> -> memref<10240x128xf32, #tpu.memory_space<vmem_shared>>
      tpu.wait_indirect_dma semaphore(%run_scoped3A_289 : memref<!tpu.dma_semaphore, #tpu.memory_space<semaphore_mem>>) src(%arg9 : memref<128x128xf32, #tpu.memory_space<vmem>>) dst(%dma_wait3A_301 : memref<10240x128xf32, #tpu.memory_space<vmem_shared>>)
      tpu.yield
    }) : () -> ()
    %barrier3A_188 = arith.constant 0 : index
    tpu.barrier barrier_id(%barrier3A_188)
    %mul3A_189 = arith.constant 640 : i32
    %mul3A_190 = arith.muli %arg1, %mul3A_189 : i32
    %add3A_191 = arith.constant 0 : i32
    %add3A_192 = arith.addi %mul3A_190, %add3A_191 : i32
    "tpu.region"() ({
      %run_scoped3A_289 = tpu.sem_alloc : memref<!tpu.dma_semaphore, #tpu.memory_space<semaphore_mem>>
      %dma_start3A_290 = arith.constant 0 : i32
      %dma_start3A_291 = tpu.memref_slice %arg11[%add3A_192, %dma_start3A_290] : memref<10240x128xf32, #tpu.memory_space<vmem_shared>> -> memref<128x128xf32, #tpu.memory_space<vmem_shared>>
      %dma_start3A_292 = arith.constant 0 : i32
      %dma_start3A_293 = tpu.memref_slice %arg11[%add3A_192, %dma_start3A_292] : memref<10240x128xf32, #tpu.memory_space<vmem_shared>> -> memref<128x128xf32, #tpu.memory_space<vmem_shared>>
      tpu.enqueue_dma source(%dma_start3A_293 : memref<128x128xf32, #tpu.memory_space<vmem_shared>>) target(%arg9 : memref<128x128xf32, #tpu.memory_space<vmem>>) target_semaphore(%run_scoped3A_289 : memref<!tpu.dma_semaphore, #tpu.memory_space<semaphore_mem>>)
      %dma_wait3A_294 = arith.constant 0 : i32
      %dma_wait3A_295 = tpu.memref_slice %arg11[%add3A_192, %dma_wait3A_294] : memref<10240x128xf32, #tpu.memory_space<vmem_shared>> -> memref<128x128xf32, #tpu.memory_space<vmem_shared>>
      %dma_wait3A_296 = arith.constant 0 : i32
      %dma_wait3A_297 = tpu.memref_slice %arg11[%add3A_192, %dma_wait3A_296] : memref<10240x128xf32, #tpu.memory_space<vmem_shared>> -> memref<128x128xf32, #tpu.memory_space<vmem_shared>>
      tpu.wait_dma2 semaphore(%run_scoped3A_289 : memref<!tpu.dma_semaphore, #tpu.memory_space<semaphore_mem>>) src(%dma_wait3A_297 : memref<128x128xf32, #tpu.memory_space<vmem_shared>>) dst(%arg9 : memref<128x128xf32, #tpu.memory_space<vmem>>)
      tpu.yield
    }) : () -> ()
    %mul3A_193 = arith.constant 640 : i32
    %mul3A_194 = arith.muli %arg1, %mul3A_193 : i32
    %add3A_195 = arith.constant 0 : i32
    %add3A_196 = arith.addi %mul3A_194, %add3A_195 : i32
    %dma_start3A_197 = arith.constant 0 : i32
    %dma_start3A_198 = tpu.memref_slice %arg6[%arg0, %add3A_196, %dma_start3A_197] : memref<2x10240x128xf32, #tpu.memory_space<hbm>> -> memref<1x128x128xf32, #tpu.memory_space<hbm>>
    %dma_start3A_199 = tpu.memref_squeeze %dma_start3A_198 : memref<1x128x128xf32, #tpu.memory_space<hbm>> -> memref<128x128xf32, #tpu.memory_space<hbm>>
    %dma_start3A_200 = arith.constant 0 : i32
    %dma_start3A_201 = tpu.memref_slice %arg6[%arg0, %add3A_196, %dma_start3A_200] : memref<2x10240x128xf32, #tpu.memory_space<hbm>> -> memref<1x128x128xf32, #tpu.memory_space<hbm>>
    %dma_start3A_202 = tpu.memref_squeeze %dma_start3A_201 : memref<1x128x128xf32, #tpu.memory_space<hbm>> -> memref<128x128xf32, #tpu.memory_space<hbm>>
    tpu.enqueue_dma source(%arg9 : memref<128x128xf32, #tpu.memory_space<vmem>>) target(%dma_start3A_202 : memref<128x128xf32, #tpu.memory_space<hbm>>) target_semaphore(%arg12 : memref<!tpu.dma_semaphore, #tpu.memory_space<semaphore_mem>>)
    %mul3A_203 = arith.constant 640 : i32
    %mul3A_204 = arith.muli %arg1, %mul3A_203 : i32
    %add3A_205 = arith.constant 128 : i32
    %add3A_206 = arith.addi %mul3A_204, %add3A_205 : i32
    "tpu.region"() ({
      %run_scoped3A_289 = tpu.sem_alloc : memref<!tpu.dma_semaphore, #tpu.memory_space<semaphore_mem>>
      %dma_start3A_290 = arith.constant 0 : i32
      %dma_start3A_291 = tpu.memref_slice %arg11[%add3A_206, %dma_start3A_290] : memref<10240x128xf32, #tpu.memory_space<vmem_shared>> -> memref<128x128xf32, #tpu.memory_space<vmem_shared>>
      %dma_start3A_292 = arith.constant 0 : i32
      %dma_start3A_293 = tpu.memref_slice %arg11[%add3A_206, %dma_start3A_292] : memref<10240x128xf32, #tpu.memory_space<vmem_shared>> -> memref<128x128xf32, #tpu.memory_space<vmem_shared>>
      tpu.enqueue_dma source(%dma_start3A_293 : memref<128x128xf32, #tpu.memory_space<vmem_shared>>) target(%arg10 : memref<128x128xf32, #tpu.memory_space<vmem>>) target_semaphore(%run_scoped3A_289 : memref<!tpu.dma_semaphore, #tpu.memory_space<semaphore_mem>>)
      %dma_wait3A_294 = arith.constant 0 : i32
      %dma_wait3A_295 = tpu.memref_slice %arg11[%add3A_206, %dma_wait3A_294] : memref<10240x128xf32, #tpu.memory_space<vmem_shared>> -> memref<128x128xf32, #tpu.memory_space<vmem_shared>>
      %dma_wait3A_296 = arith.constant 0 : i32
      %dma_wait3A_297 = tpu.memref_slice %arg11[%add3A_206, %dma_wait3A_296] : memref<10240x128xf32, #tpu.memory_space<vmem_shared>> -> memref<128x128xf32, #tpu.memory_space<vmem_shared>>
      tpu.wait_dma2 semaphore(%run_scoped3A_289 : memref<!tpu.dma_semaphore, #tpu.memory_space<semaphore_mem>>) src(%dma_wait3A_297 : memref<128x128xf32, #tpu.memory_space<vmem_shared>>) dst(%arg10 : memref<128x128xf32, #tpu.memory_space<vmem>>)
      tpu.yield
    }) : () -> ()
    %mul3A_207 = arith.constant 640 : i32
    %mul3A_208 = arith.muli %arg1, %mul3A_207 : i32
    %add3A_209 = arith.constant 128 : i32
    %add3A_210 = arith.addi %mul3A_208, %add3A_209 : i32
    %dma_start3A_211 = arith.constant 0 : i32
    %dma_start3A_212 = tpu.memref_slice %arg6[%arg0, %add3A_210, %dma_start3A_211] : memref<2x10240x128xf32, #tpu.memory_space<hbm>> -> memref<1x128x128xf32, #tpu.memory_space<hbm>>
    %dma_start3A_213 = tpu.memref_squeeze %dma_start3A_212 : memref<1x128x128xf32, #tpu.memory_space<hbm>> -> memref<128x128xf32, #tpu.memory_space<hbm>>
    %dma_start3A_214 = arith.constant 0 : i32
    %dma_start3A_215 = tpu.memref_slice %arg6[%arg0, %add3A_210, %dma_start3A_214] : memref<2x10240x128xf32, #tpu.memory_space<hbm>> -> memref<1x128x128xf32, #tpu.memory_space<hbm>>
    %dma_start3A_216 = tpu.memref_squeeze %dma_start3A_215 : memref<1x128x128xf32, #tpu.memory_space<hbm>> -> memref<128x128xf32, #tpu.memory_space<hbm>>
    tpu.enqueue_dma source(%arg10 : memref<128x128xf32, #tpu.memory_space<vmem>>) target(%dma_start3A_216 : memref<128x128xf32, #tpu.memory_space<hbm>>) target_semaphore(%arg14 : memref<!tpu.dma_semaphore, #tpu.memory_space<semaphore_mem>>)
    %dma_wait3A_217 = arith.constant 0 : i32
    %dma_wait3A_218 = tpu.memref_slice %arg6[%arg0, %add3A_196, %dma_wait3A_217] : memref<2x10240x128xf32, #tpu.memory_space<hbm>> -> memref<1x128x128xf32, #tpu.memory_space<hbm>>
    %dma_wait3A_219 = tpu.memref_squeeze %dma_wait3A_218 : memref<1x128x128xf32, #tpu.memory_space<hbm>> -> memref<128x128xf32, #tpu.memory_space<hbm>>
    %dma_wait3A_220 = arith.constant 0 : i32
    %dma_wait3A_221 = tpu.memref_slice %arg6[%arg0, %add3A_196, %dma_wait3A_220] : memref<2x10240x128xf32, #tpu.memory_space<hbm>> -> memref<1x128x128xf32, #tpu.memory_space<hbm>>
    %dma_wait3A_222 = tpu.memref_squeeze %dma_wait3A_221 : memref<1x128x128xf32, #tpu.memory_space<hbm>> -> memref<128x128xf32, #tpu.memory_space<hbm>>
    tpu.wait_dma2 semaphore(%arg12 : memref<!tpu.dma_semaphore, #tpu.memory_space<semaphore_mem>>) src(%arg9 : memref<128x128xf32, #tpu.memory_space<vmem>>) dst(%dma_wait3A_222 : memref<128x128xf32, #tpu.memory_space<hbm>>)
    %mul3A_223 = arith.constant 640 : i32
    %mul3A_224 = arith.muli %arg1, %mul3A_223 : i32
    %add3A_225 = arith.constant 256 : i32
    %add3A_226 = arith.addi %mul3A_224, %add3A_225 : i32
    "tpu.region"() ({
      %run_scoped3A_289 = tpu.sem_alloc : memref<!tpu.dma_semaphore, #tpu.memory_space<semaphore_mem>>
      %dma_start3A_290 = arith.constant 0 : i32
      %dma_start3A_291 = tpu.memref_slice %arg11[%add3A_226, %dma_start3A_290] : memref<10240x128xf32, #tpu.memory_space<vmem_shared>> -> memref<128x128xf32, #tpu.memory_space<vmem_shared>>
      %dma_start3A_292 = arith.constant 0 : i32
      %dma_start3A_293 = tpu.memref_slice %arg11[%add3A_226, %dma_start3A_292] : memref<10240x128xf32, #tpu.memory_space<vmem_shared>> -> memref<128x128xf32, #tpu.memory_space<vmem_shared>>
      tpu.enqueue_dma source(%dma_start3A_293 : memref<128x128xf32, #tpu.memory_space<vmem_shared>>) target(%arg9 : memref<128x128xf32, #tpu.memory_space<vmem>>) target_semaphore(%run_scoped3A_289 : memref<!tpu.dma_semaphore, #tpu.memory_space<semaphore_mem>>)
      %dma_wait3A_294 = arith.constant 0 : i32
      %dma_wait3A_295 = tpu.memref_slice %arg11[%add3A_226, %dma_wait3A_294] : memref<10240x128xf32, #tpu.memory_space<vmem_shared>> -> memref<128x128xf32, #tpu.memory_space<vmem_shared>>
      %dma_wait3A_296 = arith.constant 0 : i32
      %dma_wait3A_297 = tpu.memref_slice %arg11[%add3A_226, %dma_wait3A_296] : memref<10240x128xf32, #tpu.memory_space<vmem_shared>> -> memref<128x128xf32, #tpu.memory_space<vmem_shared>>
      tpu.wait_dma2 semaphore(%run_scoped3A_289 : memref<!tpu.dma_semaphore, #tpu.memory_space<semaphore_mem>>) src(%dma_wait3A_297 : memref<128x128xf32, #tpu.memory_space<vmem_shared>>) dst(%arg9 : memref<128x128xf32, #tpu.memory_space<vmem>>)
      tpu.yield
    }) : () -> ()
    %mul3A_227 = arith.constant 640 : i32
    %mul3A_228 = arith.muli %arg1, %mul3A_227 : i32
    %add3A_229 = arith.constant 256 : i32
    %add3A_230 = arith.addi %mul3A_228, %add3A_229 : i32
    %dma_start3A_231 = arith.constant 0 : i32
    %dma_start3A_232 = tpu.memref_slice %arg6[%arg0, %add3A_230, %dma_start3A_231] : memref<2x10240x128xf32, #tpu.memory_space<hbm>> -> memref<1x128x128xf32, #tpu.memory_space<hbm>>
    %dma_start3A_233 = tpu.memref_squeeze %dma_start3A_232 : memref<1x128x128xf32, #tpu.memory_space<hbm>> -> memref<128x128xf32, #tpu.memory_space<hbm>>
    %dma_start3A_234 = arith.constant 0 : i32
    %dma_start3A_235 = tpu.memref_slice %arg6[%arg0, %add3A_230, %dma_start3A_234] : memref<2x10240x128xf32, #tpu.memory_space<hbm>> -> memref<1x128x128xf32, #tpu.memory_space<hbm>>
    %dma_start3A_236 = tpu.memref_squeeze %dma_start3A_235 : memref<1x128x128xf32, #tpu.memory_space<hbm>> -> memref<128x128xf32, #tpu.memory_space<hbm>>
    tpu.enqueue_dma source(%arg9 : memref<128x128xf32, #tpu.memory_space<vmem>>) target(%dma_start3A_236 : memref<128x128xf32, #tpu.memory_space<hbm>>) target_semaphore(%arg12 : memref<!tpu.dma_semaphore, #tpu.memory_space<semaphore_mem>>)
    %dma_wait3A_237 = arith.constant 0 : i32
    %dma_wait3A_238 = tpu.memref_slice %arg6[%arg0, %add3A_210, %dma_wait3A_237] : memref<2x10240x128xf32, #tpu.memory_space<hbm>> -> memref<1x128x128xf32, #tpu.memory_space<hbm>>
    %dma_wait3A_239 = tpu.memref_squeeze %dma_wait3A_238 : memref<1x128x128xf32, #tpu.memory_space<hbm>> -> memref<128x128xf32, #tpu.memory_space<hbm>>
    %dma_wait3A_240 = arith.constant 0 : i32
    %dma_wait3A_241 = tpu.memref_slice %arg6[%arg0, %add3A_210, %dma_wait3A_240] : memref<2x10240x128xf32, #tpu.memory_space<hbm>> -> memref<1x128x128xf32, #tpu.memory_space<hbm>>
    %dma_wait3A_242 = tpu.memref_squeeze %dma_wait3A_241 : memref<1x128x128xf32, #tpu.memory_space<hbm>> -> memref<128x128xf32, #tpu.memory_space<hbm>>
    tpu.wait_dma2 semaphore(%arg14 : memref<!tpu.dma_semaphore, #tpu.memory_space<semaphore_mem>>) src(%arg10 : memref<128x128xf32, #tpu.memory_space<vmem>>) dst(%dma_wait3A_242 : memref<128x128xf32, #tpu.memory_space<hbm>>)
    %mul3A_243 = arith.constant 640 : i32
    %mul3A_244 = arith.muli %arg1, %mul3A_243 : i32
    %add3A_245 = arith.constant 384 : i32
    %add3A_246 = arith.addi %mul3A_244, %add3A_245 : i32
    "tpu.region"() ({
      %run_scoped3A_289 = tpu.sem_alloc : memref<!tpu.dma_semaphore, #tpu.memory_space<semaphore_mem>>
      %dma_start3A_290 = arith.constant 0 : i32
      %dma_start3A_291 = tpu.memref_slice %arg11[%add3A_246, %dma_start3A_290] : memref<10240x128xf32, #tpu.memory_space<vmem_shared>> -> memref<128x128xf32, #tpu.memory_space<vmem_shared>>
      %dma_start3A_292 = arith.constant 0 : i32
      %dma_start3A_293 = tpu.memref_slice %arg11[%add3A_246, %dma_start3A_292] : memref<10240x128xf32, #tpu.memory_space<vmem_shared>> -> memref<128x128xf32, #tpu.memory_space<vmem_shared>>
      tpu.enqueue_dma source(%dma_start3A_293 : memref<128x128xf32, #tpu.memory_space<vmem_shared>>) target(%arg10 : memref<128x128xf32, #tpu.memory_space<vmem>>) target_semaphore(%run_scoped3A_289 : memref<!tpu.dma_semaphore, #tpu.memory_space<semaphore_mem>>)
      %dma_wait3A_294 = arith.constant 0 : i32
      %dma_wait3A_295 = tpu.memref_slice %arg11[%add3A_246, %dma_wait3A_294] : memref<10240x128xf32, #tpu.memory_space<vmem_shared>> -> memref<128x128xf32, #tpu.memory_space<vmem_shared>>
      %dma_wait3A_296 = arith.constant 0 : i32
      %dma_wait3A_297 = tpu.memref_slice %arg11[%add3A_246, %dma_wait3A_296] : memref<10240x128xf32, #tpu.memory_space<vmem_shared>> -> memref<128x128xf32, #tpu.memory_space<vmem_shared>>
      tpu.wait_dma2 semaphore(%run_scoped3A_289 : memref<!tpu.dma_semaphore, #tpu.memory_space<semaphore_mem>>) src(%dma_wait3A_297 : memref<128x128xf32, #tpu.memory_space<vmem_shared>>) dst(%arg10 : memref<128x128xf32, #tpu.memory_space<vmem>>)
      tpu.yield
    }) : () -> ()
    %mul3A_247 = arith.constant 640 : i32
    %mul3A_248 = arith.muli %arg1, %mul3A_247 : i32
    %add3A_249 = arith.constant 384 : i32
    %add3A_250 = arith.addi %mul3A_248, %add3A_249 : i32
    %dma_start3A_251 = arith.constant 0 : i32
    %dma_start3A_252 = tpu.memref_slice %arg6[%arg0, %add3A_250, %dma_start3A_251] : memref<2x10240x128xf32, #tpu.memory_space<hbm>> -> memref<1x128x128xf32, #tpu.memory_space<hbm>>
    %dma_start3A_253 = tpu.memref_squeeze %dma_start3A_252 : memref<1x128x128xf32, #tpu.memory_space<hbm>> -> memref<128x128xf32, #tpu.memory_space<hbm>>
    %dma_start3A_254 = arith.constant 0 : i32
    %dma_start3A_255 = tpu.memref_slice %arg6[%arg0, %add3A_250, %dma_start3A_254] : memref<2x10240x128xf32, #tpu.memory_space<hbm>> -> memref<1x128x128xf32, #tpu.memory_space<hbm>>
    %dma_start3A_256 = tpu.memref_squeeze %dma_start3A_255 : memref<1x128x128xf32, #tpu.memory_space<hbm>> -> memref<128x128xf32, #tpu.memory_space<hbm>>
    tpu.enqueue_dma source(%arg10 : memref<128x128xf32, #tpu.memory_space<vmem>>) target(%dma_start3A_256 : memref<128x128xf32, #tpu.memory_space<hbm>>) target_semaphore(%arg14 : memref<!tpu.dma_semaphore, #tpu.memory_space<semaphore_mem>>)
    %dma_wait3A_257 = arith.constant 0 : i32
    %dma_wait3A_258 = tpu.memref_slice %arg6[%arg0, %add3A_230, %dma_wait3A_257] : memref<2x10240x128xf32, #tpu.memory_space<hbm>> -> memref<1x128x128xf32, #tpu.memory_space<hbm>>
    %dma_wait3A_259 = tpu.memref_squeeze %dma_wait3A_258 : memref<1x128x128xf32, #tpu.memory_space<hbm>> -> memref<128x128xf32, #tpu.memory_space<hbm>>
    %dma_wait3A_260 = arith.constant 0 : i32
    %dma_wait3A_261 = tpu.memref_slice %arg6[%arg0, %add3A_230, %dma_wait3A_260] : memref<2x10240x128xf32, #tpu.memory_space<hbm>> -> memref<1x128x128xf32, #tpu.memory_space<hbm>>
    %dma_wait3A_262 = tpu.memref_squeeze %dma_wait3A_261 : memref<1x128x128xf32, #tpu.memory_space<hbm>> -> memref<128x128xf32, #tpu.memory_space<hbm>>
    tpu.wait_dma2 semaphore(%arg12 : memref<!tpu.dma_semaphore, #tpu.memory_space<semaphore_mem>>) src(%arg9 : memref<128x128xf32, #tpu.memory_space<vmem>>) dst(%dma_wait3A_262 : memref<128x128xf32, #tpu.memory_space<hbm>>)
    %mul3A_263 = arith.constant 640 : i32
    %mul3A_264 = arith.muli %arg1, %mul3A_263 : i32
    %add3A_265 = arith.constant 512 : i32
    %add3A_266 = arith.addi %mul3A_264, %add3A_265 : i32
    "tpu.region"() ({
      %run_scoped3A_289 = tpu.sem_alloc : memref<!tpu.dma_semaphore, #tpu.memory_space<semaphore_mem>>
      %dma_start3A_290 = arith.constant 0 : i32
      %dma_start3A_291 = tpu.memref_slice %arg11[%add3A_266, %dma_start3A_290] : memref<10240x128xf32, #tpu.memory_space<vmem_shared>> -> memref<128x128xf32, #tpu.memory_space<vmem_shared>>
      %dma_start3A_292 = arith.constant 0 : i32
      %dma_start3A_293 = tpu.memref_slice %arg11[%add3A_266, %dma_start3A_292] : memref<10240x128xf32, #tpu.memory_space<vmem_shared>> -> memref<128x128xf32, #tpu.memory_space<vmem_shared>>
      tpu.enqueue_dma source(%dma_start3A_293 : memref<128x128xf32, #tpu.memory_space<vmem_shared>>) target(%arg9 : memref<128x128xf32, #tpu.memory_space<vmem>>) target_semaphore(%run_scoped3A_289 : memref<!tpu.dma_semaphore, #tpu.memory_space<semaphore_mem>>)
      %dma_wait3A_294 = arith.constant 0 : i32
      %dma_wait3A_295 = tpu.memref_slice %arg11[%add3A_266, %dma_wait3A_294] : memref<10240x128xf32, #tpu.memory_space<vmem_shared>> -> memref<128x128xf32, #tpu.memory_space<vmem_shared>>
      %dma_wait3A_296 = arith.constant 0 : i32
      %dma_wait3A_297 = tpu.memref_slice %arg11[%add3A_266, %dma_wait3A_296] : memref<10240x128xf32, #tpu.memory_space<vmem_shared>> -> memref<128x128xf32, #tpu.memory_space<vmem_shared>>
      tpu.wait_dma2 semaphore(%run_scoped3A_289 : memref<!tpu.dma_semaphore, #tpu.memory_space<semaphore_mem>>) src(%dma_wait3A_297 : memref<128x128xf32, #tpu.memory_space<vmem_shared>>) dst(%arg9 : memref<128x128xf32, #tpu.memory_space<vmem>>)
      tpu.yield
    }) : () -> ()
    %mul3A_267 = arith.constant 640 : i32
    %mul3A_268 = arith.muli %arg1, %mul3A_267 : i32
    %add3A_269 = arith.constant 512 : i32
    %add3A_270 = arith.addi %mul3A_268, %add3A_269 : i32
    %dma_start3A_271 = arith.constant 0 : i32
    %dma_start3A_272 = tpu.memref_slice %arg6[%arg0, %add3A_270, %dma_start3A_271] : memref<2x10240x128xf32, #tpu.memory_space<hbm>> -> memref<1x128x128xf32, #tpu.memory_space<hbm>>
    %dma_start3A_273 = tpu.memref_squeeze %dma_start3A_272 : memref<1x128x128xf32, #tpu.memory_space<hbm>> -> memref<128x128xf32, #tpu.memory_space<hbm>>
    %dma_start3A_274 = arith.constant 0 : i32
    %dma_start3A_275 = tpu.memref_slice %arg6[%arg0, %add3A_270, %dma_start3A_274] : memref<2x10240x128xf32, #tpu.memory_space<hbm>> -> memref<1x128x128xf32, #tpu.memory_space<hbm>>
    %dma_start3A_276 = tpu.memref_squeeze %dma_start3A_275 : memref<1x128x128xf32, #tpu.memory_space<hbm>> -> memref<128x128xf32, #tpu.memory_space<hbm>>
    tpu.enqueue_dma source(%arg9 : memref<128x128xf32, #tpu.memory_space<vmem>>) target(%dma_start3A_276 : memref<128x128xf32, #tpu.memory_space<hbm>>) target_semaphore(%arg12 : memref<!tpu.dma_semaphore, #tpu.memory_space<semaphore_mem>>)
    %dma_wait3A_277 = arith.constant 0 : i32
    %dma_wait3A_278 = tpu.memref_slice %arg6[%arg0, %add3A_250, %dma_wait3A_277] : memref<2x10240x128xf32, #tpu.memory_space<hbm>> -> memref<1x128x128xf32, #tpu.memory_space<hbm>>
    %dma_wait3A_279 = tpu.memref_squeeze %dma_wait3A_278 : memref<1x128x128xf32, #tpu.memory_space<hbm>> -> memref<128x128xf32, #tpu.memory_space<hbm>>
    %dma_wait3A_280 = arith.constant 0 : i32
    %dma_wait3A_281 = tpu.memref_slice %arg6[%arg0, %add3A_250, %dma_wait3A_280] : memref<2x10240x128xf32, #tpu.memory_space<hbm>> -> memref<1x128x128xf32, #tpu.memory_space<hbm>>
    %dma_wait3A_282 = tpu.memref_squeeze %dma_wait3A_281 : memref<1x128x128xf32, #tpu.memory_space<hbm>> -> memref<128x128xf32, #tpu.memory_space<hbm>>
    tpu.wait_dma2 semaphore(%arg14 : memref<!tpu.dma_semaphore, #tpu.memory_space<semaphore_mem>>) src(%arg10 : memref<128x128xf32, #tpu.memory_space<vmem>>) dst(%dma_wait3A_282 : memref<128x128xf32, #tpu.memory_space<hbm>>)
    %dma_wait3A_283 = arith.constant 0 : i32
    %dma_wait3A_284 = tpu.memref_slice %arg6[%arg0, %add3A_270, %dma_wait3A_283] : memref<2x10240x128xf32, #tpu.memory_space<hbm>> -> memref<1x128x128xf32, #tpu.memory_space<hbm>>
    %dma_wait3A_285 = tpu.memref_squeeze %dma_wait3A_284 : memref<1x128x128xf32, #tpu.memory_space<hbm>> -> memref<128x128xf32, #tpu.memory_space<hbm>>
    %dma_wait3A_286 = arith.constant 0 : i32
    %dma_wait3A_287 = tpu.memref_slice %arg6[%arg0, %add3A_270, %dma_wait3A_286] : memref<2x10240x128xf32, #tpu.memory_space<hbm>> -> memref<1x128x128xf32, #tpu.memory_space<hbm>>
    %dma_wait3A_288 = tpu.memref_squeeze %dma_wait3A_287 : memref<1x128x128xf32, #tpu.memory_space<hbm>> -> memref<128x128xf32, #tpu.memory_space<hbm>>
    tpu.wait_dma2 semaphore(%arg12 : memref<!tpu.dma_semaphore, #tpu.memory_space<semaphore_mem>>) src(%arg9 : memref<128x128xf32, #tpu.memory_space<vmem>>) dst(%dma_wait3A_288 : memref<128x128xf32, #tpu.memory_space<hbm>>)
    return
  }
}

#map = affine_map<(d0, d1) -> (0, 0)>
#map1 = affine_map<(d0, d1) -> (0, 0, 0)>
module attributes {stable_mosaic.version = 14 : i64} {
  func.func @k(%arg0: i32, %arg1: i32, %arg2: memref<10000x128xf32, #tpu.memory_space<hbm>>, %arg3: memref<32x79x128xi32, #tpu.memory_space<hbm>>, %arg4: memref<32x79x128xi32, #tpu.memory_space<hbm>>, %arg5: memref<128x128xf32, #tpu.memory_space<hbm>>, %arg6: memref<2x10240x128xf32, #tpu.memory_space<hbm>>, %arg7: memref<79x128xi32, #tpu.memory_space<vmem>>, %arg8: memref<40x128xi32, #tpu.memory_space<vmem>>, %arg9: memref<128x128xf32, #tpu.memory_space<vmem>>, %arg10: memref<128x128xf32, #tpu.memory_space<vmem>>, %arg11: memref<10240x128xf32, #tpu.memory_space<vmem_shared>>, %arg12: memref<!tpu.dma_semaphore, #tpu.memory_space<semaphore_mem>>, %arg13: memref<!tpu.dma_semaphore, #tpu.memory_space<semaphore_mem>>, %arg14: memref<!tpu.dma_semaphore, #tpu.memory_space<semaphore_mem>>) attributes {dimension_semantics = [#tpu.dimension_semantics<core_parallel>, #tpu.dimension_semantics<subcore_parallel>], iteration_bounds = array<i64: 2, 16>, scalar_prefetch = 0 : i64, scratch_operands = 8 : i64, tpu.core_type = #tpu.core_type<sc_vector_subcore>, window_params = [{transform_indices = #map}, {transform_indices = #map1}, {transform_indices = #map1}, {transform_indices = #map}, {transform_indices = #map1}]} {
    %mul3A = arith.constant 2 : i32
    %mul3A_0 = arith.muli %arg1, %mul3A : i32
    %add3A = arith.addi %mul3A_0, %arg0 : i32
    %dma_start3A = arith.constant 0 : i32
    %dma_start3A_1 = arith.constant 0 : i32
    %dma_start3A_2 = tpu.memref_slice %arg3[%add3A, %dma_start3A, %dma_start3A_1] : memref<32x79x128xi32, #tpu.memory_space<hbm>> -> memref<1x79x128xi32, #tpu.memory_space<hbm>>
    %dma_start3A_3 = tpu.memref_squeeze %dma_start3A_2 : memref<1x79x128xi32, #tpu.memory_space<hbm>> -> memref<79x128xi32, #tpu.memory_space<hbm>>
    %dma_start3A_4 = arith.constant 0 : i32
    %dma_start3A_5 = arith.constant 0 : i32
    %dma_start3A_6 = tpu.memref_slice %arg3[%add3A, %dma_start3A_4, %dma_start3A_5] : memref<32x79x128xi32, #tpu.memory_space<hbm>> -> memref<1x79x128xi32, #tpu.memory_space<hbm>>
    %dma_start3A_7 = tpu.memref_squeeze %dma_start3A_6 : memref<1x79x128xi32, #tpu.memory_space<hbm>> -> memref<79x128xi32, #tpu.memory_space<hbm>>
    tpu.enqueue_dma source(%dma_start3A_7 : memref<79x128xi32, #tpu.memory_space<hbm>>) target(%arg7 : memref<79x128xi32, #tpu.memory_space<vmem>>) target_semaphore(%arg12 : memref<!tpu.dma_semaphore, #tpu.memory_space<semaphore_mem>>)
    %dma_start3A_8 = arith.constant 0 : i32
    %dma_start3A_9 = arith.constant 0 : i32
    %dma_start3A_10 = tpu.memref_slice %arg8[%dma_start3A_8, %dma_start3A_9] : memref<40x128xi32, #tpu.memory_space<vmem>> -> memref<40x128xi32, #tpu.memory_space<vmem>>
    %dma_start3A_11 = arith.constant 0 : i32
    %dma_start3A_12 = arith.constant 0 : i32
    %dma_start3A_13 = tpu.memref_slice %arg4[%add3A, %dma_start3A_11, %dma_start3A_12] : memref<32x79x128xi32, #tpu.memory_space<hbm>> -> memref<1x40x128xi32, #tpu.memory_space<hbm>>
    %dma_start3A_14 = tpu.memref_squeeze %dma_start3A_13 : memref<1x40x128xi32, #tpu.memory_space<hbm>> -> memref<40x128xi32, #tpu.memory_space<hbm>>
    %dma_start3A_15 = arith.constant 0 : i32
    %dma_start3A_16 = arith.constant 0 : i32
    %dma_start3A_17 = tpu.memref_slice %arg8[%dma_start3A_15, %dma_start3A_16] : memref<40x128xi32, #tpu.memory_space<vmem>> -> memref<40x128xi32, #tpu.memory_space<vmem>>
    %dma_start3A_18 = arith.constant 0 : i32
    %dma_start3A_19 = arith.constant 0 : i32
    %dma_start3A_20 = tpu.memref_slice %arg4[%add3A, %dma_start3A_18, %dma_start3A_19] : memref<32x79x128xi32, #tpu.memory_space<hbm>> -> memref<1x40x128xi32, #tpu.memory_space<hbm>>
    %dma_start3A_21 = tpu.memref_squeeze %dma_start3A_20 : memref<1x40x128xi32, #tpu.memory_space<hbm>> -> memref<40x128xi32, #tpu.memory_space<hbm>>
    tpu.enqueue_dma source(%dma_start3A_21 : memref<40x128xi32, #tpu.memory_space<hbm>>) target(%dma_start3A_17 : memref<40x128xi32, #tpu.memory_space<vmem>>) target_semaphore(%arg13 : memref<!tpu.dma_semaphore, #tpu.memory_space<semaphore_mem>>)
    "tpu.region"() ({
      %run_scoped3A_289 = tpu.sem_alloc : memref<!tpu.dma_semaphore, #tpu.memory_space<semaphore_mem>>
      tpu.enqueue_dma source(%arg5 : memref<128x128xf32, #tpu.memory_space<hbm>>) target(%arg10 : memref<128x128xf32, #tpu.memory_space<vmem>>) target_semaphore(%run_scoped3A_289 : memref<!tpu.dma_semaphore, #tpu.memory_space<semaphore_mem>>)
      tpu.wait_dma2 semaphore(%run_scoped3A_289 : memref<!tpu.dma_semaphore, #tpu.memory_space<semaphore_mem>>) src(%arg5 : memref<128x128xf32, #tpu.memory_space<hbm>>) dst(%arg10 : memref<128x128xf32, #tpu.memory_space<vmem>>)
      tpu.yield
    }) : () -> ()
    %mul3A_22 = arith.constant 640 : i32
    %mul3A_23 = arith.muli %arg1, %mul3A_22 : i32
    %add3A_24 = arith.constant 0 : i32
    %add3A_25 = arith.addi %mul3A_23, %add3A_24 : i32
    %dma_start3A_26 = arith.constant 0 : i32
    %dma_start3A_27 = tpu.memref_slice %arg11[%add3A_25, %dma_start3A_26] : memref<10240x128xf32, #tpu.memory_space<vmem_shared>> -> memref<128x128xf32, #tpu.memory_space<vmem_shared>>
    %dma_start3A_28 = arith.constant 0 : i32
    %dma_start3A_29 = tpu.memref_slice %arg11[%add3A_25, %dma_start3A_28] : memref<10240x128xf32, #tpu.memory_space<vmem_shared>> -> memref<128x128xf32, #tpu.memory_space<vmem_shared>>
    tpu.enqueue_dma source(%arg10 : memref<128x128xf32, #tpu.memory_space<vmem>>) target(%dma_start3A_29 : memref<128x128xf32, #tpu.memory_space<vmem_shared>>) target_semaphore(%arg14 : memref<!tpu.dma_semaphore, #tpu.memory_space<semaphore_mem>>)
    %mul3A_30 = arith.constant 640 : i32
    %mul3A_31 = arith.muli %arg1, %mul3A_30 : i32
    %add3A_32 = arith.constant 128 : i32
    %add3A_33 = arith.addi %mul3A_31, %add3A_32 : i32
    %dma_start3A_34 = arith.constant 0 : i32
    %dma_start3A_35 = tpu.memref_slice %arg11[%add3A_33, %dma_start3A_34] : memref<10240x128xf32, #tpu.memory_space<vmem_shared>> -> memref<128x128xf32, #tpu.memory_space<vmem_shared>>
    %dma_start3A_36 = arith.constant 0 : i32
    %dma_start3A_37 = tpu.memref_slice %arg11[%add3A_33, %dma_start3A_36] : memref<10240x128xf32, #tpu.memory_space<vmem_shared>> -> memref<128x128xf32, #tpu.memory_space<vmem_shared>>
    tpu.enqueue_dma source(%arg10 : memref<128x128xf32, #tpu.memory_space<vmem>>) target(%dma_start3A_37 : memref<128x128xf32, #tpu.memory_space<vmem_shared>>) target_semaphore(%arg14 : memref<!tpu.dma_semaphore, #tpu.memory_space<semaphore_mem>>)
    %mul3A_38 = arith.constant 640 : i32
    %mul3A_39 = arith.muli %arg1, %mul3A_38 : i32
    %add3A_40 = arith.constant 256 : i32
    %add3A_41 = arith.addi %mul3A_39, %add3A_40 : i32
    %dma_start3A_42 = arith.constant 0 : i32
    %dma_start3A_43 = tpu.memref_slice %arg11[%add3A_41, %dma_start3A_42] : memref<10240x128xf32, #tpu.memory_space<vmem_shared>> -> memref<128x128xf32, #tpu.memory_space<vmem_shared>>
    %dma_start3A_44 = arith.constant 0 : i32
    %dma_start3A_45 = tpu.memref_slice %arg11[%add3A_41, %dma_start3A_44] : memref<10240x128xf32, #tpu.memory_space<vmem_shared>> -> memref<128x128xf32, #tpu.memory_space<vmem_shared>>
    tpu.enqueue_dma source(%arg10 : memref<128x128xf32, #tpu.memory_space<vmem>>) target(%dma_start3A_45 : memref<128x128xf32, #tpu.memory_space<vmem_shared>>) target_semaphore(%arg14 : memref<!tpu.dma_semaphore, #tpu.memory_space<semaphore_mem>>)
    %mul3A_46 = arith.constant 640 : i32
    %mul3A_47 = arith.muli %arg1, %mul3A_46 : i32
    %add3A_48 = arith.constant 384 : i32
    %add3A_49 = arith.addi %mul3A_47, %add3A_48 : i32
    %dma_start3A_50 = arith.constant 0 : i32
    %dma_start3A_51 = tpu.memref_slice %arg11[%add3A_49, %dma_start3A_50] : memref<10240x128xf32, #tpu.memory_space<vmem_shared>> -> memref<128x128xf32, #tpu.memory_space<vmem_shared>>
    %dma_start3A_52 = arith.constant 0 : i32
    %dma_start3A_53 = tpu.memref_slice %arg11[%add3A_49, %dma_start3A_52] : memref<10240x128xf32, #tpu.memory_space<vmem_shared>> -> memref<128x128xf32, #tpu.memory_space<vmem_shared>>
    tpu.enqueue_dma source(%arg10 : memref<128x128xf32, #tpu.memory_space<vmem>>) target(%dma_start3A_53 : memref<128x128xf32, #tpu.memory_space<vmem_shared>>) target_semaphore(%arg14 : memref<!tpu.dma_semaphore, #tpu.memory_space<semaphore_mem>>)
    %mul3A_54 = arith.constant 640 : i32
    %mul3A_55 = arith.muli %arg1, %mul3A_54 : i32
    %add3A_56 = arith.constant 512 : i32
    %add3A_57 = arith.addi %mul3A_55, %add3A_56 : i32
    %dma_start3A_58 = arith.constant 0 : i32
    %dma_start3A_59 = tpu.memref_slice %arg11[%add3A_57, %dma_start3A_58] : memref<10240x128xf32, #tpu.memory_space<vmem_shared>> -> memref<128x128xf32, #tpu.memory_space<vmem_shared>>
    %dma_start3A_60 = arith.constant 0 : i32
    %dma_start3A_61 = tpu.memref_slice %arg11[%add3A_57, %dma_start3A_60] : memref<10240x128xf32, #tpu.memory_space<vmem_shared>> -> memref<128x128xf32, #tpu.memory_space<vmem_shared>>
    tpu.enqueue_dma source(%arg10 : memref<128x128xf32, #tpu.memory_space<vmem>>) target(%dma_start3A_61 : memref<128x128xf32, #tpu.memory_space<vmem_shared>>) target_semaphore(%arg14 : memref<!tpu.dma_semaphore, #tpu.memory_space<semaphore_mem>>)
    %dma_wait3A = arith.constant 0 : i32
    %dma_wait3A_62 = tpu.memref_slice %arg11[%add3A_25, %dma_wait3A] : memref<10240x128xf32, #tpu.memory_space<vmem_shared>> -> memref<128x128xf32, #tpu.memory_space<vmem_shared>>
    %dma_wait3A_63 = arith.constant 0 : i32
    %dma_wait3A_64 = tpu.memref_slice %arg11[%add3A_25, %dma_wait3A_63] : memref<10240x128xf32, #tpu.memory_space<vmem_shared>> -> memref<128x128xf32, #tpu.memory_space<vmem_shared>>
    tpu.wait_dma2 semaphore(%arg14 : memref<!tpu.dma_semaphore, #tpu.memory_space<semaphore_mem>>) src(%arg10 : memref<128x128xf32, #tpu.memory_space<vmem>>) dst(%dma_wait3A_64 : memref<128x128xf32, #tpu.memory_space<vmem_shared>>)
    %dma_wait3A_65 = arith.constant 0 : i32
    %dma_wait3A_66 = tpu.memref_slice %arg11[%add3A_33, %dma_wait3A_65] : memref<10240x128xf32, #tpu.memory_space<vmem_shared>> -> memref<128x128xf32, #tpu.memory_space<vmem_shared>>
    %dma_wait3A_67 = arith.constant 0 : i32
    %dma_wait3A_68 = tpu.memref_slice %arg11[%add3A_33, %dma_wait3A_67] : memref<10240x128xf32, #tpu.memory_space<vmem_shared>> -> memref<128x128xf32, #tpu.memory_space<vmem_shared>>
    tpu.wait_dma2 semaphore(%arg14 : memref<!tpu.dma_semaphore, #tpu.memory_space<semaphore_mem>>) src(%arg10 : memref<128x128xf32, #tpu.memory_space<vmem>>) dst(%dma_wait3A_68 : memref<128x128xf32, #tpu.memory_space<vmem_shared>>)
    %dma_wait3A_69 = arith.constant 0 : i32
    %dma_wait3A_70 = tpu.memref_slice %arg11[%add3A_41, %dma_wait3A_69] : memref<10240x128xf32, #tpu.memory_space<vmem_shared>> -> memref<128x128xf32, #tpu.memory_space<vmem_shared>>
    %dma_wait3A_71 = arith.constant 0 : i32
    %dma_wait3A_72 = tpu.memref_slice %arg11[%add3A_41, %dma_wait3A_71] : memref<10240x128xf32, #tpu.memory_space<vmem_shared>> -> memref<128x128xf32, #tpu.memory_space<vmem_shared>>
    tpu.wait_dma2 semaphore(%arg14 : memref<!tpu.dma_semaphore, #tpu.memory_space<semaphore_mem>>) src(%arg10 : memref<128x128xf32, #tpu.memory_space<vmem>>) dst(%dma_wait3A_72 : memref<128x128xf32, #tpu.memory_space<vmem_shared>>)
    %dma_wait3A_73 = arith.constant 0 : i32
    %dma_wait3A_74 = tpu.memref_slice %arg11[%add3A_49, %dma_wait3A_73] : memref<10240x128xf32, #tpu.memory_space<vmem_shared>> -> memref<128x128xf32, #tpu.memory_space<vmem_shared>>
    %dma_wait3A_75 = arith.constant 0 : i32
    %dma_wait3A_76 = tpu.memref_slice %arg11[%add3A_49, %dma_wait3A_75] : memref<10240x128xf32, #tpu.memory_space<vmem_shared>> -> memref<128x128xf32, #tpu.memory_space<vmem_shared>>
    tpu.wait_dma2 semaphore(%arg14 : memref<!tpu.dma_semaphore, #tpu.memory_space<semaphore_mem>>) src(%arg10 : memref<128x128xf32, #tpu.memory_space<vmem>>) dst(%dma_wait3A_76 : memref<128x128xf32, #tpu.memory_space<vmem_shared>>)
    %dma_wait3A_77 = arith.constant 0 : i32
    %dma_wait3A_78 = tpu.memref_slice %arg11[%add3A_57, %dma_wait3A_77] : memref<10240x128xf32, #tpu.memory_space<vmem_shared>> -> memref<128x128xf32, #tpu.memory_space<vmem_shared>>
    %dma_wait3A_79 = arith.constant 0 : i32
    %dma_wait3A_80 = tpu.memref_slice %arg11[%add3A_57, %dma_wait3A_79] : memref<10240x128xf32, #tpu.memory_space<vmem_shared>> -> memref<128x128xf32, #tpu.memory_space<vmem_shared>>
    tpu.wait_dma2 semaphore(%arg14 : memref<!tpu.dma_semaphore, #tpu.memory_space<semaphore_mem>>) src(%arg10 : memref<128x128xf32, #tpu.memory_space<vmem>>) dst(%dma_wait3A_80 : memref<128x128xf32, #tpu.memory_space<vmem_shared>>)
    %dma_wait3A_81 = arith.constant 0 : i32
    %dma_wait3A_82 = arith.constant 0 : i32
    %dma_wait3A_83 = tpu.memref_slice %arg3[%add3A, %dma_wait3A_81, %dma_wait3A_82] : memref<32x79x128xi32, #tpu.memory_space<hbm>> -> memref<1x79x128xi32, #tpu.memory_space<hbm>>
    %dma_wait3A_84 = tpu.memref_squeeze %dma_wait3A_83 : memref<1x79x128xi32, #tpu.memory_space<hbm>> -> memref<79x128xi32, #tpu.memory_space<hbm>>
    %dma_wait3A_85 = arith.constant 0 : i32
    %dma_wait3A_86 = arith.constant 0 : i32
    %dma_wait3A_87 = tpu.memref_slice %arg3[%add3A, %dma_wait3A_85, %dma_wait3A_86] : memref<32x79x128xi32, #tpu.memory_space<hbm>> -> memref<1x79x128xi32, #tpu.memory_space<hbm>>
    %dma_wait3A_88 = tpu.memref_squeeze %dma_wait3A_87 : memref<1x79x128xi32, #tpu.memory_space<hbm>> -> memref<79x128xi32, #tpu.memory_space<hbm>>
    tpu.wait_dma2 semaphore(%arg12 : memref<!tpu.dma_semaphore, #tpu.memory_space<semaphore_mem>>) src(%dma_wait3A_88 : memref<79x128xi32, #tpu.memory_space<hbm>>) dst(%arg7 : memref<79x128xi32, #tpu.memory_space<vmem>>)
    %dma_wait3A_89 = arith.constant 0 : i32
    %dma_wait3A_90 = arith.constant 0 : i32
    %dma_wait3A_91 = tpu.memref_slice %arg8[%dma_wait3A_89, %dma_wait3A_90] : memref<40x128xi32, #tpu.memory_space<vmem>> -> memref<40x128xi32, #tpu.memory_space<vmem>>
    %dma_wait3A_92 = arith.constant 0 : i32
    %dma_wait3A_93 = arith.constant 0 : i32
    %dma_wait3A_94 = tpu.memref_slice %arg4[%add3A, %dma_wait3A_92, %dma_wait3A_93] : memref<32x79x128xi32, #tpu.memory_space<hbm>> -> memref<1x40x128xi32, #tpu.memory_space<hbm>>
    %dma_wait3A_95 = tpu.memref_squeeze %dma_wait3A_94 : memref<1x40x128xi32, #tpu.memory_space<hbm>> -> memref<40x128xi32, #tpu.memory_space<hbm>>
    %dma_wait3A_96 = arith.constant 0 : i32
    %dma_wait3A_97 = arith.constant 0 : i32
    %dma_wait3A_98 = tpu.memref_slice %arg8[%dma_wait3A_96, %dma_wait3A_97] : memref<40x128xi32, #tpu.memory_space<vmem>> -> memref<40x128xi32, #tpu.memory_space<vmem>>
    %dma_wait3A_99 = arith.constant 0 : i32
    %dma_wait3A_100 = arith.constant 0 : i32
    %dma_wait3A_101 = tpu.memref_slice %arg4[%add3A, %dma_wait3A_99, %dma_wait3A_100] : memref<32x79x128xi32, #tpu.memory_space<hbm>> -> memref<1x40x128xi32, #tpu.memory_space<hbm>>
    %dma_wait3A_102 = tpu.memref_squeeze %dma_wait3A_101 : memref<1x40x128xi32, #tpu.memory_space<hbm>> -> memref<40x128xi32, #tpu.memory_space<hbm>>
    tpu.wait_dma2 semaphore(%arg13 : memref<!tpu.dma_semaphore, #tpu.memory_space<semaphore_mem>>) src(%dma_wait3A_102 : memref<40x128xi32, #tpu.memory_space<hbm>>) dst(%dma_wait3A_98 : memref<40x128xi32, #tpu.memory_space<vmem>>)
    %barrier3A = arith.constant 0 : index
    tpu.barrier barrier_id(%barrier3A)
    %dma_start3A_103 = arith.constant 0 : i32
    %dma_start3A_104 = arith.constant 0 : i32
    %dma_start3A_105 = tpu.memref_slice %arg7[%dma_start3A_103, %dma_start3A_104] : memref<79x128xi32, #tpu.memory_space<vmem>> -> memref<1x128xi32, #tpu.memory_space<vmem>>
    %dma_start3A_106 = tpu.memref_squeeze %dma_start3A_105 : memref<1x128xi32, #tpu.memory_space<vmem>> -> memref<128xi32, #tpu.memory_space<vmem>>
    %dma_start3A_107 = arith.constant 0 : i32
    %dma_start3A_108 = arith.constant 0 : i32
    %dma_start3A_109 = tpu.memref_slice %arg2[%dma_start3A_107, %dma_start3A_108] : memref<10000x128xf32, #tpu.memory_space<hbm>> -> memref<10000x128xf32, #tpu.memory_space<hbm>>
    tpu.enqueue_indirect_dma source(%dma_start3A_109 : memref<10000x128xf32, #tpu.memory_space<hbm>>) target(%arg9 : memref<128x128xf32, #tpu.memory_space<vmem>>) offsets(%dma_start3A_106 : memref<128xi32, #tpu.memory_space<vmem>>) semaphore(%arg12 : memref<!tpu.dma_semaphore, #tpu.memory_space<semaphore_mem>>)
    %dma_start3A_110 = arith.constant 1 : i32
    %dma_start3A_111 = arith.constant 0 : i32
    %dma_start3A_112 = tpu.memref_slice %arg7[%dma_start3A_110, %dma_start3A_111] : memref<79x128xi32, #tpu.memory_space<vmem>> -> memref<1x128xi32, #tpu.memory_space<vmem>>
    %dma_start3A_113 = tpu.memref_squeeze %dma_start3A_112 : memref<1x128xi32, #tpu.memory_space<vmem>> -> memref<128xi32, #tpu.memory_space<vmem>>
    %dma_start3A_114 = arith.constant 0 : i32
    %dma_start3A_115 = arith.constant 0 : i32
    %dma_start3A_116 = tpu.memref_slice %arg2[%dma_start3A_114, %dma_start3A_115] : memref<10000x128xf32, #tpu.memory_space<hbm>> -> memref<10000x128xf32, #tpu.memory_space<hbm>>
    tpu.enqueue_indirect_dma source(%dma_start3A_116 : memref<10000x128xf32, #tpu.memory_space<hbm>>) target(%arg10 : memref<128x128xf32, #tpu.memory_space<vmem>>) offsets(%dma_start3A_113 : memref<128xi32, #tpu.memory_space<vmem>>) semaphore(%arg14 : memref<!tpu.dma_semaphore, #tpu.memory_space<semaphore_mem>>)
    %scan3A = arith.constant 0 : i32
    %scan3A_117 = arith.constant 0 : i32
    %scan3A_118 = arith.constant 19 : i32
    %scan3A_119 = arith.addi %scan3A_117, %scan3A_118 : i32
    %scan3A_120 = arith.constant 1 : i32
    scf.for %scan3A_289 = %scan3A_117 to %scan3A_119 step %scan3A_120  : i32 {
      %mul3A_290 = arith.constant 2 : i32
      %mul3A_291 = arith.muli %mul3A_290, %scan3A_289 : i32
      %dma_wait3A_292 = arith.constant 0 : i32
      %dma_wait3A_293 = tpu.memref_slice %arg7[%mul3A_291, %dma_wait3A_292] : memref<79x128xi32, #tpu.memory_space<vmem>> -> memref<1x128xi32, #tpu.memory_space<vmem>>
      %dma_wait3A_294 = tpu.memref_squeeze %dma_wait3A_293 : memref<1x128xi32, #tpu.memory_space<vmem>> -> memref<128xi32, #tpu.memory_space<vmem>>
      %dma_wait3A_295 = arith.constant 0 : i32
      %dma_wait3A_296 = arith.constant 0 : i32
      %dma_wait3A_297 = tpu.memref_slice %arg2[%dma_wait3A_295, %dma_wait3A_296] : memref<10000x128xf32, #tpu.memory_space<hbm>> -> memref<10000x128xf32, #tpu.memory_space<hbm>>
      tpu.wait_indirect_dma semaphore(%arg12 : memref<!tpu.dma_semaphore, #tpu.memory_space<semaphore_mem>>) src(%dma_wait3A_297 : memref<10000x128xf32, #tpu.memory_space<hbm>>) dst(%arg9 : memref<128x128xf32, #tpu.memory_space<vmem>>)
      "tpu.region"() ({
        %run_scoped3A_324 = tpu.sem_alloc : memref<!tpu.dma_semaphore, #tpu.memory_space<semaphore_mem>>
        %dma_start3A_325 = arith.constant 0 : i32
        %dma_start3A_326 = tpu.memref_slice %arg8[%mul3A_291, %dma_start3A_325] : memref<40x128xi32, #tpu.memory_space<vmem>> -> memref<1x128xi32, #tpu.memory_space<vmem>>
        %dma_start3A_327 = tpu.memref_squeeze %dma_start3A_326 : memref<1x128xi32, #tpu.memory_space<vmem>> -> memref<128xi32, #tpu.memory_space<vmem>>
        %dma_start3A_328 = arith.constant 0 : i32
        %dma_start3A_329 = arith.constant 0 : i32
        %dma_start3A_330 = tpu.memref_slice %arg11[%dma_start3A_328, %dma_start3A_329] : memref<10240x128xf32, #tpu.memory_space<vmem_shared>> -> memref<10240x128xf32, #tpu.memory_space<vmem_shared>>
        tpu.enqueue_indirect_dma source(%arg9 : memref<128x128xf32, #tpu.memory_space<vmem>>) target(%dma_start3A_330 : memref<10240x128xf32, #tpu.memory_space<vmem_shared>>) offsets(%dma_start3A_327 : memref<128xi32, #tpu.memory_space<vmem>>) semaphore(%run_scoped3A_324 : memref<!tpu.dma_semaphore, #tpu.memory_space<semaphore_mem>>) {add = true}
        %dma_wait3A_331 = arith.constant 0 : i32
        %dma_wait3A_332 = tpu.memref_slice %arg8[%mul3A_291, %dma_wait3A_331] : memref<40x128xi32, #tpu.memory_space<vmem>> -> memref<1x128xi32, #tpu.memory_space<vmem>>
        %dma_wait3A_333 = tpu.memref_squeeze %dma_wait3A_332 : memref<1x128xi32, #tpu.memory_space<vmem>> -> memref<128xi32, #tpu.memory_space<vmem>>
        %dma_wait3A_334 = arith.constant 0 : i32
        %dma_wait3A_335 = arith.constant 0 : i32
        %dma_wait3A_336 = tpu.memref_slice %arg11[%dma_wait3A_334, %dma_wait3A_335] : memref<10240x128xf32, #tpu.memory_space<vmem_shared>> -> memref<10240x128xf32, #tpu.memory_space<vmem_shared>>
        tpu.wait_indirect_dma semaphore(%run_scoped3A_324 : memref<!tpu.dma_semaphore, #tpu.memory_space<semaphore_mem>>) src(%arg9 : memref<128x128xf32, #tpu.memory_space<vmem>>) dst(%dma_wait3A_336 : memref<10240x128xf32, #tpu.memory_space<vmem_shared>>)
        tpu.yield
      }) : () -> ()
      %add3A_298 = arith.constant 2 : i32
      %add3A_299 = arith.addi %mul3A_291, %add3A_298 : i32
      %dma_start3A_300 = arith.constant 0 : i32
      %dma_start3A_301 = tpu.memref_slice %arg7[%add3A_299, %dma_start3A_300] : memref<79x128xi32, #tpu.memory_space<vmem>> -> memref<1x128xi32, #tpu.memory_space<vmem>>
      %dma_start3A_302 = tpu.memref_squeeze %dma_start3A_301 : memref<1x128xi32, #tpu.memory_space<vmem>> -> memref<128xi32, #tpu.memory_space<vmem>>
      %dma_start3A_303 = arith.constant 0 : i32
      %dma_start3A_304 = arith.constant 0 : i32
      %dma_start3A_305 = tpu.memref_slice %arg2[%dma_start3A_303, %dma_start3A_304] : memref<10000x128xf32, #tpu.memory_space<hbm>> -> memref<10000x128xf32, #tpu.memory_space<hbm>>
      tpu.enqueue_indirect_dma source(%dma_start3A_305 : memref<10000x128xf32, #tpu.memory_space<hbm>>) target(%arg9 : memref<128x128xf32, #tpu.memory_space<vmem>>) offsets(%dma_start3A_302 : memref<128xi32, #tpu.memory_space<vmem>>) semaphore(%arg12 : memref<!tpu.dma_semaphore, #tpu.memory_space<semaphore_mem>>)
      %add3A_306 = arith.constant 1 : i32
      %add3A_307 = arith.addi %mul3A_291, %add3A_306 : i32
      %dma_wait3A_308 = arith.constant 0 : i32
      %dma_wait3A_309 = tpu.memref_slice %arg7[%add3A_307, %dma_wait3A_308] : memref<79x128xi32, #tpu.memory_space<vmem>> -> memref<1x128xi32, #tpu.memory_space<vmem>>
      %dma_wait3A_310 = tpu.memref_squeeze %dma_wait3A_309 : memref<1x128xi32, #tpu.memory_space<vmem>> -> memref<128xi32, #tpu.memory_space<vmem>>
      %dma_wait3A_311 = arith.constant 0 : i32
      %dma_wait3A_312 = arith.constant 0 : i32
      %dma_wait3A_313 = tpu.memref_slice %arg2[%dma_wait3A_311, %dma_wait3A_312] : memref<10000x128xf32, #tpu.memory_space<hbm>> -> memref<10000x128xf32, #tpu.memory_space<hbm>>
      tpu.wait_indirect_dma semaphore(%arg14 : memref<!tpu.dma_semaphore, #tpu.memory_space<semaphore_mem>>) src(%dma_wait3A_313 : memref<10000x128xf32, #tpu.memory_space<hbm>>) dst(%arg10 : memref<128x128xf32, #tpu.memory_space<vmem>>)
      %add3A_314 = arith.constant 1 : i32
      %add3A_315 = arith.addi %mul3A_291, %add3A_314 : i32
      "tpu.region"() ({
        %run_scoped3A_324 = tpu.sem_alloc : memref<!tpu.dma_semaphore, #tpu.memory_space<semaphore_mem>>
        %dma_start3A_325 = arith.constant 0 : i32
        %dma_start3A_326 = tpu.memref_slice %arg8[%add3A_315, %dma_start3A_325] : memref<40x128xi32, #tpu.memory_space<vmem>> -> memref<1x128xi32, #tpu.memory_space<vmem>>
        %dma_start3A_327 = tpu.memref_squeeze %dma_start3A_326 : memref<1x128xi32, #tpu.memory_space<vmem>> -> memref<128xi32, #tpu.memory_space<vmem>>
        %dma_start3A_328 = arith.constant 0 : i32
        %dma_start3A_329 = arith.constant 0 : i32
        %dma_start3A_330 = tpu.memref_slice %arg11[%dma_start3A_328, %dma_start3A_329] : memref<10240x128xf32, #tpu.memory_space<vmem_shared>> -> memref<10240x128xf32, #tpu.memory_space<vmem_shared>>
        tpu.enqueue_indirect_dma source(%arg10 : memref<128x128xf32, #tpu.memory_space<vmem>>) target(%dma_start3A_330 : memref<10240x128xf32, #tpu.memory_space<vmem_shared>>) offsets(%dma_start3A_327 : memref<128xi32, #tpu.memory_space<vmem>>) semaphore(%run_scoped3A_324 : memref<!tpu.dma_semaphore, #tpu.memory_space<semaphore_mem>>) {add = true}
        %dma_wait3A_331 = arith.constant 0 : i32
        %dma_wait3A_332 = tpu.memref_slice %arg8[%add3A_315, %dma_wait3A_331] : memref<40x128xi32, #tpu.memory_space<vmem>> -> memref<1x128xi32, #tpu.memory_space<vmem>>
        %dma_wait3A_333 = tpu.memref_squeeze %dma_wait3A_332 : memref<1x128xi32, #tpu.memory_space<vmem>> -> memref<128xi32, #tpu.memory_space<vmem>>
        %dma_wait3A_334 = arith.constant 0 : i32
        %dma_wait3A_335 = arith.constant 0 : i32
        %dma_wait3A_336 = tpu.memref_slice %arg11[%dma_wait3A_334, %dma_wait3A_335] : memref<10240x128xf32, #tpu.memory_space<vmem_shared>> -> memref<10240x128xf32, #tpu.memory_space<vmem_shared>>
        tpu.wait_indirect_dma semaphore(%run_scoped3A_324 : memref<!tpu.dma_semaphore, #tpu.memory_space<semaphore_mem>>) src(%arg10 : memref<128x128xf32, #tpu.memory_space<vmem>>) dst(%dma_wait3A_336 : memref<10240x128xf32, #tpu.memory_space<vmem_shared>>)
        tpu.yield
      }) : () -> ()
      %add3A_316 = arith.constant 3 : i32
      %add3A_317 = arith.addi %mul3A_291, %add3A_316 : i32
      %dma_start3A_318 = arith.constant 0 : i32
      %dma_start3A_319 = tpu.memref_slice %arg7[%add3A_317, %dma_start3A_318] : memref<79x128xi32, #tpu.memory_space<vmem>> -> memref<1x128xi32, #tpu.memory_space<vmem>>
      %dma_start3A_320 = tpu.memref_squeeze %dma_start3A_319 : memref<1x128xi32, #tpu.memory_space<vmem>> -> memref<128xi32, #tpu.memory_space<vmem>>
      %dma_start3A_321 = arith.constant 0 : i32
      %dma_start3A_322 = arith.constant 0 : i32
      %dma_start3A_323 = tpu.memref_slice %arg2[%dma_start3A_321, %dma_start3A_322] : memref<10000x128xf32, #tpu.memory_space<hbm>> -> memref<10000x128xf32, #tpu.memory_space<hbm>>
      tpu.enqueue_indirect_dma source(%dma_start3A_323 : memref<10000x128xf32, #tpu.memory_space<hbm>>) target(%arg10 : memref<128x128xf32, #tpu.memory_space<vmem>>) offsets(%dma_start3A_320 : memref<128xi32, #tpu.memory_space<vmem>>) semaphore(%arg14 : memref<!tpu.dma_semaphore, #tpu.memory_space<semaphore_mem>>)
    }
    %scan3A_121 = arith.constant 19 : i32
    %dma_wait3A_122 = arith.constant 38 : i32
    %dma_wait3A_123 = arith.constant 0 : i32
    %dma_wait3A_124 = tpu.memref_slice %arg7[%dma_wait3A_122, %dma_wait3A_123] : memref<79x128xi32, #tpu.memory_space<vmem>> -> memref<1x128xi32, #tpu.memory_space<vmem>>
    %dma_wait3A_125 = tpu.memref_squeeze %dma_wait3A_124 : memref<1x128xi32, #tpu.memory_space<vmem>> -> memref<128xi32, #tpu.memory_space<vmem>>
    %dma_wait3A_126 = arith.constant 0 : i32
    %dma_wait3A_127 = arith.constant 0 : i32
    %dma_wait3A_128 = tpu.memref_slice %arg2[%dma_wait3A_126, %dma_wait3A_127] : memref<10000x128xf32, #tpu.memory_space<hbm>> -> memref<10000x128xf32, #tpu.memory_space<hbm>>
    tpu.wait_indirect_dma semaphore(%arg12 : memref<!tpu.dma_semaphore, #tpu.memory_space<semaphore_mem>>) src(%dma_wait3A_128 : memref<10000x128xf32, #tpu.memory_space<hbm>>) dst(%arg9 : memref<128x128xf32, #tpu.memory_space<vmem>>)
    %run_scoped3A = arith.constant 38 : i32
    "tpu.region"() ({
      %run_scoped3A_289 = tpu.sem_alloc : memref<!tpu.dma_semaphore, #tpu.memory_space<semaphore_mem>>
      %dma_start3A_290 = arith.constant 0 : i32
      %dma_start3A_291 = tpu.memref_slice %arg8[%run_scoped3A, %dma_start3A_290] : memref<40x128xi32, #tpu.memory_space<vmem>> -> memref<1x128xi32, #tpu.memory_space<vmem>>
      %dma_start3A_292 = tpu.memref_squeeze %dma_start3A_291 : memref<1x128xi32, #tpu.memory_space<vmem>> -> memref<128xi32, #tpu.memory_space<vmem>>
      %dma_start3A_293 = arith.constant 0 : i32
      %dma_start3A_294 = arith.constant 0 : i32
      %dma_start3A_295 = tpu.memref_slice %arg11[%dma_start3A_293, %dma_start3A_294] : memref<10240x128xf32, #tpu.memory_space<vmem_shared>> -> memref<10240x128xf32, #tpu.memory_space<vmem_shared>>
      tpu.enqueue_indirect_dma source(%arg9 : memref<128x128xf32, #tpu.memory_space<vmem>>) target(%dma_start3A_295 : memref<10240x128xf32, #tpu.memory_space<vmem_shared>>) offsets(%dma_start3A_292 : memref<128xi32, #tpu.memory_space<vmem>>) semaphore(%run_scoped3A_289 : memref<!tpu.dma_semaphore, #tpu.memory_space<semaphore_mem>>) {add = true}
      %dma_wait3A_296 = arith.constant 0 : i32
      %dma_wait3A_297 = tpu.memref_slice %arg8[%run_scoped3A, %dma_wait3A_296] : memref<40x128xi32, #tpu.memory_space<vmem>> -> memref<1x128xi32, #tpu.memory_space<vmem>>
      %dma_wait3A_298 = tpu.memref_squeeze %dma_wait3A_297 : memref<1x128xi32, #tpu.memory_space<vmem>> -> memref<128xi32, #tpu.memory_space<vmem>>
      %dma_wait3A_299 = arith.constant 0 : i32
      %dma_wait3A_300 = arith.constant 0 : i32
      %dma_wait3A_301 = tpu.memref_slice %arg11[%dma_wait3A_299, %dma_wait3A_300] : memref<10240x128xf32, #tpu.memory_space<vmem_shared>> -> memref<10240x128xf32, #tpu.memory_space<vmem_shared>>
      tpu.wait_indirect_dma semaphore(%run_scoped3A_289 : memref<!tpu.dma_semaphore, #tpu.memory_space<semaphore_mem>>) src(%arg9 : memref<128x128xf32, #tpu.memory_space<vmem>>) dst(%dma_wait3A_301 : memref<10240x128xf32, #tpu.memory_space<vmem_shared>>)
      tpu.yield
    }) : () -> ()
    %dma_start3A_129 = arith.constant 40 : i32
    %dma_start3A_130 = arith.constant 0 : i32
    %dma_start3A_131 = tpu.memref_slice %arg7[%dma_start3A_129, %dma_start3A_130] : memref<79x128xi32, #tpu.memory_space<vmem>> -> memref<1x128xi32, #tpu.memory_space<vmem>>
    %dma_start3A_132 = tpu.memref_squeeze %dma_start3A_131 : memref<1x128xi32, #tpu.memory_space<vmem>> -> memref<128xi32, #tpu.memory_space<vmem>>
    %dma_start3A_133 = arith.constant 0 : i32
    %dma_start3A_134 = arith.constant 0 : i32
    %dma_start3A_135 = tpu.memref_slice %arg2[%dma_start3A_133, %dma_start3A_134] : memref<10000x128xf32, #tpu.memory_space<hbm>> -> memref<10000x128xf32, #tpu.memory_space<hbm>>
    tpu.enqueue_indirect_dma source(%dma_start3A_135 : memref<10000x128xf32, #tpu.memory_space<hbm>>) target(%arg9 : memref<128x128xf32, #tpu.memory_space<vmem>>) offsets(%dma_start3A_132 : memref<128xi32, #tpu.memory_space<vmem>>) semaphore(%arg12 : memref<!tpu.dma_semaphore, #tpu.memory_space<semaphore_mem>>)
    %dma_wait3A_136 = arith.constant 39 : i32
    %dma_wait3A_137 = arith.constant 0 : i32
    %dma_wait3A_138 = tpu.memref_slice %arg7[%dma_wait3A_136, %dma_wait3A_137] : memref<79x128xi32, #tpu.memory_space<vmem>> -> memref<1x128xi32, #tpu.memory_space<vmem>>
    %dma_wait3A_139 = tpu.memref_squeeze %dma_wait3A_138 : memref<1x128xi32, #tpu.memory_space<vmem>> -> memref<128xi32, #tpu.memory_space<vmem>>
    %dma_wait3A_140 = arith.constant 0 : i32
    %dma_wait3A_141 = arith.constant 0 : i32
    %dma_wait3A_142 = tpu.memref_slice %arg2[%dma_wait3A_140, %dma_wait3A_141] : memref<10000x128xf32, #tpu.memory_space<hbm>> -> memref<10000x128xf32, #tpu.memory_space<hbm>>
    tpu.wait_indirect_dma semaphore(%arg14 : memref<!tpu.dma_semaphore, #tpu.memory_space<semaphore_mem>>) src(%dma_wait3A_142 : memref<10000x128xf32, #tpu.memory_space<hbm>>) dst(%arg10 : memref<128x128xf32, #tpu.memory_space<vmem>>)
    %run_scoped3A_143 = arith.constant 39 : i32
    "tpu.region"() ({
      %run_scoped3A_289 = tpu.sem_alloc : memref<!tpu.dma_semaphore, #tpu.memory_space<semaphore_mem>>
      %dma_start3A_290 = arith.constant 0 : i32
      %dma_start3A_291 = tpu.memref_slice %arg8[%run_scoped3A_143, %dma_start3A_290] : memref<40x128xi32, #tpu.memory_space<vmem>> -> memref<1x128xi32, #tpu.memory_space<vmem>>
      %dma_start3A_292 = tpu.memref_squeeze %dma_start3A_291 : memref<1x128xi32, #tpu.memory_space<vmem>> -> memref<128xi32, #tpu.memory_space<vmem>>
      %dma_start3A_293 = arith.constant 0 : i32
      %dma_start3A_294 = arith.constant 0 : i32
      %dma_start3A_295 = tpu.memref_slice %arg11[%dma_start3A_293, %dma_start3A_294] : memref<10240x128xf32, #tpu.memory_space<vmem_shared>> -> memref<10240x128xf32, #tpu.memory_space<vmem_shared>>
      tpu.enqueue_indirect_dma source(%arg10 : memref<128x128xf32, #tpu.memory_space<vmem>>) target(%dma_start3A_295 : memref<10240x128xf32, #tpu.memory_space<vmem_shared>>) offsets(%dma_start3A_292 : memref<128xi32, #tpu.memory_space<vmem>>) semaphore(%run_scoped3A_289 : memref<!tpu.dma_semaphore, #tpu.memory_space<semaphore_mem>>) {add = true}
      %dma_wait3A_296 = arith.constant 0 : i32
      %dma_wait3A_297 = tpu.memref_slice %arg8[%run_scoped3A_143, %dma_wait3A_296] : memref<40x128xi32, #tpu.memory_space<vmem>> -> memref<1x128xi32, #tpu.memory_space<vmem>>
      %dma_wait3A_298 = tpu.memref_squeeze %dma_wait3A_297 : memref<1x128xi32, #tpu.memory_space<vmem>> -> memref<128xi32, #tpu.memory_space<vmem>>
      %dma_wait3A_299 = arith.constant 0 : i32
      %dma_wait3A_300 = arith.constant 0 : i32
      %dma_wait3A_301 = tpu.memref_slice %arg11[%dma_wait3A_299, %dma_wait3A_300] : memref<10240x128xf32, #tpu.memory_space<vmem_shared>> -> memref<10240x128xf32, #tpu.memory_space<vmem_shared>>
      tpu.wait_indirect_dma semaphore(%run_scoped3A_289 : memref<!tpu.dma_semaphore, #tpu.memory_space<semaphore_mem>>) src(%arg10 : memref<128x128xf32, #tpu.memory_space<vmem>>) dst(%dma_wait3A_301 : memref<10240x128xf32, #tpu.memory_space<vmem_shared>>)
      tpu.yield
    }) : () -> ()
    %dma_start3A_144 = arith.constant 41 : i32
    %dma_start3A_145 = arith.constant 0 : i32
    %dma_start3A_146 = tpu.memref_slice %arg7[%dma_start3A_144, %dma_start3A_145] : memref<79x128xi32, #tpu.memory_space<vmem>> -> memref<1x128xi32, #tpu.memory_space<vmem>>
    %dma_start3A_147 = tpu.memref_squeeze %dma_start3A_146 : memref<1x128xi32, #tpu.memory_space<vmem>> -> memref<128xi32, #tpu.memory_space<vmem>>
    %dma_start3A_148 = arith.constant 0 : i32
    %dma_start3A_149 = arith.constant 0 : i32
    %dma_start3A_150 = tpu.memref_slice %arg2[%dma_start3A_148, %dma_start3A_149] : memref<10000x128xf32, #tpu.memory_space<hbm>> -> memref<10000x128xf32, #tpu.memory_space<hbm>>
    tpu.enqueue_indirect_dma source(%dma_start3A_150 : memref<10000x128xf32, #tpu.memory_space<hbm>>) target(%arg10 : memref<128x128xf32, #tpu.memory_space<vmem>>) offsets(%dma_start3A_147 : memref<128xi32, #tpu.memory_space<vmem>>) semaphore(%arg14 : memref<!tpu.dma_semaphore, #tpu.memory_space<semaphore_mem>>)
    "tpu.region"() ({
      %run_scoped3A_289 = tpu.sem_alloc : memref<!tpu.dma_semaphore, #tpu.memory_space<semaphore_mem>>
      %dma_start3A_290 = arith.constant 0 : i32
      %dma_start3A_291 = arith.constant 0 : i32
      %dma_start3A_292 = tpu.memref_slice %arg8[%dma_start3A_290, %dma_start3A_291] : memref<40x128xi32, #tpu.memory_space<vmem>> -> memref<39x128xi32, #tpu.memory_space<vmem>>
      %dma_start3A_293 = arith.constant 40 : i32
      %dma_start3A_294 = arith.constant 0 : i32
      %dma_start3A_295 = tpu.memref_slice %arg4[%add3A, %dma_start3A_293, %dma_start3A_294] : memref<32x79x128xi32, #tpu.memory_space<hbm>> -> memref<1x39x128xi32, #tpu.memory_space<hbm>>
      %dma_start3A_296 = tpu.memref_squeeze %dma_start3A_295 : memref<1x39x128xi32, #tpu.memory_space<hbm>> -> memref<39x128xi32, #tpu.memory_space<hbm>>
      %dma_start3A_297 = arith.constant 0 : i32
      %dma_start3A_298 = arith.constant 0 : i32
      %dma_start3A_299 = tpu.memref_slice %arg8[%dma_start3A_297, %dma_start3A_298] : memref<40x128xi32, #tpu.memory_space<vmem>> -> memref<39x128xi32, #tpu.memory_space<vmem>>
      %dma_start3A_300 = arith.constant 40 : i32
      %dma_start3A_301 = arith.constant 0 : i32
      %dma_start3A_302 = tpu.memref_slice %arg4[%add3A, %dma_start3A_300, %dma_start3A_301] : memref<32x79x128xi32, #tpu.memory_space<hbm>> -> memref<1x39x128xi32, #tpu.memory_space<hbm>>
      %dma_start3A_303 = tpu.memref_squeeze %dma_start3A_302 : memref<1x39x128xi32, #tpu.memory_space<hbm>> -> memref<39x128xi32, #tpu.memory_space<hbm>>
      tpu.enqueue_dma source(%dma_start3A_303 : memref<39x128xi32, #tpu.memory_space<hbm>>) target(%dma_start3A_299 : memref<39x128xi32, #tpu.memory_space<vmem>>) target_semaphore(%run_scoped3A_289 : memref<!tpu.dma_semaphore, #tpu.memory_space<semaphore_mem>>)
      %dma_wait3A_304 = arith.constant 0 : i32
      %dma_wait3A_305 = arith.constant 0 : i32
      %dma_wait3A_306 = tpu.memref_slice %arg8[%dma_wait3A_304, %dma_wait3A_305] : memref<40x128xi32, #tpu.memory_space<vmem>> -> memref<39x128xi32, #tpu.memory_space<vmem>>
      %dma_wait3A_307 = arith.constant 40 : i32
      %dma_wait3A_308 = arith.constant 0 : i32
      %dma_wait3A_309 = tpu.memref_slice %arg4[%add3A, %dma_wait3A_307, %dma_wait3A_308] : memref<32x79x128xi32, #tpu.memory_space<hbm>> -> memref<1x39x128xi32, #tpu.memory_space<hbm>>
      %dma_wait3A_310 = tpu.memref_squeeze %dma_wait3A_309 : memref<1x39x128xi32, #tpu.memory_space<hbm>> -> memref<39x128xi32, #tpu.memory_space<hbm>>
      %dma_wait3A_311 = arith.constant 0 : i32
      %dma_wait3A_312 = arith.constant 0 : i32
      %dma_wait3A_313 = tpu.memref_slice %arg8[%dma_wait3A_311, %dma_wait3A_312] : memref<40x128xi32, #tpu.memory_space<vmem>> -> memref<39x128xi32, #tpu.memory_space<vmem>>
      %dma_wait3A_314 = arith.constant 40 : i32
      %dma_wait3A_315 = arith.constant 0 : i32
      %dma_wait3A_316 = tpu.memref_slice %arg4[%add3A, %dma_wait3A_314, %dma_wait3A_315] : memref<32x79x128xi32, #tpu.memory_space<hbm>> -> memref<1x39x128xi32, #tpu.memory_space<hbm>>
      %dma_wait3A_317 = tpu.memref_squeeze %dma_wait3A_316 : memref<1x39x128xi32, #tpu.memory_space<hbm>> -> memref<39x128xi32, #tpu.memory_space<hbm>>
      tpu.wait_dma2 semaphore(%run_scoped3A_289 : memref<!tpu.dma_semaphore, #tpu.memory_space<semaphore_mem>>) src(%dma_wait3A_317 : memref<39x128xi32, #tpu.memory_space<hbm>>) dst(%dma_wait3A_313 : memref<39x128xi32, #tpu.memory_space<vmem>>)
      tpu.yield
    }) : () -> ()
    %scan3A_151 = arith.constant 0 : i32
    %scan3A_152 = arith.constant 0 : i32
    %scan3A_153 = arith.constant 18 : i32
    %scan3A_154 = arith.addi %scan3A_152, %scan3A_153 : i32
    %scan3A_155 = arith.constant 1 : i32
    scf.for %scan3A_289 = %scan3A_152 to %scan3A_154 step %scan3A_155  : i32 {
      %mul3A_290 = arith.constant 2 : i32
      %mul3A_291 = arith.muli %mul3A_290, %scan3A_289 : i32
      %add3A_292 = arith.constant 40 : i32
      %add3A_293 = arith.addi %add3A_292, %mul3A_291 : i32
      %dma_wait3A_294 = arith.constant 0 : i32
      %dma_wait3A_295 = tpu.memref_slice %arg7[%add3A_293, %dma_wait3A_294] : memref<79x128xi32, #tpu.memory_space<vmem>> -> memref<1x128xi32, #tpu.memory_space<vmem>>
      %dma_wait3A_296 = tpu.memref_squeeze %dma_wait3A_295 : memref<1x128xi32, #tpu.memory_space<vmem>> -> memref<128xi32, #tpu.memory_space<vmem>>
      %dma_wait3A_297 = arith.constant 0 : i32
      %dma_wait3A_298 = arith.constant 0 : i32
      %dma_wait3A_299 = tpu.memref_slice %arg2[%dma_wait3A_297, %dma_wait3A_298] : memref<10000x128xf32, #tpu.memory_space<hbm>> -> memref<10000x128xf32, #tpu.memory_space<hbm>>
      tpu.wait_indirect_dma semaphore(%arg12 : memref<!tpu.dma_semaphore, #tpu.memory_space<semaphore_mem>>) src(%dma_wait3A_299 : memref<10000x128xf32, #tpu.memory_space<hbm>>) dst(%arg9 : memref<128x128xf32, #tpu.memory_space<vmem>>)
      %sub3A = arith.constant 40 : i32
      %sub3A_300 = arith.subi %add3A_293, %sub3A : i32
      "tpu.region"() ({
        %run_scoped3A_329 = tpu.sem_alloc : memref<!tpu.dma_semaphore, #tpu.memory_space<semaphore_mem>>
        %dma_start3A_330 = arith.constant 0 : i32
        %dma_start3A_331 = tpu.memref_slice %arg8[%sub3A_300, %dma_start3A_330] : memref<40x128xi32, #tpu.memory_space<vmem>> -> memref<1x128xi32, #tpu.memory_space<vmem>>
        %dma_start3A_332 = tpu.memref_squeeze %dma_start3A_331 : memref<1x128xi32, #tpu.memory_space<vmem>> -> memref<128xi32, #tpu.memory_space<vmem>>
        %dma_start3A_333 = arith.constant 0 : i32
        %dma_start3A_334 = arith.constant 0 : i32
        %dma_start3A_335 = tpu.memref_slice %arg11[%dma_start3A_333, %dma_start3A_334] : memref<10240x128xf32, #tpu.memory_space<vmem_shared>> -> memref<10240x128xf32, #tpu.memory_space<vmem_shared>>
        tpu.enqueue_indirect_dma source(%arg9 : memref<128x128xf32, #tpu.memory_space<vmem>>) target(%dma_start3A_335 : memref<10240x128xf32, #tpu.memory_space<vmem_shared>>) offsets(%dma_start3A_332 : memref<128xi32, #tpu.memory_space<vmem>>) semaphore(%run_scoped3A_329 : memref<!tpu.dma_semaphore, #tpu.memory_space<semaphore_mem>>) {add = true}
        %dma_wait3A_336 = arith.constant 0 : i32
        %dma_wait3A_337 = tpu.memref_slice %arg8[%sub3A_300, %dma_wait3A_336] : memref<40x128xi32, #tpu.memory_space<vmem>> -> memref<1x128xi32, #tpu.memory_space<vmem>>
        %dma_wait3A_338 = tpu.memref_squeeze %dma_wait3A_337 : memref<1x128xi32, #tpu.memory_space<vmem>> -> memref<128xi32, #tpu.memory_space<vmem>>
        %dma_wait3A_339 = arith.constant 0 : i32
        %dma_wait3A_340 = arith.constant 0 : i32
        %dma_wait3A_341 = tpu.memref_slice %arg11[%dma_wait3A_339, %dma_wait3A_340] : memref<10240x128xf32, #tpu.memory_space<vmem_shared>> -> memref<10240x128xf32, #tpu.memory_space<vmem_shared>>
        tpu.wait_indirect_dma semaphore(%run_scoped3A_329 : memref<!tpu.dma_semaphore, #tpu.memory_space<semaphore_mem>>) src(%arg9 : memref<128x128xf32, #tpu.memory_space<vmem>>) dst(%dma_wait3A_341 : memref<10240x128xf32, #tpu.memory_space<vmem_shared>>)
        tpu.yield
      }) : () -> ()
      %add3A_301 = arith.constant 2 : i32
      %add3A_302 = arith.addi %add3A_293, %add3A_301 : i32
      %dma_start3A_303 = arith.constant 0 : i32
      %dma_start3A_304 = tpu.memref_slice %arg7[%add3A_302, %dma_start3A_303] : memref<79x128xi32, #tpu.memory_space<vmem>> -> memref<1x128xi32, #tpu.memory_space<vmem>>
      %dma_start3A_305 = tpu.memref_squeeze %dma_start3A_304 : memref<1x128xi32, #tpu.memory_space<vmem>> -> memref<128xi32, #tpu.memory_space<vmem>>
      %dma_start3A_306 = arith.constant 0 : i32
      %dma_start3A_307 = arith.constant 0 : i32
      %dma_start3A_308 = tpu.memref_slice %arg2[%dma_start3A_306, %dma_start3A_307] : memref<10000x128xf32, #tpu.memory_space<hbm>> -> memref<10000x128xf32, #tpu.memory_space<hbm>>
      tpu.enqueue_indirect_dma source(%dma_start3A_308 : memref<10000x128xf32, #tpu.memory_space<hbm>>) target(%arg9 : memref<128x128xf32, #tpu.memory_space<vmem>>) offsets(%dma_start3A_305 : memref<128xi32, #tpu.memory_space<vmem>>) semaphore(%arg12 : memref<!tpu.dma_semaphore, #tpu.memory_space<semaphore_mem>>)
      %add3A_309 = arith.constant 1 : i32
      %add3A_310 = arith.addi %add3A_293, %add3A_309 : i32
      %dma_wait3A_311 = arith.constant 0 : i32
      %dma_wait3A_312 = tpu.memref_slice %arg7[%add3A_310, %dma_wait3A_311] : memref<79x128xi32, #tpu.memory_space<vmem>> -> memref<1x128xi32, #tpu.memory_space<vmem>>
      %dma_wait3A_313 = tpu.memref_squeeze %dma_wait3A_312 : memref<1x128xi32, #tpu.memory_space<vmem>> -> memref<128xi32, #tpu.memory_space<vmem>>
      %dma_wait3A_314 = arith.constant 0 : i32
      %dma_wait3A_315 = arith.constant 0 : i32
      %dma_wait3A_316 = tpu.memref_slice %arg2[%dma_wait3A_314, %dma_wait3A_315] : memref<10000x128xf32, #tpu.memory_space<hbm>> -> memref<10000x128xf32, #tpu.memory_space<hbm>>
      tpu.wait_indirect_dma semaphore(%arg14 : memref<!tpu.dma_semaphore, #tpu.memory_space<semaphore_mem>>) src(%dma_wait3A_316 : memref<10000x128xf32, #tpu.memory_space<hbm>>) dst(%arg10 : memref<128x128xf32, #tpu.memory_space<vmem>>)
      %add3A_317 = arith.constant 1 : i32
      %add3A_318 = arith.addi %add3A_293, %add3A_317 : i32
      %sub3A_319 = arith.constant 40 : i32
      %sub3A_320 = arith.subi %add3A_318, %sub3A_319 : i32
      "tpu.region"() ({
        %run_scoped3A_329 = tpu.sem_alloc : memref<!tpu.dma_semaphore, #tpu.memory_space<semaphore_mem>>
        %dma_start3A_330 = arith.constant 0 : i32
        %dma_start3A_331 = tpu.memref_slice %arg8[%sub3A_320, %dma_start3A_330] : memref<40x128xi32, #tpu.memory_space<vmem>> -> memref<1x128xi32, #tpu.memory_space<vmem>>
        %dma_start3A_332 = tpu.memref_squeeze %dma_start3A_331 : memref<1x128xi32, #tpu.memory_space<vmem>> -> memref<128xi32, #tpu.memory_space<vmem>>
        %dma_start3A_333 = arith.constant 0 : i32
        %dma_start3A_334 = arith.constant 0 : i32
        %dma_start3A_335 = tpu.memref_slice %arg11[%dma_start3A_333, %dma_start3A_334] : memref<10240x128xf32, #tpu.memory_space<vmem_shared>> -> memref<10240x128xf32, #tpu.memory_space<vmem_shared>>
        tpu.enqueue_indirect_dma source(%arg10 : memref<128x128xf32, #tpu.memory_space<vmem>>) target(%dma_start3A_335 : memref<10240x128xf32, #tpu.memory_space<vmem_shared>>) offsets(%dma_start3A_332 : memref<128xi32, #tpu.memory_space<vmem>>) semaphore(%run_scoped3A_329 : memref<!tpu.dma_semaphore, #tpu.memory_space<semaphore_mem>>) {add = true}
        %dma_wait3A_336 = arith.constant 0 : i32
        %dma_wait3A_337 = tpu.memref_slice %arg8[%sub3A_320, %dma_wait3A_336] : memref<40x128xi32, #tpu.memory_space<vmem>> -> memref<1x128xi32, #tpu.memory_space<vmem>>
        %dma_wait3A_338 = tpu.memref_squeeze %dma_wait3A_337 : memref<1x128xi32, #tpu.memory_space<vmem>> -> memref<128xi32, #tpu.memory_space<vmem>>
        %dma_wait3A_339 = arith.constant 0 : i32
        %dma_wait3A_340 = arith.constant 0 : i32
        %dma_wait3A_341 = tpu.memref_slice %arg11[%dma_wait3A_339, %dma_wait3A_340] : memref<10240x128xf32, #tpu.memory_space<vmem_shared>> -> memref<10240x128xf32, #tpu.memory_space<vmem_shared>>
        tpu.wait_indirect_dma semaphore(%run_scoped3A_329 : memref<!tpu.dma_semaphore, #tpu.memory_space<semaphore_mem>>) src(%arg10 : memref<128x128xf32, #tpu.memory_space<vmem>>) dst(%dma_wait3A_341 : memref<10240x128xf32, #tpu.memory_space<vmem_shared>>)
        tpu.yield
      }) : () -> ()
      %add3A_321 = arith.constant 3 : i32
      %add3A_322 = arith.addi %add3A_293, %add3A_321 : i32
      %dma_start3A_323 = arith.constant 0 : i32
      %dma_start3A_324 = tpu.memref_slice %arg7[%add3A_322, %dma_start3A_323] : memref<79x128xi32, #tpu.memory_space<vmem>> -> memref<1x128xi32, #tpu.memory_space<vmem>>
      %dma_start3A_325 = tpu.memref_squeeze %dma_start3A_324 : memref<1x128xi32, #tpu.memory_space<vmem>> -> memref<128xi32, #tpu.memory_space<vmem>>
      %dma_start3A_326 = arith.constant 0 : i32
      %dma_start3A_327 = arith.constant 0 : i32
      %dma_start3A_328 = tpu.memref_slice %arg2[%dma_start3A_326, %dma_start3A_327] : memref<10000x128xf32, #tpu.memory_space<hbm>> -> memref<10000x128xf32, #tpu.memory_space<hbm>>
      tpu.enqueue_indirect_dma source(%dma_start3A_328 : memref<10000x128xf32, #tpu.memory_space<hbm>>) target(%arg10 : memref<128x128xf32, #tpu.memory_space<vmem>>) offsets(%dma_start3A_325 : memref<128xi32, #tpu.memory_space<vmem>>) semaphore(%arg14 : memref<!tpu.dma_semaphore, #tpu.memory_space<semaphore_mem>>)
    }
    %scan3A_156 = arith.constant 18 : i32
    %dma_wait3A_157 = arith.constant 76 : i32
    %dma_wait3A_158 = arith.constant 0 : i32
    %dma_wait3A_159 = tpu.memref_slice %arg7[%dma_wait3A_157, %dma_wait3A_158] : memref<79x128xi32, #tpu.memory_space<vmem>> -> memref<1x128xi32, #tpu.memory_space<vmem>>
    %dma_wait3A_160 = tpu.memref_squeeze %dma_wait3A_159 : memref<1x128xi32, #tpu.memory_space<vmem>> -> memref<128xi32, #tpu.memory_space<vmem>>
    %dma_wait3A_161 = arith.constant 0 : i32
    %dma_wait3A_162 = arith.constant 0 : i32
    %dma_wait3A_163 = tpu.memref_slice %arg2[%dma_wait3A_161, %dma_wait3A_162] : memref<10000x128xf32, #tpu.memory_space<hbm>> -> memref<10000x128xf32, #tpu.memory_space<hbm>>
    tpu.wait_indirect_dma semaphore(%arg12 : memref<!tpu.dma_semaphore, #tpu.memory_space<semaphore_mem>>) src(%dma_wait3A_163 : memref<10000x128xf32, #tpu.memory_space<hbm>>) dst(%arg9 : memref<128x128xf32, #tpu.memory_space<vmem>>)
    %run_scoped3A_164 = arith.constant 36 : i32
    "tpu.region"() ({
      %run_scoped3A_289 = tpu.sem_alloc : memref<!tpu.dma_semaphore, #tpu.memory_space<semaphore_mem>>
      %dma_start3A_290 = arith.constant 0 : i32
      %dma_start3A_291 = tpu.memref_slice %arg8[%run_scoped3A_164, %dma_start3A_290] : memref<40x128xi32, #tpu.memory_space<vmem>> -> memref<1x128xi32, #tpu.memory_space<vmem>>
      %dma_start3A_292 = tpu.memref_squeeze %dma_start3A_291 : memref<1x128xi32, #tpu.memory_space<vmem>> -> memref<128xi32, #tpu.memory_space<vmem>>
      %dma_start3A_293 = arith.constant 0 : i32
      %dma_start3A_294 = arith.constant 0 : i32
      %dma_start3A_295 = tpu.memref_slice %arg11[%dma_start3A_293, %dma_start3A_294] : memref<10240x128xf32, #tpu.memory_space<vmem_shared>> -> memref<10240x128xf32, #tpu.memory_space<vmem_shared>>
      tpu.enqueue_indirect_dma source(%arg9 : memref<128x128xf32, #tpu.memory_space<vmem>>) target(%dma_start3A_295 : memref<10240x128xf32, #tpu.memory_space<vmem_shared>>) offsets(%dma_start3A_292 : memref<128xi32, #tpu.memory_space<vmem>>) semaphore(%run_scoped3A_289 : memref<!tpu.dma_semaphore, #tpu.memory_space<semaphore_mem>>) {add = true}
      %dma_wait3A_296 = arith.constant 0 : i32
      %dma_wait3A_297 = tpu.memref_slice %arg8[%run_scoped3A_164, %dma_wait3A_296] : memref<40x128xi32, #tpu.memory_space<vmem>> -> memref<1x128xi32, #tpu.memory_space<vmem>>
      %dma_wait3A_298 = tpu.memref_squeeze %dma_wait3A_297 : memref<1x128xi32, #tpu.memory_space<vmem>> -> memref<128xi32, #tpu.memory_space<vmem>>
      %dma_wait3A_299 = arith.constant 0 : i32
      %dma_wait3A_300 = arith.constant 0 : i32
      %dma_wait3A_301 = tpu.memref_slice %arg11[%dma_wait3A_299, %dma_wait3A_300] : memref<10240x128xf32, #tpu.memory_space<vmem_shared>> -> memref<10240x128xf32, #tpu.memory_space<vmem_shared>>
      tpu.wait_indirect_dma semaphore(%run_scoped3A_289 : memref<!tpu.dma_semaphore, #tpu.memory_space<semaphore_mem>>) src(%arg9 : memref<128x128xf32, #tpu.memory_space<vmem>>) dst(%dma_wait3A_301 : memref<10240x128xf32, #tpu.memory_space<vmem_shared>>)
      tpu.yield
    }) : () -> ()
    %dma_start3A_165 = arith.constant 78 : i32
    %dma_start3A_166 = arith.constant 0 : i32
    %dma_start3A_167 = tpu.memref_slice %arg7[%dma_start3A_165, %dma_start3A_166] : memref<79x128xi32, #tpu.memory_space<vmem>> -> memref<1x128xi32, #tpu.memory_space<vmem>>
    %dma_start3A_168 = tpu.memref_squeeze %dma_start3A_167 : memref<1x128xi32, #tpu.memory_space<vmem>> -> memref<128xi32, #tpu.memory_space<vmem>>
    %dma_start3A_169 = arith.constant 0 : i32
    %dma_start3A_170 = arith.constant 0 : i32
    %dma_start3A_171 = tpu.memref_slice %arg2[%dma_start3A_169, %dma_start3A_170] : memref<10000x128xf32, #tpu.memory_space<hbm>> -> memref<10000x128xf32, #tpu.memory_space<hbm>>
    tpu.enqueue_indirect_dma source(%dma_start3A_171 : memref<10000x128xf32, #tpu.memory_space<hbm>>) target(%arg9 : memref<128x128xf32, #tpu.memory_space<vmem>>) offsets(%dma_start3A_168 : memref<128xi32, #tpu.memory_space<vmem>>) semaphore(%arg12 : memref<!tpu.dma_semaphore, #tpu.memory_space<semaphore_mem>>)
    %dma_wait3A_172 = arith.constant 77 : i32
    %dma_wait3A_173 = arith.constant 0 : i32
    %dma_wait3A_174 = tpu.memref_slice %arg7[%dma_wait3A_172, %dma_wait3A_173] : memref<79x128xi32, #tpu.memory_space<vmem>> -> memref<1x128xi32, #tpu.memory_space<vmem>>
    %dma_wait3A_175 = tpu.memref_squeeze %dma_wait3A_174 : memref<1x128xi32, #tpu.memory_space<vmem>> -> memref<128xi32, #tpu.memory_space<vmem>>
    %dma_wait3A_176 = arith.constant 0 : i32
    %dma_wait3A_177 = arith.constant 0 : i32
    %dma_wait3A_178 = tpu.memref_slice %arg2[%dma_wait3A_176, %dma_wait3A_177] : memref<10000x128xf32, #tpu.memory_space<hbm>> -> memref<10000x128xf32, #tpu.memory_space<hbm>>
    tpu.wait_indirect_dma semaphore(%arg14 : memref<!tpu.dma_semaphore, #tpu.memory_space<semaphore_mem>>) src(%dma_wait3A_178 : memref<10000x128xf32, #tpu.memory_space<hbm>>) dst(%arg10 : memref<128x128xf32, #tpu.memory_space<vmem>>)
    %run_scoped3A_179 = arith.constant 37 : i32
    "tpu.region"() ({
      %run_scoped3A_289 = tpu.sem_alloc : memref<!tpu.dma_semaphore, #tpu.memory_space<semaphore_mem>>
      %dma_start3A_290 = arith.constant 0 : i32
      %dma_start3A_291 = tpu.memref_slice %arg8[%run_scoped3A_179, %dma_start3A_290] : memref<40x128xi32, #tpu.memory_space<vmem>> -> memref<1x128xi32, #tpu.memory_space<vmem>>
      %dma_start3A_292 = tpu.memref_squeeze %dma_start3A_291 : memref<1x128xi32, #tpu.memory_space<vmem>> -> memref<128xi32, #tpu.memory_space<vmem>>
      %dma_start3A_293 = arith.constant 0 : i32
      %dma_start3A_294 = arith.constant 0 : i32
      %dma_start3A_295 = tpu.memref_slice %arg11[%dma_start3A_293, %dma_start3A_294] : memref<10240x128xf32, #tpu.memory_space<vmem_shared>> -> memref<10240x128xf32, #tpu.memory_space<vmem_shared>>
      tpu.enqueue_indirect_dma source(%arg10 : memref<128x128xf32, #tpu.memory_space<vmem>>) target(%dma_start3A_295 : memref<10240x128xf32, #tpu.memory_space<vmem_shared>>) offsets(%dma_start3A_292 : memref<128xi32, #tpu.memory_space<vmem>>) semaphore(%run_scoped3A_289 : memref<!tpu.dma_semaphore, #tpu.memory_space<semaphore_mem>>) {add = true}
      %dma_wait3A_296 = arith.constant 0 : i32
      %dma_wait3A_297 = tpu.memref_slice %arg8[%run_scoped3A_179, %dma_wait3A_296] : memref<40x128xi32, #tpu.memory_space<vmem>> -> memref<1x128xi32, #tpu.memory_space<vmem>>
      %dma_wait3A_298 = tpu.memref_squeeze %dma_wait3A_297 : memref<1x128xi32, #tpu.memory_space<vmem>> -> memref<128xi32, #tpu.memory_space<vmem>>
      %dma_wait3A_299 = arith.constant 0 : i32
      %dma_wait3A_300 = arith.constant 0 : i32
      %dma_wait3A_301 = tpu.memref_slice %arg11[%dma_wait3A_299, %dma_wait3A_300] : memref<10240x128xf32, #tpu.memory_space<vmem_shared>> -> memref<10240x128xf32, #tpu.memory_space<vmem_shared>>
      tpu.wait_indirect_dma semaphore(%run_scoped3A_289 : memref<!tpu.dma_semaphore, #tpu.memory_space<semaphore_mem>>) src(%arg10 : memref<128x128xf32, #tpu.memory_space<vmem>>) dst(%dma_wait3A_301 : memref<10240x128xf32, #tpu.memory_space<vmem_shared>>)
      tpu.yield
    }) : () -> ()
    %dma_wait3A_180 = arith.constant 78 : i32
    %dma_wait3A_181 = arith.constant 0 : i32
    %dma_wait3A_182 = tpu.memref_slice %arg7[%dma_wait3A_180, %dma_wait3A_181] : memref<79x128xi32, #tpu.memory_space<vmem>> -> memref<1x128xi32, #tpu.memory_space<vmem>>
    %dma_wait3A_183 = tpu.memref_squeeze %dma_wait3A_182 : memref<1x128xi32, #tpu.memory_space<vmem>> -> memref<128xi32, #tpu.memory_space<vmem>>
    %dma_wait3A_184 = arith.constant 0 : i32
    %dma_wait3A_185 = arith.constant 0 : i32
    %dma_wait3A_186 = tpu.memref_slice %arg2[%dma_wait3A_184, %dma_wait3A_185] : memref<10000x128xf32, #tpu.memory_space<hbm>> -> memref<10000x128xf32, #tpu.memory_space<hbm>>
    tpu.wait_indirect_dma semaphore(%arg12 : memref<!tpu.dma_semaphore, #tpu.memory_space<semaphore_mem>>) src(%dma_wait3A_186 : memref<10000x128xf32, #tpu.memory_space<hbm>>) dst(%arg9 : memref<128x128xf32, #tpu.memory_space<vmem>>)
    %run_scoped3A_187 = arith.constant 38 : i32
    "tpu.region"() ({
      %run_scoped3A_289 = tpu.sem_alloc : memref<!tpu.dma_semaphore, #tpu.memory_space<semaphore_mem>>
      %dma_start3A_290 = arith.constant 0 : i32
      %dma_start3A_291 = tpu.memref_slice %arg8[%run_scoped3A_187, %dma_start3A_290] : memref<40x128xi32, #tpu.memory_space<vmem>> -> memref<1x128xi32, #tpu.memory_space<vmem>>
      %dma_start3A_292 = tpu.memref_squeeze %dma_start3A_291 : memref<1x128xi32, #tpu.memory_space<vmem>> -> memref<128xi32, #tpu.memory_space<vmem>>
      %dma_start3A_293 = arith.constant 0 : i32
      %dma_start3A_294 = arith.constant 0 : i32
      %dma_start3A_295 = tpu.memref_slice %arg11[%dma_start3A_293, %dma_start3A_294] : memref<10240x128xf32, #tpu.memory_space<vmem_shared>> -> memref<10240x128xf32, #tpu.memory_space<vmem_shared>>
      tpu.enqueue_indirect_dma source(%arg9 : memref<128x128xf32, #tpu.memory_space<vmem>>) target(%dma_start3A_295 : memref<10240x128xf32, #tpu.memory_space<vmem_shared>>) offsets(%dma_start3A_292 : memref<128xi32, #tpu.memory_space<vmem>>) semaphore(%run_scoped3A_289 : memref<!tpu.dma_semaphore, #tpu.memory_space<semaphore_mem>>) {add = true}
      %dma_wait3A_296 = arith.constant 0 : i32
      %dma_wait3A_297 = tpu.memref_slice %arg8[%run_scoped3A_187, %dma_wait3A_296] : memref<40x128xi32, #tpu.memory_space<vmem>> -> memref<1x128xi32, #tpu.memory_space<vmem>>
      %dma_wait3A_298 = tpu.memref_squeeze %dma_wait3A_297 : memref<1x128xi32, #tpu.memory_space<vmem>> -> memref<128xi32, #tpu.memory_space<vmem>>
      %dma_wait3A_299 = arith.constant 0 : i32
      %dma_wait3A_300 = arith.constant 0 : i32
      %dma_wait3A_301 = tpu.memref_slice %arg11[%dma_wait3A_299, %dma_wait3A_300] : memref<10240x128xf32, #tpu.memory_space<vmem_shared>> -> memref<10240x128xf32, #tpu.memory_space<vmem_shared>>
      tpu.wait_indirect_dma semaphore(%run_scoped3A_289 : memref<!tpu.dma_semaphore, #tpu.memory_space<semaphore_mem>>) src(%arg9 : memref<128x128xf32, #tpu.memory_space<vmem>>) dst(%dma_wait3A_301 : memref<10240x128xf32, #tpu.memory_space<vmem_shared>>)
      tpu.yield
    }) : () -> ()
    %barrier3A_188 = arith.constant 0 : index
    tpu.barrier barrier_id(%barrier3A_188)
    %mul3A_189 = arith.constant 640 : i32
    %mul3A_190 = arith.muli %arg1, %mul3A_189 : i32
    %add3A_191 = arith.constant 0 : i32
    %add3A_192 = arith.addi %mul3A_190, %add3A_191 : i32
    "tpu.region"() ({
      %run_scoped3A_289 = tpu.sem_alloc : memref<!tpu.dma_semaphore, #tpu.memory_space<semaphore_mem>>
      %dma_start3A_290 = arith.constant 0 : i32
      %dma_start3A_291 = tpu.memref_slice %arg11[%add3A_192, %dma_start3A_290] : memref<10240x128xf32, #tpu.memory_space<vmem_shared>> -> memref<128x128xf32, #tpu.memory_space<vmem_shared>>
      %dma_start3A_292 = arith.constant 0 : i32
      %dma_start3A_293 = tpu.memref_slice %arg11[%add3A_192, %dma_start3A_292] : memref<10240x128xf32, #tpu.memory_space<vmem_shared>> -> memref<128x128xf32, #tpu.memory_space<vmem_shared>>
      tpu.enqueue_dma source(%dma_start3A_293 : memref<128x128xf32, #tpu.memory_space<vmem_shared>>) target(%arg9 : memref<128x128xf32, #tpu.memory_space<vmem>>) target_semaphore(%run_scoped3A_289 : memref<!tpu.dma_semaphore, #tpu.memory_space<semaphore_mem>>)
      %dma_wait3A_294 = arith.constant 0 : i32
      %dma_wait3A_295 = tpu.memref_slice %arg11[%add3A_192, %dma_wait3A_294] : memref<10240x128xf32, #tpu.memory_space<vmem_shared>> -> memref<128x128xf32, #tpu.memory_space<vmem_shared>>
      %dma_wait3A_296 = arith.constant 0 : i32
      %dma_wait3A_297 = tpu.memref_slice %arg11[%add3A_192, %dma_wait3A_296] : memref<10240x128xf32, #tpu.memory_space<vmem_shared>> -> memref<128x128xf32, #tpu.memory_space<vmem_shared>>
      tpu.wait_dma2 semaphore(%run_scoped3A_289 : memref<!tpu.dma_semaphore, #tpu.memory_space<semaphore_mem>>) src(%dma_wait3A_297 : memref<128x128xf32, #tpu.memory_space<vmem_shared>>) dst(%arg9 : memref<128x128xf32, #tpu.memory_space<vmem>>)
      tpu.yield
    }) : () -> ()
    %mul3A_193 = arith.constant 640 : i32
    %mul3A_194 = arith.muli %arg1, %mul3A_193 : i32
    %add3A_195 = arith.constant 0 : i32
    %add3A_196 = arith.addi %mul3A_194, %add3A_195 : i32
    %dma_start3A_197 = arith.constant 0 : i32
    %dma_start3A_198 = tpu.memref_slice %arg6[%arg0, %add3A_196, %dma_start3A_197] : memref<2x10240x128xf32, #tpu.memory_space<hbm>> -> memref<1x128x128xf32, #tpu.memory_space<hbm>>
    %dma_start3A_199 = tpu.memref_squeeze %dma_start3A_198 : memref<1x128x128xf32, #tpu.memory_space<hbm>> -> memref<128x128xf32, #tpu.memory_space<hbm>>
    %dma_start3A_200 = arith.constant 0 : i32
    %dma_start3A_201 = tpu.memref_slice %arg6[%arg0, %add3A_196, %dma_start3A_200] : memref<2x10240x128xf32, #tpu.memory_space<hbm>> -> memref<1x128x128xf32, #tpu.memory_space<hbm>>
    %dma_start3A_202 = tpu.memref_squeeze %dma_start3A_201 : memref<1x128x128xf32, #tpu.memory_space<hbm>> -> memref<128x128xf32, #tpu.memory_space<hbm>>
    tpu.enqueue_dma source(%arg9 : memref<128x128xf32, #tpu.memory_space<vmem>>) target(%dma_start3A_202 : memref<128x128xf32, #tpu.memory_space<hbm>>) target_semaphore(%arg12 : memref<!tpu.dma_semaphore, #tpu.memory_space<semaphore_mem>>)
    %mul3A_203 = arith.constant 640 : i32
    %mul3A_204 = arith.muli %arg1, %mul3A_203 : i32
    %add3A_205 = arith.constant 128 : i32
    %add3A_206 = arith.addi %mul3A_204, %add3A_205 : i32
    "tpu.region"() ({
      %run_scoped3A_289 = tpu.sem_alloc : memref<!tpu.dma_semaphore, #tpu.memory_space<semaphore_mem>>
      %dma_start3A_290 = arith.constant 0 : i32
      %dma_start3A_291 = tpu.memref_slice %arg11[%add3A_206, %dma_start3A_290] : memref<10240x128xf32, #tpu.memory_space<vmem_shared>> -> memref<128x128xf32, #tpu.memory_space<vmem_shared>>
      %dma_start3A_292 = arith.constant 0 : i32
      %dma_start3A_293 = tpu.memref_slice %arg11[%add3A_206, %dma_start3A_292] : memref<10240x128xf32, #tpu.memory_space<vmem_shared>> -> memref<128x128xf32, #tpu.memory_space<vmem_shared>>
      tpu.enqueue_dma source(%dma_start3A_293 : memref<128x128xf32, #tpu.memory_space<vmem_shared>>) target(%arg10 : memref<128x128xf32, #tpu.memory_space<vmem>>) target_semaphore(%run_scoped3A_289 : memref<!tpu.dma_semaphore, #tpu.memory_space<semaphore_mem>>)
      %dma_wait3A_294 = arith.constant 0 : i32
      %dma_wait3A_295 = tpu.memref_slice %arg11[%add3A_206, %dma_wait3A_294] : memref<10240x128xf32, #tpu.memory_space<vmem_shared>> -> memref<128x128xf32, #tpu.memory_space<vmem_shared>>
      %dma_wait3A_296 = arith.constant 0 : i32
      %dma_wait3A_297 = tpu.memref_slice %arg11[%add3A_206, %dma_wait3A_296] : memref<10240x128xf32, #tpu.memory_space<vmem_shared>> -> memref<128x128xf32, #tpu.memory_space<vmem_shared>>
      tpu.wait_dma2 semaphore(%run_scoped3A_289 : memref<!tpu.dma_semaphore, #tpu.memory_space<semaphore_mem>>) src(%dma_wait3A_297 : memref<128x128xf32, #tpu.memory_space<vmem_shared>>) dst(%arg10 : memref<128x128xf32, #tpu.memory_space<vmem>>)
      tpu.yield
    }) : () -> ()
    %mul3A_207 = arith.constant 640 : i32
    %mul3A_208 = arith.muli %arg1, %mul3A_207 : i32
    %add3A_209 = arith.constant 128 : i32
    %add3A_210 = arith.addi %mul3A_208, %add3A_209 : i32
    %dma_start3A_211 = arith.constant 0 : i32
    %dma_start3A_212 = tpu.memref_slice %arg6[%arg0, %add3A_210, %dma_start3A_211] : memref<2x10240x128xf32, #tpu.memory_space<hbm>> -> memref<1x128x128xf32, #tpu.memory_space<hbm>>
    %dma_start3A_213 = tpu.memref_squeeze %dma_start3A_212 : memref<1x128x128xf32, #tpu.memory_space<hbm>> -> memref<128x128xf32, #tpu.memory_space<hbm>>
    %dma_start3A_214 = arith.constant 0 : i32
    %dma_start3A_215 = tpu.memref_slice %arg6[%arg0, %add3A_210, %dma_start3A_214] : memref<2x10240x128xf32, #tpu.memory_space<hbm>> -> memref<1x128x128xf32, #tpu.memory_space<hbm>>
    %dma_start3A_216 = tpu.memref_squeeze %dma_start3A_215 : memref<1x128x128xf32, #tpu.memory_space<hbm>> -> memref<128x128xf32, #tpu.memory_space<hbm>>
    tpu.enqueue_dma source(%arg10 : memref<128x128xf32, #tpu.memory_space<vmem>>) target(%dma_start3A_216 : memref<128x128xf32, #tpu.memory_space<hbm>>) target_semaphore(%arg14 : memref<!tpu.dma_semaphore, #tpu.memory_space<semaphore_mem>>)
    %dma_wait3A_217 = arith.constant 0 : i32
    %dma_wait3A_218 = tpu.memref_slice %arg6[%arg0, %add3A_196, %dma_wait3A_217] : memref<2x10240x128xf32, #tpu.memory_space<hbm>> -> memref<1x128x128xf32, #tpu.memory_space<hbm>>
    %dma_wait3A_219 = tpu.memref_squeeze %dma_wait3A_218 : memref<1x128x128xf32, #tpu.memory_space<hbm>> -> memref<128x128xf32, #tpu.memory_space<hbm>>
    %dma_wait3A_220 = arith.constant 0 : i32
    %dma_wait3A_221 = tpu.memref_slice %arg6[%arg0, %add3A_196, %dma_wait3A_220] : memref<2x10240x128xf32, #tpu.memory_space<hbm>> -> memref<1x128x128xf32, #tpu.memory_space<hbm>>
    %dma_wait3A_222 = tpu.memref_squeeze %dma_wait3A_221 : memref<1x128x128xf32, #tpu.memory_space<hbm>> -> memref<128x128xf32, #tpu.memory_space<hbm>>
    tpu.wait_dma2 semaphore(%arg12 : memref<!tpu.dma_semaphore, #tpu.memory_space<semaphore_mem>>) src(%arg9 : memref<128x128xf32, #tpu.memory_space<vmem>>) dst(%dma_wait3A_222 : memref<128x128xf32, #tpu.memory_space<hbm>>)
    %mul3A_223 = arith.constant 640 : i32
    %mul3A_224 = arith.muli %arg1, %mul3A_223 : i32
    %add3A_225 = arith.constant 256 : i32
    %add3A_226 = arith.addi %mul3A_224, %add3A_225 : i32
    "tpu.region"() ({
      %run_scoped3A_289 = tpu.sem_alloc : memref<!tpu.dma_semaphore, #tpu.memory_space<semaphore_mem>>
      %dma_start3A_290 = arith.constant 0 : i32
      %dma_start3A_291 = tpu.memref_slice %arg11[%add3A_226, %dma_start3A_290] : memref<10240x128xf32, #tpu.memory_space<vmem_shared>> -> memref<128x128xf32, #tpu.memory_space<vmem_shared>>
      %dma_start3A_292 = arith.constant 0 : i32
      %dma_start3A_293 = tpu.memref_slice %arg11[%add3A_226, %dma_start3A_292] : memref<10240x128xf32, #tpu.memory_space<vmem_shared>> -> memref<128x128xf32, #tpu.memory_space<vmem_shared>>
      tpu.enqueue_dma source(%dma_start3A_293 : memref<128x128xf32, #tpu.memory_space<vmem_shared>>) target(%arg9 : memref<128x128xf32, #tpu.memory_space<vmem>>) target_semaphore(%run_scoped3A_289 : memref<!tpu.dma_semaphore, #tpu.memory_space<semaphore_mem>>)
      %dma_wait3A_294 = arith.constant 0 : i32
      %dma_wait3A_295 = tpu.memref_slice %arg11[%add3A_226, %dma_wait3A_294] : memref<10240x128xf32, #tpu.memory_space<vmem_shared>> -> memref<128x128xf32, #tpu.memory_space<vmem_shared>>
      %dma_wait3A_296 = arith.constant 0 : i32
      %dma_wait3A_297 = tpu.memref_slice %arg11[%add3A_226, %dma_wait3A_296] : memref<10240x128xf32, #tpu.memory_space<vmem_shared>> -> memref<128x128xf32, #tpu.memory_space<vmem_shared>>
      tpu.wait_dma2 semaphore(%run_scoped3A_289 : memref<!tpu.dma_semaphore, #tpu.memory_space<semaphore_mem>>) src(%dma_wait3A_297 : memref<128x128xf32, #tpu.memory_space<vmem_shared>>) dst(%arg9 : memref<128x128xf32, #tpu.memory_space<vmem>>)
      tpu.yield
    }) : () -> ()
    %mul3A_227 = arith.constant 640 : i32
    %mul3A_228 = arith.muli %arg1, %mul3A_227 : i32
    %add3A_229 = arith.constant 256 : i32
    %add3A_230 = arith.addi %mul3A_228, %add3A_229 : i32
    %dma_start3A_231 = arith.constant 0 : i32
    %dma_start3A_232 = tpu.memref_slice %arg6[%arg0, %add3A_230, %dma_start3A_231] : memref<2x10240x128xf32, #tpu.memory_space<hbm>> -> memref<1x128x128xf32, #tpu.memory_space<hbm>>
    %dma_start3A_233 = tpu.memref_squeeze %dma_start3A_232 : memref<1x128x128xf32, #tpu.memory_space<hbm>> -> memref<128x128xf32, #tpu.memory_space<hbm>>
    %dma_start3A_234 = arith.constant 0 : i32
    %dma_start3A_235 = tpu.memref_slice %arg6[%arg0, %add3A_230, %dma_start3A_234] : memref<2x10240x128xf32, #tpu.memory_space<hbm>> -> memref<1x128x128xf32, #tpu.memory_space<hbm>>
    %dma_start3A_236 = tpu.memref_squeeze %dma_start3A_235 : memref<1x128x128xf32, #tpu.memory_space<hbm>> -> memref<128x128xf32, #tpu.memory_space<hbm>>
    tpu.enqueue_dma source(%arg9 : memref<128x128xf32, #tpu.memory_space<vmem>>) target(%dma_start3A_236 : memref<128x128xf32, #tpu.memory_space<hbm>>) target_semaphore(%arg12 : memref<!tpu.dma_semaphore, #tpu.memory_space<semaphore_mem>>)
    %dma_wait3A_237 = arith.constant 0 : i32
    %dma_wait3A_238 = tpu.memref_slice %arg6[%arg0, %add3A_210, %dma_wait3A_237] : memref<2x10240x128xf32, #tpu.memory_space<hbm>> -> memref<1x128x128xf32, #tpu.memory_space<hbm>>
    %dma_wait3A_239 = tpu.memref_squeeze %dma_wait3A_238 : memref<1x128x128xf32, #tpu.memory_space<hbm>> -> memref<128x128xf32, #tpu.memory_space<hbm>>
    %dma_wait3A_240 = arith.constant 0 : i32
    %dma_wait3A_241 = tpu.memref_slice %arg6[%arg0, %add3A_210, %dma_wait3A_240] : memref<2x10240x128xf32, #tpu.memory_space<hbm>> -> memref<1x128x128xf32, #tpu.memory_space<hbm>>
    %dma_wait3A_242 = tpu.memref_squeeze %dma_wait3A_241 : memref<1x128x128xf32, #tpu.memory_space<hbm>> -> memref<128x128xf32, #tpu.memory_space<hbm>>
    tpu.wait_dma2 semaphore(%arg14 : memref<!tpu.dma_semaphore, #tpu.memory_space<semaphore_mem>>) src(%arg10 : memref<128x128xf32, #tpu.memory_space<vmem>>) dst(%dma_wait3A_242 : memref<128x128xf32, #tpu.memory_space<hbm>>)
    %mul3A_243 = arith.constant 640 : i32
    %mul3A_244 = arith.muli %arg1, %mul3A_243 : i32
    %add3A_245 = arith.constant 384 : i32
    %add3A_246 = arith.addi %mul3A_244, %add3A_245 : i32
    "tpu.region"() ({
      %run_scoped3A_289 = tpu.sem_alloc : memref<!tpu.dma_semaphore, #tpu.memory_space<semaphore_mem>>
      %dma_start3A_290 = arith.constant 0 : i32
      %dma_start3A_291 = tpu.memref_slice %arg11[%add3A_246, %dma_start3A_290] : memref<10240x128xf32, #tpu.memory_space<vmem_shared>> -> memref<128x128xf32, #tpu.memory_space<vmem_shared>>
      %dma_start3A_292 = arith.constant 0 : i32
      %dma_start3A_293 = tpu.memref_slice %arg11[%add3A_246, %dma_start3A_292] : memref<10240x128xf32, #tpu.memory_space<vmem_shared>> -> memref<128x128xf32, #tpu.memory_space<vmem_shared>>
      tpu.enqueue_dma source(%dma_start3A_293 : memref<128x128xf32, #tpu.memory_space<vmem_shared>>) target(%arg10 : memref<128x128xf32, #tpu.memory_space<vmem>>) target_semaphore(%run_scoped3A_289 : memref<!tpu.dma_semaphore, #tpu.memory_space<semaphore_mem>>)
      %dma_wait3A_294 = arith.constant 0 : i32
      %dma_wait3A_295 = tpu.memref_slice %arg11[%add3A_246, %dma_wait3A_294] : memref<10240x128xf32, #tpu.memory_space<vmem_shared>> -> memref<128x128xf32, #tpu.memory_space<vmem_shared>>
      %dma_wait3A_296 = arith.constant 0 : i32
      %dma_wait3A_297 = tpu.memref_slice %arg11[%add3A_246, %dma_wait3A_296] : memref<10240x128xf32, #tpu.memory_space<vmem_shared>> -> memref<128x128xf32, #tpu.memory_space<vmem_shared>>
      tpu.wait_dma2 semaphore(%run_scoped3A_289 : memref<!tpu.dma_semaphore, #tpu.memory_space<semaphore_mem>>) src(%dma_wait3A_297 : memref<128x128xf32, #tpu.memory_space<vmem_shared>>) dst(%arg10 : memref<128x128xf32, #tpu.memory_space<vmem>>)
      tpu.yield
    }) : () -> ()
    %mul3A_247 = arith.constant 640 : i32
    %mul3A_248 = arith.muli %arg1, %mul3A_247 : i32
    %add3A_249 = arith.constant 384 : i32
    %add3A_250 = arith.addi %mul3A_248, %add3A_249 : i32
    %dma_start3A_251 = arith.constant 0 : i32
    %dma_start3A_252 = tpu.memref_slice %arg6[%arg0, %add3A_250, %dma_start3A_251] : memref<2x10240x128xf32, #tpu.memory_space<hbm>> -> memref<1x128x128xf32, #tpu.memory_space<hbm>>
    %dma_start3A_253 = tpu.memref_squeeze %dma_start3A_252 : memref<1x128x128xf32, #tpu.memory_space<hbm>> -> memref<128x128xf32, #tpu.memory_space<hbm>>
    %dma_start3A_254 = arith.constant 0 : i32
    %dma_start3A_255 = tpu.memref_slice %arg6[%arg0, %add3A_250, %dma_start3A_254] : memref<2x10240x128xf32, #tpu.memory_space<hbm>> -> memref<1x128x128xf32, #tpu.memory_space<hbm>>
    %dma_start3A_256 = tpu.memref_squeeze %dma_start3A_255 : memref<1x128x128xf32, #tpu.memory_space<hbm>> -> memref<128x128xf32, #tpu.memory_space<hbm>>
    tpu.enqueue_dma source(%arg10 : memref<128x128xf32, #tpu.memory_space<vmem>>) target(%dma_start3A_256 : memref<128x128xf32, #tpu.memory_space<hbm>>) target_semaphore(%arg14 : memref<!tpu.dma_semaphore, #tpu.memory_space<semaphore_mem>>)
    %dma_wait3A_257 = arith.constant 0 : i32
    %dma_wait3A_258 = tpu.memref_slice %arg6[%arg0, %add3A_230, %dma_wait3A_257] : memref<2x10240x128xf32, #tpu.memory_space<hbm>> -> memref<1x128x128xf32, #tpu.memory_space<hbm>>
    %dma_wait3A_259 = tpu.memref_squeeze %dma_wait3A_258 : memref<1x128x128xf32, #tpu.memory_space<hbm>> -> memref<128x128xf32, #tpu.memory_space<hbm>>
    %dma_wait3A_260 = arith.constant 0 : i32
    %dma_wait3A_261 = tpu.memref_slice %arg6[%arg0, %add3A_230, %dma_wait3A_260] : memref<2x10240x128xf32, #tpu.memory_space<hbm>> -> memref<1x128x128xf32, #tpu.memory_space<hbm>>
    %dma_wait3A_262 = tpu.memref_squeeze %dma_wait3A_261 : memref<1x128x128xf32, #tpu.memory_space<hbm>> -> memref<128x128xf32, #tpu.memory_space<hbm>>
    tpu.wait_dma2 semaphore(%arg12 : memref<!tpu.dma_semaphore, #tpu.memory_space<semaphore_mem>>) src(%arg9 : memref<128x128xf32, #tpu.memory_space<vmem>>) dst(%dma_wait3A_262 : memref<128x128xf32, #tpu.memory_space<hbm>>)
    %mul3A_263 = arith.constant 640 : i32
    %mul3A_264 = arith.muli %arg1, %mul3A_263 : i32
    %add3A_265 = arith.constant 512 : i32
    %add3A_266 = arith.addi %mul3A_264, %add3A_265 : i32
    "tpu.region"() ({
      %run_scoped3A_289 = tpu.sem_alloc : memref<!tpu.dma_semaphore, #tpu.memory_space<semaphore_mem>>
      %dma_start3A_290 = arith.constant 0 : i32
      %dma_start3A_291 = tpu.memref_slice %arg11[%add3A_266, %dma_start3A_290] : memref<10240x128xf32, #tpu.memory_space<vmem_shared>> -> memref<128x128xf32, #tpu.memory_space<vmem_shared>>
      %dma_start3A_292 = arith.constant 0 : i32
      %dma_start3A_293 = tpu.memref_slice %arg11[%add3A_266, %dma_start3A_292] : memref<10240x128xf32, #tpu.memory_space<vmem_shared>> -> memref<128x128xf32, #tpu.memory_space<vmem_shared>>
      tpu.enqueue_dma source(%dma_start3A_293 : memref<128x128xf32, #tpu.memory_space<vmem_shared>>) target(%arg9 : memref<128x128xf32, #tpu.memory_space<vmem>>) target_semaphore(%run_scoped3A_289 : memref<!tpu.dma_semaphore, #tpu.memory_space<semaphore_mem>>)
      %dma_wait3A_294 = arith.constant 0 : i32
      %dma_wait3A_295 = tpu.memref_slice %arg11[%add3A_266, %dma_wait3A_294] : memref<10240x128xf32, #tpu.memory_space<vmem_shared>> -> memref<128x128xf32, #tpu.memory_space<vmem_shared>>
      %dma_wait3A_296 = arith.constant 0 : i32
      %dma_wait3A_297 = tpu.memref_slice %arg11[%add3A_266, %dma_wait3A_296] : memref<10240x128xf32, #tpu.memory_space<vmem_shared>> -> memref<128x128xf32, #tpu.memory_space<vmem_shared>>
      tpu.wait_dma2 semaphore(%run_scoped3A_289 : memref<!tpu.dma_semaphore, #tpu.memory_space<semaphore_mem>>) src(%dma_wait3A_297 : memref<128x128xf32, #tpu.memory_space<vmem_shared>>) dst(%arg9 : memref<128x128xf32, #tpu.memory_space<vmem>>)
      tpu.yield
    }) : () -> ()
    %mul3A_267 = arith.constant 640 : i32
    %mul3A_268 = arith.muli %arg1, %mul3A_267 : i32
    %add3A_269 = arith.constant 512 : i32
    %add3A_270 = arith.addi %mul3A_268, %add3A_269 : i32
    %dma_start3A_271 = arith.constant 0 : i32
    %dma_start3A_272 = tpu.memref_slice %arg6[%arg0, %add3A_270, %dma_start3A_271] : memref<2x10240x128xf32, #tpu.memory_space<hbm>> -> memref<1x128x128xf32, #tpu.memory_space<hbm>>
    %dma_start3A_273 = tpu.memref_squeeze %dma_start3A_272 : memref<1x128x128xf32, #tpu.memory_space<hbm>> -> memref<128x128xf32, #tpu.memory_space<hbm>>
    %dma_start3A_274 = arith.constant 0 : i32
    %dma_start3A_275 = tpu.memref_slice %arg6[%arg0, %add3A_270, %dma_start3A_274] : memref<2x10240x128xf32, #tpu.memory_space<hbm>> -> memref<1x128x128xf32, #tpu.memory_space<hbm>>
    %dma_start3A_276 = tpu.memref_squeeze %dma_start3A_275 : memref<1x128x128xf32, #tpu.memory_space<hbm>> -> memref<128x128xf32, #tpu.memory_space<hbm>>
    tpu.enqueue_dma source(%arg9 : memref<128x128xf32, #tpu.memory_space<vmem>>) target(%dma_start3A_276 : memref<128x128xf32, #tpu.memory_space<hbm>>) target_semaphore(%arg12 : memref<!tpu.dma_semaphore, #tpu.memory_space<semaphore_mem>>)
    %dma_wait3A_277 = arith.constant 0 : i32
    %dma_wait3A_278 = tpu.memref_slice %arg6[%arg0, %add3A_250, %dma_wait3A_277] : memref<2x10240x128xf32, #tpu.memory_space<hbm>> -> memref<1x128x128xf32, #tpu.memory_space<hbm>>
    %dma_wait3A_279 = tpu.memref_squeeze %dma_wait3A_278 : memref<1x128x128xf32, #tpu.memory_space<hbm>> -> memref<128x128xf32, #tpu.memory_space<hbm>>
    %dma_wait3A_280 = arith.constant 0 : i32
    %dma_wait3A_281 = tpu.memref_slice %arg6[%arg0, %add3A_250, %dma_wait3A_280] : memref<2x10240x128xf32, #tpu.memory_space<hbm>> -> memref<1x128x128xf32, #tpu.memory_space<hbm>>
    %dma_wait3A_282 = tpu.memref_squeeze %dma_wait3A_281 : memref<1x128x128xf32, #tpu.memory_space<hbm>> -> memref<128x128xf32, #tpu.memory_space<hbm>>
    tpu.wait_dma2 semaphore(%arg14 : memref<!tpu.dma_semaphore, #tpu.memory_space<semaphore_mem>>) src(%arg10 : memref<128x128xf32, #tpu.memory_space<vmem>>) dst(%dma_wait3A_282 : memref<128x128xf32, #tpu.memory_space<hbm>>)
    %dma_wait3A_283 = arith.constant 0 : i32
    %dma_wait3A_284 = tpu.memref_slice %arg6[%arg0, %add3A_270, %dma_wait3A_283] : memref<2x10240x128xf32, #tpu.memory_space<hbm>> -> memref<1x128x128xf32, #tpu.memory_space<hbm>>
    %dma_wait3A_285 = tpu.memref_squeeze %dma_wait3A_284 : memref<1x128x128xf32, #tpu.memory_space<hbm>> -> memref<128x128xf32, #tpu.memory_space<hbm>>
    %dma_wait3A_286 = arith.constant 0 : i32
    %dma_wait3A_287 = tpu.memref_slice %arg6[%arg0, %add3A_270, %dma_wait3A_286] : memref<2x10240x128xf32, #tpu.memory_space<hbm>> -> memref<1x128x128xf32, #tpu.memory_space<hbm>>
    %dma_wait3A_288 = tpu.memref_squeeze %dma_wait3A_287 : memref<1x128x128xf32, #tpu.memory_space<hbm>> -> memref<128x128xf32, #tpu.memory_space<hbm>>
    tpu.wait_dma2 semaphore(%arg12 : memref<!tpu.dma_semaphore, #tpu.memory_space<semaphore_mem>>) src(%arg9 : memref<128x128xf32, #tpu.memory_space<vmem>>) dst(%dma_wait3A_288 : memref<128x128xf32, #tpu.memory_space<hbm>>)
    return
  }
}

#map = affine_map<(d0, d1) -> (0, 0)>
#map1 = affine_map<(d0, d1) -> (0, 0, 0)>
module attributes {stable_mosaic.version = 14 : i64} {
  func.func @k(%arg0: i32, %arg1: i32, %arg2: memref<10000x128xf32, #tpu.memory_space<hbm>>, %arg3: memref<32x79x128xi32, #tpu.memory_space<hbm>>, %arg4: memref<32x79x128xi32, #tpu.memory_space<hbm>>, %arg5: memref<128x128xf32, #tpu.memory_space<hbm>>, %arg6: memref<2x10240x128xf32, #tpu.memory_space<hbm>>, %arg7: memref<79x128xi32, #tpu.memory_space<vmem>>, %arg8: memref<40x128xi32, #tpu.memory_space<vmem>>, %arg9: memref<128x128xf32, #tpu.memory_space<vmem>>, %arg10: memref<128x128xf32, #tpu.memory_space<vmem>>, %arg11: memref<10240x128xf32, #tpu.memory_space<vmem_shared>>, %arg12: memref<!tpu.dma_semaphore, #tpu.memory_space<semaphore_mem>>, %arg13: memref<!tpu.dma_semaphore, #tpu.memory_space<semaphore_mem>>, %arg14: memref<!tpu.dma_semaphore, #tpu.memory_space<semaphore_mem>>) attributes {dimension_semantics = [#tpu.dimension_semantics<core_parallel>, #tpu.dimension_semantics<subcore_parallel>], iteration_bounds = array<i64: 2, 16>, scalar_prefetch = 0 : i64, scratch_operands = 8 : i64, tpu.core_type = #tpu.core_type<sc_vector_subcore>, window_params = [{transform_indices = #map}, {transform_indices = #map1}, {transform_indices = #map1}, {transform_indices = #map}, {transform_indices = #map1}]} {
    %mul3A = arith.constant 2 : i32
    %mul3A_0 = arith.muli %arg1, %mul3A : i32
    %add3A = arith.addi %mul3A_0, %arg0 : i32
    %dma_start3A = arith.constant 0 : i32
    %dma_start3A_1 = arith.constant 0 : i32
    %dma_start3A_2 = tpu.memref_slice %arg3[%add3A, %dma_start3A, %dma_start3A_1] : memref<32x79x128xi32, #tpu.memory_space<hbm>> -> memref<1x79x128xi32, #tpu.memory_space<hbm>>
    %dma_start3A_3 = tpu.memref_squeeze %dma_start3A_2 : memref<1x79x128xi32, #tpu.memory_space<hbm>> -> memref<79x128xi32, #tpu.memory_space<hbm>>
    %dma_start3A_4 = arith.constant 0 : i32
    %dma_start3A_5 = arith.constant 0 : i32
    %dma_start3A_6 = tpu.memref_slice %arg3[%add3A, %dma_start3A_4, %dma_start3A_5] : memref<32x79x128xi32, #tpu.memory_space<hbm>> -> memref<1x79x128xi32, #tpu.memory_space<hbm>>
    %dma_start3A_7 = tpu.memref_squeeze %dma_start3A_6 : memref<1x79x128xi32, #tpu.memory_space<hbm>> -> memref<79x128xi32, #tpu.memory_space<hbm>>
    tpu.enqueue_dma source(%dma_start3A_7 : memref<79x128xi32, #tpu.memory_space<hbm>>) target(%arg7 : memref<79x128xi32, #tpu.memory_space<vmem>>) target_semaphore(%arg12 : memref<!tpu.dma_semaphore, #tpu.memory_space<semaphore_mem>>)
    %dma_start3A_8 = arith.constant 0 : i32
    %dma_start3A_9 = arith.constant 0 : i32
    %dma_start3A_10 = tpu.memref_slice %arg8[%dma_start3A_8, %dma_start3A_9] : memref<40x128xi32, #tpu.memory_space<vmem>> -> memref<40x128xi32, #tpu.memory_space<vmem>>
    %dma_start3A_11 = arith.constant 0 : i32
    %dma_start3A_12 = arith.constant 0 : i32
    %dma_start3A_13 = tpu.memref_slice %arg4[%add3A, %dma_start3A_11, %dma_start3A_12] : memref<32x79x128xi32, #tpu.memory_space<hbm>> -> memref<1x40x128xi32, #tpu.memory_space<hbm>>
    %dma_start3A_14 = tpu.memref_squeeze %dma_start3A_13 : memref<1x40x128xi32, #tpu.memory_space<hbm>> -> memref<40x128xi32, #tpu.memory_space<hbm>>
    %dma_start3A_15 = arith.constant 0 : i32
    %dma_start3A_16 = arith.constant 0 : i32
    %dma_start3A_17 = tpu.memref_slice %arg8[%dma_start3A_15, %dma_start3A_16] : memref<40x128xi32, #tpu.memory_space<vmem>> -> memref<40x128xi32, #tpu.memory_space<vmem>>
    %dma_start3A_18 = arith.constant 0 : i32
    %dma_start3A_19 = arith.constant 0 : i32
    %dma_start3A_20 = tpu.memref_slice %arg4[%add3A, %dma_start3A_18, %dma_start3A_19] : memref<32x79x128xi32, #tpu.memory_space<hbm>> -> memref<1x40x128xi32, #tpu.memory_space<hbm>>
    %dma_start3A_21 = tpu.memref_squeeze %dma_start3A_20 : memref<1x40x128xi32, #tpu.memory_space<hbm>> -> memref<40x128xi32, #tpu.memory_space<hbm>>
    tpu.enqueue_dma source(%dma_start3A_21 : memref<40x128xi32, #tpu.memory_space<hbm>>) target(%dma_start3A_17 : memref<40x128xi32, #tpu.memory_space<vmem>>) target_semaphore(%arg13 : memref<!tpu.dma_semaphore, #tpu.memory_space<semaphore_mem>>)
    "tpu.region"() ({
      %run_scoped3A_289 = tpu.sem_alloc : memref<!tpu.dma_semaphore, #tpu.memory_space<semaphore_mem>>
      tpu.enqueue_dma source(%arg5 : memref<128x128xf32, #tpu.memory_space<hbm>>) target(%arg10 : memref<128x128xf32, #tpu.memory_space<vmem>>) target_semaphore(%run_scoped3A_289 : memref<!tpu.dma_semaphore, #tpu.memory_space<semaphore_mem>>)
      tpu.wait_dma2 semaphore(%run_scoped3A_289 : memref<!tpu.dma_semaphore, #tpu.memory_space<semaphore_mem>>) src(%arg5 : memref<128x128xf32, #tpu.memory_space<hbm>>) dst(%arg10 : memref<128x128xf32, #tpu.memory_space<vmem>>)
      tpu.yield
    }) : () -> ()
    %mul3A_22 = arith.constant 640 : i32
    %mul3A_23 = arith.muli %arg1, %mul3A_22 : i32
    %add3A_24 = arith.constant 0 : i32
    %add3A_25 = arith.addi %mul3A_23, %add3A_24 : i32
    %dma_start3A_26 = arith.constant 0 : i32
    %dma_start3A_27 = tpu.memref_slice %arg11[%add3A_25, %dma_start3A_26] : memref<10240x128xf32, #tpu.memory_space<vmem_shared>> -> memref<128x128xf32, #tpu.memory_space<vmem_shared>>
    %dma_start3A_28 = arith.constant 0 : i32
    %dma_start3A_29 = tpu.memref_slice %arg11[%add3A_25, %dma_start3A_28] : memref<10240x128xf32, #tpu.memory_space<vmem_shared>> -> memref<128x128xf32, #tpu.memory_space<vmem_shared>>
    tpu.enqueue_dma source(%arg10 : memref<128x128xf32, #tpu.memory_space<vmem>>) target(%dma_start3A_29 : memref<128x128xf32, #tpu.memory_space<vmem_shared>>) target_semaphore(%arg14 : memref<!tpu.dma_semaphore, #tpu.memory_space<semaphore_mem>>)
    %mul3A_30 = arith.constant 640 : i32
    %mul3A_31 = arith.muli %arg1, %mul3A_30 : i32
    %add3A_32 = arith.constant 128 : i32
    %add3A_33 = arith.addi %mul3A_31, %add3A_32 : i32
    %dma_start3A_34 = arith.constant 0 : i32
    %dma_start3A_35 = tpu.memref_slice %arg11[%add3A_33, %dma_start3A_34] : memref<10240x128xf32, #tpu.memory_space<vmem_shared>> -> memref<128x128xf32, #tpu.memory_space<vmem_shared>>
    %dma_start3A_36 = arith.constant 0 : i32
    %dma_start3A_37 = tpu.memref_slice %arg11[%add3A_33, %dma_start3A_36] : memref<10240x128xf32, #tpu.memory_space<vmem_shared>> -> memref<128x128xf32, #tpu.memory_space<vmem_shared>>
    tpu.enqueue_dma source(%arg10 : memref<128x128xf32, #tpu.memory_space<vmem>>) target(%dma_start3A_37 : memref<128x128xf32, #tpu.memory_space<vmem_shared>>) target_semaphore(%arg14 : memref<!tpu.dma_semaphore, #tpu.memory_space<semaphore_mem>>)
    %mul3A_38 = arith.constant 640 : i32
    %mul3A_39 = arith.muli %arg1, %mul3A_38 : i32
    %add3A_40 = arith.constant 256 : i32
    %add3A_41 = arith.addi %mul3A_39, %add3A_40 : i32
    %dma_start3A_42 = arith.constant 0 : i32
    %dma_start3A_43 = tpu.memref_slice %arg11[%add3A_41, %dma_start3A_42] : memref<10240x128xf32, #tpu.memory_space<vmem_shared>> -> memref<128x128xf32, #tpu.memory_space<vmem_shared>>
    %dma_start3A_44 = arith.constant 0 : i32
    %dma_start3A_45 = tpu.memref_slice %arg11[%add3A_41, %dma_start3A_44] : memref<10240x128xf32, #tpu.memory_space<vmem_shared>> -> memref<128x128xf32, #tpu.memory_space<vmem_shared>>
    tpu.enqueue_dma source(%arg10 : memref<128x128xf32, #tpu.memory_space<vmem>>) target(%dma_start3A_45 : memref<128x128xf32, #tpu.memory_space<vmem_shared>>) target_semaphore(%arg14 : memref<!tpu.dma_semaphore, #tpu.memory_space<semaphore_mem>>)
    %mul3A_46 = arith.constant 640 : i32
    %mul3A_47 = arith.muli %arg1, %mul3A_46 : i32
    %add3A_48 = arith.constant 384 : i32
    %add3A_49 = arith.addi %mul3A_47, %add3A_48 : i32
    %dma_start3A_50 = arith.constant 0 : i32
    %dma_start3A_51 = tpu.memref_slice %arg11[%add3A_49, %dma_start3A_50] : memref<10240x128xf32, #tpu.memory_space<vmem_shared>> -> memref<128x128xf32, #tpu.memory_space<vmem_shared>>
    %dma_start3A_52 = arith.constant 0 : i32
    %dma_start3A_53 = tpu.memref_slice %arg11[%add3A_49, %dma_start3A_52] : memref<10240x128xf32, #tpu.memory_space<vmem_shared>> -> memref<128x128xf32, #tpu.memory_space<vmem_shared>>
    tpu.enqueue_dma source(%arg10 : memref<128x128xf32, #tpu.memory_space<vmem>>) target(%dma_start3A_53 : memref<128x128xf32, #tpu.memory_space<vmem_shared>>) target_semaphore(%arg14 : memref<!tpu.dma_semaphore, #tpu.memory_space<semaphore_mem>>)
    %mul3A_54 = arith.constant 640 : i32
    %mul3A_55 = arith.muli %arg1, %mul3A_54 : i32
    %add3A_56 = arith.constant 512 : i32
    %add3A_57 = arith.addi %mul3A_55, %add3A_56 : i32
    %dma_start3A_58 = arith.constant 0 : i32
    %dma_start3A_59 = tpu.memref_slice %arg11[%add3A_57, %dma_start3A_58] : memref<10240x128xf32, #tpu.memory_space<vmem_shared>> -> memref<128x128xf32, #tpu.memory_space<vmem_shared>>
    %dma_start3A_60 = arith.constant 0 : i32
    %dma_start3A_61 = tpu.memref_slice %arg11[%add3A_57, %dma_start3A_60] : memref<10240x128xf32, #tpu.memory_space<vmem_shared>> -> memref<128x128xf32, #tpu.memory_space<vmem_shared>>
    tpu.enqueue_dma source(%arg10 : memref<128x128xf32, #tpu.memory_space<vmem>>) target(%dma_start3A_61 : memref<128x128xf32, #tpu.memory_space<vmem_shared>>) target_semaphore(%arg14 : memref<!tpu.dma_semaphore, #tpu.memory_space<semaphore_mem>>)
    %dma_wait3A = arith.constant 0 : i32
    %dma_wait3A_62 = tpu.memref_slice %arg11[%add3A_25, %dma_wait3A] : memref<10240x128xf32, #tpu.memory_space<vmem_shared>> -> memref<128x128xf32, #tpu.memory_space<vmem_shared>>
    %dma_wait3A_63 = arith.constant 0 : i32
    %dma_wait3A_64 = tpu.memref_slice %arg11[%add3A_25, %dma_wait3A_63] : memref<10240x128xf32, #tpu.memory_space<vmem_shared>> -> memref<128x128xf32, #tpu.memory_space<vmem_shared>>
    tpu.wait_dma2 semaphore(%arg14 : memref<!tpu.dma_semaphore, #tpu.memory_space<semaphore_mem>>) src(%arg10 : memref<128x128xf32, #tpu.memory_space<vmem>>) dst(%dma_wait3A_64 : memref<128x128xf32, #tpu.memory_space<vmem_shared>>)
    %dma_wait3A_65 = arith.constant 0 : i32
    %dma_wait3A_66 = tpu.memref_slice %arg11[%add3A_33, %dma_wait3A_65] : memref<10240x128xf32, #tpu.memory_space<vmem_shared>> -> memref<128x128xf32, #tpu.memory_space<vmem_shared>>
    %dma_wait3A_67 = arith.constant 0 : i32
    %dma_wait3A_68 = tpu.memref_slice %arg11[%add3A_33, %dma_wait3A_67] : memref<10240x128xf32, #tpu.memory_space<vmem_shared>> -> memref<128x128xf32, #tpu.memory_space<vmem_shared>>
    tpu.wait_dma2 semaphore(%arg14 : memref<!tpu.dma_semaphore, #tpu.memory_space<semaphore_mem>>) src(%arg10 : memref<128x128xf32, #tpu.memory_space<vmem>>) dst(%dma_wait3A_68 : memref<128x128xf32, #tpu.memory_space<vmem_shared>>)
    %dma_wait3A_69 = arith.constant 0 : i32
    %dma_wait3A_70 = tpu.memref_slice %arg11[%add3A_41, %dma_wait3A_69] : memref<10240x128xf32, #tpu.memory_space<vmem_shared>> -> memref<128x128xf32, #tpu.memory_space<vmem_shared>>
    %dma_wait3A_71 = arith.constant 0 : i32
    %dma_wait3A_72 = tpu.memref_slice %arg11[%add3A_41, %dma_wait3A_71] : memref<10240x128xf32, #tpu.memory_space<vmem_shared>> -> memref<128x128xf32, #tpu.memory_space<vmem_shared>>
    tpu.wait_dma2 semaphore(%arg14 : memref<!tpu.dma_semaphore, #tpu.memory_space<semaphore_mem>>) src(%arg10 : memref<128x128xf32, #tpu.memory_space<vmem>>) dst(%dma_wait3A_72 : memref<128x128xf32, #tpu.memory_space<vmem_shared>>)
    %dma_wait3A_73 = arith.constant 0 : i32
    %dma_wait3A_74 = tpu.memref_slice %arg11[%add3A_49, %dma_wait3A_73] : memref<10240x128xf32, #tpu.memory_space<vmem_shared>> -> memref<128x128xf32, #tpu.memory_space<vmem_shared>>
    %dma_wait3A_75 = arith.constant 0 : i32
    %dma_wait3A_76 = tpu.memref_slice %arg11[%add3A_49, %dma_wait3A_75] : memref<10240x128xf32, #tpu.memory_space<vmem_shared>> -> memref<128x128xf32, #tpu.memory_space<vmem_shared>>
    tpu.wait_dma2 semaphore(%arg14 : memref<!tpu.dma_semaphore, #tpu.memory_space<semaphore_mem>>) src(%arg10 : memref<128x128xf32, #tpu.memory_space<vmem>>) dst(%dma_wait3A_76 : memref<128x128xf32, #tpu.memory_space<vmem_shared>>)
    %dma_wait3A_77 = arith.constant 0 : i32
    %dma_wait3A_78 = tpu.memref_slice %arg11[%add3A_57, %dma_wait3A_77] : memref<10240x128xf32, #tpu.memory_space<vmem_shared>> -> memref<128x128xf32, #tpu.memory_space<vmem_shared>>
    %dma_wait3A_79 = arith.constant 0 : i32
    %dma_wait3A_80 = tpu.memref_slice %arg11[%add3A_57, %dma_wait3A_79] : memref<10240x128xf32, #tpu.memory_space<vmem_shared>> -> memref<128x128xf32, #tpu.memory_space<vmem_shared>>
    tpu.wait_dma2 semaphore(%arg14 : memref<!tpu.dma_semaphore, #tpu.memory_space<semaphore_mem>>) src(%arg10 : memref<128x128xf32, #tpu.memory_space<vmem>>) dst(%dma_wait3A_80 : memref<128x128xf32, #tpu.memory_space<vmem_shared>>)
    %dma_wait3A_81 = arith.constant 0 : i32
    %dma_wait3A_82 = arith.constant 0 : i32
    %dma_wait3A_83 = tpu.memref_slice %arg3[%add3A, %dma_wait3A_81, %dma_wait3A_82] : memref<32x79x128xi32, #tpu.memory_space<hbm>> -> memref<1x79x128xi32, #tpu.memory_space<hbm>>
    %dma_wait3A_84 = tpu.memref_squeeze %dma_wait3A_83 : memref<1x79x128xi32, #tpu.memory_space<hbm>> -> memref<79x128xi32, #tpu.memory_space<hbm>>
    %dma_wait3A_85 = arith.constant 0 : i32
    %dma_wait3A_86 = arith.constant 0 : i32
    %dma_wait3A_87 = tpu.memref_slice %arg3[%add3A, %dma_wait3A_85, %dma_wait3A_86] : memref<32x79x128xi32, #tpu.memory_space<hbm>> -> memref<1x79x128xi32, #tpu.memory_space<hbm>>
    %dma_wait3A_88 = tpu.memref_squeeze %dma_wait3A_87 : memref<1x79x128xi32, #tpu.memory_space<hbm>> -> memref<79x128xi32, #tpu.memory_space<hbm>>
    tpu.wait_dma2 semaphore(%arg12 : memref<!tpu.dma_semaphore, #tpu.memory_space<semaphore_mem>>) src(%dma_wait3A_88 : memref<79x128xi32, #tpu.memory_space<hbm>>) dst(%arg7 : memref<79x128xi32, #tpu.memory_space<vmem>>)
    %dma_wait3A_89 = arith.constant 0 : i32
    %dma_wait3A_90 = arith.constant 0 : i32
    %dma_wait3A_91 = tpu.memref_slice %arg8[%dma_wait3A_89, %dma_wait3A_90] : memref<40x128xi32, #tpu.memory_space<vmem>> -> memref<40x128xi32, #tpu.memory_space<vmem>>
    %dma_wait3A_92 = arith.constant 0 : i32
    %dma_wait3A_93 = arith.constant 0 : i32
    %dma_wait3A_94 = tpu.memref_slice %arg4[%add3A, %dma_wait3A_92, %dma_wait3A_93] : memref<32x79x128xi32, #tpu.memory_space<hbm>> -> memref<1x40x128xi32, #tpu.memory_space<hbm>>
    %dma_wait3A_95 = tpu.memref_squeeze %dma_wait3A_94 : memref<1x40x128xi32, #tpu.memory_space<hbm>> -> memref<40x128xi32, #tpu.memory_space<hbm>>
    %dma_wait3A_96 = arith.constant 0 : i32
    %dma_wait3A_97 = arith.constant 0 : i32
    %dma_wait3A_98 = tpu.memref_slice %arg8[%dma_wait3A_96, %dma_wait3A_97] : memref<40x128xi32, #tpu.memory_space<vmem>> -> memref<40x128xi32, #tpu.memory_space<vmem>>
    %dma_wait3A_99 = arith.constant 0 : i32
    %dma_wait3A_100 = arith.constant 0 : i32
    %dma_wait3A_101 = tpu.memref_slice %arg4[%add3A, %dma_wait3A_99, %dma_wait3A_100] : memref<32x79x128xi32, #tpu.memory_space<hbm>> -> memref<1x40x128xi32, #tpu.memory_space<hbm>>
    %dma_wait3A_102 = tpu.memref_squeeze %dma_wait3A_101 : memref<1x40x128xi32, #tpu.memory_space<hbm>> -> memref<40x128xi32, #tpu.memory_space<hbm>>
    tpu.wait_dma2 semaphore(%arg13 : memref<!tpu.dma_semaphore, #tpu.memory_space<semaphore_mem>>) src(%dma_wait3A_102 : memref<40x128xi32, #tpu.memory_space<hbm>>) dst(%dma_wait3A_98 : memref<40x128xi32, #tpu.memory_space<vmem>>)
    %barrier3A = arith.constant 0 : index
    tpu.barrier barrier_id(%barrier3A)
    %dma_start3A_103 = arith.constant 0 : i32
    %dma_start3A_104 = arith.constant 0 : i32
    %dma_start3A_105 = tpu.memref_slice %arg7[%dma_start3A_103, %dma_start3A_104] : memref<79x128xi32, #tpu.memory_space<vmem>> -> memref<1x128xi32, #tpu.memory_space<vmem>>
    %dma_start3A_106 = tpu.memref_squeeze %dma_start3A_105 : memref<1x128xi32, #tpu.memory_space<vmem>> -> memref<128xi32, #tpu.memory_space<vmem>>
    %dma_start3A_107 = arith.constant 0 : i32
    %dma_start3A_108 = arith.constant 0 : i32
    %dma_start3A_109 = tpu.memref_slice %arg2[%dma_start3A_107, %dma_start3A_108] : memref<10000x128xf32, #tpu.memory_space<hbm>> -> memref<10000x128xf32, #tpu.memory_space<hbm>>
    tpu.enqueue_indirect_dma source(%dma_start3A_109 : memref<10000x128xf32, #tpu.memory_space<hbm>>) target(%arg9 : memref<128x128xf32, #tpu.memory_space<vmem>>) offsets(%dma_start3A_106 : memref<128xi32, #tpu.memory_space<vmem>>) semaphore(%arg12 : memref<!tpu.dma_semaphore, #tpu.memory_space<semaphore_mem>>)
    %dma_start3A_110 = arith.constant 1 : i32
    %dma_start3A_111 = arith.constant 0 : i32
    %dma_start3A_112 = tpu.memref_slice %arg7[%dma_start3A_110, %dma_start3A_111] : memref<79x128xi32, #tpu.memory_space<vmem>> -> memref<1x128xi32, #tpu.memory_space<vmem>>
    %dma_start3A_113 = tpu.memref_squeeze %dma_start3A_112 : memref<1x128xi32, #tpu.memory_space<vmem>> -> memref<128xi32, #tpu.memory_space<vmem>>
    %dma_start3A_114 = arith.constant 0 : i32
    %dma_start3A_115 = arith.constant 0 : i32
    %dma_start3A_116 = tpu.memref_slice %arg2[%dma_start3A_114, %dma_start3A_115] : memref<10000x128xf32, #tpu.memory_space<hbm>> -> memref<10000x128xf32, #tpu.memory_space<hbm>>
    tpu.enqueue_indirect_dma source(%dma_start3A_116 : memref<10000x128xf32, #tpu.memory_space<hbm>>) target(%arg10 : memref<128x128xf32, #tpu.memory_space<vmem>>) offsets(%dma_start3A_113 : memref<128xi32, #tpu.memory_space<vmem>>) semaphore(%arg14 : memref<!tpu.dma_semaphore, #tpu.memory_space<semaphore_mem>>)
    %scan3A = arith.constant 0 : i32
    %scan3A_117 = arith.constant 0 : i32
    %scan3A_118 = arith.constant 19 : i32
    %scan3A_119 = arith.addi %scan3A_117, %scan3A_118 : i32
    %scan3A_120 = arith.constant 1 : i32
    scf.for %scan3A_289 = %scan3A_117 to %scan3A_119 step %scan3A_120  : i32 {
      %mul3A_290 = arith.constant 2 : i32
      %mul3A_291 = arith.muli %mul3A_290, %scan3A_289 : i32
      %dma_wait3A_292 = arith.constant 0 : i32
      %dma_wait3A_293 = tpu.memref_slice %arg7[%mul3A_291, %dma_wait3A_292] : memref<79x128xi32, #tpu.memory_space<vmem>> -> memref<1x128xi32, #tpu.memory_space<vmem>>
      %dma_wait3A_294 = tpu.memref_squeeze %dma_wait3A_293 : memref<1x128xi32, #tpu.memory_space<vmem>> -> memref<128xi32, #tpu.memory_space<vmem>>
      %dma_wait3A_295 = arith.constant 0 : i32
      %dma_wait3A_296 = arith.constant 0 : i32
      %dma_wait3A_297 = tpu.memref_slice %arg2[%dma_wait3A_295, %dma_wait3A_296] : memref<10000x128xf32, #tpu.memory_space<hbm>> -> memref<10000x128xf32, #tpu.memory_space<hbm>>
      tpu.wait_indirect_dma semaphore(%arg12 : memref<!tpu.dma_semaphore, #tpu.memory_space<semaphore_mem>>) src(%dma_wait3A_297 : memref<10000x128xf32, #tpu.memory_space<hbm>>) dst(%arg9 : memref<128x128xf32, #tpu.memory_space<vmem>>)
      "tpu.region"() ({
        %run_scoped3A_324 = tpu.sem_alloc : memref<!tpu.dma_semaphore, #tpu.memory_space<semaphore_mem>>
        %dma_start3A_325 = arith.constant 0 : i32
        %dma_start3A_326 = tpu.memref_slice %arg8[%mul3A_291, %dma_start3A_325] : memref<40x128xi32, #tpu.memory_space<vmem>> -> memref<1x128xi32, #tpu.memory_space<vmem>>
        %dma_start3A_327 = tpu.memref_squeeze %dma_start3A_326 : memref<1x128xi32, #tpu.memory_space<vmem>> -> memref<128xi32, #tpu.memory_space<vmem>>
        %dma_start3A_328 = arith.constant 0 : i32
        %dma_start3A_329 = arith.constant 0 : i32
        %dma_start3A_330 = tpu.memref_slice %arg11[%dma_start3A_328, %dma_start3A_329] : memref<10240x128xf32, #tpu.memory_space<vmem_shared>> -> memref<10240x128xf32, #tpu.memory_space<vmem_shared>>
        tpu.enqueue_indirect_dma source(%arg9 : memref<128x128xf32, #tpu.memory_space<vmem>>) target(%dma_start3A_330 : memref<10240x128xf32, #tpu.memory_space<vmem_shared>>) offsets(%dma_start3A_327 : memref<128xi32, #tpu.memory_space<vmem>>) semaphore(%run_scoped3A_324 : memref<!tpu.dma_semaphore, #tpu.memory_space<semaphore_mem>>) {add = true}
        %dma_wait3A_331 = arith.constant 0 : i32
        %dma_wait3A_332 = tpu.memref_slice %arg8[%mul3A_291, %dma_wait3A_331] : memref<40x128xi32, #tpu.memory_space<vmem>> -> memref<1x128xi32, #tpu.memory_space<vmem>>
        %dma_wait3A_333 = tpu.memref_squeeze %dma_wait3A_332 : memref<1x128xi32, #tpu.memory_space<vmem>> -> memref<128xi32, #tpu.memory_space<vmem>>
        %dma_wait3A_334 = arith.constant 0 : i32
        %dma_wait3A_335 = arith.constant 0 : i32
        %dma_wait3A_336 = tpu.memref_slice %arg11[%dma_wait3A_334, %dma_wait3A_335] : memref<10240x128xf32, #tpu.memory_space<vmem_shared>> -> memref<10240x128xf32, #tpu.memory_space<vmem_shared>>
        tpu.wait_indirect_dma semaphore(%run_scoped3A_324 : memref<!tpu.dma_semaphore, #tpu.memory_space<semaphore_mem>>) src(%arg9 : memref<128x128xf32, #tpu.memory_space<vmem>>) dst(%dma_wait3A_336 : memref<10240x128xf32, #tpu.memory_space<vmem_shared>>)
        tpu.yield
      }) : () -> ()
      %add3A_298 = arith.constant 2 : i32
      %add3A_299 = arith.addi %mul3A_291, %add3A_298 : i32
      %dma_start3A_300 = arith.constant 0 : i32
      %dma_start3A_301 = tpu.memref_slice %arg7[%add3A_299, %dma_start3A_300] : memref<79x128xi32, #tpu.memory_space<vmem>> -> memref<1x128xi32, #tpu.memory_space<vmem>>
      %dma_start3A_302 = tpu.memref_squeeze %dma_start3A_301 : memref<1x128xi32, #tpu.memory_space<vmem>> -> memref<128xi32, #tpu.memory_space<vmem>>
      %dma_start3A_303 = arith.constant 0 : i32
      %dma_start3A_304 = arith.constant 0 : i32
      %dma_start3A_305 = tpu.memref_slice %arg2[%dma_start3A_303, %dma_start3A_304] : memref<10000x128xf32, #tpu.memory_space<hbm>> -> memref<10000x128xf32, #tpu.memory_space<hbm>>
      tpu.enqueue_indirect_dma source(%dma_start3A_305 : memref<10000x128xf32, #tpu.memory_space<hbm>>) target(%arg9 : memref<128x128xf32, #tpu.memory_space<vmem>>) offsets(%dma_start3A_302 : memref<128xi32, #tpu.memory_space<vmem>>) semaphore(%arg12 : memref<!tpu.dma_semaphore, #tpu.memory_space<semaphore_mem>>)
      %add3A_306 = arith.constant 1 : i32
      %add3A_307 = arith.addi %mul3A_291, %add3A_306 : i32
      %dma_wait3A_308 = arith.constant 0 : i32
      %dma_wait3A_309 = tpu.memref_slice %arg7[%add3A_307, %dma_wait3A_308] : memref<79x128xi32, #tpu.memory_space<vmem>> -> memref<1x128xi32, #tpu.memory_space<vmem>>
      %dma_wait3A_310 = tpu.memref_squeeze %dma_wait3A_309 : memref<1x128xi32, #tpu.memory_space<vmem>> -> memref<128xi32, #tpu.memory_space<vmem>>
      %dma_wait3A_311 = arith.constant 0 : i32
      %dma_wait3A_312 = arith.constant 0 : i32
      %dma_wait3A_313 = tpu.memref_slice %arg2[%dma_wait3A_311, %dma_wait3A_312] : memref<10000x128xf32, #tpu.memory_space<hbm>> -> memref<10000x128xf32, #tpu.memory_space<hbm>>
      tpu.wait_indirect_dma semaphore(%arg14 : memref<!tpu.dma_semaphore, #tpu.memory_space<semaphore_mem>>) src(%dma_wait3A_313 : memref<10000x128xf32, #tpu.memory_space<hbm>>) dst(%arg10 : memref<128x128xf32, #tpu.memory_space<vmem>>)
      %add3A_314 = arith.constant 1 : i32
      %add3A_315 = arith.addi %mul3A_291, %add3A_314 : i32
      "tpu.region"() ({
        %run_scoped3A_324 = tpu.sem_alloc : memref<!tpu.dma_semaphore, #tpu.memory_space<semaphore_mem>>
        %dma_start3A_325 = arith.constant 0 : i32
        %dma_start3A_326 = tpu.memref_slice %arg8[%add3A_315, %dma_start3A_325] : memref<40x128xi32, #tpu.memory_space<vmem>> -> memref<1x128xi32, #tpu.memory_space<vmem>>
        %dma_start3A_327 = tpu.memref_squeeze %dma_start3A_326 : memref<1x128xi32, #tpu.memory_space<vmem>> -> memref<128xi32, #tpu.memory_space<vmem>>
        %dma_start3A_328 = arith.constant 0 : i32
        %dma_start3A_329 = arith.constant 0 : i32
        %dma_start3A_330 = tpu.memref_slice %arg11[%dma_start3A_328, %dma_start3A_329] : memref<10240x128xf32, #tpu.memory_space<vmem_shared>> -> memref<10240x128xf32, #tpu.memory_space<vmem_shared>>
        tpu.enqueue_indirect_dma source(%arg10 : memref<128x128xf32, #tpu.memory_space<vmem>>) target(%dma_start3A_330 : memref<10240x128xf32, #tpu.memory_space<vmem_shared>>) offsets(%dma_start3A_327 : memref<128xi32, #tpu.memory_space<vmem>>) semaphore(%run_scoped3A_324 : memref<!tpu.dma_semaphore, #tpu.memory_space<semaphore_mem>>) {add = true}
        %dma_wait3A_331 = arith.constant 0 : i32
        %dma_wait3A_332 = tpu.memref_slice %arg8[%add3A_315, %dma_wait3A_331] : memref<40x128xi32, #tpu.memory_space<vmem>> -> memref<1x128xi32, #tpu.memory_space<vmem>>
        %dma_wait3A_333 = tpu.memref_squeeze %dma_wait3A_332 : memref<1x128xi32, #tpu.memory_space<vmem>> -> memref<128xi32, #tpu.memory_space<vmem>>
        %dma_wait3A_334 = arith.constant 0 : i32
        %dma_wait3A_335 = arith.constant 0 : i32
        %dma_wait3A_336 = tpu.memref_slice %arg11[%dma_wait3A_334, %dma_wait3A_335] : memref<10240x128xf32, #tpu.memory_space<vmem_shared>> -> memref<10240x128xf32, #tpu.memory_space<vmem_shared>>
        tpu.wait_indirect_dma semaphore(%run_scoped3A_324 : memref<!tpu.dma_semaphore, #tpu.memory_space<semaphore_mem>>) src(%arg10 : memref<128x128xf32, #tpu.memory_space<vmem>>) dst(%dma_wait3A_336 : memref<10240x128xf32, #tpu.memory_space<vmem_shared>>)
        tpu.yield
      }) : () -> ()
      %add3A_316 = arith.constant 3 : i32
      %add3A_317 = arith.addi %mul3A_291, %add3A_316 : i32
      %dma_start3A_318 = arith.constant 0 : i32
      %dma_start3A_319 = tpu.memref_slice %arg7[%add3A_317, %dma_start3A_318] : memref<79x128xi32, #tpu.memory_space<vmem>> -> memref<1x128xi32, #tpu.memory_space<vmem>>
      %dma_start3A_320 = tpu.memref_squeeze %dma_start3A_319 : memref<1x128xi32, #tpu.memory_space<vmem>> -> memref<128xi32, #tpu.memory_space<vmem>>
      %dma_start3A_321 = arith.constant 0 : i32
      %dma_start3A_322 = arith.constant 0 : i32
      %dma_start3A_323 = tpu.memref_slice %arg2[%dma_start3A_321, %dma_start3A_322] : memref<10000x128xf32, #tpu.memory_space<hbm>> -> memref<10000x128xf32, #tpu.memory_space<hbm>>
      tpu.enqueue_indirect_dma source(%dma_start3A_323 : memref<10000x128xf32, #tpu.memory_space<hbm>>) target(%arg10 : memref<128x128xf32, #tpu.memory_space<vmem>>) offsets(%dma_start3A_320 : memref<128xi32, #tpu.memory_space<vmem>>) semaphore(%arg14 : memref<!tpu.dma_semaphore, #tpu.memory_space<semaphore_mem>>)
    }
    %scan3A_121 = arith.constant 19 : i32
    %dma_wait3A_122 = arith.constant 38 : i32
    %dma_wait3A_123 = arith.constant 0 : i32
    %dma_wait3A_124 = tpu.memref_slice %arg7[%dma_wait3A_122, %dma_wait3A_123] : memref<79x128xi32, #tpu.memory_space<vmem>> -> memref<1x128xi32, #tpu.memory_space<vmem>>
    %dma_wait3A_125 = tpu.memref_squeeze %dma_wait3A_124 : memref<1x128xi32, #tpu.memory_space<vmem>> -> memref<128xi32, #tpu.memory_space<vmem>>
    %dma_wait3A_126 = arith.constant 0 : i32
    %dma_wait3A_127 = arith.constant 0 : i32
    %dma_wait3A_128 = tpu.memref_slice %arg2[%dma_wait3A_126, %dma_wait3A_127] : memref<10000x128xf32, #tpu.memory_space<hbm>> -> memref<10000x128xf32, #tpu.memory_space<hbm>>
    tpu.wait_indirect_dma semaphore(%arg12 : memref<!tpu.dma_semaphore, #tpu.memory_space<semaphore_mem>>) src(%dma_wait3A_128 : memref<10000x128xf32, #tpu.memory_space<hbm>>) dst(%arg9 : memref<128x128xf32, #tpu.memory_space<vmem>>)
    %run_scoped3A = arith.constant 38 : i32
    "tpu.region"() ({
      %run_scoped3A_289 = tpu.sem_alloc : memref<!tpu.dma_semaphore, #tpu.memory_space<semaphore_mem>>
      %dma_start3A_290 = arith.constant 0 : i32
      %dma_start3A_291 = tpu.memref_slice %arg8[%run_scoped3A, %dma_start3A_290] : memref<40x128xi32, #tpu.memory_space<vmem>> -> memref<1x128xi32, #tpu.memory_space<vmem>>
      %dma_start3A_292 = tpu.memref_squeeze %dma_start3A_291 : memref<1x128xi32, #tpu.memory_space<vmem>> -> memref<128xi32, #tpu.memory_space<vmem>>
      %dma_start3A_293 = arith.constant 0 : i32
      %dma_start3A_294 = arith.constant 0 : i32
      %dma_start3A_295 = tpu.memref_slice %arg11[%dma_start3A_293, %dma_start3A_294] : memref<10240x128xf32, #tpu.memory_space<vmem_shared>> -> memref<10240x128xf32, #tpu.memory_space<vmem_shared>>
      tpu.enqueue_indirect_dma source(%arg9 : memref<128x128xf32, #tpu.memory_space<vmem>>) target(%dma_start3A_295 : memref<10240x128xf32, #tpu.memory_space<vmem_shared>>) offsets(%dma_start3A_292 : memref<128xi32, #tpu.memory_space<vmem>>) semaphore(%run_scoped3A_289 : memref<!tpu.dma_semaphore, #tpu.memory_space<semaphore_mem>>) {add = true}
      %dma_wait3A_296 = arith.constant 0 : i32
      %dma_wait3A_297 = tpu.memref_slice %arg8[%run_scoped3A, %dma_wait3A_296] : memref<40x128xi32, #tpu.memory_space<vmem>> -> memref<1x128xi32, #tpu.memory_space<vmem>>
      %dma_wait3A_298 = tpu.memref_squeeze %dma_wait3A_297 : memref<1x128xi32, #tpu.memory_space<vmem>> -> memref<128xi32, #tpu.memory_space<vmem>>
      %dma_wait3A_299 = arith.constant 0 : i32
      %dma_wait3A_300 = arith.constant 0 : i32
      %dma_wait3A_301 = tpu.memref_slice %arg11[%dma_wait3A_299, %dma_wait3A_300] : memref<10240x128xf32, #tpu.memory_space<vmem_shared>> -> memref<10240x128xf32, #tpu.memory_space<vmem_shared>>
      tpu.wait_indirect_dma semaphore(%run_scoped3A_289 : memref<!tpu.dma_semaphore, #tpu.memory_space<semaphore_mem>>) src(%arg9 : memref<128x128xf32, #tpu.memory_space<vmem>>) dst(%dma_wait3A_301 : memref<10240x128xf32, #tpu.memory_space<vmem_shared>>)
      tpu.yield
    }) : () -> ()
    %dma_start3A_129 = arith.constant 40 : i32
    %dma_start3A_130 = arith.constant 0 : i32
    %dma_start3A_131 = tpu.memref_slice %arg7[%dma_start3A_129, %dma_start3A_130] : memref<79x128xi32, #tpu.memory_space<vmem>> -> memref<1x128xi32, #tpu.memory_space<vmem>>
    %dma_start3A_132 = tpu.memref_squeeze %dma_start3A_131 : memref<1x128xi32, #tpu.memory_space<vmem>> -> memref<128xi32, #tpu.memory_space<vmem>>
    %dma_start3A_133 = arith.constant 0 : i32
    %dma_start3A_134 = arith.constant 0 : i32
    %dma_start3A_135 = tpu.memref_slice %arg2[%dma_start3A_133, %dma_start3A_134] : memref<10000x128xf32, #tpu.memory_space<hbm>> -> memref<10000x128xf32, #tpu.memory_space<hbm>>
    tpu.enqueue_indirect_dma source(%dma_start3A_135 : memref<10000x128xf32, #tpu.memory_space<hbm>>) target(%arg9 : memref<128x128xf32, #tpu.memory_space<vmem>>) offsets(%dma_start3A_132 : memref<128xi32, #tpu.memory_space<vmem>>) semaphore(%arg12 : memref<!tpu.dma_semaphore, #tpu.memory_space<semaphore_mem>>)
    %dma_wait3A_136 = arith.constant 39 : i32
    %dma_wait3A_137 = arith.constant 0 : i32
    %dma_wait3A_138 = tpu.memref_slice %arg7[%dma_wait3A_136, %dma_wait3A_137] : memref<79x128xi32, #tpu.memory_space<vmem>> -> memref<1x128xi32, #tpu.memory_space<vmem>>
    %dma_wait3A_139 = tpu.memref_squeeze %dma_wait3A_138 : memref<1x128xi32, #tpu.memory_space<vmem>> -> memref<128xi32, #tpu.memory_space<vmem>>
    %dma_wait3A_140 = arith.constant 0 : i32
    %dma_wait3A_141 = arith.constant 0 : i32
    %dma_wait3A_142 = tpu.memref_slice %arg2[%dma_wait3A_140, %dma_wait3A_141] : memref<10000x128xf32, #tpu.memory_space<hbm>> -> memref<10000x128xf32, #tpu.memory_space<hbm>>
    tpu.wait_indirect_dma semaphore(%arg14 : memref<!tpu.dma_semaphore, #tpu.memory_space<semaphore_mem>>) src(%dma_wait3A_142 : memref<10000x128xf32, #tpu.memory_space<hbm>>) dst(%arg10 : memref<128x128xf32, #tpu.memory_space<vmem>>)
    %run_scoped3A_143 = arith.constant 39 : i32
    "tpu.region"() ({
      %run_scoped3A_289 = tpu.sem_alloc : memref<!tpu.dma_semaphore, #tpu.memory_space<semaphore_mem>>
      %dma_start3A_290 = arith.constant 0 : i32
      %dma_start3A_291 = tpu.memref_slice %arg8[%run_scoped3A_143, %dma_start3A_290] : memref<40x128xi32, #tpu.memory_space<vmem>> -> memref<1x128xi32, #tpu.memory_space<vmem>>
      %dma_start3A_292 = tpu.memref_squeeze %dma_start3A_291 : memref<1x128xi32, #tpu.memory_space<vmem>> -> memref<128xi32, #tpu.memory_space<vmem>>
      %dma_start3A_293 = arith.constant 0 : i32
      %dma_start3A_294 = arith.constant 0 : i32
      %dma_start3A_295 = tpu.memref_slice %arg11[%dma_start3A_293, %dma_start3A_294] : memref<10240x128xf32, #tpu.memory_space<vmem_shared>> -> memref<10240x128xf32, #tpu.memory_space<vmem_shared>>
      tpu.enqueue_indirect_dma source(%arg10 : memref<128x128xf32, #tpu.memory_space<vmem>>) target(%dma_start3A_295 : memref<10240x128xf32, #tpu.memory_space<vmem_shared>>) offsets(%dma_start3A_292 : memref<128xi32, #tpu.memory_space<vmem>>) semaphore(%run_scoped3A_289 : memref<!tpu.dma_semaphore, #tpu.memory_space<semaphore_mem>>) {add = true}
      %dma_wait3A_296 = arith.constant 0 : i32
      %dma_wait3A_297 = tpu.memref_slice %arg8[%run_scoped3A_143, %dma_wait3A_296] : memref<40x128xi32, #tpu.memory_space<vmem>> -> memref<1x128xi32, #tpu.memory_space<vmem>>
      %dma_wait3A_298 = tpu.memref_squeeze %dma_wait3A_297 : memref<1x128xi32, #tpu.memory_space<vmem>> -> memref<128xi32, #tpu.memory_space<vmem>>
      %dma_wait3A_299 = arith.constant 0 : i32
      %dma_wait3A_300 = arith.constant 0 : i32
      %dma_wait3A_301 = tpu.memref_slice %arg11[%dma_wait3A_299, %dma_wait3A_300] : memref<10240x128xf32, #tpu.memory_space<vmem_shared>> -> memref<10240x128xf32, #tpu.memory_space<vmem_shared>>
      tpu.wait_indirect_dma semaphore(%run_scoped3A_289 : memref<!tpu.dma_semaphore, #tpu.memory_space<semaphore_mem>>) src(%arg10 : memref<128x128xf32, #tpu.memory_space<vmem>>) dst(%dma_wait3A_301 : memref<10240x128xf32, #tpu.memory_space<vmem_shared>>)
      tpu.yield
    }) : () -> ()
    %dma_start3A_144 = arith.constant 41 : i32
    %dma_start3A_145 = arith.constant 0 : i32
    %dma_start3A_146 = tpu.memref_slice %arg7[%dma_start3A_144, %dma_start3A_145] : memref<79x128xi32, #tpu.memory_space<vmem>> -> memref<1x128xi32, #tpu.memory_space<vmem>>
    %dma_start3A_147 = tpu.memref_squeeze %dma_start3A_146 : memref<1x128xi32, #tpu.memory_space<vmem>> -> memref<128xi32, #tpu.memory_space<vmem>>
    %dma_start3A_148 = arith.constant 0 : i32
    %dma_start3A_149 = arith.constant 0 : i32
    %dma_start3A_150 = tpu.memref_slice %arg2[%dma_start3A_148, %dma_start3A_149] : memref<10000x128xf32, #tpu.memory_space<hbm>> -> memref<10000x128xf32, #tpu.memory_space<hbm>>
    tpu.enqueue_indirect_dma source(%dma_start3A_150 : memref<10000x128xf32, #tpu.memory_space<hbm>>) target(%arg10 : memref<128x128xf32, #tpu.memory_space<vmem>>) offsets(%dma_start3A_147 : memref<128xi32, #tpu.memory_space<vmem>>) semaphore(%arg14 : memref<!tpu.dma_semaphore, #tpu.memory_space<semaphore_mem>>)
    "tpu.region"() ({
      %run_scoped3A_289 = tpu.sem_alloc : memref<!tpu.dma_semaphore, #tpu.memory_space<semaphore_mem>>
      %dma_start3A_290 = arith.constant 0 : i32
      %dma_start3A_291 = arith.constant 0 : i32
      %dma_start3A_292 = tpu.memref_slice %arg8[%dma_start3A_290, %dma_start3A_291] : memref<40x128xi32, #tpu.memory_space<vmem>> -> memref<39x128xi32, #tpu.memory_space<vmem>>
      %dma_start3A_293 = arith.constant 40 : i32
      %dma_start3A_294 = arith.constant 0 : i32
      %dma_start3A_295 = tpu.memref_slice %arg4[%add3A, %dma_start3A_293, %dma_start3A_294] : memref<32x79x128xi32, #tpu.memory_space<hbm>> -> memref<1x39x128xi32, #tpu.memory_space<hbm>>
      %dma_start3A_296 = tpu.memref_squeeze %dma_start3A_295 : memref<1x39x128xi32, #tpu.memory_space<hbm>> -> memref<39x128xi32, #tpu.memory_space<hbm>>
      %dma_start3A_297 = arith.constant 0 : i32
      %dma_start3A_298 = arith.constant 0 : i32
      %dma_start3A_299 = tpu.memref_slice %arg8[%dma_start3A_297, %dma_start3A_298] : memref<40x128xi32, #tpu.memory_space<vmem>> -> memref<39x128xi32, #tpu.memory_space<vmem>>
      %dma_start3A_300 = arith.constant 40 : i32
      %dma_start3A_301 = arith.constant 0 : i32
      %dma_start3A_302 = tpu.memref_slice %arg4[%add3A, %dma_start3A_300, %dma_start3A_301] : memref<32x79x128xi32, #tpu.memory_space<hbm>> -> memref<1x39x128xi32, #tpu.memory_space<hbm>>
      %dma_start3A_303 = tpu.memref_squeeze %dma_start3A_302 : memref<1x39x128xi32, #tpu.memory_space<hbm>> -> memref<39x128xi32, #tpu.memory_space<hbm>>
      tpu.enqueue_dma source(%dma_start3A_303 : memref<39x128xi32, #tpu.memory_space<hbm>>) target(%dma_start3A_299 : memref<39x128xi32, #tpu.memory_space<vmem>>) target_semaphore(%run_scoped3A_289 : memref<!tpu.dma_semaphore, #tpu.memory_space<semaphore_mem>>)
      %dma_wait3A_304 = arith.constant 0 : i32
      %dma_wait3A_305 = arith.constant 0 : i32
      %dma_wait3A_306 = tpu.memref_slice %arg8[%dma_wait3A_304, %dma_wait3A_305] : memref<40x128xi32, #tpu.memory_space<vmem>> -> memref<39x128xi32, #tpu.memory_space<vmem>>
      %dma_wait3A_307 = arith.constant 40 : i32
      %dma_wait3A_308 = arith.constant 0 : i32
      %dma_wait3A_309 = tpu.memref_slice %arg4[%add3A, %dma_wait3A_307, %dma_wait3A_308] : memref<32x79x128xi32, #tpu.memory_space<hbm>> -> memref<1x39x128xi32, #tpu.memory_space<hbm>>
      %dma_wait3A_310 = tpu.memref_squeeze %dma_wait3A_309 : memref<1x39x128xi32, #tpu.memory_space<hbm>> -> memref<39x128xi32, #tpu.memory_space<hbm>>
      %dma_wait3A_311 = arith.constant 0 : i32
      %dma_wait3A_312 = arith.constant 0 : i32
      %dma_wait3A_313 = tpu.memref_slice %arg8[%dma_wait3A_311, %dma_wait3A_312] : memref<40x128xi32, #tpu.memory_space<vmem>> -> memref<39x128xi32, #tpu.memory_space<vmem>>
      %dma_wait3A_314 = arith.constant 40 : i32
      %dma_wait3A_315 = arith.constant 0 : i32
      %dma_wait3A_316 = tpu.memref_slice %arg4[%add3A, %dma_wait3A_314, %dma_wait3A_315] : memref<32x79x128xi32, #tpu.memory_space<hbm>> -> memref<1x39x128xi32, #tpu.memory_space<hbm>>
      %dma_wait3A_317 = tpu.memref_squeeze %dma_wait3A_316 : memref<1x39x128xi32, #tpu.memory_space<hbm>> -> memref<39x128xi32, #tpu.memory_space<hbm>>
      tpu.wait_dma2 semaphore(%run_scoped3A_289 : memref<!tpu.dma_semaphore, #tpu.memory_space<semaphore_mem>>) src(%dma_wait3A_317 : memref<39x128xi32, #tpu.memory_space<hbm>>) dst(%dma_wait3A_313 : memref<39x128xi32, #tpu.memory_space<vmem>>)
      tpu.yield
    }) : () -> ()
    %scan3A_151 = arith.constant 0 : i32
    %scan3A_152 = arith.constant 0 : i32
    %scan3A_153 = arith.constant 18 : i32
    %scan3A_154 = arith.addi %scan3A_152, %scan3A_153 : i32
    %scan3A_155 = arith.constant 1 : i32
    scf.for %scan3A_289 = %scan3A_152 to %scan3A_154 step %scan3A_155  : i32 {
      %mul3A_290 = arith.constant 2 : i32
      %mul3A_291 = arith.muli %mul3A_290, %scan3A_289 : i32
      %add3A_292 = arith.constant 40 : i32
      %add3A_293 = arith.addi %add3A_292, %mul3A_291 : i32
      %dma_wait3A_294 = arith.constant 0 : i32
      %dma_wait3A_295 = tpu.memref_slice %arg7[%add3A_293, %dma_wait3A_294] : memref<79x128xi32, #tpu.memory_space<vmem>> -> memref<1x128xi32, #tpu.memory_space<vmem>>
      %dma_wait3A_296 = tpu.memref_squeeze %dma_wait3A_295 : memref<1x128xi32, #tpu.memory_space<vmem>> -> memref<128xi32, #tpu.memory_space<vmem>>
      %dma_wait3A_297 = arith.constant 0 : i32
      %dma_wait3A_298 = arith.constant 0 : i32
      %dma_wait3A_299 = tpu.memref_slice %arg2[%dma_wait3A_297, %dma_wait3A_298] : memref<10000x128xf32, #tpu.memory_space<hbm>> -> memref<10000x128xf32, #tpu.memory_space<hbm>>
      tpu.wait_indirect_dma semaphore(%arg12 : memref<!tpu.dma_semaphore, #tpu.memory_space<semaphore_mem>>) src(%dma_wait3A_299 : memref<10000x128xf32, #tpu.memory_space<hbm>>) dst(%arg9 : memref<128x128xf32, #tpu.memory_space<vmem>>)
      %sub3A = arith.constant 40 : i32
      %sub3A_300 = arith.subi %add3A_293, %sub3A : i32
      "tpu.region"() ({
        %run_scoped3A_329 = tpu.sem_alloc : memref<!tpu.dma_semaphore, #tpu.memory_space<semaphore_mem>>
        %dma_start3A_330 = arith.constant 0 : i32
        %dma_start3A_331 = tpu.memref_slice %arg8[%sub3A_300, %dma_start3A_330] : memref<40x128xi32, #tpu.memory_space<vmem>> -> memref<1x128xi32, #tpu.memory_space<vmem>>
        %dma_start3A_332 = tpu.memref_squeeze %dma_start3A_331 : memref<1x128xi32, #tpu.memory_space<vmem>> -> memref<128xi32, #tpu.memory_space<vmem>>
        %dma_start3A_333 = arith.constant 0 : i32
        %dma_start3A_334 = arith.constant 0 : i32
        %dma_start3A_335 = tpu.memref_slice %arg11[%dma_start3A_333, %dma_start3A_334] : memref<10240x128xf32, #tpu.memory_space<vmem_shared>> -> memref<10240x128xf32, #tpu.memory_space<vmem_shared>>
        tpu.enqueue_indirect_dma source(%arg9 : memref<128x128xf32, #tpu.memory_space<vmem>>) target(%dma_start3A_335 : memref<10240x128xf32, #tpu.memory_space<vmem_shared>>) offsets(%dma_start3A_332 : memref<128xi32, #tpu.memory_space<vmem>>) semaphore(%run_scoped3A_329 : memref<!tpu.dma_semaphore, #tpu.memory_space<semaphore_mem>>) {add = true}
        %dma_wait3A_336 = arith.constant 0 : i32
        %dma_wait3A_337 = tpu.memref_slice %arg8[%sub3A_300, %dma_wait3A_336] : memref<40x128xi32, #tpu.memory_space<vmem>> -> memref<1x128xi32, #tpu.memory_space<vmem>>
        %dma_wait3A_338 = tpu.memref_squeeze %dma_wait3A_337 : memref<1x128xi32, #tpu.memory_space<vmem>> -> memref<128xi32, #tpu.memory_space<vmem>>
        %dma_wait3A_339 = arith.constant 0 : i32
        %dma_wait3A_340 = arith.constant 0 : i32
        %dma_wait3A_341 = tpu.memref_slice %arg11[%dma_wait3A_339, %dma_wait3A_340] : memref<10240x128xf32, #tpu.memory_space<vmem_shared>> -> memref<10240x128xf32, #tpu.memory_space<vmem_shared>>
        tpu.wait_indirect_dma semaphore(%run_scoped3A_329 : memref<!tpu.dma_semaphore, #tpu.memory_space<semaphore_mem>>) src(%arg9 : memref<128x128xf32, #tpu.memory_space<vmem>>) dst(%dma_wait3A_341 : memref<10240x128xf32, #tpu.memory_space<vmem_shared>>)
        tpu.yield
      }) : () -> ()
      %add3A_301 = arith.constant 2 : i32
      %add3A_302 = arith.addi %add3A_293, %add3A_301 : i32
      %dma_start3A_303 = arith.constant 0 : i32
      %dma_start3A_304 = tpu.memref_slice %arg7[%add3A_302, %dma_start3A_303] : memref<79x128xi32, #tpu.memory_space<vmem>> -> memref<1x128xi32, #tpu.memory_space<vmem>>
      %dma_start3A_305 = tpu.memref_squeeze %dma_start3A_304 : memref<1x128xi32, #tpu.memory_space<vmem>> -> memref<128xi32, #tpu.memory_space<vmem>>
      %dma_start3A_306 = arith.constant 0 : i32
      %dma_start3A_307 = arith.constant 0 : i32
      %dma_start3A_308 = tpu.memref_slice %arg2[%dma_start3A_306, %dma_start3A_307] : memref<10000x128xf32, #tpu.memory_space<hbm>> -> memref<10000x128xf32, #tpu.memory_space<hbm>>
      tpu.enqueue_indirect_dma source(%dma_start3A_308 : memref<10000x128xf32, #tpu.memory_space<hbm>>) target(%arg9 : memref<128x128xf32, #tpu.memory_space<vmem>>) offsets(%dma_start3A_305 : memref<128xi32, #tpu.memory_space<vmem>>) semaphore(%arg12 : memref<!tpu.dma_semaphore, #tpu.memory_space<semaphore_mem>>)
      %add3A_309 = arith.constant 1 : i32
      %add3A_310 = arith.addi %add3A_293, %add3A_309 : i32
      %dma_wait3A_311 = arith.constant 0 : i32
      %dma_wait3A_312 = tpu.memref_slice %arg7[%add3A_310, %dma_wait3A_311] : memref<79x128xi32, #tpu.memory_space<vmem>> -> memref<1x128xi32, #tpu.memory_space<vmem>>
      %dma_wait3A_313 = tpu.memref_squeeze %dma_wait3A_312 : memref<1x128xi32, #tpu.memory_space<vmem>> -> memref<128xi32, #tpu.memory_space<vmem>>
      %dma_wait3A_314 = arith.constant 0 : i32
      %dma_wait3A_315 = arith.constant 0 : i32
      %dma_wait3A_316 = tpu.memref_slice %arg2[%dma_wait3A_314, %dma_wait3A_315] : memref<10000x128xf32, #tpu.memory_space<hbm>> -> memref<10000x128xf32, #tpu.memory_space<hbm>>
      tpu.wait_indirect_dma semaphore(%arg14 : memref<!tpu.dma_semaphore, #tpu.memory_space<semaphore_mem>>) src(%dma_wait3A_316 : memref<10000x128xf32, #tpu.memory_space<hbm>>) dst(%arg10 : memref<128x128xf32, #tpu.memory_space<vmem>>)
      %add3A_317 = arith.constant 1 : i32
      %add3A_318 = arith.addi %add3A_293, %add3A_317 : i32
      %sub3A_319 = arith.constant 40 : i32
      %sub3A_320 = arith.subi %add3A_318, %sub3A_319 : i32
      "tpu.region"() ({
        %run_scoped3A_329 = tpu.sem_alloc : memref<!tpu.dma_semaphore, #tpu.memory_space<semaphore_mem>>
        %dma_start3A_330 = arith.constant 0 : i32
        %dma_start3A_331 = tpu.memref_slice %arg8[%sub3A_320, %dma_start3A_330] : memref<40x128xi32, #tpu.memory_space<vmem>> -> memref<1x128xi32, #tpu.memory_space<vmem>>
        %dma_start3A_332 = tpu.memref_squeeze %dma_start3A_331 : memref<1x128xi32, #tpu.memory_space<vmem>> -> memref<128xi32, #tpu.memory_space<vmem>>
        %dma_start3A_333 = arith.constant 0 : i32
        %dma_start3A_334 = arith.constant 0 : i32
        %dma_start3A_335 = tpu.memref_slice %arg11[%dma_start3A_333, %dma_start3A_334] : memref<10240x128xf32, #tpu.memory_space<vmem_shared>> -> memref<10240x128xf32, #tpu.memory_space<vmem_shared>>
        tpu.enqueue_indirect_dma source(%arg10 : memref<128x128xf32, #tpu.memory_space<vmem>>) target(%dma_start3A_335 : memref<10240x128xf32, #tpu.memory_space<vmem_shared>>) offsets(%dma_start3A_332 : memref<128xi32, #tpu.memory_space<vmem>>) semaphore(%run_scoped3A_329 : memref<!tpu.dma_semaphore, #tpu.memory_space<semaphore_mem>>) {add = true}
        %dma_wait3A_336 = arith.constant 0 : i32
        %dma_wait3A_337 = tpu.memref_slice %arg8[%sub3A_320, %dma_wait3A_336] : memref<40x128xi32, #tpu.memory_space<vmem>> -> memref<1x128xi32, #tpu.memory_space<vmem>>
        %dma_wait3A_338 = tpu.memref_squeeze %dma_wait3A_337 : memref<1x128xi32, #tpu.memory_space<vmem>> -> memref<128xi32, #tpu.memory_space<vmem>>
        %dma_wait3A_339 = arith.constant 0 : i32
        %dma_wait3A_340 = arith.constant 0 : i32
        %dma_wait3A_341 = tpu.memref_slice %arg11[%dma_wait3A_339, %dma_wait3A_340] : memref<10240x128xf32, #tpu.memory_space<vmem_shared>> -> memref<10240x128xf32, #tpu.memory_space<vmem_shared>>
        tpu.wait_indirect_dma semaphore(%run_scoped3A_329 : memref<!tpu.dma_semaphore, #tpu.memory_space<semaphore_mem>>) src(%arg10 : memref<128x128xf32, #tpu.memory_space<vmem>>) dst(%dma_wait3A_341 : memref<10240x128xf32, #tpu.memory_space<vmem_shared>>)
        tpu.yield
      }) : () -> ()
      %add3A_321 = arith.constant 3 : i32
      %add3A_322 = arith.addi %add3A_293, %add3A_321 : i32
      %dma_start3A_323 = arith.constant 0 : i32
      %dma_start3A_324 = tpu.memref_slice %arg7[%add3A_322, %dma_start3A_323] : memref<79x128xi32, #tpu.memory_space<vmem>> -> memref<1x128xi32, #tpu.memory_space<vmem>>
      %dma_start3A_325 = tpu.memref_squeeze %dma_start3A_324 : memref<1x128xi32, #tpu.memory_space<vmem>> -> memref<128xi32, #tpu.memory_space<vmem>>
      %dma_start3A_326 = arith.constant 0 : i32
      %dma_start3A_327 = arith.constant 0 : i32
      %dma_start3A_328 = tpu.memref_slice %arg2[%dma_start3A_326, %dma_start3A_327] : memref<10000x128xf32, #tpu.memory_space<hbm>> -> memref<10000x128xf32, #tpu.memory_space<hbm>>
      tpu.enqueue_indirect_dma source(%dma_start3A_328 : memref<10000x128xf32, #tpu.memory_space<hbm>>) target(%arg10 : memref<128x128xf32, #tpu.memory_space<vmem>>) offsets(%dma_start3A_325 : memref<128xi32, #tpu.memory_space<vmem>>) semaphore(%arg14 : memref<!tpu.dma_semaphore, #tpu.memory_space<semaphore_mem>>)
    }
    %scan3A_156 = arith.constant 18 : i32
    %dma_wait3A_157 = arith.constant 76 : i32
    %dma_wait3A_158 = arith.constant 0 : i32
    %dma_wait3A_159 = tpu.memref_slice %arg7[%dma_wait3A_157, %dma_wait3A_158] : memref<79x128xi32, #tpu.memory_space<vmem>> -> memref<1x128xi32, #tpu.memory_space<vmem>>
    %dma_wait3A_160 = tpu.memref_squeeze %dma_wait3A_159 : memref<1x128xi32, #tpu.memory_space<vmem>> -> memref<128xi32, #tpu.memory_space<vmem>>
    %dma_wait3A_161 = arith.constant 0 : i32
    %dma_wait3A_162 = arith.constant 0 : i32
    %dma_wait3A_163 = tpu.memref_slice %arg2[%dma_wait3A_161, %dma_wait3A_162] : memref<10000x128xf32, #tpu.memory_space<hbm>> -> memref<10000x128xf32, #tpu.memory_space<hbm>>
    tpu.wait_indirect_dma semaphore(%arg12 : memref<!tpu.dma_semaphore, #tpu.memory_space<semaphore_mem>>) src(%dma_wait3A_163 : memref<10000x128xf32, #tpu.memory_space<hbm>>) dst(%arg9 : memref<128x128xf32, #tpu.memory_space<vmem>>)
    %run_scoped3A_164 = arith.constant 36 : i32
    "tpu.region"() ({
      %run_scoped3A_289 = tpu.sem_alloc : memref<!tpu.dma_semaphore, #tpu.memory_space<semaphore_mem>>
      %dma_start3A_290 = arith.constant 0 : i32
      %dma_start3A_291 = tpu.memref_slice %arg8[%run_scoped3A_164, %dma_start3A_290] : memref<40x128xi32, #tpu.memory_space<vmem>> -> memref<1x128xi32, #tpu.memory_space<vmem>>
      %dma_start3A_292 = tpu.memref_squeeze %dma_start3A_291 : memref<1x128xi32, #tpu.memory_space<vmem>> -> memref<128xi32, #tpu.memory_space<vmem>>
      %dma_start3A_293 = arith.constant 0 : i32
      %dma_start3A_294 = arith.constant 0 : i32
      %dma_start3A_295 = tpu.memref_slice %arg11[%dma_start3A_293, %dma_start3A_294] : memref<10240x128xf32, #tpu.memory_space<vmem_shared>> -> memref<10240x128xf32, #tpu.memory_space<vmem_shared>>
      tpu.enqueue_indirect_dma source(%arg9 : memref<128x128xf32, #tpu.memory_space<vmem>>) target(%dma_start3A_295 : memref<10240x128xf32, #tpu.memory_space<vmem_shared>>) offsets(%dma_start3A_292 : memref<128xi32, #tpu.memory_space<vmem>>) semaphore(%run_scoped3A_289 : memref<!tpu.dma_semaphore, #tpu.memory_space<semaphore_mem>>) {add = true}
      %dma_wait3A_296 = arith.constant 0 : i32
      %dma_wait3A_297 = tpu.memref_slice %arg8[%run_scoped3A_164, %dma_wait3A_296] : memref<40x128xi32, #tpu.memory_space<vmem>> -> memref<1x128xi32, #tpu.memory_space<vmem>>
      %dma_wait3A_298 = tpu.memref_squeeze %dma_wait3A_297 : memref<1x128xi32, #tpu.memory_space<vmem>> -> memref<128xi32, #tpu.memory_space<vmem>>
      %dma_wait3A_299 = arith.constant 0 : i32
      %dma_wait3A_300 = arith.constant 0 : i32
      %dma_wait3A_301 = tpu.memref_slice %arg11[%dma_wait3A_299, %dma_wait3A_300] : memref<10240x128xf32, #tpu.memory_space<vmem_shared>> -> memref<10240x128xf32, #tpu.memory_space<vmem_shared>>
      tpu.wait_indirect_dma semaphore(%run_scoped3A_289 : memref<!tpu.dma_semaphore, #tpu.memory_space<semaphore_mem>>) src(%arg9 : memref<128x128xf32, #tpu.memory_space<vmem>>) dst(%dma_wait3A_301 : memref<10240x128xf32, #tpu.memory_space<vmem_shared>>)
      tpu.yield
    }) : () -> ()
    %dma_start3A_165 = arith.constant 78 : i32
    %dma_start3A_166 = arith.constant 0 : i32
    %dma_start3A_167 = tpu.memref_slice %arg7[%dma_start3A_165, %dma_start3A_166] : memref<79x128xi32, #tpu.memory_space<vmem>> -> memref<1x128xi32, #tpu.memory_space<vmem>>
    %dma_start3A_168 = tpu.memref_squeeze %dma_start3A_167 : memref<1x128xi32, #tpu.memory_space<vmem>> -> memref<128xi32, #tpu.memory_space<vmem>>
    %dma_start3A_169 = arith.constant 0 : i32
    %dma_start3A_170 = arith.constant 0 : i32
    %dma_start3A_171 = tpu.memref_slice %arg2[%dma_start3A_169, %dma_start3A_170] : memref<10000x128xf32, #tpu.memory_space<hbm>> -> memref<10000x128xf32, #tpu.memory_space<hbm>>
    tpu.enqueue_indirect_dma source(%dma_start3A_171 : memref<10000x128xf32, #tpu.memory_space<hbm>>) target(%arg9 : memref<128x128xf32, #tpu.memory_space<vmem>>) offsets(%dma_start3A_168 : memref<128xi32, #tpu.memory_space<vmem>>) semaphore(%arg12 : memref<!tpu.dma_semaphore, #tpu.memory_space<semaphore_mem>>)
    %dma_wait3A_172 = arith.constant 77 : i32
    %dma_wait3A_173 = arith.constant 0 : i32
    %dma_wait3A_174 = tpu.memref_slice %arg7[%dma_wait3A_172, %dma_wait3A_173] : memref<79x128xi32, #tpu.memory_space<vmem>> -> memref<1x128xi32, #tpu.memory_space<vmem>>
    %dma_wait3A_175 = tpu.memref_squeeze %dma_wait3A_174 : memref<1x128xi32, #tpu.memory_space<vmem>> -> memref<128xi32, #tpu.memory_space<vmem>>
    %dma_wait3A_176 = arith.constant 0 : i32
    %dma_wait3A_177 = arith.constant 0 : i32
    %dma_wait3A_178 = tpu.memref_slice %arg2[%dma_wait3A_176, %dma_wait3A_177] : memref<10000x128xf32, #tpu.memory_space<hbm>> -> memref<10000x128xf32, #tpu.memory_space<hbm>>
    tpu.wait_indirect_dma semaphore(%arg14 : memref<!tpu.dma_semaphore, #tpu.memory_space<semaphore_mem>>) src(%dma_wait3A_178 : memref<10000x128xf32, #tpu.memory_space<hbm>>) dst(%arg10 : memref<128x128xf32, #tpu.memory_space<vmem>>)
    %run_scoped3A_179 = arith.constant 37 : i32
    "tpu.region"() ({
      %run_scoped3A_289 = tpu.sem_alloc : memref<!tpu.dma_semaphore, #tpu.memory_space<semaphore_mem>>
      %dma_start3A_290 = arith.constant 0 : i32
      %dma_start3A_291 = tpu.memref_slice %arg8[%run_scoped3A_179, %dma_start3A_290] : memref<40x128xi32, #tpu.memory_space<vmem>> -> memref<1x128xi32, #tpu.memory_space<vmem>>
      %dma_start3A_292 = tpu.memref_squeeze %dma_start3A_291 : memref<1x128xi32, #tpu.memory_space<vmem>> -> memref<128xi32, #tpu.memory_space<vmem>>
      %dma_start3A_293 = arith.constant 0 : i32
      %dma_start3A_294 = arith.constant 0 : i32
      %dma_start3A_295 = tpu.memref_slice %arg11[%dma_start3A_293, %dma_start3A_294] : memref<10240x128xf32, #tpu.memory_space<vmem_shared>> -> memref<10240x128xf32, #tpu.memory_space<vmem_shared>>
      tpu.enqueue_indirect_dma source(%arg10 : memref<128x128xf32, #tpu.memory_space<vmem>>) target(%dma_start3A_295 : memref<10240x128xf32, #tpu.memory_space<vmem_shared>>) offsets(%dma_start3A_292 : memref<128xi32, #tpu.memory_space<vmem>>) semaphore(%run_scoped3A_289 : memref<!tpu.dma_semaphore, #tpu.memory_space<semaphore_mem>>) {add = true}
      %dma_wait3A_296 = arith.constant 0 : i32
      %dma_wait3A_297 = tpu.memref_slice %arg8[%run_scoped3A_179, %dma_wait3A_296] : memref<40x128xi32, #tpu.memory_space<vmem>> -> memref<1x128xi32, #tpu.memory_space<vmem>>
      %dma_wait3A_298 = tpu.memref_squeeze %dma_wait3A_297 : memref<1x128xi32, #tpu.memory_space<vmem>> -> memref<128xi32, #tpu.memory_space<vmem>>
      %dma_wait3A_299 = arith.constant 0 : i32
      %dma_wait3A_300 = arith.constant 0 : i32
      %dma_wait3A_301 = tpu.memref_slice %arg11[%dma_wait3A_299, %dma_wait3A_300] : memref<10240x128xf32, #tpu.memory_space<vmem_shared>> -> memref<10240x128xf32, #tpu.memory_space<vmem_shared>>
      tpu.wait_indirect_dma semaphore(%run_scoped3A_289 : memref<!tpu.dma_semaphore, #tpu.memory_space<semaphore_mem>>) src(%arg10 : memref<128x128xf32, #tpu.memory_space<vmem>>) dst(%dma_wait3A_301 : memref<10240x128xf32, #tpu.memory_space<vmem_shared>>)
      tpu.yield
    }) : () -> ()
    %dma_wait3A_180 = arith.constant 78 : i32
    %dma_wait3A_181 = arith.constant 0 : i32
    %dma_wait3A_182 = tpu.memref_slice %arg7[%dma_wait3A_180, %dma_wait3A_181] : memref<79x128xi32, #tpu.memory_space<vmem>> -> memref<1x128xi32, #tpu.memory_space<vmem>>
    %dma_wait3A_183 = tpu.memref_squeeze %dma_wait3A_182 : memref<1x128xi32, #tpu.memory_space<vmem>> -> memref<128xi32, #tpu.memory_space<vmem>>
    %dma_wait3A_184 = arith.constant 0 : i32
    %dma_wait3A_185 = arith.constant 0 : i32
    %dma_wait3A_186 = tpu.memref_slice %arg2[%dma_wait3A_184, %dma_wait3A_185] : memref<10000x128xf32, #tpu.memory_space<hbm>> -> memref<10000x128xf32, #tpu.memory_space<hbm>>
    tpu.wait_indirect_dma semaphore(%arg12 : memref<!tpu.dma_semaphore, #tpu.memory_space<semaphore_mem>>) src(%dma_wait3A_186 : memref<10000x128xf32, #tpu.memory_space<hbm>>) dst(%arg9 : memref<128x128xf32, #tpu.memory_space<vmem>>)
    %run_scoped3A_187 = arith.constant 38 : i32
    "tpu.region"() ({
      %run_scoped3A_289 = tpu.sem_alloc : memref<!tpu.dma_semaphore, #tpu.memory_space<semaphore_mem>>
      %dma_start3A_290 = arith.constant 0 : i32
      %dma_start3A_291 = tpu.memref_slice %arg8[%run_scoped3A_187, %dma_start3A_290] : memref<40x128xi32, #tpu.memory_space<vmem>> -> memref<1x128xi32, #tpu.memory_space<vmem>>
      %dma_start3A_292 = tpu.memref_squeeze %dma_start3A_291 : memref<1x128xi32, #tpu.memory_space<vmem>> -> memref<128xi32, #tpu.memory_space<vmem>>
      %dma_start3A_293 = arith.constant 0 : i32
      %dma_start3A_294 = arith.constant 0 : i32
      %dma_start3A_295 = tpu.memref_slice %arg11[%dma_start3A_293, %dma_start3A_294] : memref<10240x128xf32, #tpu.memory_space<vmem_shared>> -> memref<10240x128xf32, #tpu.memory_space<vmem_shared>>
      tpu.enqueue_indirect_dma source(%arg9 : memref<128x128xf32, #tpu.memory_space<vmem>>) target(%dma_start3A_295 : memref<10240x128xf32, #tpu.memory_space<vmem_shared>>) offsets(%dma_start3A_292 : memref<128xi32, #tpu.memory_space<vmem>>) semaphore(%run_scoped3A_289 : memref<!tpu.dma_semaphore, #tpu.memory_space<semaphore_mem>>) {add = true}
      %dma_wait3A_296 = arith.constant 0 : i32
      %dma_wait3A_297 = tpu.memref_slice %arg8[%run_scoped3A_187, %dma_wait3A_296] : memref<40x128xi32, #tpu.memory_space<vmem>> -> memref<1x128xi32, #tpu.memory_space<vmem>>
      %dma_wait3A_298 = tpu.memref_squeeze %dma_wait3A_297 : memref<1x128xi32, #tpu.memory_space<vmem>> -> memref<128xi32, #tpu.memory_space<vmem>>
      %dma_wait3A_299 = arith.constant 0 : i32
      %dma_wait3A_300 = arith.constant 0 : i32
      %dma_wait3A_301 = tpu.memref_slice %arg11[%dma_wait3A_299, %dma_wait3A_300] : memref<10240x128xf32, #tpu.memory_space<vmem_shared>> -> memref<10240x128xf32, #tpu.memory_space<vmem_shared>>
      tpu.wait_indirect_dma semaphore(%run_scoped3A_289 : memref<!tpu.dma_semaphore, #tpu.memory_space<semaphore_mem>>) src(%arg9 : memref<128x128xf32, #tpu.memory_space<vmem>>) dst(%dma_wait3A_301 : memref<10240x128xf32, #tpu.memory_space<vmem_shared>>)
      tpu.yield
    }) : () -> ()
    %barrier3A_188 = arith.constant 0 : index
    tpu.barrier barrier_id(%barrier3A_188)
    %mul3A_189 = arith.constant 640 : i32
    %mul3A_190 = arith.muli %arg1, %mul3A_189 : i32
    %add3A_191 = arith.constant 0 : i32
    %add3A_192 = arith.addi %mul3A_190, %add3A_191 : i32
    "tpu.region"() ({
      %run_scoped3A_289 = tpu.sem_alloc : memref<!tpu.dma_semaphore, #tpu.memory_space<semaphore_mem>>
      %dma_start3A_290 = arith.constant 0 : i32
      %dma_start3A_291 = tpu.memref_slice %arg11[%add3A_192, %dma_start3A_290] : memref<10240x128xf32, #tpu.memory_space<vmem_shared>> -> memref<128x128xf32, #tpu.memory_space<vmem_shared>>
      %dma_start3A_292 = arith.constant 0 : i32
      %dma_start3A_293 = tpu.memref_slice %arg11[%add3A_192, %dma_start3A_292] : memref<10240x128xf32, #tpu.memory_space<vmem_shared>> -> memref<128x128xf32, #tpu.memory_space<vmem_shared>>
      tpu.enqueue_dma source(%dma_start3A_293 : memref<128x128xf32, #tpu.memory_space<vmem_shared>>) target(%arg9 : memref<128x128xf32, #tpu.memory_space<vmem>>) target_semaphore(%run_scoped3A_289 : memref<!tpu.dma_semaphore, #tpu.memory_space<semaphore_mem>>)
      %dma_wait3A_294 = arith.constant 0 : i32
      %dma_wait3A_295 = tpu.memref_slice %arg11[%add3A_192, %dma_wait3A_294] : memref<10240x128xf32, #tpu.memory_space<vmem_shared>> -> memref<128x128xf32, #tpu.memory_space<vmem_shared>>
      %dma_wait3A_296 = arith.constant 0 : i32
      %dma_wait3A_297 = tpu.memref_slice %arg11[%add3A_192, %dma_wait3A_296] : memref<10240x128xf32, #tpu.memory_space<vmem_shared>> -> memref<128x128xf32, #tpu.memory_space<vmem_shared>>
      tpu.wait_dma2 semaphore(%run_scoped3A_289 : memref<!tpu.dma_semaphore, #tpu.memory_space<semaphore_mem>>) src(%dma_wait3A_297 : memref<128x128xf32, #tpu.memory_space<vmem_shared>>) dst(%arg9 : memref<128x128xf32, #tpu.memory_space<vmem>>)
      tpu.yield
    }) : () -> ()
    %mul3A_193 = arith.constant 640 : i32
    %mul3A_194 = arith.muli %arg1, %mul3A_193 : i32
    %add3A_195 = arith.constant 0 : i32
    %add3A_196 = arith.addi %mul3A_194, %add3A_195 : i32
    %dma_start3A_197 = arith.constant 0 : i32
    %dma_start3A_198 = tpu.memref_slice %arg6[%arg0, %add3A_196, %dma_start3A_197] : memref<2x10240x128xf32, #tpu.memory_space<hbm>> -> memref<1x128x128xf32, #tpu.memory_space<hbm>>
    %dma_start3A_199 = tpu.memref_squeeze %dma_start3A_198 : memref<1x128x128xf32, #tpu.memory_space<hbm>> -> memref<128x128xf32, #tpu.memory_space<hbm>>
    %dma_start3A_200 = arith.constant 0 : i32
    %dma_start3A_201 = tpu.memref_slice %arg6[%arg0, %add3A_196, %dma_start3A_200] : memref<2x10240x128xf32, #tpu.memory_space<hbm>> -> memref<1x128x128xf32, #tpu.memory_space<hbm>>
    %dma_start3A_202 = tpu.memref_squeeze %dma_start3A_201 : memref<1x128x128xf32, #tpu.memory_space<hbm>> -> memref<128x128xf32, #tpu.memory_space<hbm>>
    tpu.enqueue_dma source(%arg9 : memref<128x128xf32, #tpu.memory_space<vmem>>) target(%dma_start3A_202 : memref<128x128xf32, #tpu.memory_space<hbm>>) target_semaphore(%arg12 : memref<!tpu.dma_semaphore, #tpu.memory_space<semaphore_mem>>)
    %mul3A_203 = arith.constant 640 : i32
    %mul3A_204 = arith.muli %arg1, %mul3A_203 : i32
    %add3A_205 = arith.constant 128 : i32
    %add3A_206 = arith.addi %mul3A_204, %add3A_205 : i32
    "tpu.region"() ({
      %run_scoped3A_289 = tpu.sem_alloc : memref<!tpu.dma_semaphore, #tpu.memory_space<semaphore_mem>>
      %dma_start3A_290 = arith.constant 0 : i32
      %dma_start3A_291 = tpu.memref_slice %arg11[%add3A_206, %dma_start3A_290] : memref<10240x128xf32, #tpu.memory_space<vmem_shared>> -> memref<128x128xf32, #tpu.memory_space<vmem_shared>>
      %dma_start3A_292 = arith.constant 0 : i32
      %dma_start3A_293 = tpu.memref_slice %arg11[%add3A_206, %dma_start3A_292] : memref<10240x128xf32, #tpu.memory_space<vmem_shared>> -> memref<128x128xf32, #tpu.memory_space<vmem_shared>>
      tpu.enqueue_dma source(%dma_start3A_293 : memref<128x128xf32, #tpu.memory_space<vmem_shared>>) target(%arg10 : memref<128x128xf32, #tpu.memory_space<vmem>>) target_semaphore(%run_scoped3A_289 : memref<!tpu.dma_semaphore, #tpu.memory_space<semaphore_mem>>)
      %dma_wait3A_294 = arith.constant 0 : i32
      %dma_wait3A_295 = tpu.memref_slice %arg11[%add3A_206, %dma_wait3A_294] : memref<10240x128xf32, #tpu.memory_space<vmem_shared>> -> memref<128x128xf32, #tpu.memory_space<vmem_shared>>
      %dma_wait3A_296 = arith.constant 0 : i32
      %dma_wait3A_297 = tpu.memref_slice %arg11[%add3A_206, %dma_wait3A_296] : memref<10240x128xf32, #tpu.memory_space<vmem_shared>> -> memref<128x128xf32, #tpu.memory_space<vmem_shared>>
      tpu.wait_dma2 semaphore(%run_scoped3A_289 : memref<!tpu.dma_semaphore, #tpu.memory_space<semaphore_mem>>) src(%dma_wait3A_297 : memref<128x128xf32, #tpu.memory_space<vmem_shared>>) dst(%arg10 : memref<128x128xf32, #tpu.memory_space<vmem>>)
      tpu.yield
    }) : () -> ()
    %mul3A_207 = arith.constant 640 : i32
    %mul3A_208 = arith.muli %arg1, %mul3A_207 : i32
    %add3A_209 = arith.constant 128 : i32
    %add3A_210 = arith.addi %mul3A_208, %add3A_209 : i32
    %dma_start3A_211 = arith.constant 0 : i32
    %dma_start3A_212 = tpu.memref_slice %arg6[%arg0, %add3A_210, %dma_start3A_211] : memref<2x10240x128xf32, #tpu.memory_space<hbm>> -> memref<1x128x128xf32, #tpu.memory_space<hbm>>
    %dma_start3A_213 = tpu.memref_squeeze %dma_start3A_212 : memref<1x128x128xf32, #tpu.memory_space<hbm>> -> memref<128x128xf32, #tpu.memory_space<hbm>>
    %dma_start3A_214 = arith.constant 0 : i32
    %dma_start3A_215 = tpu.memref_slice %arg6[%arg0, %add3A_210, %dma_start3A_214] : memref<2x10240x128xf32, #tpu.memory_space<hbm>> -> memref<1x128x128xf32, #tpu.memory_space<hbm>>
    %dma_start3A_216 = tpu.memref_squeeze %dma_start3A_215 : memref<1x128x128xf32, #tpu.memory_space<hbm>> -> memref<128x128xf32, #tpu.memory_space<hbm>>
    tpu.enqueue_dma source(%arg10 : memref<128x128xf32, #tpu.memory_space<vmem>>) target(%dma_start3A_216 : memref<128x128xf32, #tpu.memory_space<hbm>>) target_semaphore(%arg14 : memref<!tpu.dma_semaphore, #tpu.memory_space<semaphore_mem>>)
    %dma_wait3A_217 = arith.constant 0 : i32
    %dma_wait3A_218 = tpu.memref_slice %arg6[%arg0, %add3A_196, %dma_wait3A_217] : memref<2x10240x128xf32, #tpu.memory_space<hbm>> -> memref<1x128x128xf32, #tpu.memory_space<hbm>>
    %dma_wait3A_219 = tpu.memref_squeeze %dma_wait3A_218 : memref<1x128x128xf32, #tpu.memory_space<hbm>> -> memref<128x128xf32, #tpu.memory_space<hbm>>
    %dma_wait3A_220 = arith.constant 0 : i32
    %dma_wait3A_221 = tpu.memref_slice %arg6[%arg0, %add3A_196, %dma_wait3A_220] : memref<2x10240x128xf32, #tpu.memory_space<hbm>> -> memref<1x128x128xf32, #tpu.memory_space<hbm>>
    %dma_wait3A_222 = tpu.memref_squeeze %dma_wait3A_221 : memref<1x128x128xf32, #tpu.memory_space<hbm>> -> memref<128x128xf32, #tpu.memory_space<hbm>>
    tpu.wait_dma2 semaphore(%arg12 : memref<!tpu.dma_semaphore, #tpu.memory_space<semaphore_mem>>) src(%arg9 : memref<128x128xf32, #tpu.memory_space<vmem>>) dst(%dma_wait3A_222 : memref<128x128xf32, #tpu.memory_space<hbm>>)
    %mul3A_223 = arith.constant 640 : i32
    %mul3A_224 = arith.muli %arg1, %mul3A_223 : i32
    %add3A_225 = arith.constant 256 : i32
    %add3A_226 = arith.addi %mul3A_224, %add3A_225 : i32
    "tpu.region"() ({
      %run_scoped3A_289 = tpu.sem_alloc : memref<!tpu.dma_semaphore, #tpu.memory_space<semaphore_mem>>
      %dma_start3A_290 = arith.constant 0 : i32
      %dma_start3A_291 = tpu.memref_slice %arg11[%add3A_226, %dma_start3A_290] : memref<10240x128xf32, #tpu.memory_space<vmem_shared>> -> memref<128x128xf32, #tpu.memory_space<vmem_shared>>
      %dma_start3A_292 = arith.constant 0 : i32
      %dma_start3A_293 = tpu.memref_slice %arg11[%add3A_226, %dma_start3A_292] : memref<10240x128xf32, #tpu.memory_space<vmem_shared>> -> memref<128x128xf32, #tpu.memory_space<vmem_shared>>
      tpu.enqueue_dma source(%dma_start3A_293 : memref<128x128xf32, #tpu.memory_space<vmem_shared>>) target(%arg9 : memref<128x128xf32, #tpu.memory_space<vmem>>) target_semaphore(%run_scoped3A_289 : memref<!tpu.dma_semaphore, #tpu.memory_space<semaphore_mem>>)
      %dma_wait3A_294 = arith.constant 0 : i32
      %dma_wait3A_295 = tpu.memref_slice %arg11[%add3A_226, %dma_wait3A_294] : memref<10240x128xf32, #tpu.memory_space<vmem_shared>> -> memref<128x128xf32, #tpu.memory_space<vmem_shared>>
      %dma_wait3A_296 = arith.constant 0 : i32
      %dma_wait3A_297 = tpu.memref_slice %arg11[%add3A_226, %dma_wait3A_296] : memref<10240x128xf32, #tpu.memory_space<vmem_shared>> -> memref<128x128xf32, #tpu.memory_space<vmem_shared>>
      tpu.wait_dma2 semaphore(%run_scoped3A_289 : memref<!tpu.dma_semaphore, #tpu.memory_space<semaphore_mem>>) src(%dma_wait3A_297 : memref<128x128xf32, #tpu.memory_space<vmem_shared>>) dst(%arg9 : memref<128x128xf32, #tpu.memory_space<vmem>>)
      tpu.yield
    }) : () -> ()
    %mul3A_227 = arith.constant 640 : i32
    %mul3A_228 = arith.muli %arg1, %mul3A_227 : i32
    %add3A_229 = arith.constant 256 : i32
    %add3A_230 = arith.addi %mul3A_228, %add3A_229 : i32
    %dma_start3A_231 = arith.constant 0 : i32
    %dma_start3A_232 = tpu.memref_slice %arg6[%arg0, %add3A_230, %dma_start3A_231] : memref<2x10240x128xf32, #tpu.memory_space<hbm>> -> memref<1x128x128xf32, #tpu.memory_space<hbm>>
    %dma_start3A_233 = tpu.memref_squeeze %dma_start3A_232 : memref<1x128x128xf32, #tpu.memory_space<hbm>> -> memref<128x128xf32, #tpu.memory_space<hbm>>
    %dma_start3A_234 = arith.constant 0 : i32
    %dma_start3A_235 = tpu.memref_slice %arg6[%arg0, %add3A_230, %dma_start3A_234] : memref<2x10240x128xf32, #tpu.memory_space<hbm>> -> memref<1x128x128xf32, #tpu.memory_space<hbm>>
    %dma_start3A_236 = tpu.memref_squeeze %dma_start3A_235 : memref<1x128x128xf32, #tpu.memory_space<hbm>> -> memref<128x128xf32, #tpu.memory_space<hbm>>
    tpu.enqueue_dma source(%arg9 : memref<128x128xf32, #tpu.memory_space<vmem>>) target(%dma_start3A_236 : memref<128x128xf32, #tpu.memory_space<hbm>>) target_semaphore(%arg12 : memref<!tpu.dma_semaphore, #tpu.memory_space<semaphore_mem>>)
    %dma_wait3A_237 = arith.constant 0 : i32
    %dma_wait3A_238 = tpu.memref_slice %arg6[%arg0, %add3A_210, %dma_wait3A_237] : memref<2x10240x128xf32, #tpu.memory_space<hbm>> -> memref<1x128x128xf32, #tpu.memory_space<hbm>>
    %dma_wait3A_239 = tpu.memref_squeeze %dma_wait3A_238 : memref<1x128x128xf32, #tpu.memory_space<hbm>> -> memref<128x128xf32, #tpu.memory_space<hbm>>
    %dma_wait3A_240 = arith.constant 0 : i32
    %dma_wait3A_241 = tpu.memref_slice %arg6[%arg0, %add3A_210, %dma_wait3A_240] : memref<2x10240x128xf32, #tpu.memory_space<hbm>> -> memref<1x128x128xf32, #tpu.memory_space<hbm>>
    %dma_wait3A_242 = tpu.memref_squeeze %dma_wait3A_241 : memref<1x128x128xf32, #tpu.memory_space<hbm>> -> memref<128x128xf32, #tpu.memory_space<hbm>>
    tpu.wait_dma2 semaphore(%arg14 : memref<!tpu.dma_semaphore, #tpu.memory_space<semaphore_mem>>) src(%arg10 : memref<128x128xf32, #tpu.memory_space<vmem>>) dst(%dma_wait3A_242 : memref<128x128xf32, #tpu.memory_space<hbm>>)
    %mul3A_243 = arith.constant 640 : i32
    %mul3A_244 = arith.muli %arg1, %mul3A_243 : i32
    %add3A_245 = arith.constant 384 : i32
    %add3A_246 = arith.addi %mul3A_244, %add3A_245 : i32
    "tpu.region"() ({
      %run_scoped3A_289 = tpu.sem_alloc : memref<!tpu.dma_semaphore, #tpu.memory_space<semaphore_mem>>
      %dma_start3A_290 = arith.constant 0 : i32
      %dma_start3A_291 = tpu.memref_slice %arg11[%add3A_246, %dma_start3A_290] : memref<10240x128xf32, #tpu.memory_space<vmem_shared>> -> memref<128x128xf32, #tpu.memory_space<vmem_shared>>
      %dma_start3A_292 = arith.constant 0 : i32
      %dma_start3A_293 = tpu.memref_slice %arg11[%add3A_246, %dma_start3A_292] : memref<10240x128xf32, #tpu.memory_space<vmem_shared>> -> memref<128x128xf32, #tpu.memory_space<vmem_shared>>
      tpu.enqueue_dma source(%dma_start3A_293 : memref<128x128xf32, #tpu.memory_space<vmem_shared>>) target(%arg10 : memref<128x128xf32, #tpu.memory_space<vmem>>) target_semaphore(%run_scoped3A_289 : memref<!tpu.dma_semaphore, #tpu.memory_space<semaphore_mem>>)
      %dma_wait3A_294 = arith.constant 0 : i32
      %dma_wait3A_295 = tpu.memref_slice %arg11[%add3A_246, %dma_wait3A_294] : memref<10240x128xf32, #tpu.memory_space<vmem_shared>> -> memref<128x128xf32, #tpu.memory_space<vmem_shared>>
      %dma_wait3A_296 = arith.constant 0 : i32
      %dma_wait3A_297 = tpu.memref_slice %arg11[%add3A_246, %dma_wait3A_296] : memref<10240x128xf32, #tpu.memory_space<vmem_shared>> -> memref<128x128xf32, #tpu.memory_space<vmem_shared>>
      tpu.wait_dma2 semaphore(%run_scoped3A_289 : memref<!tpu.dma_semaphore, #tpu.memory_space<semaphore_mem>>) src(%dma_wait3A_297 : memref<128x128xf32, #tpu.memory_space<vmem_shared>>) dst(%arg10 : memref<128x128xf32, #tpu.memory_space<vmem>>)
      tpu.yield
    }) : () -> ()
    %mul3A_247 = arith.constant 640 : i32
    %mul3A_248 = arith.muli %arg1, %mul3A_247 : i32
    %add3A_249 = arith.constant 384 : i32
    %add3A_250 = arith.addi %mul3A_248, %add3A_249 : i32
    %dma_start3A_251 = arith.constant 0 : i32
    %dma_start3A_252 = tpu.memref_slice %arg6[%arg0, %add3A_250, %dma_start3A_251] : memref<2x10240x128xf32, #tpu.memory_space<hbm>> -> memref<1x128x128xf32, #tpu.memory_space<hbm>>
    %dma_start3A_253 = tpu.memref_squeeze %dma_start3A_252 : memref<1x128x128xf32, #tpu.memory_space<hbm>> -> memref<128x128xf32, #tpu.memory_space<hbm>>
    %dma_start3A_254 = arith.constant 0 : i32
    %dma_start3A_255 = tpu.memref_slice %arg6[%arg0, %add3A_250, %dma_start3A_254] : memref<2x10240x128xf32, #tpu.memory_space<hbm>> -> memref<1x128x128xf32, #tpu.memory_space<hbm>>
    %dma_start3A_256 = tpu.memref_squeeze %dma_start3A_255 : memref<1x128x128xf32, #tpu.memory_space<hbm>> -> memref<128x128xf32, #tpu.memory_space<hbm>>
    tpu.enqueue_dma source(%arg10 : memref<128x128xf32, #tpu.memory_space<vmem>>) target(%dma_start3A_256 : memref<128x128xf32, #tpu.memory_space<hbm>>) target_semaphore(%arg14 : memref<!tpu.dma_semaphore, #tpu.memory_space<semaphore_mem>>)
    %dma_wait3A_257 = arith.constant 0 : i32
    %dma_wait3A_258 = tpu.memref_slice %arg6[%arg0, %add3A_230, %dma_wait3A_257] : memref<2x10240x128xf32, #tpu.memory_space<hbm>> -> memref<1x128x128xf32, #tpu.memory_space<hbm>>
    %dma_wait3A_259 = tpu.memref_squeeze %dma_wait3A_258 : memref<1x128x128xf32, #tpu.memory_space<hbm>> -> memref<128x128xf32, #tpu.memory_space<hbm>>
    %dma_wait3A_260 = arith.constant 0 : i32
    %dma_wait3A_261 = tpu.memref_slice %arg6[%arg0, %add3A_230, %dma_wait3A_260] : memref<2x10240x128xf32, #tpu.memory_space<hbm>> -> memref<1x128x128xf32, #tpu.memory_space<hbm>>
    %dma_wait3A_262 = tpu.memref_squeeze %dma_wait3A_261 : memref<1x128x128xf32, #tpu.memory_space<hbm>> -> memref<128x128xf32, #tpu.memory_space<hbm>>
    tpu.wait_dma2 semaphore(%arg12 : memref<!tpu.dma_semaphore, #tpu.memory_space<semaphore_mem>>) src(%arg9 : memref<128x128xf32, #tpu.memory_space<vmem>>) dst(%dma_wait3A_262 : memref<128x128xf32, #tpu.memory_space<hbm>>)
    %mul3A_263 = arith.constant 640 : i32
    %mul3A_264 = arith.muli %arg1, %mul3A_263 : i32
    %add3A_265 = arith.constant 512 : i32
    %add3A_266 = arith.addi %mul3A_264, %add3A_265 : i32
    "tpu.region"() ({
      %run_scoped3A_289 = tpu.sem_alloc : memref<!tpu.dma_semaphore, #tpu.memory_space<semaphore_mem>>
      %dma_start3A_290 = arith.constant 0 : i32
      %dma_start3A_291 = tpu.memref_slice %arg11[%add3A_266, %dma_start3A_290] : memref<10240x128xf32, #tpu.memory_space<vmem_shared>> -> memref<128x128xf32, #tpu.memory_space<vmem_shared>>
      %dma_start3A_292 = arith.constant 0 : i32
      %dma_start3A_293 = tpu.memref_slice %arg11[%add3A_266, %dma_start3A_292] : memref<10240x128xf32, #tpu.memory_space<vmem_shared>> -> memref<128x128xf32, #tpu.memory_space<vmem_shared>>
      tpu.enqueue_dma source(%dma_start3A_293 : memref<128x128xf32, #tpu.memory_space<vmem_shared>>) target(%arg9 : memref<128x128xf32, #tpu.memory_space<vmem>>) target_semaphore(%run_scoped3A_289 : memref<!tpu.dma_semaphore, #tpu.memory_space<semaphore_mem>>)
      %dma_wait3A_294 = arith.constant 0 : i32
      %dma_wait3A_295 = tpu.memref_slice %arg11[%add3A_266, %dma_wait3A_294] : memref<10240x128xf32, #tpu.memory_space<vmem_shared>> -> memref<128x128xf32, #tpu.memory_space<vmem_shared>>
      %dma_wait3A_296 = arith.constant 0 : i32
      %dma_wait3A_297 = tpu.memref_slice %arg11[%add3A_266, %dma_wait3A_296] : memref<10240x128xf32, #tpu.memory_space<vmem_shared>> -> memref<128x128xf32, #tpu.memory_space<vmem_shared>>
      tpu.wait_dma2 semaphore(%run_scoped3A_289 : memref<!tpu.dma_semaphore, #tpu.memory_space<semaphore_mem>>) src(%dma_wait3A_297 : memref<128x128xf32, #tpu.memory_space<vmem_shared>>) dst(%arg9 : memref<128x128xf32, #tpu.memory_space<vmem>>)
      tpu.yield
    }) : () -> ()
    %mul3A_267 = arith.constant 640 : i32
    %mul3A_268 = arith.muli %arg1, %mul3A_267 : i32
    %add3A_269 = arith.constant 512 : i32
    %add3A_270 = arith.addi %mul3A_268, %add3A_269 : i32
    %dma_start3A_271 = arith.constant 0 : i32
    %dma_start3A_272 = tpu.memref_slice %arg6[%arg0, %add3A_270, %dma_start3A_271] : memref<2x10240x128xf32, #tpu.memory_space<hbm>> -> memref<1x128x128xf32, #tpu.memory_space<hbm>>
    %dma_start3A_273 = tpu.memref_squeeze %dma_start3A_272 : memref<1x128x128xf32, #tpu.memory_space<hbm>> -> memref<128x128xf32, #tpu.memory_space<hbm>>
    %dma_start3A_274 = arith.constant 0 : i32
    %dma_start3A_275 = tpu.memref_slice %arg6[%arg0, %add3A_270, %dma_start3A_274] : memref<2x10240x128xf32, #tpu.memory_space<hbm>> -> memref<1x128x128xf32, #tpu.memory_space<hbm>>
    %dma_start3A_276 = tpu.memref_squeeze %dma_start3A_275 : memref<1x128x128xf32, #tpu.memory_space<hbm>> -> memref<128x128xf32, #tpu.memory_space<hbm>>
    tpu.enqueue_dma source(%arg9 : memref<128x128xf32, #tpu.memory_space<vmem>>) target(%dma_start3A_276 : memref<128x128xf32, #tpu.memory_space<hbm>>) target_semaphore(%arg12 : memref<!tpu.dma_semaphore, #tpu.memory_space<semaphore_mem>>)
    %dma_wait3A_277 = arith.constant 0 : i32
    %dma_wait3A_278 = tpu.memref_slice %arg6[%arg0, %add3A_250, %dma_wait3A_277] : memref<2x10240x128xf32, #tpu.memory_space<hbm>> -> memref<1x128x128xf32, #tpu.memory_space<hbm>>
    %dma_wait3A_279 = tpu.memref_squeeze %dma_wait3A_278 : memref<1x128x128xf32, #tpu.memory_space<hbm>> -> memref<128x128xf32, #tpu.memory_space<hbm>>
    %dma_wait3A_280 = arith.constant 0 : i32
    %dma_wait3A_281 = tpu.memref_slice %arg6[%arg0, %add3A_250, %dma_wait3A_280] : memref<2x10240x128xf32, #tpu.memory_space<hbm>> -> memref<1x128x128xf32, #tpu.memory_space<hbm>>
    %dma_wait3A_282 = tpu.memref_squeeze %dma_wait3A_281 : memref<1x128x128xf32, #tpu.memory_space<hbm>> -> memref<128x128xf32, #tpu.memory_space<hbm>>
    tpu.wait_dma2 semaphore(%arg14 : memref<!tpu.dma_semaphore, #tpu.memory_space<semaphore_mem>>) src(%arg10 : memref<128x128xf32, #tpu.memory_space<vmem>>) dst(%dma_wait3A_282 : memref<128x128xf32, #tpu.memory_space<hbm>>)
    %dma_wait3A_283 = arith.constant 0 : i32
    %dma_wait3A_284 = tpu.memref_slice %arg6[%arg0, %add3A_270, %dma_wait3A_283] : memref<2x10240x128xf32, #tpu.memory_space<hbm>> -> memref<1x128x128xf32, #tpu.memory_space<hbm>>
    %dma_wait3A_285 = tpu.memref_squeeze %dma_wait3A_284 : memref<1x128x128xf32, #tpu.memory_space<hbm>> -> memref<128x128xf32, #tpu.memory_space<hbm>>
    %dma_wait3A_286 = arith.constant 0 : i32
    %dma_wait3A_287 = tpu.memref_slice %arg6[%arg0, %add3A_270, %dma_wait3A_286] : memref<2x10240x128xf32, #tpu.memory_space<hbm>> -> memref<1x128x128xf32, #tpu.memory_space<hbm>>
    %dma_wait3A_288 = tpu.memref_squeeze %dma_wait3A_287 : memref<1x128x128xf32, #tpu.memory_space<hbm>> -> memref<128x128xf32, #tpu.memory_space<hbm>>
    tpu.wait_dma2 semaphore(%arg12 : memref<!tpu.dma_semaphore, #tpu.memory_space<semaphore_mem>>) src(%arg9 : memref<128x128xf32, #tpu.memory_space<vmem>>) dst(%dma_wait3A_288 : memref<128x128xf32, #tpu.memory_space<hbm>>)
    return
  }
}

module attributes {stable_mosaic.version = 14 : i64} {
  func.func @_tc_prep_body(%arg0: i32, %arg1: memref<2x1000x1xf32, #tpu.memory_space<vmem>>, %arg2: memref<1000x128xf32, #tpu.memory_space<vmem>>, %arg3: memref<1000x1xf32, #tpu.memory_space<vmem>>, %arg4: memref<1000x128xf32, #tpu.memory_space<vmem>>) attributes {dimension_semantics = [#tpu.dimension_semantics<arbitrary>], iteration_bounds = array<i64: 10>, scalar_prefetch = 0 : i64, scratch_operands = 0 : i64, tpu.core_type = #tpu.core_type<tc>, window_params = [{transform_indices = @transform_0, window_bounds = array<i64: 2, 1000, 1>}, {transform_indices = @transform_1, window_bounds = array<i64: 1000, 128>}, {transform_indices = @transform_2, window_bounds = array<i64: 1000, 1>}, {transform_indices = @transform_3, window_bounds = array<i64: 1000, 128>}]} {
    %get3A = arith.constant 0 : index
    %get3A_0 = arith.constant 0 : index
    %get3A_1 = arith.constant 0 : index
    %get3A_2 = vector.load %arg1[%get3A, %get3A_0, %get3A_1] : memref<2x1000x1xf32, #tpu.memory_space<vmem>>, vector<1x1000x1xf32>
    %get3A_3 = vector.shape_cast %get3A_2 : vector<1x1000x1xf32> to vector<1000x1xf32>
    %get3A_4 = arith.constant 1 : index
    %get3A_5 = arith.constant 0 : index
    %get3A_6 = arith.constant 0 : index
    %get3A_7 = vector.load %arg1[%get3A_4, %get3A_5, %get3A_6] : memref<2x1000x1xf32, #tpu.memory_space<vmem>>, vector<1x1000x1xf32>
    %get3A_8 = vector.shape_cast %get3A_7 : vector<1x1000x1xf32> to vector<1000x1xf32>
    %add3A = arith.addf %get3A_3, %get3A_8 : vector<1000x1xf32>
    %add3A_9 = arith.constant 1.000000e+00 : f32
    %add3A_10 = vector.broadcast %add3A_9 : f32 to vector<1000x1xf32>
    %add3A_11 = arith.addf %add3A, %add3A_10 : vector<1000x1xf32>
    %max3A = arith.constant 1.000000e+00 : f32
    %max3A_12 = vector.broadcast %max3A : f32 to vector<1000x1xf32>
    %max3A_13 = arith.maximumf %add3A_11, %max3A_12 : vector<1000x1xf32>
    %rsqrt3A = math.rsqrt %max3A_13 : vector<1000x1xf32>
    %swap3A = arith.constant 0 : index
    %swap3A_14 = arith.constant 0 : index
    %swap3A_15 = vector.load %arg3[%swap3A, %swap3A_14] : memref<1000x1xf32, #tpu.memory_space<vmem>>, vector<1000x1xf32>
    tpu.vector_store %arg3[%swap3A, %swap3A_14], %rsqrt3A {strides = array<i32>} : memref<1000x1xf32, #tpu.memory_space<vmem>>, vector<1000x1xf32>,
    %get3A_16 = arith.constant 0 : index
    %get3A_17 = arith.constant 0 : index
    %get3A_18 = vector.load %arg2[%get3A_16, %get3A_17] : memref<1000x128xf32, #tpu.memory_space<vmem>>, vector<1000x128xf32>
    %mul3A = vector.broadcast %rsqrt3A : vector<1000x1xf32> to vector<1000x128xf32>
    %mul3A_19 = arith.mulf %mul3A, %get3A_18 : vector<1000x128xf32>
    %swap3A_20 = arith.constant 0 : index
    %swap3A_21 = arith.constant 0 : index
    %swap3A_22 = vector.load %arg4[%swap3A_20, %swap3A_21] : memref<1000x128xf32, #tpu.memory_space<vmem>>, vector<1000x128xf32>
    tpu.vector_store %arg4[%swap3A_20, %swap3A_21], %mul3A_19 {strides = array<i32>} : memref<1000x128xf32, #tpu.memory_space<vmem>>, vector<1000x128xf32>,
    return
  }
  func.func @transform_0(%arg0: i32) -> (i32, i32, i32) {
    %c0_i32 = arith.constant 0 : i32
    %c0_i32_0 = arith.constant 0 : i32
    %c0_i32_1 = arith.constant 0 : i32
    return %c0_i32, %arg0, %c0_i32_0 : i32, i32, i32
  }
  func.func @transform_1(%arg0: i32) -> (i32, i32) {
    %c0_i32 = arith.constant 0 : i32
    %c0_i32_0 = arith.constant 0 : i32
    return %arg0, %c0_i32 : i32, i32
  }
  func.func @transform_2(%arg0: i32) -> (i32, i32) {
    %c0_i32 = arith.constant 0 : i32
    %c0_i32_0 = arith.constant 0 : i32
    return %arg0, %c0_i32 : i32, i32
  }
  func.func @transform_3(%arg0: i32) -> (i32, i32) {
    %c0_i32 = arith.constant 0 : i32
    %c0_i32_0 = arith.constant 0 : i32
    return %arg0, %c0_i32 : i32, i32
  }
}

module attributes {stable_mosaic.version = 14 : i64} {
  func.func @_tc_layer_body(%arg0: i32, %arg1: memref<2x1000x128xf32, #tpu.memory_space<vmem>>, %arg2: memref<1000x128xf32, #tpu.memory_space<vmem>>, %arg3: memref<1000x1xf32, #tpu.memory_space<vmem>>, %arg4: memref<128x128xf32, #tpu.memory_space<vmem>>, %arg5: memref<1x128xf32, #tpu.memory_space<vmem>>, %arg6: memref<1000x128xf32, #tpu.memory_space<vmem>>) attributes {dimension_semantics = [#tpu.dimension_semantics<arbitrary>], iteration_bounds = array<i64: 10>, scalar_prefetch = 0 : i64, scratch_operands = 0 : i64, tpu.core_type = #tpu.core_type<tc>, window_params = [{transform_indices = @transform_0, window_bounds = array<i64: 2, 1000, 128>}, {transform_indices = @transform_1, window_bounds = array<i64: 1000, 128>}, {transform_indices = @transform_2, window_bounds = array<i64: 1000, 1>}, {pipeline_mode = #tpu.pipeline_mode<synchronous>, transform_indices = @transform_3, window_bounds = array<i64: 128, 128>}, {pipeline_mode = #tpu.pipeline_mode<synchronous>, transform_indices = @transform_4, window_bounds = array<i64: 1, 128>}, {transform_indices = @transform_5, window_bounds = array<i64: 1000, 128>}]} {
    %get3A = arith.constant 0 : index
    %get3A_0 = arith.constant 0 : index
    %get3A_1 = arith.constant 0 : index
    %get3A_2 = vector.load %arg1[%get3A, %get3A_0, %get3A_1] : memref<2x1000x128xf32, #tpu.memory_space<vmem>>, vector<1x1000x128xf32>
    %get3A_3 = vector.shape_cast %get3A_2 : vector<1x1000x128xf32> to vector<1000x128xf32>
    %get3A_4 = arith.constant 1 : index
    %get3A_5 = arith.constant 0 : index
    %get3A_6 = arith.constant 0 : index
    %get3A_7 = vector.load %arg1[%get3A_4, %get3A_5, %get3A_6] : memref<2x1000x128xf32, #tpu.memory_space<vmem>>, vector<1x1000x128xf32>
    %get3A_8 = vector.shape_cast %get3A_7 : vector<1x1000x128xf32> to vector<1000x128xf32>
    %add3A = arith.addf %get3A_3, %get3A_8 : vector<1000x128xf32>
    %get3A_9 = arith.constant 0 : index
    %get3A_10 = arith.constant 0 : index
    %get3A_11 = vector.load %arg2[%get3A_9, %get3A_10] : memref<1000x128xf32, #tpu.memory_space<vmem>>, vector<1000x128xf32>
    %add3A_12 = arith.addf %add3A, %get3A_11 : vector<1000x128xf32>
    %get3A_13 = arith.constant 0 : index
    %get3A_14 = arith.constant 0 : index
    %get3A_15 = vector.load %arg3[%get3A_13, %get3A_14] : memref<1000x1xf32, #tpu.memory_space<vmem>>, vector<1000x1xf32>
    %mul3A = vector.broadcast %get3A_15 : vector<1000x1xf32> to vector<1000x128xf32>
    %mul3A_16 = arith.mulf %mul3A, %add3A_12 : vector<1000x128xf32>
    %get3A_17 = arith.constant 0 : index
    %get3A_18 = arith.constant 0 : index
    %get3A_19 = vector.load %arg4[%get3A_17, %get3A_18] : memref<128x128xf32, #tpu.memory_space<vmem>>, vector<128x128xf32>
    %dot_general3A = arith.constant dense<0.000000e+00> : vector<1000x128xf32>
    %dot_general3A_20 = tpu.matmul %mul3A_16, %get3A_19, %dot_general3A {dimension_numbers = #tpu.dot_dimension_numbers<[1], [0], [0], [1], [0, 0, 1, 1], [], []>, transpose_lhs_hint = false} : vector<1000x128xf32>, vector<128x128xf32>, vector<1000x128xf32> -> vector<1000x128xf32>
    %get3A_21 = arith.constant 0 : index
    %get3A_22 = arith.constant 0 : index
    %get3A_23 = vector.load %arg5[%get3A_21, %get3A_22] : memref<1x128xf32, #tpu.memory_space<vmem>>, vector<1x128xf32>
    %add3A_24 = vector.broadcast %get3A_23 : vector<1x128xf32> to vector<1000x128xf32>
    %add3A_25 = arith.addf %dot_general3A_20, %add3A_24 : vector<1000x128xf32>
    %max3A = arith.constant 0.000000e+00 : f32
    %max3A_26 = vector.broadcast %max3A : f32 to vector<1000x128xf32>
    %max3A_27 = arith.maximumf %add3A_25, %max3A_26 : vector<1000x128xf32>
    %get3A_28 = arith.constant 0 : index
    %get3A_29 = arith.constant 0 : index
    %get3A_30 = vector.load %arg3[%get3A_28, %get3A_29] : memref<1000x1xf32, #tpu.memory_space<vmem>>, vector<1000x1xf32>
    %mul3A_31 = vector.broadcast %get3A_30 : vector<1000x1xf32> to vector<1000x128xf32>
    %mul3A_32 = arith.mulf %mul3A_31, %max3A_27 : vector<1000x128xf32>
    %swap3A = arith.constant 0 : index
    %swap3A_33 = arith.constant 0 : index
    %swap3A_34 = vector.load %arg6[%swap3A, %swap3A_33] : memref<1000x128xf32, #tpu.memory_space<vmem>>, vector<1000x128xf32>
    tpu.vector_store %arg6[%swap3A, %swap3A_33], %mul3A_32 {strides = array<i32>} : memref<1000x128xf32, #tpu.memory_space<vmem>>, vector<1000x128xf32>,
    return
  }
  func.func @transform_0(%arg0: i32) -> (i32, i32, i32) {
    %c0_i32 = arith.constant 0 : i32
    %c0_i32_0 = arith.constant 0 : i32
    %c0_i32_1 = arith.constant 0 : i32
    return %c0_i32, %arg0, %c0_i32_0 : i32, i32, i32
  }
  func.func @transform_1(%arg0: i32) -> (i32, i32) {
    %c0_i32 = arith.constant 0 : i32
    %c0_i32_0 = arith.constant 0 : i32
    return %arg0, %c0_i32 : i32, i32
  }
  func.func @transform_2(%arg0: i32) -> (i32, i32) {
    %c0_i32 = arith.constant 0 : i32
    %c0_i32_0 = arith.constant 0 : i32
    return %arg0, %c0_i32 : i32, i32
  }
  func.func @transform_3(%arg0: i32) -> (i32, i32) {
    %c0_i32 = arith.constant 0 : i32
    %c0_i32_0 = arith.constant 0 : i32
    %c0_i32_1 = arith.constant 0 : i32
    return %c0_i32, %c0_i32_0 : i32, i32
  }
  func.func @transform_4(%arg0: i32) -> (i32, i32) {
    %c0_i32 = arith.constant 0 : i32
    %c0_i32_0 = arith.constant 0 : i32
    %c0_i32_1 = arith.constant 0 : i32
    return %c0_i32, %c0_i32_0 : i32, i32
  }
  func.func @transform_5(%arg0: i32) -> (i32, i32) {
    %c0_i32 = arith.constant 0 : i32
    %c0_i32_0 = arith.constant 0 : i32
    return %arg0, %c0_i32 : i32, i32
  }
}

module attributes {stable_mosaic.version = 14 : i64} {
  func.func @_tc_final_body(%arg0: i32, %arg1: memref<2x1000x128xf32, #tpu.memory_space<vmem>>, %arg2: memref<1000x128xf32, #tpu.memory_space<vmem>>, %arg3: memref<1000x1xf32, #tpu.memory_space<vmem>>, %arg4: memref<1000x1xi32, #tpu.memory_space<vmem>>, %arg5: memref<128x256xf32, #tpu.memory_space<vmem>>, %arg6: memref<1x256xf32, #tpu.memory_space<vmem>>, %arg7: memref<256x128xf32, #tpu.memory_space<vmem>>, %arg8: memref<1x128xf32, #tpu.memory_space<vmem>>, %arg9: memref<128x128xf32, #tpu.memory_space<vmem>>, %arg10: memref<1x128xf32, #tpu.memory_space<vmem>>, %arg11: memref<128x128xf32, #tpu.memory_space<vmem>>, %arg12: memref<1x128xf32, #tpu.memory_space<vmem>>, %arg13: memref<64x128xf32, #tpu.memory_space<vmem>>, %arg14: memref<64x128xf32, #tpu.memory_space<vmem>>, %arg15: memref<128x64xf32, #tpu.memory_space<vmem>>, %arg16: memref<1x64xf32, #tpu.memory_space<vmem>>) attributes {dimension_semantics = [#tpu.dimension_semantics<arbitrary>], iteration_bounds = array<i64: 10>, scalar_prefetch = 0 : i64, scratch_operands = 2 : i64, tpu.core_type = #tpu.core_type<tc>, window_params = [{transform_indices = @transform_0, window_bounds = array<i64: 2, 1000, 128>}, {transform_indices = @transform_1, window_bounds = array<i64: 1000, 128>}, {transform_indices = @transform_2, window_bounds = array<i64: 1000, 1>}, {transform_indices = @transform_3, window_bounds = array<i64: 1000, 1>}, {pipeline_mode = #tpu.pipeline_mode<synchronous>, transform_indices = @transform_4, window_bounds = array<i64: 128, 256>}, {pipeline_mode = #tpu.pipeline_mode<synchronous>, transform_indices = @transform_5, window_bounds = array<i64: 1, 256>}, {pipeline_mode = #tpu.pipeline_mode<synchronous>, transform_indices = @transform_6, window_bounds = array<i64: 256, 128>}, {pipeline_mode = #tpu.pipeline_mode<synchronous>, transform_indices = @transform_7, window_bounds = array<i64: 1, 128>}, {pipeline_mode = #tpu.pipeline_mode<synchronous>, transform_indices = @transform_8, window_bounds = array<i64: 128, 128>}, {pipeline_mode = #tpu.pipeline_mode<synchronous>, transform_indices = @transform_9, window_bounds = array<i64: 1, 128>}, {pipeline_mode = #tpu.pipeline_mode<synchronous>, transform_indices = @transform_10, window_bounds = array<i64: 128, 128>}, {pipeline_mode = #tpu.pipeline_mode<synchronous>, transform_indices = @transform_11, window_bounds = array<i64: 1, 128>}, {pipeline_mode = #tpu.pipeline_mode<synchronous>, transform_indices = @transform_12, window_bounds = array<i64: 64, 128>}, {pipeline_mode = #tpu.pipeline_mode<synchronous>, transform_indices = @transform_13, window_bounds = array<i64: 64, 128>}]} {
    %eq3A = arith.constant 0 : i32
    %eq3A_0 = arith.cmpi eq, %arg0, %eq3A : i32
    %convert_element_type3A = arith.extui %eq3A_0 : i1 to i32
    %cond3A = arith.constant 0 : i32
    %cond3A_1 = arith.cmpi ne, %convert_element_type3A, %cond3A : i32
    scf.if %cond3A_1 {
      %broadcast_in_dim3A_46 = arith.constant 0.000000e+00 : f32
      %broadcast_in_dim3A_47 = vector.broadcast %broadcast_in_dim3A_46 : f32 to vector<128x64xf32>
      %swap3A_48 = arith.constant 0 : index
      %swap3A_49 = arith.constant 0 : index
      %swap3A_50 = vector.load %arg15[%swap3A_48, %swap3A_49] : memref<128x64xf32, #tpu.memory_space<vmem>>, vector<128x64xf32>
      tpu.vector_store %arg15[%swap3A_48, %swap3A_49], %broadcast_in_dim3A_47 {strides = array<i32>} : memref<128x64xf32, #tpu.memory_space<vmem>>, vector<128x64xf32>,
      %broadcast_in_dim3A_51 = arith.constant 0.000000e+00 : f32
      %broadcast_in_dim3A_52 = vector.broadcast %broadcast_in_dim3A_51 : f32 to vector<1x64xf32>
      %swap3A_53 = arith.constant 0 : index
      %swap3A_54 = arith.constant 0 : index
      %swap3A_55 = vector.load %arg16[%swap3A_53, %swap3A_54] : memref<1x64xf32, #tpu.memory_space<vmem>>, vector<1x64xf32>
      tpu.vector_store %arg16[%swap3A_53, %swap3A_54], %broadcast_in_dim3A_52 {strides = array<i32>} : memref<1x64xf32, #tpu.memory_space<vmem>>, vector<1x64xf32>,
    } else {
    }
    %get3A = arith.constant 0 : index
    %get3A_2 = arith.constant 0 : index
    %get3A_3 = arith.constant 0 : index
    %get3A_4 = vector.load %arg1[%get3A, %get3A_2, %get3A_3] : memref<2x1000x128xf32, #tpu.memory_space<vmem>>, vector<1x1000x128xf32>
    %get3A_5 = vector.shape_cast %get3A_4 : vector<1x1000x128xf32> to vector<1000x128xf32>
    %get3A_6 = arith.constant 1 : index
    %get3A_7 = arith.constant 0 : index
    %get3A_8 = arith.constant 0 : index
    %get3A_9 = vector.load %arg1[%get3A_6, %get3A_7, %get3A_8] : memref<2x1000x128xf32, #tpu.memory_space<vmem>>, vector<1x1000x128xf32>
    %get3A_10 = vector.shape_cast %get3A_9 : vector<1x1000x128xf32> to vector<1000x128xf32>
    %add3A = arith.addf %get3A_5, %get3A_10 : vector<1000x128xf32>
    %get3A_11 = arith.constant 0 : index
    %get3A_12 = arith.constant 0 : index
    %get3A_13 = vector.load %arg2[%get3A_11, %get3A_12] : memref<1000x128xf32, #tpu.memory_space<vmem>>, vector<1000x128xf32>
    %add3A_14 = arith.addf %add3A, %get3A_13 : vector<1000x128xf32>
    %get3A_15 = arith.constant 0 : index
    %get3A_16 = arith.constant 0 : index
    %get3A_17 = vector.load %arg3[%get3A_15, %get3A_16] : memref<1000x1xf32, #tpu.memory_space<vmem>>, vector<1000x1xf32>
    %mul3A = vector.broadcast %get3A_17 : vector<1000x1xf32> to vector<1000x128xf32>
    %mul3A_18 = arith.mulf %mul3A, %add3A_14 : vector<1000x128xf32>
    %iota3A = tpu.iota {dimensions = array<i32: 1>} : vector<1000x64xi32>
    %get3A_19 = arith.constant 0 : index
    %get3A_20 = arith.constant 0 : index
    %get3A_21 = vector.load %arg4[%get3A_19, %get3A_20] : memref<1000x1xi32, #tpu.memory_space<vmem>>, vector<1000x1xi32>
    %eq3A_22 = vector.broadcast %get3A_21 : vector<1000x1xi32> to vector<1000x64xi32>
    %eq3A_23 = arith.cmpi eq, %eq3A_22, %iota3A : vector<1000x64xi32>
    %convert_element_type3A_24 = arith.extui %eq3A_23 : vector<1000x64xi1> to vector<1000x64xi32>
    %convert_element_type3A_25 = arith.sitofp %convert_element_type3A_24 : vector<1000x64xi32> to vector<1000x64xf32>
    %get3A_26 = arith.constant 0 : index
    %get3A_27 = arith.constant 0 : index
    %get3A_28 = vector.load %arg15[%get3A_26, %get3A_27] : memref<128x64xf32, #tpu.memory_space<vmem>>, vector<128x64xf32>
    %dot_general3A = arith.constant dense<0.000000e+00> : vector<128x64xf32>
    %dot_general3A_29 = tpu.matmul %mul3A_18, %convert_element_type3A_25, %dot_general3A {dimension_numbers = #tpu.dot_dimension_numbers<[0], [0], [1], [1], [0, 1, 1, 1], [], []>, transpose_lhs_hint = false} : vector<1000x128xf32>, vector<1000x64xf32>, vector<128x64xf32> -> vector<128x64xf32>
    %add3A_30 = arith.addf %get3A_28, %dot_general3A_29 : vector<128x64xf32>
    %swap3A = arith.constant 0 : index
    %swap3A_31 = arith.constant 0 : index
    %swap3A_32 = vector.load %arg15[%swap3A, %swap3A_31] : memref<128x64xf32, #tpu.memory_space<vmem>>, vector<128x64xf32>
    tpu.vector_store %arg15[%swap3A, %swap3A_31], %add3A_30 {strides = array<i32>} : memref<128x64xf32, #tpu.memory_space<vmem>>, vector<128x64xf32>,
    %get3A_33 = arith.constant 0 : index
    %get3A_34 = arith.constant 0 : index
    %get3A_35 = vector.load %arg16[%get3A_33, %get3A_34] : memref<1x64xf32, #tpu.memory_space<vmem>>, vector<1x64xf32>
    %reduce_sum3A = arith.constant dense<0.000000e+00> : vector<64xf32>
    %reduce_sum3A_36 = vector.multi_reduction <add>, %convert_element_type3A_25, %reduce_sum3A [0] : vector<1000x64xf32> to vector<64xf32>
    %broadcast_in_dim3A = vector.shape_cast %reduce_sum3A_36 : vector<64xf32> to vector<1x64xf32>
    %add3A_37 = arith.addf %get3A_35, %broadcast_in_dim3A : vector<1x64xf32>
    %swap3A_38 = arith.constant 0 : index
    %swap3A_39 = arith.constant 0 : index
    %swap3A_40 = vector.load %arg16[%swap3A_38, %swap3A_39] : memref<1x64xf32, #tpu.memory_space<vmem>>, vector<1x64xf32>
    tpu.vector_store %arg16[%swap3A_38, %swap3A_39], %add3A_37 {strides = array<i32>} : memref<1x64xf32, #tpu.memory_space<vmem>>, vector<1x64xf32>,
    %eq3A_41 = arith.constant 9 : i32
    %eq3A_42 = arith.cmpi eq, %arg0, %eq3A_41 : i32
    %convert_element_type3A_43 = arith.extui %eq3A_42 : i1 to i32
    %cond3A_44 = arith.constant 0 : i32
    %cond3A_45 = arith.cmpi ne, %convert_element_type3A_43, %cond3A_44 : i32
    scf.if %cond3A_45 {
      %get3A_46 = arith.constant 0 : index
      %get3A_47 = arith.constant 0 : index
      %get3A_48 = vector.load %arg15[%get3A_46, %get3A_47] : memref<128x64xf32, #tpu.memory_space<vmem>>, vector<128x64xf32>
      %get3A_49 = arith.constant 0 : index
      %get3A_50 = arith.constant 0 : index
      %get3A_51 = vector.load %arg16[%get3A_49, %get3A_50] : memref<1x64xf32, #tpu.memory_space<vmem>>, vector<1x64xf32>
      %max3A = arith.constant 1.000000e+00 : f32
      %max3A_52 = vector.broadcast %max3A : f32 to vector<1x64xf32>
      %max3A_53 = arith.maximumf %get3A_51, %max3A_52 : vector<1x64xf32>
      %div3A = vector.broadcast %max3A_53 : vector<1x64xf32> to vector<128x64xf32>
      %div3A_54 = arith.divf %get3A_48, %div3A : vector<128x64xf32>
      %get3A_55 = arith.constant 0 : index
      %get3A_56 = arith.constant 0 : index
      %get3A_57 = vector.load %arg5[%get3A_55, %get3A_56] : memref<128x256xf32, #tpu.memory_space<vmem>>, vector<128x256xf32>
      %dot_general3A_58 = arith.constant dense<0.000000e+00> : vector<64x256xf32>
      %dot_general3A_59 = tpu.matmul %div3A_54, %get3A_57, %dot_general3A_58 {dimension_numbers = #tpu.dot_dimension_numbers<[0], [0], [1], [1], [0, 1, 1, 1], [], []>, transpose_lhs_hint = false} : vector<128x64xf32>, vector<128x256xf32>, vector<64x256xf32> -> vector<64x256xf32>
      %get3A_60 = arith.constant 0 : index
      %get3A_61 = arith.constant 0 : index
      %get3A_62 = vector.load %arg6[%get3A_60, %get3A_61] : memref<1x256xf32, #tpu.memory_space<vmem>>, vector<1x256xf32>
      %add3A_63 = vector.broadcast %get3A_62 : vector<1x256xf32> to vector<64x256xf32>
      %add3A_64 = arith.addf %dot_general3A_59, %add3A_63 : vector<64x256xf32>
      %get3A_65 = arith.constant 0 : index
      %get3A_66 = arith.constant 0 : index
      %get3A_67 = vector.load %arg7[%get3A_65, %get3A_66] : memref<256x128xf32, #tpu.memory_space<vmem>>, vector<256x128xf32>
      %dot_general3A_68 = arith.constant dense<0.000000e+00> : vector<64x128xf32>
      %dot_general3A_69 = tpu.matmul %add3A_64, %get3A_67, %dot_general3A_68 {dimension_numbers = #tpu.dot_dimension_numbers<[1], [0], [0], [1], [0, 0, 1, 1], [], []>, transpose_lhs_hint = false} : vector<64x256xf32>, vector<256x128xf32>, vector<64x128xf32> -> vector<64x128xf32>
      %get3A_70 = arith.constant 0 : index
      %get3A_71 = arith.constant 0 : index
      %get3A_72 = vector.load %arg8[%get3A_70, %get3A_71] : memref<1x128xf32, #tpu.memory_space<vmem>>, vector<1x128xf32>
      %add3A_73 = vector.broadcast %get3A_72 : vector<1x128xf32> to vector<64x128xf32>
      %add3A_74 = arith.addf %dot_general3A_69, %add3A_73 : vector<64x128xf32>
      %max3A_75 = arith.constant 0.000000e+00 : f32
      %max3A_76 = vector.broadcast %max3A_75 : f32 to vector<64x128xf32>
      %max3A_77 = arith.maximumf %add3A_74, %max3A_76 : vector<64x128xf32>
      %get3A_78 = arith.constant 0 : index
      %get3A_79 = arith.constant 0 : index
      %get3A_80 = vector.load %arg9[%get3A_78, %get3A_79] : memref<128x128xf32, #tpu.memory_space<vmem>>, vector<128x128xf32>
      %dot_general3A_81 = arith.constant dense<0.000000e+00> : vector<64x128xf32>
      %dot_general3A_82 = tpu.matmul %max3A_77, %get3A_80, %dot_general3A_81 {dimension_numbers = #tpu.dot_dimension_numbers<[1], [0], [0], [1], [0, 0, 1, 1], [], []>, transpose_lhs_hint = false} : vector<64x128xf32>, vector<128x128xf32>, vector<64x128xf32> -> vector<64x128xf32>
      %get3A_83 = arith.constant 0 : index
      %get3A_84 = arith.constant 0 : index
      %get3A_85 = vector.load %arg10[%get3A_83, %get3A_84] : memref<1x128xf32, #tpu.memory_space<vmem>>, vector<1x128xf32>
      %add3A_86 = vector.broadcast %get3A_85 : vector<1x128xf32> to vector<64x128xf32>
      %add3A_87 = arith.addf %dot_general3A_82, %add3A_86 : vector<64x128xf32>
      %max3A_88 = arith.constant 0.000000e+00 : f32
      %max3A_89 = vector.broadcast %max3A_88 : f32 to vector<64x128xf32>
      %max3A_90 = arith.maximumf %add3A_87, %max3A_89 : vector<64x128xf32>
      %get3A_91 = arith.constant 0 : index
      %get3A_92 = arith.constant 0 : index
      %get3A_93 = vector.load %arg11[%get3A_91, %get3A_92] : memref<128x128xf32, #tpu.memory_space<vmem>>, vector<128x128xf32>
      %dot_general3A_94 = arith.constant dense<0.000000e+00> : vector<64x128xf32>
      %dot_general3A_95 = tpu.matmul %max3A_90, %get3A_93, %dot_general3A_94 {dimension_numbers = #tpu.dot_dimension_numbers<[1], [0], [0], [1], [0, 0, 1, 1], [], []>, transpose_lhs_hint = false} : vector<64x128xf32>, vector<128x128xf32>, vector<64x128xf32> -> vector<64x128xf32>
      %get3A_96 = arith.constant 0 : index
      %get3A_97 = arith.constant 0 : index
      %get3A_98 = vector.load %arg12[%get3A_96, %get3A_97] : memref<1x128xf32, #tpu.memory_space<vmem>>, vector<1x128xf32>
      %add3A_99 = vector.broadcast %get3A_98 : vector<1x128xf32> to vector<64x128xf32>
      %add3A_100 = arith.addf %dot_general3A_95, %add3A_99 : vector<64x128xf32>
      %swap3A_101 = arith.constant 0 : index
      %swap3A_102 = arith.constant 0 : index
      %swap3A_103 = vector.load %arg13[%swap3A_101, %swap3A_102] : memref<64x128xf32, #tpu.memory_space<vmem>>, vector<64x128xf32>
      tpu.vector_store %arg13[%swap3A_101, %swap3A_102], %add3A_100 {strides = array<i32>} : memref<64x128xf32, #tpu.memory_space<vmem>>, vector<64x128xf32>,
      %swap3A_104 = arith.constant 0 : index
      %swap3A_105 = arith.constant 0 : index
      %swap3A_106 = vector.load %arg14[%swap3A_104, %swap3A_105] : memref<64x128xf32, #tpu.memory_space<vmem>>, vector<64x128xf32>
      tpu.vector_store %arg14[%swap3A_104, %swap3A_105], %max3A_90 {strides = array<i32>} : memref<64x128xf32, #tpu.memory_space<vmem>>, vector<64x128xf32>,
    } else {
    }
    return
  }
  func.func @transform_0(%arg0: i32) -> (i32, i32, i32) {
    %c0_i32 = arith.constant 0 : i32
    %c0_i32_0 = arith.constant 0 : i32
    %c0_i32_1 = arith.constant 0 : i32
    return %c0_i32, %arg0, %c0_i32_0 : i32, i32, i32
  }
  func.func @transform_1(%arg0: i32) -> (i32, i32) {
    %c0_i32 = arith.constant 0 : i32
    %c0_i32_0 = arith.constant 0 : i32
    return %arg0, %c0_i32 : i32, i32
  }
  func.func @transform_2(%arg0: i32) -> (i32, i32) {
    %c0_i32 = arith.constant 0 : i32
    %c0_i32_0 = arith.constant 0 : i32
    return %arg0, %c0_i32 : i32, i32
  }
  func.func @transform_3(%arg0: i32) -> (i32, i32) {
    %c0_i32 = arith.constant 0 : i32
    %c0_i32_0 = arith.constant 0 : i32
    return %arg0, %c0_i32 : i32, i32
  }
  func.func @transform_4(%arg0: i32) -> (i32, i32) {
    %c0_i32 = arith.constant 0 : i32
    %c0_i32_0 = arith.constant 0 : i32
    %c0_i32_1 = arith.constant 0 : i32
    return %c0_i32, %c0_i32_0 : i32, i32
  }
  func.func @transform_5(%arg0: i32) -> (i32, i32) {
    %c0_i32 = arith.constant 0 : i32
    %c0_i32_0 = arith.constant 0 : i32
    %c0_i32_1 = arith.constant 0 : i32
    return %c0_i32, %c0_i32_0 : i32, i32
  }
  func.func @transform_6(%arg0: i32) -> (i32, i32) {
    %c0_i32 = arith.constant 0 : i32
    %c0_i32_0 = arith.constant 0 : i32
    %c0_i32_1 = arith.constant 0 : i32
    return %c0_i32, %c0_i32_0 : i32, i32
  }
  func.func @transform_7(%arg0: i32) -> (i32, i32) {
    %c0_i32 = arith.constant 0 : i32
    %c0_i32_0 = arith.constant 0 : i32
    %c0_i32_1 = arith.constant 0 : i32
    return %c0_i32, %c0_i32_0 : i32, i32
  }
  func.func @transform_8(%arg0: i32) -> (i32, i32) {
    %c0_i32 = arith.constant 0 : i32
    %c0_i32_0 = arith.constant 0 : i32
    %c0_i32_1 = arith.constant 0 : i32
    return %c0_i32, %c0_i32_0 : i32, i32
  }
  func.func @transform_9(%arg0: i32) -> (i32, i32) {
    %c0_i32 = arith.constant 0 : i32
    %c0_i32_0 = arith.constant 0 : i32
    %c0_i32_1 = arith.constant 0 : i32
    return %c0_i32, %c0_i32_0 : i32, i32
  }
  func.func @transform_10(%arg0: i32) -> (i32, i32) {
    %c0_i32 = arith.constant 0 : i32
    %c0_i32_0 = arith.constant 0 : i32
    %c0_i32_1 = arith.constant 0 : i32
    return %c0_i32, %c0_i32_0 : i32, i32
  }
  func.func @transform_11(%arg0: i32) -> (i32, i32) {
    %c0_i32 = arith.constant 0 : i32
    %c0_i32_0 = arith.constant 0 : i32
    %c0_i32_1 = arith.constant 0 : i32
    return %c0_i32, %c0_i32_0 : i32, i32
  }
  func.func @transform_12(%arg0: i32) -> (i32, i32) {
    %c0_i32 = arith.constant 0 : i32
    %c0_i32_0 = arith.constant 0 : i32
    %c0_i32_1 = arith.constant 0 : i32
    return %c0_i32, %c0_i32_0 : i32, i32
  }
  func.func @transform_13(%arg0: i32) -> (i32, i32) {
    %c0_i32 = arith.constant 0 : i32
    %c0_i32_0 = arith.constant 0 : i32
    %c0_i32_1 = arith.constant 0 : i32
    return %c0_i32, %c0_i32_0 : i32, i32
  }
}

</mosaic_0001>

<sc_bundles>
// kernel: kernel.10.cloned.1.call-start
scs
__scs_entry_jumppad:
0x0: {  	(pc) =	sbr.rel $0x88, $3  }
0x1: {  	(tag) =	ssettag $0x0;
	lr =	simm.s32 $0x1  }
0x2: {  	[smem:$0x3F92] =	sst lr;
	_ =	strace $0xD0000000  }
0x3: {  	_ = 	snop  }
0x4: {  	_ = 	snop  }
0x5: {  	_ = 	snop  }
0x6: {  	_ = 	snop  }
0x7: {  	_ = 	snop  }
__scs_overlays_trampoline_lowered:
0x8: {  	[smem:$0x3FA1] =	sst s0  }
0x9: {  	[smem:$0x3FA2] =	sst s1  }
0xa: {  	[smem:$0x3FA3] =	sst s2  }
0xb: {  	[smem:$0x3FA4] =	sst s3  }
0xc: {  	[smem:$0x3FA5] =	sst s4  }
0xd: {  	[smem:$0x3FA6] =	sst s5  }
0xe: {  	[smem:$0x3FA7] =	sst s6  }
0xf: {  	[smem:$0x3FA8] =	sst s7  }
0x10: {  	[smem:$0x3FA9] =	sst s8  }
0x11: {  	[smem:$0x3FAA] =	sst s9;
	s0 =	simm.s32 @!p0 $0x0  }
0x12: {  	s1 =	sld [smem:$0x3F90];
	s0 =	simm.s32 @p0 $0x1  }
0x13: {  	[smem:$0x3FAB] =	sst s0;
	s0 =	simm.s32 @!p1 $0x0  }
0x14: {  	s2 =	sld [smem:$0x3F8F];
	s0 =	simm.s32 @p1 $0x1  }
0x15: {  	[smem:$0x3FAC] =	sst s0;
	s0 =	simm.s32 @!p2 $0x0  }
0x16: {  	s3 =	sld [smem:$0x3FDB];
	s0 =	simm.s32 @p2 $0x1  }
0x17: {  	s4 =	simm.s32 $0x1BF5;
	[smem:$0x3FAE] =	sst s0  }
0x18: {  	s0 =	sld [smem:$0x3F91];
	_ =	swait.ge [sflag:s4], $0x0  }
0x19: {  	s7 =	sld [smem:$0x3F92]  }
0x1a: {  	s8 =	sadd.s32 $0xFFFFE003, lr  }
0x1b: {  	s9 =	sadd.s32 $0xFFFFFEF7, lr;
	s5 =	simm.s32 $0xFFFFFFFF;
	p2 =	slt.u32 s8, $0xFFFFF086  }
0x1c: {  	p1 =	slt.u32 s9, $0xF7A;
	s5 =	simm.s32 @!p2 $0x0  }
0x1d: {  	s5 =	simm.s32 @p1 $0x1;
	p0 =	seq.s32 s7, s2  }
0x1e: {  	s7 =	smul.u32 @!p0 $0xF7A, s2;
	p2 =	seq.s32 @!p0 s5, $0x0  }
0x1f: {  	s9 =	smul.u32 $0xF7A, s1;
	s8 =	simm.s32 @!p0 $0x1BF5;
	p2 =	por !p2, p0  }
0x20: {  	[sflag:s8] =	ssyncset.s32 @!p0 $0xFFFFF086;
	s6 =	sadd.s32 @!p0 s3, s7;
	s7 =	simm.s32 @!p0 $0x108  }
0x21: {  	s3 =	sadd.s32 s3, s9;
	s6 =	sadd.s32 @!p0 $0x88, s6;
	s7 =	simm.s32 @p2 $0x1082  }
0x22: {  	[simem:s7], [sflag:s8] =	dma.local @!p0 [hbm:s6], $0xF7A  }
0x23: {  	s9 =	sor.u32 $0xD0000000, s2;
	s6 =	simm.s32 $0x108;
	_ =	swait.ge @!p0 [sflag:s8], $0x0  }
0x24: {  	s3 =	sadd.s32 $0x88, s3;
	s6 =	simm.s32 @!p1 $0x1082;
	[sflag:s4] =	ssyncset.s32 $0xFFFFF086  }
0x25: {  	[simem:s6], [sflag:s4] =	dma.local [hbm:s3], $0xF7A  }
0x26: {  	[smem:$0x3F92] =	sst s1;
	(tag) =	ssettag s2;
	_ =	strace s9  }
0x27: {  	s1 =	sld [smem:$0x3FA2]  }
0x28: {  	s2 =	sld [smem:$0x3FA3]  }
0x29: {  	s4 =	sld [smem:$0x3FA5]  }
0x2a: {  	p0 =	seq.s32 s5, $0x0;
	s5 =	sld [smem:$0x3FA6]  }
0x2b: {  	s6 =	sld [smem:$0x3FA7]  }
0x2c: {  	s7 =	sld [smem:$0x3FA8]  }
0x2d: {  	s3 =	simm.s32 $0x108;
	s8 =	sld [smem:$0x3FA9]  }
0x2e: {  	s3 =	simm.s32 @!p0 $0x1082;
	s9 =	sld [smem:$0x3FAA]  }
0x2f: {  	lr =	sadd.s32 s0, s3;
	s0 =	sld [smem:$0x3FA1]  }
0x30: {  	s3 =	sld [smem:$0x3FA4]  }
0x31: {  	[smem:$0x3FAD] =	sst s10  }
0x32: {  	s10 =	sld [smem:$0x3FAB];
	_ =	sdelay $0x3  }
0x33: {  	p0 =	seq.s32 s10, $0x1;
	s10 =	sld [smem:$0x3FAD];
	_ =	sdelay $0x3  }
0x34: {  	[smem:$0x3FAD] =	sst s10  }
0x35: {  	s10 =	sld [smem:$0x3FAC];
	_ =	sdelay $0x3  }
0x36: {  	p1 =	seq.s32 s10, $0x1;
	s10 =	sld [smem:$0x3FAD];
	_ =	sdelay $0x3  }
0x37: {  	[smem:$0x3FAD] =	sst s10  }
0x38: {  	s10 =	sld [smem:$0x3FAE]  }
0x39: {  	_ = 	snop;
	(pc) =	sbr.ind lr, $3  }
0x3a: {  	_ = 	snop  }
0x3b: {  	_ = 	snop  }
0x3c: {  	p2 =	seq.s32 s10, $0x1;
	s10 =	sld [smem:$0x3FAD]  }
0x3d: {  	_ =	shalt  }
0x3e: {  	_ =	shalt  }
0x3f: {  	_ =	shalt  }
0x40: {  	_ =	shalt  }
0x41: {  	_ =	shalt  }
0x42: {  	_ =	shalt  }
0x43: {  	_ =	shalt  }
0x44: {  	_ =	shalt  }
0x45: {  	_ =	shalt  }
0x46: {  	_ =	shalt  }
0x47: {  	_ =	shalt  }
0x48: {  	_ =	shalt  }
0x49: {  	_ =	shalt  }
0x4a: {  	_ =	shalt  }
0x4b: {  	_ =	shalt  }
0x4c: {  	_ =	shalt  }
0x4d: {  	_ =	shalt  }
0x4e: {  	_ =	shalt  }
0x4f: {  	_ =	shalt  }
0x50: {  	_ =	shalt  }
0x51: {  	_ =	shalt  }
0x52: {  	_ =	shalt  }
0x53: {  	_ =	shalt  }
0x54: {  	_ =	shalt  }
0x55: {  	_ =	shalt  }
0x56: {  	_ =	shalt  }
0x57: {  	_ =	shalt  }
0x58: {  	_ =	shalt  }
0x59: {  	_ =	shalt  }
0x5a: {  	_ =	shalt  }
0x5b: {  	_ =	shalt  }
0x5c: {  	_ =	shalt  }
0x5d: {  	_ =	shalt  }
0x5e: {  	_ =	shalt  }
0x5f: {  	_ =	shalt  }
0x60: {  	_ =	shalt  }
0x61: {  	_ =	shalt  }
0x62: {  	_ =	shalt  }
0x63: {  	_ =	shalt  }
0x64: {  	_ =	shalt  }
0x65: {  	_ =	shalt  }
0x66: {  	_ =	shalt  }
0x67: {  	_ =	shalt  }
0x68: {  	_ =	shalt  }
0x69: {  	_ =	shalt  }
0x6a: {  	_ =	shalt  }
0x6b: {  	_ =	shalt  }
0x6c: {  	_ =	shalt  }
0x6d: {  	_ =	shalt  }
0x6e: {  	_ =	shalt  }
0x6f: {  	_ =	shalt  }
0x70: {  	_ =	shalt  }
0x71: {  	_ =	shalt  }
0x72: {  	_ =	shalt  }
0x73: {  	_ =	shalt  }
0x74: {  	_ =	shalt  }
0x75: {  	_ =	shalt  }
0x76: {  	_ =	shalt  }
0x77: {  	_ =	shalt  }
0x78: {  	_ =	shalt  }
0x79: {  	_ =	shalt  }
0x7a: {  	_ =	shalt  }
0x7b: {  	_ =	shalt  }
0x7c: {  	_ =	shalt  }
0x7d: {  	_ =	shalt  }
0x7e: {  	_ =	shalt  }
0x7f: {  	_ =	shalt  }
0x80: {  	_ =	shalt  }
0x81: {  	_ =	shalt  }
0x82: {  	_ =	shalt  }
0x83: {  	_ =	shalt  }
0x84: {  	_ =	shalt  }
0x85: {  	_ =	shalt  }
0x86: {  	_ =	shalt  }
0x87: {  	_ =	shalt  }
.Lfunc_end0:
.L_simem_size_0:
called_computation_lowered:
.L_overlay_start_0:
0x88: {  	s2 =	sld [smem:$0x3FD9]  }
0x89: {  	s3 =	sld [smem:$0x3FFE];
	_ =	sdelay $0x1  }
0x8a: {  	s1 =	srdreg.scid  }
0x8b: {  	s0 =	sand.u32 $0x1, s1  }
0x8c: {  	s14 =	sshll.u32 s0, $0xA;
	s2 =	sadd.s32 s3, s2  }
0x8d: {  	s2 =	sadd.s32 s2, s14  }
0x8e: {  	[smem:$0x3FB9] =	sst s2  }
0x8f: {  	_ = 	snop  }
0x90: {  	s2 =	sld [smem:$0x3FD0];
	_ =	sdelay $0x2  }
0x91: {  	s15 =	simm.s32 $0xA;
	s4 =	simm.s32 $0x10  }
0x92: {  	[smem:s4], [sflag:s15] =	dma.local [hbm:s2], $0x1  }
0x93: {  	_ =	swait.eq [sflag:s15], $0x1  }
0x94: {  	[sflag:s15] =	ssyncset.done $0x0  }
0x95: {  	s16 =	sld [smem:$0x10];
	[sflag:s15] =	ssyncadd.s32 $0xFFFFFFFF  }
0x96: {  	s17 =	sld [smem:$0x11];
	(tm) =	ssettm $0x1  }
0x97: {  	s18 =	sld [smem:$0x3FFB];
	_ =	sdelay $0x3  }
0x98: {  	_ =	strace s18  }
0x99: {  	s4 =	sld [smem:$0x3FFC];
	_ =	sdelay $0x3  }
0x9a: {  	_ =	strace s4  }
0x9b: {  	s4 =	sld [smem:$0x3FFD];
	_ =	sdelay $0x3  }
0x9c: {  	_ =	strace s4  }
0x9d: {  	_ =	strace $0x8FFFFFFF  }
0x9e: {  	s19 =	sld [smem:$0x3FDB];
	_ =	sdelay $0x1  }
0x9f: {  	s5 =	simm.s32 $_scs_section_size  }
0xa0: {  	s6 =	simm.s32 $_size__tile_overlayer_lowered;
	s7 =	simm.s32 $_tile_overlayer_lowered  }
0xa1: {  	s22 =	simm.s32 $0x1BFF;
	s21 =	sshll.u32 s7, $0x1;
	s4 =	sadd.s32 s5, s19  }
0xa2: {  	s8 =	simm.s32 $0x0;
	s20 =	sshll.u32 s6, $0x1;
	s6 =	sadd.s32 s21, s4  }
0xa3: {  	[timem:s8], [sflag:s22] =	dma.local [hbm:s6], s20  }
0xa4: {  	_ =	swait.ge [sflag:s22], s20  }
0xa5: {  	s5 =	ssub.s32 $0x0, s20;
	[sflag:s22] =	ssyncset.done $0x0  }
0xa6: {  	[sflag:s22] =	ssyncadd.s32 s5;
	_ =	sdelay $0x1  }
0xa7: {  	s23 =	simm.s32 $0x1B8B  }
0xa8: {  	_ =	swait.ge [sflag:s23], $0x1  }
0xa9: {  	[sflag:s23] =	ssyncset.done $0x0  }
0xaa: {  	s25 =	simm.s32 $0x1B8E;
	s24 =	sld [smem:$0x3FFE];
	[sflag:s23] =	ssyncadd.s32 $0xFFFFFFFF  }
0xab: {  	s26 =	simm.s32 $execute0_lowered;
	[smem:$0x3FD2] =	sst s25  }
0xac: {  	s6 =	sshll.u32 s26, $0x1;
	_ =	strace $0x80000046;
	[dreg:$0x1] =	wrdreg $0xFFFFFFFF  }
0xad: {  	s28 =	simm.s32 $_size_execute0_lowered;
	s4 =	sadd.s32 s4, s6;
	[dreg:$0x0] =	wrdreg $0x0  }
0xae: {  	s6 =	sshll.u32 s28, $0x1;
	[dreg:$0x2] =	wrdreg s4  }
0xaf: {  	[dreg:$0x3] =	wrdreg s6  }
0xb0: {  	[dreg:$0x4] =	wrdreg $0xC0  }
0xb1: {  	_ =	task [dreg:s8], $0x5FFFF  }
0xb2: {  	[dreg:$0x1] =	wrdreg $0xFFFFFFFF  }
0xb3: {  	[dreg:$0x0] =	wrdreg $0x60  }
0xb4: {  	[dreg:$0x2] =	wrdreg s24  }
0xb5: {  	[dreg:$0x3] =	wrdreg s16  }
0xb6: {  	[dreg:$0x4] =	wrdreg s17  }
0xb7: {  	[dreg:$0x5] =	wrdreg $0x2B000  }
0xb8: {  	[dreg:$0x6] =	wrdreg $0x9  }
0xb9: {  	_ =	task.clear_ibuf [dreg:s8], $0x7FFFF;
	_ =	strace $0x90000046  }
0xba: {  	s29 =	simm.s32 $0x9;
	_ =	strace $0x80000048  }
0xbb: {  	_ =	swait.ge [sflag:s29], $0x1  }
0xbc: {  	[sflag:s29] =	ssyncadd.s32 $0xFFFFFFFF  }
0xbd: {  	_ =	strace $0x90000048  }
0xbe: {  	_ =	sfence  }
0xbf: {  	s30 =	sld [smem:$0x0];
	_ =	sdelay $0x2  }
0xc0: {  	s31 =	sshll.u32 s1, $0xD;
	s1 =	sshrl.u32 s1, $0x2  }
0xc1: {  	s3 =	sand.u32 $0x4000, s31;
	s1 =	sadd.s32 s1, s30  }
0xc2: {  	s0 =	sor.u32 s3, s0;
	s1 =	sshll.u32 s1, $0x11  }
0xc3: {  	s0 =	sor.u32 s1, s0  }
0xc4: {  	s0 =	sadd.s32 $0x8F2B, s0  }
0xc5: {  	[sflag:s0] =	ssyncadd.remote.s32 $0x1  }
0xc6: {  	_ =	sfence.sel $0xFFFF  }
0xc7: {  	[dreg:$0x0] =	wrdreg $0xFFFFFFFF;
	(pc) =	sbr.abs _section_cstart, $3  }
0xc8: {  	[dreg:$0x1] =	wrdreg $0xFFFFFFFF  }
0xc9: {  	_ =	task.clear_ibuf [dreg:s8], $0x2FFFF;
	_ =	strace $0x9FFFFFFF  }
0xca: {  	(tm) =	ssettm $0x7FFFFFFF  }
0xcb: {  	_ =	shalt  }
tec
execute0_lowered:
.L_overlay_start_1:
0x0: {  	(tag) =	ssettag $0x1  }
0x1: {  	s6 =	rddreg [dreg:$0x0]  }
0x2: {  	s1 =	rddreg [dreg:$0x1]  }
0x3: {  	s3 =	rddreg [dreg:$0x2]  }
0x4: {  	s4 =	rddreg [dreg:$0x3]  }
0x5: {  	s0 =	rddreg [dreg:$0x4];
	s5 =	srdreg.scid  }
0x6: {  	s2 =	stileid.u32;
	s12 =	simm.s32 $0x1;
	s13 =	simm.s32 $0x2800  }
0x7: {  	s14 =	simm.s32 $0x80;
	s7 =	sand.u32 $0x1, s5;
	s9 =	smul.u32 $0x280, s2  }
0x8: {  	s8 =	sshll.u32 s2, $0x1;
	s5 =	simm.s32 $0x0;
	s10 =	smul.u32 $0x2800, s7  }
0x9: {  	s15 =	simm.s32 $0x0;
	s8 =	sor.u32 s7, s8;
	[smem:$0x7FF] =	sst s5  }
0xa: {  	s7 =	ssub.s32 $0x2, s7;
	s8 =	smul.u32 $0x500, s8;
	s10 =	sadd.s32 s9, s10  }
0xb: {  	_ =	strace $0x80000047;
	s11 =	sshrl.u32 s7, $0x1;
	s10 =	sshrl.u32 s10, $0x3  }
0xc: {  	s11 =	ssub.s32 s7, s11;
	s8 =	sadd.s32 s8, s6;
	s10 =	sadd.s32 s10, s6  }
0xd: {  	s6 =	sadd.s32 s9, s4;
	s7 =	sadd.s32 $0x4000, s8;
	s9 =	smax.u32 s11, $0x1  }
0xe: {  	s11 =	simm.s32 $0x2;
	s8 =	sadd.s32 $0xE000, s10;
	s10 =	simm.s32 $0x2880  }
.LBB2_1:
0xf: {  	[tilespmem:s10], [sflag:$0x2] =	stream.linear.gather [hbm4b:s1+s5], $0x280, $0x38;
	[tilespmem:$0x2D80] =	vst v63  }
0x10: {  	_ =	swait.ge [sflag:s11], $0x280  }
0x11: {  	[sflag:s11] =	ssyncset.done $0x0  }
0x12: {  	[sflag:s11] =	ssyncadd.s32 $0xFFFFFD80  }
0x13: {  	[spmem:s6] =	stream.linear.scatter [tilespmem:s10], [sflag:$0x2], $0x280, $0x38;
	[tilespmem:$0x2D80] =	vst v63  }
0x14: {  	_ =	swait.ge [sflag:s11], $0x280  }
0x15: {  	[sflag:s11] =	ssyncset.done $0x0  }
0x16: {  	[sflag:s11] =	ssyncadd.s32 $0xFFFFFD80  }
0x17: {  	[tilespmem:s5], [sflag:$0x1] =	stream.linear.gather [hbm4b:s7+s5], $0x2780, $0x38;
	[tilespmem:$0x2D80] =	vst v63  }
0x18: {  	_ =	swait.ge [sflag:s12], $0x2780  }
0x19: {  	[sflag:s12] =	ssyncset.done $0x0  }
0x1a: {  	[sflag:s12] =	ssyncadd.s32 $0xFFFFD880  }
0x1b: {  	[tilespmem:s13], [sflag:$0x2] =	stream.linear.gather [hbm4b:s3+s5], $0x80, $0x38;
	[tilespmem:$0x2D80] =	vst v63  }
0x1c: {  	_ =	swait.ge [sflag:s11], $0x80  }
0x1d: {  	[sflag:s11] =	ssyncset.done $0x0  }
0x1e: {  	[sflag:s11] =	ssyncadd.s32 $0xFFFFFF80  }
0x1f: {  	s16 =	simm.s32 $0x0;
	[bflag:$0x0] =	sbarrier.arrive $0xFFFF  }
0x20: {  	[spmem:s4] =	stream.indirect.scatter.add.f32 [tilespmem:s13], [sflag:$0x2], $0x1, s16, s14, $0xb8;
	[tilespmem:$0x2D80] =	vst v63  }
0x21: {  	_ =	swait.ge [sflag:s11], $0x80  }
0x22: {  	s16 =	simm.s32 $0x200;
	[sflag:s11] =	ssyncset.done $0x0  }
.LBB2_2:
0x23: {  	s17 =	sshra.s32 s16, $0x2;
	[sflag:s11] =	ssyncadd.s32 $0xFFFFFF80;
	p0 =	sne.s32 s16, $0x9C00  }
0x24: {  	[spmem:s4] =	stream.indirect.scatter.add.f32 [tilespmem:s13], [sflag:$0x2], $0x1, s17, s14, $0xb8;
	[tilespmem:$0x2D80] =	vst v63  }
.Ltmp0:
0x25: {  	_ = 	snop;
	(pc) =	sbr.rel @p0 .LBB2_2-.Ltmp0, $4  }
0x26: {  	_ = 	snop  }
0x27: {  	s16 =	sadd.s32 $0x200, s16  }
0x28: {  	_ =	swait.ge [sflag:s11], $0x80  }
0x29: {  	[sflag:s11] =	ssyncset.done $0x0  }
0x2a: {  	[sflag:s11] =	ssyncadd.s32 $0xFFFFFF80  }
0x2b: {  	[bflag:$0x0] =	sbarrier.arrive $0xFFFF  }
0x2c: {  	[tilespmem:s10], [sflag:$0x2] =	stream.linear.gather [spmem:s6], $0x280, $0x38;
	[tilespmem:$0x2D80] =	vst v63  }
0x2d: {  	s15 =	sadd.s32 $0x1, s15;
	_ =	swait.ge [sflag:s11], $0x280  }
0x2e: {  	p0 =	sne.s32 s15, s9;
	[sflag:s11] =	ssyncset.done $0x0  }
.Ltmp1:
0x2f: {  	[sflag:s11] =	ssyncadd.s32 $0xFFFFFD80;
	(pc) =	sbr.rel @p0 .LBB2_1-.Ltmp1, $4  }
0x30: {  	[hbm4b:s8+s5] =	stream.linear.scatter [tilespmem:s10], [sflag:$0x2], $0x280, $0x38;
	[tilespmem:$0x2D80] =	vst v63  }
0x31: {  	_ =	swait.ge [sflag:s11], $0x280  }
0x32: {  	[sflag:s11] =	ssyncset.done $0x0  }
0x33: {  	[sflag:s11] =	ssyncadd.s32 $0xFFFFFD80  }
0x34: {  	_ =	sfence.sel $0x180000  }
0x35: {  	[bflag:$0x0] =	sbarrier.arrive $0xFFFF  }
0x36: {  	p0 =	sne.s32 s2, $0x0;
	_ =	strace $0x90000047  }
0x37: {  	s0 =	sadd.s32 @!p0 $0x100000, s0;
	[bflag:$0x2] =	sbarrier.arrive $0xFFFF  }
0x38: {  	[sflag:s0] =	ssyncadd.tile.s32 @!p0 $0x1;
	_ =	shalt  }
.Lfunc_end2:
_tile_overlayer_lowered:
.L_overlay_start_2:
0x39: {  	(tag) =	ssettag $0x2  }
0x3a: {  	s0 =	rddreg [dreg:$0x0];
	s2 =	stileid.u32  }
0x3b: {  	s1 =	rddreg [dreg:$0x1];
	p0 =	sne.s32 s2, $0x0  }
0x3c: {  	s3 =	rddreg [dreg:$0x2];
	[bflag:$0x3] =	sbarrier.arrive $0xFFFF;
	s2 =	simm.s32 @!p0 $0x1C02  }
0x3d: {  	[timem:s3], [sflag:s2] =	dma.local @!p0 [hbm:s0], s1  }
0x3e: {  	s0 =	simm.s32 @!p0 $0x2  }
0x3f: {  	_ =	swait.ge @!p0 [sflag:s0], s1  }
0x40: {  	s1 =	ssub.s32 @!p0 $0x0, s1;
	[sflag:s0] =	ssyncset.done @!p0 $0x0  }
0x41: {  	[sflag:s0] =	ssyncadd.s32 @!p0 s1  }
0x42: {  	[bflag:$0x3] =	sbarrier.arrive $0xFFFF  }
0x43: {  	_ =	shalt  }

// kernel: kernel.13.cloned.1.call-start
scs
__scs_entry_jumppad:
0x0: {  	(pc) =	sbr.rel $0x88, $3  }
0x1: {  	(tag) =	ssettag $0x0;
	lr =	simm.s32 $0x1  }
0x2: {  	[smem:$0x3F92] =	sst lr;
	_ =	strace $0xD0000000  }
0x3: {  	_ = 	snop  }
0x4: {  	_ = 	snop  }
0x5: {  	_ = 	snop  }
0x6: {  	_ = 	snop  }
0x7: {  	_ = 	snop  }
__scs_overlays_trampoline_lowered:
0x8: {  	[smem:$0x3FA1] =	sst s0  }
0x9: {  	[smem:$0x3FA2] =	sst s1  }
0xa: {  	[smem:$0x3FA3] =	sst s2  }
0xb: {  	[smem:$0x3FA4] =	sst s3  }
0xc: {  	[smem:$0x3FA5] =	sst s4  }
0xd: {  	[smem:$0x3FA6] =	sst s5  }
0xe: {  	[smem:$0x3FA7] =	sst s6  }
0xf: {  	[smem:$0x3FA8] =	sst s7  }
0x10: {  	[smem:$0x3FA9] =	sst s8  }
0x11: {  	[smem:$0x3FAA] =	sst s9;
	s0 =	simm.s32 @!p0 $0x0  }
0x12: {  	s1 =	sld [smem:$0x3F90];
	s0 =	simm.s32 @p0 $0x1  }
0x13: {  	[smem:$0x3FAB] =	sst s0;
	s0 =	simm.s32 @!p1 $0x0  }
0x14: {  	s2 =	sld [smem:$0x3F8F];
	s0 =	simm.s32 @p1 $0x1  }
0x15: {  	[smem:$0x3FAC] =	sst s0;
	s0 =	simm.s32 @!p2 $0x0  }
0x16: {  	s3 =	sld [smem:$0x3FDB];
	s0 =	simm.s32 @p2 $0x1  }
0x17: {  	s4 =	simm.s32 $0x1BF5;
	[smem:$0x3FAE] =	sst s0  }
0x18: {  	s0 =	sld [smem:$0x3F91];
	_ =	swait.ge [sflag:s4], $0x0  }
0x19: {  	s7 =	sld [smem:$0x3F92]  }
0x1a: {  	s8 =	sadd.s32 $0xFFFFE003, lr  }
0x1b: {  	s9 =	sadd.s32 $0xFFFFFEF7, lr;
	s5 =	simm.s32 $0xFFFFFFFF;
	p2 =	slt.u32 s8, $0xFFFFF086  }
0x1c: {  	p1 =	slt.u32 s9, $0xF7A;
	s5 =	simm.s32 @!p2 $0x0  }
0x1d: {  	s5 =	simm.s32 @p1 $0x1;
	p0 =	seq.s32 s7, s2  }
0x1e: {  	s7 =	smul.u32 @!p0 $0xF7A, s2;
	p2 =	seq.s32 @!p0 s5, $0x0  }
0x1f: {  	s9 =	smul.u32 $0xF7A, s1;
	s8 =	simm.s32 @!p0 $0x1BF5;
	p2 =	por !p2, p0  }
0x20: {  	[sflag:s8] =	ssyncset.s32 @!p0 $0xFFFFF086;
	s6 =	sadd.s32 @!p0 s3, s7;
	s7 =	simm.s32 @!p0 $0x108  }
0x21: {  	s3 =	sadd.s32 s3, s9;
	s6 =	sadd.s32 @!p0 $0x88, s6;
	s7 =	simm.s32 @p2 $0x1082  }
0x22: {  	[simem:s7], [sflag:s8] =	dma.local @!p0 [hbm:s6], $0xF7A  }
0x23: {  	s9 =	sor.u32 $0xD0000000, s2;
	s6 =	simm.s32 $0x108;
	_ =	swait.ge @!p0 [sflag:s8], $0x0  }
0x24: {  	s3 =	sadd.s32 $0x88, s3;
	s6 =	simm.s32 @!p1 $0x1082;
	[sflag:s4] =	ssyncset.s32 $0xFFFFF086  }
0x25: {  	[simem:s6], [sflag:s4] =	dma.local [hbm:s3], $0xF7A  }
0x26: {  	[smem:$0x3F92] =	sst s1;
	(tag) =	ssettag s2;
	_ =	strace s9  }
0x27: {  	s1 =	sld [smem:$0x3FA2]  }
0x28: {  	s2 =	sld [smem:$0x3FA3]  }
0x29: {  	s4 =	sld [smem:$0x3FA5]  }
0x2a: {  	p0 =	seq.s32 s5, $0x0;
	s5 =	sld [smem:$0x3FA6]  }
0x2b: {  	s6 =	sld [smem:$0x3FA7]  }
0x2c: {  	s7 =	sld [smem:$0x3FA8]  }
0x2d: {  	s3 =	simm.s32 $0x108;
	s8 =	sld [smem:$0x3FA9]  }
0x2e: {  	s3 =	simm.s32 @!p0 $0x1082;
	s9 =	sld [smem:$0x3FAA]  }
0x2f: {  	lr =	sadd.s32 s0, s3;
	s0 =	sld [smem:$0x3FA1]  }
0x30: {  	s3 =	sld [smem:$0x3FA4]  }
0x31: {  	[smem:$0x3FAD] =	sst s10  }
0x32: {  	s10 =	sld [smem:$0x3FAB];
	_ =	sdelay $0x3  }
0x33: {  	p0 =	seq.s32 s10, $0x1;
	s10 =	sld [smem:$0x3FAD];
	_ =	sdelay $0x3  }
0x34: {  	[smem:$0x3FAD] =	sst s10  }
0x35: {  	s10 =	sld [smem:$0x3FAC];
	_ =	sdelay $0x3  }
0x36: {  	p1 =	seq.s32 s10, $0x1;
	s10 =	sld [smem:$0x3FAD];
	_ =	sdelay $0x3  }
0x37: {  	[smem:$0x3FAD] =	sst s10  }
0x38: {  	s10 =	sld [smem:$0x3FAE]  }
0x39: {  	_ = 	snop;
	(pc) =	sbr.ind lr, $3  }
0x3a: {  	_ = 	snop  }
0x3b: {  	_ = 	snop  }
0x3c: {  	p2 =	seq.s32 s10, $0x1;
	s10 =	sld [smem:$0x3FAD]  }
0x3d: {  	_ =	shalt  }
0x3e: {  	_ =	shalt  }
0x3f: {  	_ =	shalt  }
0x40: {  	_ =	shalt  }
0x41: {  	_ =	shalt  }
0x42: {  	_ =	shalt  }
0x43: {  	_ =	shalt  }
0x44: {  	_ =	shalt  }
0x45: {  	_ =	shalt  }
0x46: {  	_ =	shalt  }
0x47: {  	_ =	shalt  }
0x48: {  	_ =	shalt  }
0x49: {  	_ =	shalt  }
0x4a: {  	_ =	shalt  }
0x4b: {  	_ =	shalt  }
0x4c: {  	_ =	shalt  }
0x4d: {  	_ =	shalt  }
0x4e: {  	_ =	shalt  }
0x4f: {  	_ =	shalt  }
0x50: {  	_ =	shalt  }
0x51: {  	_ =	shalt  }
0x52: {  	_ =	shalt  }
0x53: {  	_ =	shalt  }
0x54: {  	_ =	shalt  }
0x55: {  	_ =	shalt  }
0x56: {  	_ =	shalt  }
0x57: {  	_ =	shalt  }
0x58: {  	_ =	shalt  }
0x59: {  	_ =	shalt  }
0x5a: {  	_ =	shalt  }
0x5b: {  	_ =	shalt  }
0x5c: {  	_ =	shalt  }
0x5d: {  	_ =	shalt  }
0x5e: {  	_ =	shalt  }
0x5f: {  	_ =	shalt  }
0x60: {  	_ =	shalt  }
0x61: {  	_ =	shalt  }
0x62: {  	_ =	shalt  }
0x63: {  	_ =	shalt  }
0x64: {  	_ =	shalt  }
0x65: {  	_ =	shalt  }
0x66: {  	_ =	shalt  }
0x67: {  	_ =	shalt  }
0x68: {  	_ =	shalt  }
0x69: {  	_ =	shalt  }
0x6a: {  	_ =	shalt  }
0x6b: {  	_ =	shalt  }
0x6c: {  	_ =	shalt  }
0x6d: {  	_ =	shalt  }
0x6e: {  	_ =	shalt  }
0x6f: {  	_ =	shalt  }
0x70: {  	_ =	shalt  }
0x71: {  	_ =	shalt  }
0x72: {  	_ =	shalt  }
0x73: {  	_ =	shalt  }
0x74: {  	_ =	shalt  }
0x75: {  	_ =	shalt  }
0x76: {  	_ =	shalt  }
0x77: {  	_ =	shalt  }
0x78: {  	_ =	shalt  }
0x79: {  	_ =	shalt  }
0x7a: {  	_ =	shalt  }
0x7b: {  	_ =	shalt  }
0x7c: {  	_ =	shalt  }
0x7d: {  	_ =	shalt  }
0x7e: {  	_ =	shalt  }
0x7f: {  	_ =	shalt  }
0x80: {  	_ =	shalt  }
0x81: {  	_ =	shalt  }
0x82: {  	_ =	shalt  }
0x83: {  	_ =	shalt  }
0x84: {  	_ =	shalt  }
0x85: {  	_ =	shalt  }
0x86: {  	_ =	shalt  }
0x87: {  	_ =	shalt  }
.Lfunc_end0:
.L_simem_size_0:
called_computation.1_lowered:
.L_overlay_start_0:
0x88: {  	s2 =	sld [smem:$0x3FD9]  }
0x89: {  	s3 =	sld [smem:$0x3FFE];
	_ =	sdelay $0x1  }
0x8a: {  	s1 =	srdreg.scid  }
0x8b: {  	s0 =	sand.u32 $0x1, s1  }
0x8c: {  	s16 =	sshll.u32 s0, $0xA;
	s2 =	sadd.s32 s3, s2  }
0x8d: {  	s2 =	sadd.s32 s2, s16  }
0x8e: {  	[smem:$0x3FB9] =	sst s2  }
0x8f: {  	_ = 	snop  }
0x90: {  	(tm) =	ssettm $0x1  }
0x91: {  	s17 =	sld [smem:$0x3FFB];
	_ =	sdelay $0x3  }
0x92: {  	_ =	strace s17  }
0x93: {  	s2 =	sld [smem:$0x3FFC];
	_ =	sdelay $0x3  }
0x94: {  	_ =	strace s2  }
0x95: {  	s2 =	sld [smem:$0x3FFD];
	_ =	sdelay $0x3  }
0x96: {  	_ =	strace s2  }
0x97: {  	_ =	strace $0x8FFFFFFF  }
0x98: {  	s18 =	sld [smem:$0x3FDB];
	_ =	sdelay $0x1  }
0x99: {  	s19 =	simm.s32 $_scs_section_size  }
0x9a: {  	s4 =	simm.s32 $_size__tile_overlayer_lowered;
	s5 =	simm.s32 $_tile_overlayer_lowered  }
0x9b: {  	s22 =	simm.s32 $0x1BFF;
	s21 =	sshll.u32 s5, $0x1;
	s2 =	sadd.s32 s19, s18  }
0x9c: {  	s6 =	simm.s32 $0x0;
	s20 =	sshll.u32 s4, $0x1;
	s4 =	sadd.s32 s21, s2  }
0x9d: {  	[timem:s6], [sflag:s22] =	dma.local [hbm:s4], s20  }
0x9e: {  	_ =	swait.ge [sflag:s22], s20  }
0x9f: {  	s3 =	ssub.s32 $0x0, s20;
	[sflag:s22] =	ssyncset.done $0x0  }
0xa0: {  	[sflag:s22] =	ssyncadd.s32 s3;
	_ =	sdelay $0x1  }
0xa1: {  	s23 =	simm.s32 $0x1B8B  }
0xa2: {  	_ =	swait.ge [sflag:s23], $0x1  }
0xa3: {  	[sflag:s23] =	ssyncset.done $0x0  }
0xa4: {  	s25 =	simm.s32 $0x1B8E;
	s24 =	sld [smem:$0x3FFE];
	[sflag:s23] =	ssyncadd.s32 $0xFFFFFFFF  }
0xa5: {  	s26 =	simm.s32 $execute0_lowered;
	[smem:$0x3FD2] =	sst s25  }
0xa6: {  	s4 =	sshll.u32 s26, $0x1;
	_ =	strace $0x80000049;
	[dreg:$0x1] =	wrdreg $0xFFFFFFFF  }
0xa7: {  	s28 =	simm.s32 $_size_execute0_lowered;
	s2 =	sadd.s32 s2, s4;
	[dreg:$0x0] =	wrdreg $0x0  }
0xa8: {  	s4 =	sshll.u32 s28, $0x1;
	[dreg:$0x2] =	wrdreg s2  }
0xa9: {  	[dreg:$0x3] =	wrdreg s4  }
0xaa: {  	[dreg:$0x4] =	wrdreg $0xC0  }
0xab: {  	_ =	task [dreg:s6], $0x5FFFF  }
0xac: {  	[dreg:$0x1] =	wrdreg $0xFFFFFFFF  }
0xad: {  	[dreg:$0x0] =	wrdreg $0x60  }
0xae: {  	[dreg:$0x2] =	wrdreg s24  }
0xaf: {  	[dreg:$0x3] =	wrdreg $0xBC000  }
0xb0: {  	[dreg:$0x4] =	wrdreg $0x9  }
0xb1: {  	_ =	task.clear_ibuf [dreg:s6], $0x5FFFF;
	_ =	strace $0x90000049  }
0xb2: {  	s29 =	simm.s32 $0x9;
	_ =	strace $0x8000004B  }
0xb3: {  	_ =	swait.ge [sflag:s29], $0x1  }
0xb4: {  	[sflag:s29] =	ssyncadd.s32 $0xFFFFFFFF  }
0xb5: {  	_ =	strace $0x9000004B  }
0xb6: {  	_ =	sfence  }
0xb7: {  	s30 =	sld [smem:$0x0];
	_ =	sdelay $0x2  }
0xb8: {  	s31 =	sshll.u32 s1, $0xD;
	s1 =	sshrl.u32 s1, $0x2  }
0xb9: {  	s3 =	sand.u32 $0x4000, s31;
	s1 =	sadd.s32 s1, s30  }
0xba: {  	s0 =	sor.u32 s3, s0;
	s1 =	sshll.u32 s1, $0x11  }
0xbb: {  	s0 =	sor.u32 s1, s0  }
0xbc: {  	s0 =	sadd.s32 $0x8F2B, s0  }
0xbd: {  	[sflag:s0] =	ssyncadd.remote.s32 $0x1  }
0xbe: {  	_ =	sfence.sel $0xFFFF  }
0xbf: {  	[dreg:$0x0] =	wrdreg $0xFFFFFFFF;
	(pc) =	sbr.abs _section_cstart, $3  }
0xc0: {  	[dreg:$0x1] =	wrdreg $0xFFFFFFFF  }
0xc1: {  	_ =	task.clear_ibuf [dreg:s6], $0x2FFFF;
	_ =	strace $0x9FFFFFFF  }
0xc2: {  	(tm) =	ssettm $0x7FFFFFFF  }
0xc3: {  	_ =	shalt  }
tec
execute0_lowered:
.L_overlay_start_1:
0x0: {  	(tag) =	ssettag $0x1  }
0x1: {  	s0 =	srdreg.scid;
	s1 =	rddreg [dreg:$0x0]  }
0x2: {  	s9 =	stileid.u32;
	s2 =	rddreg [dreg:$0x1]  }
0x3: {  	s21 =	simm.s32 $0x7C00;
	s22 =	simm.s32 $0x4;
	s23 =	simm.s32 $0x3  }
0x4: {  	s24 =	simm.s32 $0x1;
	s25 =	simm.s32 $0x2;
	s26 =	simm.s32 $0x80  }
0x5: {  	s0 =	sand.u32 $0x1, s0;
	s3 =	sshll.u32 s9, $0x1;
	s7 =	smul.u32 $0x50000, s9  }
0x6: {  	s28 =	simm.s32 $0x3C00;
	s12 =	smul.u32 $0x14000, s9;
	s4 =	sor.u32 s0, s3  }
0x7: {  	s3 =	simm.s32 $0x0;
	s6 =	ssub.s32 $0x2, s0;
	s0 =	smul.u32 $0x140000, s0  }
0x8: {  	s29 =	simm.s32 $0x3B00;
	s5 =	smul.u32 $0x2800, s4;
	[smem:$0x7FF] =	sst s3  }
0x9: {  	s4 =	sadd.s32 $0x18A00, s1;
	s8 =	sshrl.u32 s6, $0x1;
	s30 =	sshrl.u32 s7, $0x2  }
0xa: {  	s14 =	sadd.s32 $0x4000, s12;
	s16 =	sadd.s32 $0x8000, s12;
	s17 =	sadd.s32 $0xC000, s12  }
0xb: {  	s18 =	sadd.s32 $0x10000, s12;
	_ =	strace $0x8000004A;
	s19 =	ssub.s32 s6, s8  }
0xc: {  	s8 =	sadd.s32 s30, s2;
	s9 =	sadd.s32 s14, s2;
	s10 =	sadd.s32 s16, s2  }
0xd: {  	s11 =	sadd.s32 s17, s2;
	s15 =	sadd.s32 s12, s0;
	s12 =	sadd.s32 s18, s2  }
0xe: {  	s20 =	sadd.s32 s0, s14;
	s16 =	sadd.s32 s0, s16;
	s17 =	sadd.s32 s0, s17  }
0xf: {  	s0 =	sadd.s32 s0, s18;
	s5 =	sshrl.u32 s5, $0x3;
	s15 =	sshrl.u32 s15, $0x3  }
0x10: {  	s31 =	sshrl.u32 s20, $0x3;
	s16 =	sshrl.u32 s16, $0x3;
	s17 =	sshrl.u32 s17, $0x3  }
0x11: {  	s0 =	sshrl.u32 s0, $0x3;
	s19 =	smax.u32 s19, $0x1;
	s20 =	simm.s32 $0x2800  }
0x12: {  	s13 =	sadd.s32 s5, s1;
	s5 =	sadd.s32 $0xE000, s1;
	s1 =	sadd.s32 $0x3FC00, s1  }
0x13: {  	s6 =	sadd.s32 $0xEA00, s13;
	s7 =	sadd.s32 $0x4000, s13;
	s13 =	sadd.s32 $0x4280, s13  }
0x14: {  	s14 =	sadd.s32 s1, s15;
	s15 =	sadd.s32 s1, s31;
	s16 =	sadd.s32 s1, s16  }
0x15: {  	s17 =	sadd.s32 s1, s17;
	s18 =	sadd.s32 s1, s0;
	s1 =	simm.s32 $0x0  }
.LBB2_1:
0x16: {  	[tilespmem:s3], [sflag:$0x1] =	stream.linear.gather [hbm4b:s6+s3], $0x2780, $0x38;
	[tilespmem:$0x1FC00] =	vst v63  }
0x17: {  	_ = 	snop  }
0x18: {  	[tilespmem:s20], [sflag:$0x2] =	stream.linear.gather [hbm4b:s7+s3], $0x1400, $0x38;
	[tilespmem:$0x1FC00] =	vst v63  }
0x19: {  	_ = 	snop  }
0x1a: {  	[tilespmem:s21], [sflag:$0x4] =	stream.linear.gather [hbm4b:s5+s3], $0x4000, $0x38;
	[tilespmem:$0x1FC00] =	vst v63  }
0x1b: {  	_ =	swait.ge [sflag:s22], $0x4000  }
0x1c: {  	[sflag:s22] =	ssyncset.done $0x0  }
0x1d: {  	[sflag:s22] =	ssyncadd.s32 $0xFFFFC000  }
0x1e: {  	[spmem:s8] =	stream.linear.scatter [tilespmem:s21], [sflag:$0x3], $0x4000, $0x38;
	[tilespmem:$0x1FC00] =	vst v63  }
0x1f: {  	_ = 	snop  }
0x20: {  	[spmem:s9] =	stream.linear.scatter [tilespmem:s21], [sflag:$0x3], $0x4000, $0x38;
	[tilespmem:$0x1FC00] =	vst v63  }
0x21: {  	_ = 	snop  }
0x22: {  	[spmem:s10] =	stream.linear.scatter [tilespmem:s21], [sflag:$0x3], $0x4000, $0x38;
	[tilespmem:$0x1FC00] =	vst v63  }
0x23: {  	_ = 	snop  }
0x24: {  	[spmem:s11] =	stream.linear.scatter [tilespmem:s21], [sflag:$0x3], $0x4000, $0x38;
	[tilespmem:$0x1FC00] =	vst v63  }
0x25: {  	_ = 	snop  }
0x26: {  	[spmem:s12] =	stream.linear.scatter [tilespmem:s21], [sflag:$0x3], $0x4000, $0x38;
	[tilespmem:$0x1FC00] =	vst v63  }
0x27: {  	_ =	swait.ge [sflag:s23], $0x4000  }
0x28: {  	[sflag:s23] =	ssyncset.done $0x0  }
0x29: {  	[sflag:s23] =	ssyncadd.s32 $0xFFFFC000  }
0x2a: {  	_ =	swait.ge [sflag:s23], $0x4000  }
0x2b: {  	[sflag:s23] =	ssyncset.done $0x0  }
0x2c: {  	[sflag:s23] =	ssyncadd.s32 $0xFFFFC000  }
0x2d: {  	_ =	swait.ge [sflag:s23], $0x4000  }
0x2e: {  	[sflag:s23] =	ssyncset.done $0x0  }
0x2f: {  	[sflag:s23] =	ssyncadd.s32 $0xFFFFC000  }
0x30: {  	_ =	swait.ge [sflag:s23], $0x4000  }
0x31: {  	[sflag:s23] =	ssyncset.done $0x0  }
0x32: {  	[sflag:s23] =	ssyncadd.s32 $0xFFFFC000  }
0x33: {  	_ =	swait.ge [sflag:s23], $0x4000  }
0x34: {  	[sflag:s23] =	ssyncset.done $0x0  }
0x35: {  	[sflag:s23] =	ssyncadd.s32 $0xFFFFC000  }
0x36: {  	_ =	swait.ge [sflag:s24], $0x2780  }
0x37: {  	[sflag:s24] =	ssyncset.done $0x0  }
0x38: {  	[sflag:s24] =	ssyncadd.s32 $0xFFFFD880  }
0x39: {  	_ =	swait.ge [sflag:s25], $0x1400  }
0x3a: {  	[sflag:s25] =	ssyncset.done $0x0  }
0x3b: {  	[sflag:s25] =	ssyncadd.s32 $0xFFFFEC00  }
0x3c: {  	[bflag:$0x0] =	sbarrier.arrive $0xFFFF  }
0x3d: {  	[tilespmem:s28], [sflag:$0x1] =	stream.indirect.gather [hbm4b:s4+s26], $0x80, s3, s26, $0xb8;
	[tilespmem:$0x1FC00] =	vst v63  }
0x3e: {  	_ = 	snop  }
0x3f: {  	[tilespmem:s21], [sflag:$0x3] =	stream.indirect.gather [hbm4b:s4+s26], $0x80, s26, s26, $0xb8;
	[tilespmem:$0x1FC00] =	vst v63  }
0x40: {  	_ =	swait.ge [sflag:s24], $0x4000  }
0x41: {  	[sflag:s24] =	ssyncset.done $0x0  }
0x42: {  	s0 =	simm.s32 $0x2800;
	[sflag:s24] =	ssyncadd.s32 $0xFFFFC000  }
0x43: {  	[spmem:s2] =	stream.indirect.scatter.add.f32 [tilespmem:s28], [sflag:$0x4], $0x80, s0, s26, $0xb8;
	[tilespmem:$0x1FC00] =	vst v63  }
0x44: {  	_ =	swait.ge [sflag:s22], $0x4000  }
0x45: {  	[sflag:s22] =	ssyncset.done $0x0  }
0x46: {  	s31 =	simm.s32 $0x100;
	[sflag:s22] =	ssyncadd.s32 $0xFFFFC000  }
0x47: {  	[tilespmem:s28], [sflag:$0x1] =	stream.indirect.gather [hbm4b:s4+s26], $0x80, s31, s26, $0xb8;
	[tilespmem:$0x1FC00] =	vst v63  }
0x48: {  	_ =	swait.ge [sflag:s23], $0x4000  }
0x49: {  	[sflag:s23] =	ssyncset.done $0x0  }
0x4a: {  	s31 =	simm.s32 $0x2880;
	[sflag:s23] =	ssyncadd.s32 $0xFFFFC000  }
0x4b: {  	[spmem:s2] =	stream.indirect.scatter.add.f32 [tilespmem:s21], [sflag:$0x4], $0x80, s31, s26, $0xb8;
	[tilespmem:$0x1FC00] =	vst v63  }
0x4c: {  	_ =	swait.ge [sflag:s22], $0x4000  }
0x4d: {  	[sflag:s22] =	ssyncset.done $0x0  }
0x4e: {  	s30 =	simm.s32 $0x180;
	s0 =	simm.s32 $0x400;
	[sflag:s22] =	ssyncadd.s32 $0xFFFFC000  }
.LBB2_2:
0x4f: {  	[tilespmem:s21], [sflag:$0x3] =	stream.indirect.gather [hbm4b:s4+s26], $0x80, s30, s26, $0xb8;
	[tilespmem:$0x1FC00] =	vst v63  }
0x50: {  	s30 =	smov.u32 s0  }
0x51: {  	p0 =	sne.s32 s0, $0x4800;
	s0 =	sadd.s32 $0x400, s0;
	_ =	swait.ge [sflag:s24], $0x4000  }
0x52: {  	s30 =	sshra.s32 s30, $0x2;
	[sflag:s24] =	ssyncset.done $0x0  }
0x53: {  	s31 =	sadd.s32 $0x2800, s30;
	[sflag:s24] =	ssyncadd.s32 $0xFFFFC000  }
0x54: {  	[spmem:s2] =	stream.indirect.scatter.add.f32 [tilespmem:s28], [sflag:$0x4], $0x80, s31, s26, $0xb8;
	[tilespmem:$0x1FC00] =	vst v63  }
0x55: {  	_ =	swait.ge [sflag:s22], $0x4000  }
0x56: {  	[sflag:s22] =	ssyncset.done $0x0  }
0x57: {  	s31 =	sadd.s32 $0x100, s30;
	[sflag:s22] =	ssyncadd.s32 $0xFFFFC000  }
0x58: {  	[tilespmem:s28], [sflag:$0x1] =	stream.indirect.gather [hbm4b:s4+s26], $0x80, s31, s26, $0xb8;
	[tilespmem:$0x1FC00] =	vst v63  }
0x59: {  	_ =	swait.ge [sflag:s23], $0x4000  }
0x5a: {  	[sflag:s23] =	ssyncset.done $0x0  }
.Ltmp0:
0x5b: {  	s31 =	sadd.s32 $0x2880, s30;
	[sflag:s23] =	ssyncadd.s32 $0xFFFFC000;
	(pc) =	sbr.rel @p0 .LBB2_2-.Ltmp0, $4  }
0x5c: {  	[spmem:s2] =	stream.indirect.scatter.add.f32 [tilespmem:s21], [sflag:$0x4], $0x80, s31, s26, $0xb8;
	[tilespmem:$0x1FC00] =	vst v63  }
0x5d: {  	_ =	swait.ge [sflag:s22], $0x4000  }
0x5e: {  	[sflag:s22] =	ssyncset.done $0x0  }
0x5f: {  	s30 =	sadd.s32 $0x180, s30;
	[sflag:s22] =	ssyncadd.s32 $0xFFFFC000  }
0x60: {  	[tilespmem:s21], [sflag:$0x3] =	stream.indirect.gather [hbm4b:s4+s26], $0x80, s30, s26, $0xb8;
	[tilespmem:$0x1FC00] =	vst v63  }
0x61: {  	_ =	swait.ge [sflag:s24], $0x4000  }
0x62: {  	[sflag:s24] =	ssyncset.done $0x0  }
0x63: {  	[sflag:s24] =	ssyncadd.s32 $0xFFFFC000  }
0x64: {  	[spmem:s2] =	stream.indirect.scatter.add.f32 [tilespmem:s28], [sflag:$0x4], $0x80, s29, s26, $0xb8;
	[tilespmem:$0x1FC00] =	vst v63  }
0x65: {  	_ =	swait.ge [sflag:s22], $0x4000  }
0x66: {  	[sflag:s22] =	ssyncset.done $0x0  }
0x67: {  	s0 =	simm.s32 $0x1400;
	[sflag:s22] =	ssyncadd.s32 $0xFFFFC000  }
0x68: {  	[tilespmem:s28], [sflag:$0x1] =	stream.indirect.gather [hbm4b:s4+s26], $0x80, s0, s26, $0xb8;
	[tilespmem:$0x1FC00] =	vst v63  }
0x69: {  	_ =	swait.ge [sflag:s23], $0x4000  }
0x6a: {  	[sflag:s23] =	ssyncset.done $0x0  }
0x6b: {  	s31 =	simm.s32 $0x3B80;
	[sflag:s23] =	ssyncadd.s32 $0xFFFFC000  }
0x6c: {  	[spmem:s2] =	stream.indirect.scatter.add.f32 [tilespmem:s21], [sflag:$0x4], $0x80, s31, s26, $0xb8;
	[tilespmem:$0x1FC00] =	vst v63  }
0x6d: {  	_ =	swait.ge [sflag:s22], $0x4000  }
0x6e: {  	[sflag:s22] =	ssyncset.done $0x0  }
0x6f: {  	s31 =	simm.s32 $0x1480;
	[sflag:s22] =	ssyncadd.s32 $0xFFFFC000  }
0x70: {  	[tilespmem:s21], [sflag:$0x3] =	stream.indirect.gather [hbm4b:s4+s26], $0x80, s31, s26, $0xb8;
	[tilespmem:$0x1FC00] =	vst v63  }
0x71: {  	s31 =	simm.s32 $0x0  }
0x72: {  	[tilespmem:s20], [sflag:$0x4] =	stream.linear.gather [hbm4b:s13+s31], $0x1380, $0x38;
	[tilespmem:$0x1FC00] =	vst v63  }
0x73: {  	_ =	swait.ge [sflag:s22], $0x1380  }
0x74: {  	[sflag:s22] =	ssyncset.done $0x0  }
0x75: {  	[sflag:s22] =	ssyncadd.s32 $0xFFFFEC80  }
0x76: {  	_ =	swait.ge [sflag:s24], $0x4000  }
0x77: {  	[sflag:s24] =	ssyncset.done $0x0  }
0x78: {  	s31 =	simm.s32 $0x2800;
	[sflag:s24] =	ssyncadd.s32 $0xFFFFC000  }
0x79: {  	[spmem:s2] =	stream.indirect.scatter.add.f32 [tilespmem:s28], [sflag:$0x4], $0x80, s31, s26, $0xb8;
	[tilespmem:$0x1FC00] =	vst v63  }
0x7a: {  	_ =	swait.ge [sflag:s22], $0x4000  }
0x7b: {  	[sflag:s22] =	ssyncset.done $0x0  }
0x7c: {  	s31 =	simm.s32 $0x1500;
	[sflag:s22] =	ssyncadd.s32 $0xFFFFC000  }
0x7d: {  	[tilespmem:s28], [sflag:$0x1] =	stream.indirect.gather [hbm4b:s4+s26], $0x80, s31, s26, $0xb8;
	[tilespmem:$0x1FC00] =	vst v63  }
0x7e: {  	_ =	swait.ge [sflag:s23], $0x4000  }
0x7f: {  	[sflag:s23] =	ssyncset.done $0x0  }
0x80: {  	s31 =	simm.s32 $0x2880;
	[sflag:s23] =	ssyncadd.s32 $0xFFFFC000  }
0x81: {  	[spmem:s2] =	stream.indirect.scatter.add.f32 [tilespmem:s21], [sflag:$0x4], $0x80, s31, s26, $0xb8;
	[tilespmem:$0x1FC00] =	vst v63  }
0x82: {  	_ =	swait.ge [sflag:s22], $0x4000  }
0x83: {  	[sflag:s22] =	ssyncset.done $0x0  }
0x84: {  	s30 =	simm.s32 $0x1580;
	s0 =	simm.s32 $0x400;
	[sflag:s22] =	ssyncadd.s32 $0xFFFFC000  }
.LBB2_4:
0x85: {  	[tilespmem:s21], [sflag:$0x3] =	stream.indirect.gather [hbm4b:s4+s26], $0x80, s30, s26, $0xb8;
	[tilespmem:$0x1FC00] =	vst v63  }
0x86: {  	s30 =	smov.u32 s0  }
0x87: {  	p0 =	sne.s32 s0, $0x4400;
	s0 =	sadd.s32 $0x400, s0;
	_ =	swait.ge [sflag:s24], $0x4000  }
0x88: {  	s30 =	sshra.s32 s30, $0x2;
	[sflag:s24] =	ssyncset.done $0x0  }
0x89: {  	s31 =	sadd.s32 $0x2800, s30;
	[sflag:s24] =	ssyncadd.s32 $0xFFFFC000  }
0x8a: {  	[spmem:s2] =	stream.indirect.scatter.add.f32 [tilespmem:s28], [sflag:$0x4], $0x80, s31, s26, $0xb8;
	[tilespmem:$0x1FC00] =	vst v63  }
0x8b: {  	_ =	swait.ge [sflag:s22], $0x4000  }
0x8c: {  	[sflag:s22] =	ssyncset.done $0x0  }
0x8d: {  	s31 =	sadd.s32 $0x1500, s30;
	[sflag:s22] =	ssyncadd.s32 $0xFFFFC000  }
0x8e: {  	[tilespmem:s28], [sflag:$0x1] =	stream.indirect.gather [hbm4b:s4+s26], $0x80, s31, s26, $0xb8;
	[tilespmem:$0x1FC00] =	vst v63  }
0x8f: {  	_ =	swait.ge [sflag:s23], $0x4000  }
0x90: {  	[sflag:s23] =	ssyncset.done $0x0  }
.Ltmp1:
0x91: {  	s31 =	sadd.s32 $0x2880, s30;
	[sflag:s23] =	ssyncadd.s32 $0xFFFFC000;
	(pc) =	sbr.rel @p0 .LBB2_4-.Ltmp1, $4  }
0x92: {  	[spmem:s2] =	stream.indirect.scatter.add.f32 [tilespmem:s21], [sflag:$0x4], $0x80, s31, s26, $0xb8;
	[tilespmem:$0x1FC00] =	vst v63  }
0x93: {  	_ =	swait.ge [sflag:s22], $0x4000  }
0x94: {  	[sflag:s22] =	ssyncset.done $0x0  }
0x95: {  	s30 =	sadd.s32 $0x1580, s30;
	[sflag:s22] =	ssyncadd.s32 $0xFFFFC000  }
0x96: {  	[tilespmem:s21], [sflag:$0x3] =	stream.indirect.gather [hbm4b:s4+s26], $0x80, s30, s26, $0xb8;
	[tilespmem:$0x1FC00] =	vst v63  }
0x97: {  	_ =	swait.ge [sflag:s24], $0x4000  }
0x98: {  	[sflag:s24] =	ssyncset.done $0x0  }
0x99: {  	s0 =	simm.s32 $0x3A00;
	[sflag:s24] =	ssyncadd.s32 $0xFFFFC000  }
0x9a: {  	[spmem:s2] =	stream.indirect.scatter.add.f32 [tilespmem:s28], [sflag:$0x4], $0x80, s0, s26, $0xb8;
	[tilespmem:$0x1FC00] =	vst v63  }
0x9b: {  	_ =	swait.ge [sflag:s22], $0x4000  }
0x9c: {  	[sflag:s22] =	ssyncset.done $0x0  }
0x9d: {  	s30 =	simm.s32 $0x2700;
	[sflag:s22] =	ssyncadd.s32 $0xFFFFC000  }
0x9e: {  	[tilespmem:s28], [sflag:$0x1] =	stream.indirect.gather [hbm4b:s4+s26], $0x80, s30, s26, $0xb8;
	[tilespmem:$0x1FC00] =	vst v63  }
0x9f: {  	_ =	swait.ge [sflag:s23], $0x4000  }
0xa0: {  	[sflag:s23] =	ssyncset.done $0x0  }
0xa1: {  	s31 =	simm.s32 $0x3A80;
	[sflag:s23] =	ssyncadd.s32 $0xFFFFC000  }
0xa2: {  	[spmem:s2] =	stream.indirect.scatter.add.f32 [tilespmem:s21], [sflag:$0x4], $0x80, s31, s26, $0xb8;
	[tilespmem:$0x1FC00] =	vst v63  }
0xa3: {  	_ =	swait.ge [sflag:s22], $0x4000  }
0xa4: {  	[sflag:s22] =	ssyncset.done $0x0  }
0xa5: {  	[sflag:s22] =	ssyncadd.s32 $0xFFFFC000  }
0xa6: {  	_ =	swait.ge [sflag:s24], $0x4000  }
0xa7: {  	[sflag:s24] =	ssyncset.done $0x0  }
0xa8: {  	[sflag:s24] =	ssyncadd.s32 $0xFFFFC000  }
0xa9: {  	[spmem:s2] =	stream.indirect.scatter.add.f32 [tilespmem:s28], [sflag:$0x4], $0x80, s29, s26, $0xb8;
	[tilespmem:$0x1FC00] =	vst v63  }
0xaa: {  	_ =	swait.ge [sflag:s22], $0x4000  }
0xab: {  	[sflag:s22] =	ssyncset.done $0x0  }
0xac: {  	[sflag:s22] =	ssyncadd.s32 $0xFFFFC000  }
0xad: {  	[bflag:$0x0] =	sbarrier.arrive $0xFFFF  }
0xae: {  	[tilespmem:s28], [sflag:$0x4] =	stream.linear.gather [spmem:s8], $0x4000, $0x38;
	[tilespmem:$0x1FC00] =	vst v63  }
0xaf: {  	_ =	swait.ge [sflag:s22], $0x4000  }
0xb0: {  	[sflag:s22] =	ssyncset.done $0x0  }
0xb1: {  	[sflag:s22] =	ssyncadd.s32 $0xFFFFC000  }
0xb2: {  	[hbm4b:s14+s3] =	stream.linear.scatter [tilespmem:s28], [sflag:$0x1], $0x4000, $0x38;
	[tilespmem:$0x1FC00] =	vst v63  }
0xb3: {  	_ = 	snop  }
0xb4: {  	[tilespmem:s21], [sflag:$0x4] =	stream.linear.gather [spmem:s9], $0x4000, $0x38;
	[tilespmem:$0x1FC00] =	vst v63  }
0xb5: {  	_ =	swait.ge [sflag:s22], $0x4000  }
0xb6: {  	[sflag:s22] =	ssyncset.done $0x0  }
0xb7: {  	[sflag:s22] =	ssyncadd.s32 $0xFFFFC000  }
0xb8: {  	[hbm4b:s15+s3] =	stream.linear.scatter [tilespmem:s21], [sflag:$0x3], $0x4000, $0x38;
	[tilespmem:$0x1FC00] =	vst v63  }
0xb9: {  	_ =	swait.ge [sflag:s24], $0x4000  }
0xba: {  	[sflag:s24] =	ssyncset.done $0x0  }
0xbb: {  	[sflag:s24] =	ssyncadd.s32 $0xFFFFC000  }
0xbc: {  	[tilespmem:s28], [sflag:$0x4] =	stream.linear.gather [spmem:s10], $0x4000, $0x38;
	[tilespmem:$0x1FC00] =	vst v63  }
0xbd: {  	_ =	swait.ge [sflag:s22], $0x4000  }
0xbe: {  	[sflag:s22] =	ssyncset.done $0x0  }
0xbf: {  	[sflag:s22] =	ssyncadd.s32 $0xFFFFC000  }
0xc0: {  	[hbm4b:s16+s3] =	stream.linear.scatter [tilespmem:s28], [sflag:$0x1], $0x4000, $0x38;
	[tilespmem:$0x1FC00] =	vst v63  }
0xc1: {  	_ =	swait.ge [sflag:s23], $0x4000  }
0xc2: {  	[sflag:s23] =	ssyncset.done $0x0  }
0xc3: {  	[sflag:s23] =	ssyncadd.s32 $0xFFFFC000  }
0xc4: {  	[tilespmem:s21], [sflag:$0x4] =	stream.linear.gather [spmem:s11], $0x4000, $0x38;
	[tilespmem:$0x1FC00] =	vst v63  }
0xc5: {  	_ =	swait.ge [sflag:s22], $0x4000  }
0xc6: {  	[sflag:s22] =	ssyncset.done $0x0  }
0xc7: {  	[sflag:s22] =	ssyncadd.s32 $0xFFFFC000  }
0xc8: {  	[hbm4b:s17+s3] =	stream.linear.scatter [tilespmem:s21], [sflag:$0x3], $0x4000, $0x38;
	[tilespmem:$0x1FC00] =	vst v63  }
0xc9: {  	_ =	swait.ge [sflag:s24], $0x4000  }
0xca: {  	[sflag:s24] =	ssyncset.done $0x0  }
0xcb: {  	[sflag:s24] =	ssyncadd.s32 $0xFFFFC000  }
0xcc: {  	[tilespmem:s28], [sflag:$0x4] =	stream.linear.gather [spmem:s12], $0x4000, $0x38;
	[tilespmem:$0x1FC00] =	vst v63  }
0xcd: {  	_ =	swait.ge [sflag:s22], $0x4000  }
0xce: {  	[sflag:s22] =	ssyncset.done $0x0  }
0xcf: {  	s1 =	sadd.s32 $0x1, s1;
	[sflag:s22] =	ssyncadd.s32 $0xFFFFC000  }
0xd0: {  	[hbm4b:s18+s3] =	stream.linear.scatter [tilespmem:s28], [sflag:$0x1], $0x4000, $0x38;
	[tilespmem:$0x1FC00] =	vst v63  }
0xd1: {  	p0 =	sne.s32 s1, s19;
	_ =	swait.ge [sflag:s23], $0x4000  }
.Ltmp2:
0xd2: {  	[sflag:s23] =	ssyncset.done $0x0;
	(pc) =	sbr.rel @p0 .LBB2_1-.Ltmp2, $4  }
0xd3: {  	[sflag:s23] =	ssyncadd.s32 $0xFFFFC000  }
0xd4: {  	_ =	swait.ge [sflag:s24], $0x4000  }
0xd5: {  	[sflag:s24] =	ssyncset.done $0x0  }
0xd6: {  	[sflag:s24] =	ssyncadd.s32 $0xFFFFC000  }
0xd7: {  	_ =	sfence.sel $0x180000  }
0xd8: {  	[bflag:$0x0] =	sbarrier.arrive $0xFFFF  }
0xd9: {  	_ =	strace $0x9000004A  }
0xda: {  	s0 =	stileid.u32;
	[bflag:$0x2] =	sbarrier.arrive $0xFFFF  }
0xdb: {  	p0 =	sne.s32 s0, $0x0;
	s0 =	rddreg [dreg:$0x2]  }
0xdc: {  	s0 =	sadd.s32 @!p0 $0x100000, s0  }
0xdd: {  	[sflag:s0] =	ssyncadd.tile.s32 @!p0 $0x1;
	_ =	shalt  }
.Lfunc_end2:
_tile_overlayer_lowered:
.L_overlay_start_2:
0xde: {  	(tag) =	ssettag $0x2  }
0xdf: {  	s0 =	rddreg [dreg:$0x0];
	s2 =	stileid.u32  }
0xe0: {  	s1 =	rddreg [dreg:$0x1];
	p0 =	sne.s32 s2, $0x0  }
0xe1: {  	s3 =	rddreg [dreg:$0x2];
	[bflag:$0x3] =	sbarrier.arrive $0xFFFF;
	s2 =	simm.s32 @!p0 $0x1C04  }
0xe2: {  	[timem:s3], [sflag:s2] =	dma.local @!p0 [hbm:s0], s1  }
0xe3: {  	s0 =	simm.s32 @!p0 $0x4  }
0xe4: {  	_ =	swait.ge @!p0 [sflag:s0], s1  }
0xe5: {  	s1 =	ssub.s32 @!p0 $0x0, s1;
	[sflag:s0] =	ssyncset.done @!p0 $0x0  }
0xe6: {  	[sflag:s0] =	ssyncadd.s32 @!p0 s1  }
0xe7: {  	[bflag:$0x3] =	sbarrier.arrive $0xFFFF  }
0xe8: {  	_ =	shalt  }

// kernel: kernel.16.cloned.1.call-start
scs
__scs_entry_jumppad:
0x0: {  	(pc) =	sbr.rel $0x88, $3  }
0x1: {  	(tag) =	ssettag $0x0;
	lr =	simm.s32 $0x1  }
0x2: {  	[smem:$0x3F92] =	sst lr;
	_ =	strace $0xD0000000  }
0x3: {  	_ = 	snop  }
0x4: {  	_ = 	snop  }
0x5: {  	_ = 	snop  }
0x6: {  	_ = 	snop  }
0x7: {  	_ = 	snop  }
__scs_overlays_trampoline_lowered:
0x8: {  	[smem:$0x3FA1] =	sst s0  }
0x9: {  	[smem:$0x3FA2] =	sst s1  }
0xa: {  	[smem:$0x3FA3] =	sst s2  }
0xb: {  	[smem:$0x3FA4] =	sst s3  }
0xc: {  	[smem:$0x3FA5] =	sst s4  }
0xd: {  	[smem:$0x3FA6] =	sst s5  }
0xe: {  	[smem:$0x3FA7] =	sst s6  }
0xf: {  	[smem:$0x3FA8] =	sst s7  }
0x10: {  	[smem:$0x3FA9] =	sst s8  }
0x11: {  	[smem:$0x3FAA] =	sst s9;
	s0 =	simm.s32 @!p0 $0x0  }
0x12: {  	s1 =	sld [smem:$0x3F90];
	s0 =	simm.s32 @p0 $0x1  }
0x13: {  	[smem:$0x3FAB] =	sst s0;
	s0 =	simm.s32 @!p1 $0x0  }
0x14: {  	s2 =	sld [smem:$0x3F8F];
	s0 =	simm.s32 @p1 $0x1  }
0x15: {  	[smem:$0x3FAC] =	sst s0;
	s0 =	simm.s32 @!p2 $0x0  }
0x16: {  	s3 =	sld [smem:$0x3FDB];
	s0 =	simm.s32 @p2 $0x1  }
0x17: {  	s4 =	simm.s32 $0x1BF5;
	[smem:$0x3FAE] =	sst s0  }
0x18: {  	s0 =	sld [smem:$0x3F91];
	_ =	swait.ge [sflag:s4], $0x0  }
0x19: {  	s7 =	sld [smem:$0x3F92]  }
0x1a: {  	s8 =	sadd.s32 $0xFFFFE003, lr  }
0x1b: {  	s9 =	sadd.s32 $0xFFFFFEF7, lr;
	s5 =	simm.s32 $0xFFFFFFFF;
	p2 =	slt.u32 s8, $0xFFFFF086  }
0x1c: {  	p1 =	slt.u32 s9, $0xF7A;
	s5 =	simm.s32 @!p2 $0x0  }
0x1d: {  	s5 =	simm.s32 @p1 $0x1;
	p0 =	seq.s32 s7, s2  }
0x1e: {  	s7 =	smul.u32 @!p0 $0xF7A, s2;
	p2 =	seq.s32 @!p0 s5, $0x0  }
0x1f: {  	s9 =	smul.u32 $0xF7A, s1;
	s8 =	simm.s32 @!p0 $0x1BF5;
	p2 =	por !p2, p0  }
0x20: {  	[sflag:s8] =	ssyncset.s32 @!p0 $0xFFFFF086;
	s6 =	sadd.s32 @!p0 s3, s7;
	s7 =	simm.s32 @!p0 $0x108  }
0x21: {  	s3 =	sadd.s32 s3, s9;
	s6 =	sadd.s32 @!p0 $0x88, s6;
	s7 =	simm.s32 @p2 $0x1082  }
0x22: {  	[simem:s7], [sflag:s8] =	dma.local @!p0 [hbm:s6], $0xF7A  }
0x23: {  	s9 =	sor.u32 $0xD0000000, s2;
	s6 =	simm.s32 $0x108;
	_ =	swait.ge @!p0 [sflag:s8], $0x0  }
0x24: {  	s3 =	sadd.s32 $0x88, s3;
	s6 =	simm.s32 @!p1 $0x1082;
	[sflag:s4] =	ssyncset.s32 $0xFFFFF086  }
0x25: {  	[simem:s6], [sflag:s4] =	dma.local [hbm:s3], $0xF7A  }
0x26: {  	[smem:$0x3F92] =	sst s1;
	(tag) =	ssettag s2;
	_ =	strace s9  }
0x27: {  	s1 =	sld [smem:$0x3FA2]  }
0x28: {  	s2 =	sld [smem:$0x3FA3]  }
0x29: {  	s4 =	sld [smem:$0x3FA5]  }
0x2a: {  	p0 =	seq.s32 s5, $0x0;
	s5 =	sld [smem:$0x3FA6]  }
0x2b: {  	s6 =	sld [smem:$0x3FA7]  }
0x2c: {  	s7 =	sld [smem:$0x3FA8]  }
0x2d: {  	s3 =	simm.s32 $0x108;
	s8 =	sld [smem:$0x3FA9]  }
0x2e: {  	s3 =	simm.s32 @!p0 $0x1082;
	s9 =	sld [smem:$0x3FAA]  }
0x2f: {  	lr =	sadd.s32 s0, s3;
	s0 =	sld [smem:$0x3FA1]  }
0x30: {  	s3 =	sld [smem:$0x3FA4]  }
0x31: {  	[smem:$0x3FAD] =	sst s10  }
0x32: {  	s10 =	sld [smem:$0x3FAB];
	_ =	sdelay $0x3  }
0x33: {  	p0 =	seq.s32 s10, $0x1;
	s10 =	sld [smem:$0x3FAD];
	_ =	sdelay $0x3  }
0x34: {  	[smem:$0x3FAD] =	sst s10  }
0x35: {  	s10 =	sld [smem:$0x3FAC];
	_ =	sdelay $0x3  }
0x36: {  	p1 =	seq.s32 s10, $0x1;
	s10 =	sld [smem:$0x3FAD];
	_ =	sdelay $0x3  }
0x37: {  	[smem:$0x3FAD] =	sst s10  }
0x38: {  	s10 =	sld [smem:$0x3FAE]  }
0x39: {  	_ = 	snop;
	(pc) =	sbr.ind lr, $3  }
0x3a: {  	_ = 	snop  }
0x3b: {  	_ = 	snop  }
0x3c: {  	p2 =	seq.s32 s10, $0x1;
	s10 =	sld [smem:$0x3FAD]  }
0x3d: {  	_ =	shalt  }
0x3e: {  	_ =	shalt  }
0x3f: {  	_ =	shalt  }
0x40: {  	_ =	shalt  }
0x41: {  	_ =	shalt  }
0x42: {  	_ =	shalt  }
0x43: {  	_ =	shalt  }
0x44: {  	_ =	shalt  }
0x45: {  	_ =	shalt  }
0x46: {  	_ =	shalt  }
0x47: {  	_ =	shalt  }
0x48: {  	_ =	shalt  }
0x49: {  	_ =	shalt  }
0x4a: {  	_ =	shalt  }
0x4b: {  	_ =	shalt  }
0x4c: {  	_ =	shalt  }
0x4d: {  	_ =	shalt  }
0x4e: {  	_ =	shalt  }
0x4f: {  	_ =	shalt  }
0x50: {  	_ =	shalt  }
0x51: {  	_ =	shalt  }
0x52: {  	_ =	shalt  }
0x53: {  	_ =	shalt  }
0x54: {  	_ =	shalt  }
0x55: {  	_ =	shalt  }
0x56: {  	_ =	shalt  }
0x57: {  	_ =	shalt  }
0x58: {  	_ =	shalt  }
0x59: {  	_ =	shalt  }
0x5a: {  	_ =	shalt  }
0x5b: {  	_ =	shalt  }
0x5c: {  	_ =	shalt  }
0x5d: {  	_ =	shalt  }
0x5e: {  	_ =	shalt  }
0x5f: {  	_ =	shalt  }
0x60: {  	_ =	shalt  }
0x61: {  	_ =	shalt  }
0x62: {  	_ =	shalt  }
0x63: {  	_ =	shalt  }
0x64: {  	_ =	shalt  }
0x65: {  	_ =	shalt  }
0x66: {  	_ =	shalt  }
0x67: {  	_ =	shalt  }
0x68: {  	_ =	shalt  }
0x69: {  	_ =	shalt  }
0x6a: {  	_ =	shalt  }
0x6b: {  	_ =	shalt  }
0x6c: {  	_ =	shalt  }
0x6d: {  	_ =	shalt  }
0x6e: {  	_ =	shalt  }
0x6f: {  	_ =	shalt  }
0x70: {  	_ =	shalt  }
0x71: {  	_ =	shalt  }
0x72: {  	_ =	shalt  }
0x73: {  	_ =	shalt  }
0x74: {  	_ =	shalt  }
0x75: {  	_ =	shalt  }
0x76: {  	_ =	shalt  }
0x77: {  	_ =	shalt  }
0x78: {  	_ =	shalt  }
0x79: {  	_ =	shalt  }
0x7a: {  	_ =	shalt  }
0x7b: {  	_ =	shalt  }
0x7c: {  	_ =	shalt  }
0x7d: {  	_ =	shalt  }
0x7e: {  	_ =	shalt  }
0x7f: {  	_ =	shalt  }
0x80: {  	_ =	shalt  }
0x81: {  	_ =	shalt  }
0x82: {  	_ =	shalt  }
0x83: {  	_ =	shalt  }
0x84: {  	_ =	shalt  }
0x85: {  	_ =	shalt  }
0x86: {  	_ =	shalt  }
0x87: {  	_ =	shalt  }
.Lfunc_end0:
.L_simem_size_0:
called_computation.2_lowered:
.L_overlay_start_0:
0x88: {  	s2 =	sld [smem:$0x3FD9]  }
0x89: {  	s3 =	sld [smem:$0x3FFE];
	_ =	sdelay $0x1  }
0x8a: {  	s1 =	srdreg.scid  }
0x8b: {  	s0 =	sand.u32 $0x1, s1  }
0x8c: {  	s16 =	sshll.u32 s0, $0xA;
	s2 =	sadd.s32 s3, s2  }
0x8d: {  	s2 =	sadd.s32 s2, s16  }
0x8e: {  	[smem:$0x3FB9] =	sst s2  }
0x8f: {  	_ = 	snop  }
0x90: {  	(tm) =	ssettm $0x1  }
0x91: {  	s17 =	sld [smem:$0x3FFB];
	_ =	sdelay $0x3  }
0x92: {  	_ =	strace s17  }
0x93: {  	s2 =	sld [smem:$0x3FFC];
	_ =	sdelay $0x3  }
0x94: {  	_ =	strace s2  }
0x95: {  	s2 =	sld [smem:$0x3FFD];
	_ =	sdelay $0x3  }
0x96: {  	_ =	strace s2  }
0x97: {  	_ =	strace $0x8FFFFFFF  }
0x98: {  	s18 =	sld [smem:$0x3FDB];
	_ =	sdelay $0x1  }
0x99: {  	s19 =	simm.s32 $_scs_section_size  }
0x9a: {  	s4 =	simm.s32 $_size__tile_overlayer_lowered;
	s5 =	simm.s32 $_tile_overlayer_lowered  }
0x9b: {  	s22 =	simm.s32 $0x1BFF;
	s21 =	sshll.u32 s5, $0x1;
	s2 =	sadd.s32 s19, s18  }
0x9c: {  	s6 =	simm.s32 $0x0;
	s20 =	sshll.u32 s4, $0x1;
	s4 =	sadd.s32 s21, s2  }
0x9d: {  	[timem:s6], [sflag:s22] =	dma.local [hbm:s4], s20  }
0x9e: {  	_ =	swait.ge [sflag:s22], s20  }
0x9f: {  	s3 =	ssub.s32 $0x0, s20;
	[sflag:s22] =	ssyncset.done $0x0  }
0xa0: {  	[sflag:s22] =	ssyncadd.s32 s3;
	_ =	sdelay $0x1  }
0xa1: {  	s23 =	simm.s32 $0x1B8B  }
0xa2: {  	_ =	swait.ge [sflag:s23], $0x1  }
0xa3: {  	[sflag:s23] =	ssyncset.done $0x0  }
0xa4: {  	s25 =	simm.s32 $0x1B8E;
	s24 =	sld [smem:$0x3FFE];
	[sflag:s23] =	ssyncadd.s32 $0xFFFFFFFF  }
0xa5: {  	s26 =	simm.s32 $execute0_lowered;
	[smem:$0x3FD2] =	sst s25  }
0xa6: {  	s4 =	sshll.u32 s26, $0x1;
	_ =	strace $0x8000004C;
	[dreg:$0x1] =	wrdreg $0xFFFFFFFF  }
0xa7: {  	s28 =	simm.s32 $_size_execute0_lowered;
	s2 =	sadd.s32 s2, s4;
	[dreg:$0x0] =	wrdreg $0x0  }
0xa8: {  	s4 =	sshll.u32 s28, $0x1;
	[dreg:$0x2] =	wrdreg s2  }
0xa9: {  	[dreg:$0x3] =	wrdreg s4  }
0xaa: {  	[dreg:$0x4] =	wrdreg $0xC0  }
0xab: {  	_ =	task [dreg:s6], $0x5FFFF  }
0xac: {  	[dreg:$0x1] =	wrdreg $0xFFFFFFFF  }
0xad: {  	[dreg:$0x0] =	wrdreg $0x60  }
0xae: {  	[dreg:$0x2] =	wrdreg s24  }
0xaf: {  	[dreg:$0x3] =	wrdreg $0xBC000  }
0xb0: {  	[dreg:$0x4] =	wrdreg $0x9  }
0xb1: {  	_ =	task.clear_ibuf [dreg:s6], $0x5FFFF;
	_ =	strace $0x9000004C  }
0xb2: {  	s29 =	simm.s32 $0x9;
	_ =	strace $0x8000004E  }
0xb3: {  	_ =	swait.ge [sflag:s29], $0x1  }
0xb4: {  	[sflag:s29] =	ssyncadd.s32 $0xFFFFFFFF  }
0xb5: {  	_ =	strace $0x9000004E  }
0xb6: {  	_ =	sfence  }
0xb7: {  	s30 =	sld [smem:$0x0];
	_ =	sdelay $0x2  }
0xb8: {  	s31 =	sshll.u32 s1, $0xD;
	s1 =	sshrl.u32 s1, $0x2  }
0xb9: {  	s3 =	sand.u32 $0x4000, s31;
	s1 =	sadd.s32 s1, s30  }
0xba: {  	s0 =	sor.u32 s3, s0;
	s1 =	sshll.u32 s1, $0x11  }
0xbb: {  	s0 =	sor.u32 s1, s0  }
0xbc: {  	s0 =	sadd.s32 $0x8F2B, s0  }
0xbd: {  	[sflag:s0] =	ssyncadd.remote.s32 $0x1  }
0xbe: {  	_ =	sfence.sel $0xFFFF  }
0xbf: {  	[dreg:$0x0] =	wrdreg $0xFFFFFFFF;
	(pc) =	sbr.abs _section_cstart, $3  }
0xc0: {  	[dreg:$0x1] =	wrdreg $0xFFFFFFFF  }
0xc1: {  	_ =	task.clear_ibuf [dreg:s6], $0x2FFFF;
	_ =	strace $0x9FFFFFFF  }
0xc2: {  	(tm) =	ssettm $0x7FFFFFFF  }
0xc3: {  	_ =	shalt  }
tec
execute0_lowered:
.L_overlay_start_1:
0x0: {  	(tag) =	ssettag $0x1  }
0x1: {  	s0 =	srdreg.scid;
	s1 =	rddreg [dreg:$0x0]  }
0x2: {  	s9 =	stileid.u32;
	s2 =	rddreg [dreg:$0x1]  }
0x3: {  	s21 =	simm.s32 $0x7C00;
	s22 =	simm.s32 $0x4;
	s23 =	simm.s32 $0x3  }
0x4: {  	s24 =	simm.s32 $0x1;
	s25 =	simm.s32 $0x2;
	s26 =	simm.s32 $0x80  }
0x5: {  	s0 =	sand.u32 $0x1, s0;
	s3 =	sshll.u32 s9, $0x1;
	s7 =	smul.u32 $0x50000, s9  }
0x6: {  	s28 =	simm.s32 $0x3C00;
	s12 =	smul.u32 $0x14000, s9;
	s4 =	sor.u32 s0, s3  }
0x7: {  	s3 =	simm.s32 $0x0;
	s6 =	ssub.s32 $0x2, s0;
	s0 =	smul.u32 $0x140000, s0  }
0x8: {  	s29 =	simm.s32 $0x3B00;
	s5 =	smul.u32 $0x2800, s4;
	[smem:$0x7FF] =	sst s3  }
0x9: {  	s4 =	sadd.s32 $0x18A00, s1;
	s8 =	sshrl.u32 s6, $0x1;
	s30 =	sshrl.u32 s7, $0x2  }
0xa: {  	s14 =	sadd.s32 $0x4000, s12;
	s16 =	sadd.s32 $0x8000, s12;
	s17 =	sadd.s32 $0xC000, s12  }
0xb: {  	s18 =	sadd.s32 $0x10000, s12;
	_ =	strace $0x8000004D;
	s19 =	ssub.s32 s6, s8  }
0xc: {  	s8 =	sadd.s32 s30, s2;
	s9 =	sadd.s32 s14, s2;
	s10 =	sadd.s32 s16, s2  }
0xd: {  	s11 =	sadd.s32 s17, s2;
	s15 =	sadd.s32 s12, s0;
	s12 =	sadd.s32 s18, s2  }
0xe: {  	s20 =	sadd.s32 s0, s14;
	s16 =	sadd.s32 s0, s16;
	s17 =	sadd.s32 s0, s17  }
0xf: {  	s0 =	sadd.s32 s0, s18;
	s5 =	sshrl.u32 s5, $0x3;
	s15 =	sshrl.u32 s15, $0x3  }
0x10: {  	s31 =	sshrl.u32 s20, $0x3;
	s16 =	sshrl.u32 s16, $0x3;
	s17 =	sshrl.u32 s17, $0x3  }
0x11: {  	s0 =	sshrl.u32 s0, $0x3;
	s19 =	smax.u32 s19, $0x1;
	s20 =	simm.s32 $0x2800  }
0x12: {  	s13 =	sadd.s32 s5, s1;
	s5 =	sadd.s32 $0xE000, s1;
	s1 =	sadd.s32 $0x3FC00, s1  }
0x13: {  	s6 =	sadd.s32 $0xEA00, s13;
	s7 =	sadd.s32 $0x4000, s13;
	s13 =	sadd.s32 $0x4280, s13  }
0x14: {  	s14 =	sadd.s32 s1, s15;
	s15 =	sadd.s32 s1, s31;
	s16 =	sadd.s32 s1, s16  }
0x15: {  	s17 =	sadd.s32 s1, s17;
	s18 =	sadd.s32 s1, s0;
	s1 =	simm.s32 $0x0  }
.LBB2_1:
0x16: {  	[tilespmem:s3], [sflag:$0x1] =	stream.linear.gather [hbm4b:s6+s3], $0x2780, $0x38;
	[tilespmem:$0x1FC00] =	vst v63  }
0x17: {  	_ = 	snop  }
0x18: {  	[tilespmem:s20], [sflag:$0x2] =	stream.linear.gather [hbm4b:s7+s3], $0x1400, $0x38;
	[tilespmem:$0x1FC00] =	vst v63  }
0x19: {  	_ = 	snop  }
0x1a: {  	[tilespmem:s21], [sflag:$0x4] =	stream.linear.gather [hbm4b:s5+s3], $0x4000, $0x38;
	[tilespmem:$0x1FC00] =	vst v63  }
0x1b: {  	_ =	swait.ge [sflag:s22], $0x4000  }
0x1c: {  	[sflag:s22] =	ssyncset.done $0x0  }
0x1d: {  	[sflag:s22] =	ssyncadd.s32 $0xFFFFC000  }
0x1e: {  	[spmem:s8] =	stream.linear.scatter [tilespmem:s21], [sflag:$0x3], $0x4000, $0x38;
	[tilespmem:$0x1FC00] =	vst v63  }
0x1f: {  	_ = 	snop  }
0x20: {  	[spmem:s9] =	stream.linear.scatter [tilespmem:s21], [sflag:$0x3], $0x4000, $0x38;
	[tilespmem:$0x1FC00] =	vst v63  }
0x21: {  	_ = 	snop  }
0x22: {  	[spmem:s10] =	stream.linear.scatter [tilespmem:s21], [sflag:$0x3], $0x4000, $0x38;
	[tilespmem:$0x1FC00] =	vst v63  }
0x23: {  	_ = 	snop  }
0x24: {  	[spmem:s11] =	stream.linear.scatter [tilespmem:s21], [sflag:$0x3], $0x4000, $0x38;
	[tilespmem:$0x1FC00] =	vst v63  }
0x25: {  	_ = 	snop  }
0x26: {  	[spmem:s12] =	stream.linear.scatter [tilespmem:s21], [sflag:$0x3], $0x4000, $0x38;
	[tilespmem:$0x1FC00] =	vst v63  }
0x27: {  	_ =	swait.ge [sflag:s23], $0x4000  }
0x28: {  	[sflag:s23] =	ssyncset.done $0x0  }
0x29: {  	[sflag:s23] =	ssyncadd.s32 $0xFFFFC000  }
0x2a: {  	_ =	swait.ge [sflag:s23], $0x4000  }
0x2b: {  	[sflag:s23] =	ssyncset.done $0x0  }
0x2c: {  	[sflag:s23] =	ssyncadd.s32 $0xFFFFC000  }
0x2d: {  	_ =	swait.ge [sflag:s23], $0x4000  }
0x2e: {  	[sflag:s23] =	ssyncset.done $0x0  }
0x2f: {  	[sflag:s23] =	ssyncadd.s32 $0xFFFFC000  }
0x30: {  	_ =	swait.ge [sflag:s23], $0x4000  }
0x31: {  	[sflag:s23] =	ssyncset.done $0x0  }
0x32: {  	[sflag:s23] =	ssyncadd.s32 $0xFFFFC000  }
0x33: {  	_ =	swait.ge [sflag:s23], $0x4000  }
0x34: {  	[sflag:s23] =	ssyncset.done $0x0  }
0x35: {  	[sflag:s23] =	ssyncadd.s32 $0xFFFFC000  }
0x36: {  	_ =	swait.ge [sflag:s24], $0x2780  }
0x37: {  	[sflag:s24] =	ssyncset.done $0x0  }
0x38: {  	[sflag:s24] =	ssyncadd.s32 $0xFFFFD880  }
0x39: {  	_ =	swait.ge [sflag:s25], $0x1400  }
0x3a: {  	[sflag:s25] =	ssyncset.done $0x0  }
0x3b: {  	[sflag:s25] =	ssyncadd.s32 $0xFFFFEC00  }
0x3c: {  	[bflag:$0x0] =	sbarrier.arrive $0xFFFF  }
0x3d: {  	[tilespmem:s28], [sflag:$0x1] =	stream.indirect.gather [hbm4b:s4+s26], $0x80, s3, s26, $0xb8;
	[tilespmem:$0x1FC00] =	vst v63  }
0x3e: {  	_ = 	snop  }
0x3f: {  	[tilespmem:s21], [sflag:$0x3] =	stream.indirect.gather [hbm4b:s4+s26], $0x80, s26, s26, $0xb8;
	[tilespmem:$0x1FC00] =	vst v63  }
0x40: {  	_ =	swait.ge [sflag:s24], $0x4000  }
0x41: {  	[sflag:s24] =	ssyncset.done $0x0  }
0x42: {  	s0 =	simm.s32 $0x2800;
	[sflag:s24] =	ssyncadd.s32 $0xFFFFC000  }
0x43: {  	[spmem:s2] =	stream.indirect.scatter.add.f32 [tilespmem:s28], [sflag:$0x4], $0x80, s0, s26, $0xb8;
	[tilespmem:$0x1FC00] =	vst v63  }
0x44: {  	_ =	swait.ge [sflag:s22], $0x4000  }
0x45: {  	[sflag:s22] =	ssyncset.done $0x0  }
0x46: {  	s31 =	simm.s32 $0x100;
	[sflag:s22] =	ssyncadd.s32 $0xFFFFC000  }
0x47: {  	[tilespmem:s28], [sflag:$0x1] =	stream.indirect.gather [hbm4b:s4+s26], $0x80, s31, s26, $0xb8;
	[tilespmem:$0x1FC00] =	vst v63  }
0x48: {  	_ =	swait.ge [sflag:s23], $0x4000  }
0x49: {  	[sflag:s23] =	ssyncset.done $0x0  }
0x4a: {  	s31 =	simm.s32 $0x2880;
	[sflag:s23] =	ssyncadd.s32 $0xFFFFC000  }
0x4b: {  	[spmem:s2] =	stream.indirect.scatter.add.f32 [tilespmem:s21], [sflag:$0x4], $0x80, s31, s26, $0xb8;
	[tilespmem:$0x1FC00] =	vst v63  }
0x4c: {  	_ =	swait.ge [sflag:s22], $0x4000  }
0x4d: {  	[sflag:s22] =	ssyncset.done $0x0  }
0x4e: {  	s30 =	simm.s32 $0x180;
	s0 =	simm.s32 $0x400;
	[sflag:s22] =	ssyncadd.s32 $0xFFFFC000  }
.LBB2_2:
0x4f: {  	[tilespmem:s21], [sflag:$0x3] =	stream.indirect.gather [hbm4b:s4+s26], $0x80, s30, s26, $0xb8;
	[tilespmem:$0x1FC00] =	vst v63  }
0x50: {  	s30 =	smov.u32 s0  }
0x51: {  	p0 =	sne.s32 s0, $0x4800;
	s0 =	sadd.s32 $0x400, s0;
	_ =	swait.ge [sflag:s24], $0x4000  }
0x52: {  	s30 =	sshra.s32 s30, $0x2;
	[sflag:s24] =	ssyncset.done $0x0  }
0x53: {  	s31 =	sadd.s32 $0x2800, s30;
	[sflag:s24] =	ssyncadd.s32 $0xFFFFC000  }
0x54: {  	[spmem:s2] =	stream.indirect.scatter.add.f32 [tilespmem:s28], [sflag:$0x4], $0x80, s31, s26, $0xb8;
	[tilespmem:$0x1FC00] =	vst v63  }
0x55: {  	_ =	swait.ge [sflag:s22], $0x4000  }
0x56: {  	[sflag:s22] =	ssyncset.done $0x0  }
0x57: {  	s31 =	sadd.s32 $0x100, s30;
	[sflag:s22] =	ssyncadd.s32 $0xFFFFC000  }
0x58: {  	[tilespmem:s28], [sflag:$0x1] =	stream.indirect.gather [hbm4b:s4+s26], $0x80, s31, s26, $0xb8;
	[tilespmem:$0x1FC00] =	vst v63  }
0x59: {  	_ =	swait.ge [sflag:s23], $0x4000  }
0x5a: {  	[sflag:s23] =	ssyncset.done $0x0  }
.Ltmp0:
0x5b: {  	s31 =	sadd.s32 $0x2880, s30;
	[sflag:s23] =	ssyncadd.s32 $0xFFFFC000;
	(pc) =	sbr.rel @p0 .LBB2_2-.Ltmp0, $4  }
0x5c: {  	[spmem:s2] =	stream.indirect.scatter.add.f32 [tilespmem:s21], [sflag:$0x4], $0x80, s31, s26, $0xb8;
	[tilespmem:$0x1FC00] =	vst v63  }
0x5d: {  	_ =	swait.ge [sflag:s22], $0x4000  }
0x5e: {  	[sflag:s22] =	ssyncset.done $0x0  }
0x5f: {  	s30 =	sadd.s32 $0x180, s30;
	[sflag:s22] =	ssyncadd.s32 $0xFFFFC000  }
0x60: {  	[tilespmem:s21], [sflag:$0x3] =	stream.indirect.gather [hbm4b:s4+s26], $0x80, s30, s26, $0xb8;
	[tilespmem:$0x1FC00] =	vst v63  }
0x61: {  	_ =	swait.ge [sflag:s24], $0x4000  }
0x62: {  	[sflag:s24] =	ssyncset.done $0x0  }
0x63: {  	[sflag:s24] =	ssyncadd.s32 $0xFFFFC000  }
0x64: {  	[spmem:s2] =	stream.indirect.scatter.add.f32 [tilespmem:s28], [sflag:$0x4], $0x80, s29, s26, $0xb8;
	[tilespmem:$0x1FC00] =	vst v63  }
0x65: {  	_ =	swait.ge [sflag:s22], $0x4000  }
0x66: {  	[sflag:s22] =	ssyncset.done $0x0  }
0x67: {  	s0 =	simm.s32 $0x1400;
	[sflag:s22] =	ssyncadd.s32 $0xFFFFC000  }
0x68: {  	[tilespmem:s28], [sflag:$0x1] =	stream.indirect.gather [hbm4b:s4+s26], $0x80, s0, s26, $0xb8;
	[tilespmem:$0x1FC00] =	vst v63  }
0x69: {  	_ =	swait.ge [sflag:s23], $0x4000  }
0x6a: {  	[sflag:s23] =	ssyncset.done $0x0  }
0x6b: {  	s31 =	simm.s32 $0x3B80;
	[sflag:s23] =	ssyncadd.s32 $0xFFFFC000  }
0x6c: {  	[spmem:s2] =	stream.indirect.scatter.add.f32 [tilespmem:s21], [sflag:$0x4], $0x80, s31, s26, $0xb8;
	[tilespmem:$0x1FC00] =	vst v63  }
0x6d: {  	_ =	swait.ge [sflag:s22], $0x4000  }
0x6e: {  	[sflag:s22] =	ssyncset.done $0x0  }
0x6f: {  	s31 =	simm.s32 $0x1480;
	[sflag:s22] =	ssyncadd.s32 $0xFFFFC000  }
0x70: {  	[tilespmem:s21], [sflag:$0x3] =	stream.indirect.gather [hbm4b:s4+s26], $0x80, s31, s26, $0xb8;
	[tilespmem:$0x1FC00] =	vst v63  }
0x71: {  	s31 =	simm.s32 $0x0  }
0x72: {  	[tilespmem:s20], [sflag:$0x4] =	stream.linear.gather [hbm4b:s13+s31], $0x1380, $0x38;
	[tilespmem:$0x1FC00] =	vst v63  }
0x73: {  	_ =	swait.ge [sflag:s22], $0x1380  }
0x74: {  	[sflag:s22] =	ssyncset.done $0x0  }
0x75: {  	[sflag:s22] =	ssyncadd.s32 $0xFFFFEC80  }
0x76: {  	_ =	swait.ge [sflag:s24], $0x4000  }
0x77: {  	[sflag:s24] =	ssyncset.done $0x0  }
0x78: {  	s31 =	simm.s32 $0x2800;
	[sflag:s24] =	ssyncadd.s32 $0xFFFFC000  }
0x79: {  	[spmem:s2] =	stream.indirect.scatter.add.f32 [tilespmem:s28], [sflag:$0x4], $0x80, s31, s26, $0xb8;
	[tilespmem:$0x1FC00] =	vst v63  }
0x7a: {  	_ =	swait.ge [sflag:s22], $0x4000  }
0x7b: {  	[sflag:s22] =	ssyncset.done $0x0  }
0x7c: {  	s31 =	simm.s32 $0x1500;
	[sflag:s22] =	ssyncadd.s32 $0xFFFFC000  }
0x7d: {  	[tilespmem:s28], [sflag:$0x1] =	stream.indirect.gather [hbm4b:s4+s26], $0x80, s31, s26, $0xb8;
	[tilespmem:$0x1FC00] =	vst v63  }
0x7e: {  	_ =	swait.ge [sflag:s23], $0x4000  }
0x7f: {  	[sflag:s23] =	ssyncset.done $0x0  }
0x80: {  	s31 =	simm.s32 $0x2880;
	[sflag:s23] =	ssyncadd.s32 $0xFFFFC000  }
0x81: {  	[spmem:s2] =	stream.indirect.scatter.add.f32 [tilespmem:s21], [sflag:$0x4], $0x80, s31, s26, $0xb8;
	[tilespmem:$0x1FC00] =	vst v63  }
0x82: {  	_ =	swait.ge [sflag:s22], $0x4000  }
0x83: {  	[sflag:s22] =	ssyncset.done $0x0  }
0x84: {  	s30 =	simm.s32 $0x1580;
	s0 =	simm.s32 $0x400;
	[sflag:s22] =	ssyncadd.s32 $0xFFFFC000  }
.LBB2_4:
0x85: {  	[tilespmem:s21], [sflag:$0x3] =	stream.indirect.gather [hbm4b:s4+s26], $0x80, s30, s26, $0xb8;
	[tilespmem:$0x1FC00] =	vst v63  }
0x86: {  	s30 =	smov.u32 s0  }
0x87: {  	p0 =	sne.s32 s0, $0x4400;
	s0 =	sadd.s32 $0x400, s0;
	_ =	swait.ge [sflag:s24], $0x4000  }
0x88: {  	s30 =	sshra.s32 s30, $0x2;
	[sflag:s24] =	ssyncset.done $0x0  }
0x89: {  	s31 =	sadd.s32 $0x2800, s30;
	[sflag:s24] =	ssyncadd.s32 $0xFFFFC000  }
0x8a: {  	[spmem:s2] =	stream.indirect.scatter.add.f32 [tilespmem:s28], [sflag:$0x4], $0x80, s31, s26, $0xb8;
	[tilespmem:$0x1FC00] =	vst v63  }
0x8b: {  	_ =	swait.ge [sflag:s22], $0x4000  }
0x8c: {  	[sflag:s22] =	ssyncset.done $0x0  }
0x8d: {  	s31 =	sadd.s32 $0x1500, s30;
	[sflag:s22] =	ssyncadd.s32 $0xFFFFC000  }
0x8e: {  	[tilespmem:s28], [sflag:$0x1] =	stream.indirect.gather [hbm4b:s4+s26], $0x80, s31, s26, $0xb8;
	[tilespmem:$0x1FC00] =	vst v63  }
0x8f: {  	_ =	swait.ge [sflag:s23], $0x4000  }
0x90: {  	[sflag:s23] =	ssyncset.done $0x0  }
.Ltmp1:
0x91: {  	s31 =	sadd.s32 $0x2880, s30;
	[sflag:s23] =	ssyncadd.s32 $0xFFFFC000;
	(pc) =	sbr.rel @p0 .LBB2_4-.Ltmp1, $4  }
0x92: {  	[spmem:s2] =	stream.indirect.scatter.add.f32 [tilespmem:s21], [sflag:$0x4], $0x80, s31, s26, $0xb8;
	[tilespmem:$0x1FC00] =	vst v63  }
0x93: {  	_ =	swait.ge [sflag:s22], $0x4000  }
0x94: {  	[sflag:s22] =	ssyncset.done $0x0  }
0x95: {  	s30 =	sadd.s32 $0x1580, s30;
	[sflag:s22] =	ssyncadd.s32 $0xFFFFC000  }
0x96: {  	[tilespmem:s21], [sflag:$0x3] =	stream.indirect.gather [hbm4b:s4+s26], $0x80, s30, s26, $0xb8;
	[tilespmem:$0x1FC00] =	vst v63  }
0x97: {  	_ =	swait.ge [sflag:s24], $0x4000  }
0x98: {  	[sflag:s24] =	ssyncset.done $0x0  }
0x99: {  	s0 =	simm.s32 $0x3A00;
	[sflag:s24] =	ssyncadd.s32 $0xFFFFC000  }
0x9a: {  	[spmem:s2] =	stream.indirect.scatter.add.f32 [tilespmem:s28], [sflag:$0x4], $0x80, s0, s26, $0xb8;
	[tilespmem:$0x1FC00] =	vst v63  }
0x9b: {  	_ =	swait.ge [sflag:s22], $0x4000  }
0x9c: {  	[sflag:s22] =	ssyncset.done $0x0  }
0x9d: {  	s30 =	simm.s32 $0x2700;
	[sflag:s22] =	ssyncadd.s32 $0xFFFFC000  }
0x9e: {  	[tilespmem:s28], [sflag:$0x1] =	stream.indirect.gather [hbm4b:s4+s26], $0x80, s30, s26, $0xb8;
	[tilespmem:$0x1FC00] =	vst v63  }
0x9f: {  	_ =	swait.ge [sflag:s23], $0x4000  }
0xa0: {  	[sflag:s23] =	ssyncset.done $0x0  }
0xa1: {  	s31 =	simm.s32 $0x3A80;
	[sflag:s23] =	ssyncadd.s32 $0xFFFFC000  }
0xa2: {  	[spmem:s2] =	stream.indirect.scatter.add.f32 [tilespmem:s21], [sflag:$0x4], $0x80, s31, s26, $0xb8;
	[tilespmem:$0x1FC00] =	vst v63  }
0xa3: {  	_ =	swait.ge [sflag:s22], $0x4000  }
0xa4: {  	[sflag:s22] =	ssyncset.done $0x0  }
0xa5: {  	[sflag:s22] =	ssyncadd.s32 $0xFFFFC000  }
0xa6: {  	_ =	swait.ge [sflag:s24], $0x4000  }
0xa7: {  	[sflag:s24] =	ssyncset.done $0x0  }
0xa8: {  	[sflag:s24] =	ssyncadd.s32 $0xFFFFC000  }
0xa9: {  	[spmem:s2] =	stream.indirect.scatter.add.f32 [tilespmem:s28], [sflag:$0x4], $0x80, s29, s26, $0xb8;
	[tilespmem:$0x1FC00] =	vst v63  }
0xaa: {  	_ =	swait.ge [sflag:s22], $0x4000  }
0xab: {  	[sflag:s22] =	ssyncset.done $0x0  }
0xac: {  	[sflag:s22] =	ssyncadd.s32 $0xFFFFC000  }
0xad: {  	[bflag:$0x0] =	sbarrier.arrive $0xFFFF  }
0xae: {  	[tilespmem:s28], [sflag:$0x4] =	stream.linear.gather [spmem:s8], $0x4000, $0x38;
	[tilespmem:$0x1FC00] =	vst v63  }
0xaf: {  	_ =	swait.ge [sflag:s22], $0x4000  }
0xb0: {  	[sflag:s22] =	ssyncset.done $0x0  }
0xb1: {  	[sflag:s22] =	ssyncadd.s32 $0xFFFFC000  }
0xb2: {  	[hbm4b:s14+s3] =	stream.linear.scatter [tilespmem:s28], [sflag:$0x1], $0x4000, $0x38;
	[tilespmem:$0x1FC00] =	vst v63  }
0xb3: {  	_ = 	snop  }
0xb4: {  	[tilespmem:s21], [sflag:$0x4] =	stream.linear.gather [spmem:s9], $0x4000, $0x38;
	[tilespmem:$0x1FC00] =	vst v63  }
0xb5: {  	_ =	swait.ge [sflag:s22], $0x4000  }
0xb6: {  	[sflag:s22] =	ssyncset.done $0x0  }
0xb7: {  	[sflag:s22] =	ssyncadd.s32 $0xFFFFC000  }
0xb8: {  	[hbm4b:s15+s3] =	stream.linear.scatter [tilespmem:s21], [sflag:$0x3], $0x4000, $0x38;
	[tilespmem:$0x1FC00] =	vst v63  }
0xb9: {  	_ =	swait.ge [sflag:s24], $0x4000  }
0xba: {  	[sflag:s24] =	ssyncset.done $0x0  }
0xbb: {  	[sflag:s24] =	ssyncadd.s32 $0xFFFFC000  }
0xbc: {  	[tilespmem:s28], [sflag:$0x4] =	stream.linear.gather [spmem:s10], $0x4000, $0x38;
	[tilespmem:$0x1FC00] =	vst v63  }
0xbd: {  	_ =	swait.ge [sflag:s22], $0x4000  }
0xbe: {  	[sflag:s22] =	ssyncset.done $0x0  }
0xbf: {  	[sflag:s22] =	ssyncadd.s32 $0xFFFFC000  }
0xc0: {  	[hbm4b:s16+s3] =	stream.linear.scatter [tilespmem:s28], [sflag:$0x1], $0x4000, $0x38;
	[tilespmem:$0x1FC00] =	vst v63  }
0xc1: {  	_ =	swait.ge [sflag:s23], $0x4000  }
0xc2: {  	[sflag:s23] =	ssyncset.done $0x0  }
0xc3: {  	[sflag:s23] =	ssyncadd.s32 $0xFFFFC000  }
0xc4: {  	[tilespmem:s21], [sflag:$0x4] =	stream.linear.gather [spmem:s11], $0x4000, $0x38;
	[tilespmem:$0x1FC00] =	vst v63  }
0xc5: {  	_ =	swait.ge [sflag:s22], $0x4000  }
0xc6: {  	[sflag:s22] =	ssyncset.done $0x0  }
0xc7: {  	[sflag:s22] =	ssyncadd.s32 $0xFFFFC000  }
0xc8: {  	[hbm4b:s17+s3] =	stream.linear.scatter [tilespmem:s21], [sflag:$0x3], $0x4000, $0x38;
	[tilespmem:$0x1FC00] =	vst v63  }
0xc9: {  	_ =	swait.ge [sflag:s24], $0x4000  }
0xca: {  	[sflag:s24] =	ssyncset.done $0x0  }
0xcb: {  	[sflag:s24] =	ssyncadd.s32 $0xFFFFC000  }
0xcc: {  	[tilespmem:s28], [sflag:$0x4] =	stream.linear.gather [spmem:s12], $0x4000, $0x38;
	[tilespmem:$0x1FC00] =	vst v63  }
0xcd: {  	_ =	swait.ge [sflag:s22], $0x4000  }
0xce: {  	[sflag:s22] =	ssyncset.done $0x0  }
0xcf: {  	s1 =	sadd.s32 $0x1, s1;
	[sflag:s22] =	ssyncadd.s32 $0xFFFFC000  }
0xd0: {  	[hbm4b:s18+s3] =	stream.linear.scatter [tilespmem:s28], [sflag:$0x1], $0x4000, $0x38;
	[tilespmem:$0x1FC00] =	vst v63  }
0xd1: {  	p0 =	sne.s32 s1, s19;
	_ =	swait.ge [sflag:s23], $0x4000  }
.Ltmp2:
0xd2: {  	[sflag:s23] =	ssyncset.done $0x0;
	(pc) =	sbr.rel @p0 .LBB2_1-.Ltmp2, $4  }
0xd3: {  	[sflag:s23] =	ssyncadd.s32 $0xFFFFC000  }
0xd4: {  	_ =	swait.ge [sflag:s24], $0x4000  }
0xd5: {  	[sflag:s24] =	ssyncset.done $0x0  }
0xd6: {  	[sflag:s24] =	ssyncadd.s32 $0xFFFFC000  }
0xd7: {  	_ =	sfence.sel $0x180000  }
0xd8: {  	[bflag:$0x0] =	sbarrier.arrive $0xFFFF  }
0xd9: {  	_ =	strace $0x9000004D  }
0xda: {  	s0 =	stileid.u32;
	[bflag:$0x2] =	sbarrier.arrive $0xFFFF  }
0xdb: {  	p0 =	sne.s32 s0, $0x0;
	s0 =	rddreg [dreg:$0x2]  }
0xdc: {  	s0 =	sadd.s32 @!p0 $0x100000, s0  }
0xdd: {  	[sflag:s0] =	ssyncadd.tile.s32 @!p0 $0x1;
	_ =	shalt  }
.Lfunc_end2:
_tile_overlayer_lowered:
.L_overlay_start_2:
0xde: {  	(tag) =	ssettag $0x2  }
0xdf: {  	s0 =	rddreg [dreg:$0x0];
	s2 =	stileid.u32  }
0xe0: {  	s1 =	rddreg [dreg:$0x1];
	p0 =	sne.s32 s2, $0x0  }
0xe1: {  	s3 =	rddreg [dreg:$0x2];
	[bflag:$0x3] =	sbarrier.arrive $0xFFFF;
	s2 =	simm.s32 @!p0 $0x1C04  }
0xe2: {  	[timem:s3], [sflag:s2] =	dma.local @!p0 [hbm:s0], s1  }
0xe3: {  	s0 =	simm.s32 @!p0 $0x4  }
0xe4: {  	_ =	swait.ge @!p0 [sflag:s0], s1  }
0xe5: {  	s1 =	ssub.s32 @!p0 $0x0, s1;
	[sflag:s0] =	ssyncset.done @!p0 $0x0  }
0xe6: {  	[sflag:s0] =	ssyncadd.s32 @!p0 s1  }
0xe7: {  	[bflag:$0x3] =	sbarrier.arrive $0xFFFF  }
0xe8: {  	_ =	shalt  }

// kernel: kernel.19.cloned.1.call-start
scs
__scs_entry_jumppad:
0x0: {  	(pc) =	sbr.rel $0x88, $3  }
0x1: {  	(tag) =	ssettag $0x0;
	lr =	simm.s32 $0x1  }
0x2: {  	[smem:$0x3F92] =	sst lr;
	_ =	strace $0xD0000000  }
0x3: {  	_ = 	snop  }
0x4: {  	_ = 	snop  }
0x5: {  	_ = 	snop  }
0x6: {  	_ = 	snop  }
0x7: {  	_ = 	snop  }
__scs_overlays_trampoline_lowered:
0x8: {  	[smem:$0x3FA1] =	sst s0  }
0x9: {  	[smem:$0x3FA2] =	sst s1  }
0xa: {  	[smem:$0x3FA3] =	sst s2  }
0xb: {  	[smem:$0x3FA4] =	sst s3  }
0xc: {  	[smem:$0x3FA5] =	sst s4  }
0xd: {  	[smem:$0x3FA6] =	sst s5  }
0xe: {  	[smem:$0x3FA7] =	sst s6  }
0xf: {  	[smem:$0x3FA8] =	sst s7  }
0x10: {  	[smem:$0x3FA9] =	sst s8  }
0x11: {  	[smem:$0x3FAA] =	sst s9;
	s0 =	simm.s32 @!p0 $0x0  }
0x12: {  	s1 =	sld [smem:$0x3F90];
	s0 =	simm.s32 @p0 $0x1  }
0x13: {  	[smem:$0x3FAB] =	sst s0;
	s0 =	simm.s32 @!p1 $0x0  }
0x14: {  	s2 =	sld [smem:$0x3F8F];
	s0 =	simm.s32 @p1 $0x1  }
0x15: {  	[smem:$0x3FAC] =	sst s0;
	s0 =	simm.s32 @!p2 $0x0  }
0x16: {  	s3 =	sld [smem:$0x3FDB];
	s0 =	simm.s32 @p2 $0x1  }
0x17: {  	s4 =	simm.s32 $0x1BF5;
	[smem:$0x3FAE] =	sst s0  }
0x18: {  	s0 =	sld [smem:$0x3F91];
	_ =	swait.ge [sflag:s4], $0x0  }
0x19: {  	s7 =	sld [smem:$0x3F92]  }
0x1a: {  	s8 =	sadd.s32 $0xFFFFE003, lr  }
0x1b: {  	s9 =	sadd.s32 $0xFFFFFEF7, lr;
	s5 =	simm.s32 $0xFFFFFFFF;
	p2 =	slt.u32 s8, $0xFFFFF086  }
0x1c: {  	p1 =	slt.u32 s9, $0xF7A;
	s5 =	simm.s32 @!p2 $0x0  }
0x1d: {  	s5 =	simm.s32 @p1 $0x1;
	p0 =	seq.s32 s7, s2  }
0x1e: {  	s7 =	smul.u32 @!p0 $0xF7A, s2;
	p2 =	seq.s32 @!p0 s5, $0x0  }
0x1f: {  	s9 =	smul.u32 $0xF7A, s1;
	s8 =	simm.s32 @!p0 $0x1BF5;
	p2 =	por !p2, p0  }
0x20: {  	[sflag:s8] =	ssyncset.s32 @!p0 $0xFFFFF086;
	s6 =	sadd.s32 @!p0 s3, s7;
	s7 =	simm.s32 @!p0 $0x108  }
0x21: {  	s3 =	sadd.s32 s3, s9;
	s6 =	sadd.s32 @!p0 $0x88, s6;
	s7 =	simm.s32 @p2 $0x1082  }
0x22: {  	[simem:s7], [sflag:s8] =	dma.local @!p0 [hbm:s6], $0xF7A  }
0x23: {  	s9 =	sor.u32 $0xD0000000, s2;
	s6 =	simm.s32 $0x108;
	_ =	swait.ge @!p0 [sflag:s8], $0x0  }
0x24: {  	s3 =	sadd.s32 $0x88, s3;
	s6 =	simm.s32 @!p1 $0x1082;
	[sflag:s4] =	ssyncset.s32 $0xFFFFF086  }
0x25: {  	[simem:s6], [sflag:s4] =	dma.local [hbm:s3], $0xF7A  }
0x26: {  	[smem:$0x3F92] =	sst s1;
	(tag) =	ssettag s2;
	_ =	strace s9  }
0x27: {  	s1 =	sld [smem:$0x3FA2]  }
0x28: {  	s2 =	sld [smem:$0x3FA3]  }
0x29: {  	s4 =	sld [smem:$0x3FA5]  }
0x2a: {  	p0 =	seq.s32 s5, $0x0;
	s5 =	sld [smem:$0x3FA6]  }
0x2b: {  	s6 =	sld [smem:$0x3FA7]  }
0x2c: {  	s7 =	sld [smem:$0x3FA8]  }
0x2d: {  	s3 =	simm.s32 $0x108;
	s8 =	sld [smem:$0x3FA9]  }
0x2e: {  	s3 =	simm.s32 @!p0 $0x1082;
	s9 =	sld [smem:$0x3FAA]  }
0x2f: {  	lr =	sadd.s32 s0, s3;
	s0 =	sld [smem:$0x3FA1]  }
0x30: {  	s3 =	sld [smem:$0x3FA4]  }
0x31: {  	[smem:$0x3FAD] =	sst s10  }
0x32: {  	s10 =	sld [smem:$0x3FAB];
	_ =	sdelay $0x3  }
0x33: {  	p0 =	seq.s32 s10, $0x1;
	s10 =	sld [smem:$0x3FAD];
	_ =	sdelay $0x3  }
0x34: {  	[smem:$0x3FAD] =	sst s10  }
0x35: {  	s10 =	sld [smem:$0x3FAC];
	_ =	sdelay $0x3  }
0x36: {  	p1 =	seq.s32 s10, $0x1;
	s10 =	sld [smem:$0x3FAD];
	_ =	sdelay $0x3  }
0x37: {  	[smem:$0x3FAD] =	sst s10  }
0x38: {  	s10 =	sld [smem:$0x3FAE]  }
0x39: {  	_ = 	snop;
	(pc) =	sbr.ind lr, $3  }
0x3a: {  	_ = 	snop  }
0x3b: {  	_ = 	snop  }
0x3c: {  	p2 =	seq.s32 s10, $0x1;
	s10 =	sld [smem:$0x3FAD]  }
0x3d: {  	_ =	shalt  }
0x3e: {  	_ =	shalt  }
0x3f: {  	_ =	shalt  }
0x40: {  	_ =	shalt  }
0x41: {  	_ =	shalt  }
0x42: {  	_ =	shalt  }
0x43: {  	_ =	shalt  }
0x44: {  	_ =	shalt  }
0x45: {  	_ =	shalt  }
0x46: {  	_ =	shalt  }
0x47: {  	_ =	shalt  }
0x48: {  	_ =	shalt  }
0x49: {  	_ =	shalt  }
0x4a: {  	_ =	shalt  }
0x4b: {  	_ =	shalt  }
0x4c: {  	_ =	shalt  }
0x4d: {  	_ =	shalt  }
0x4e: {  	_ =	shalt  }
0x4f: {  	_ =	shalt  }
0x50: {  	_ =	shalt  }
0x51: {  	_ =	shalt  }
0x52: {  	_ =	shalt  }
0x53: {  	_ =	shalt  }
0x54: {  	_ =	shalt  }
0x55: {  	_ =	shalt  }
0x56: {  	_ =	shalt  }
0x57: {  	_ =	shalt  }
0x58: {  	_ =	shalt  }
0x59: {  	_ =	shalt  }
0x5a: {  	_ =	shalt  }
0x5b: {  	_ =	shalt  }
0x5c: {  	_ =	shalt  }
0x5d: {  	_ =	shalt  }
0x5e: {  	_ =	shalt  }
0x5f: {  	_ =	shalt  }
0x60: {  	_ =	shalt  }
0x61: {  	_ =	shalt  }
0x62: {  	_ =	shalt  }
0x63: {  	_ =	shalt  }
0x64: {  	_ =	shalt  }
0x65: {  	_ =	shalt  }
0x66: {  	_ =	shalt  }
0x67: {  	_ =	shalt  }
0x68: {  	_ =	shalt  }
0x69: {  	_ =	shalt  }
0x6a: {  	_ =	shalt  }
0x6b: {  	_ =	shalt  }
0x6c: {  	_ =	shalt  }
0x6d: {  	_ =	shalt  }
0x6e: {  	_ =	shalt  }
0x6f: {  	_ =	shalt  }
0x70: {  	_ =	shalt  }
0x71: {  	_ =	shalt  }
0x72: {  	_ =	shalt  }
0x73: {  	_ =	shalt  }
0x74: {  	_ =	shalt  }
0x75: {  	_ =	shalt  }
0x76: {  	_ =	shalt  }
0x77: {  	_ =	shalt  }
0x78: {  	_ =	shalt  }
0x79: {  	_ =	shalt  }
0x7a: {  	_ =	shalt  }
0x7b: {  	_ =	shalt  }
0x7c: {  	_ =	shalt  }
0x7d: {  	_ =	shalt  }
0x7e: {  	_ =	shalt  }
0x7f: {  	_ =	shalt  }
0x80: {  	_ =	shalt  }
0x81: {  	_ =	shalt  }
0x82: {  	_ =	shalt  }
0x83: {  	_ =	shalt  }
0x84: {  	_ =	shalt  }
0x85: {  	_ =	shalt  }
0x86: {  	_ =	shalt  }
0x87: {  	_ =	shalt  }
.Lfunc_end0:
.L_simem_size_0:
called_computation.3_lowered:
.L_overlay_start_0:
0x88: {  	s2 =	sld [smem:$0x3FD9]  }
0x89: {  	s3 =	sld [smem:$0x3FFE];
	_ =	sdelay $0x1  }
0x8a: {  	s1 =	srdreg.scid  }
0x8b: {  	s0 =	sand.u32 $0x1, s1  }
0x8c: {  	s16 =	sshll.u32 s0, $0xA;
	s2 =	sadd.s32 s3, s2  }
0x8d: {  	s2 =	sadd.s32 s2, s16  }
0x8e: {  	[smem:$0x3FB9] =	sst s2  }
0x8f: {  	_ = 	snop  }
0x90: {  	(tm) =	ssettm $0x1  }
0x91: {  	s17 =	sld [smem:$0x3FFB];
	_ =	sdelay $0x3  }
0x92: {  	_ =	strace s17  }
0x93: {  	s2 =	sld [smem:$0x3FFC];
	_ =	sdelay $0x3  }
0x94: {  	_ =	strace s2  }
0x95: {  	s2 =	sld [smem:$0x3FFD];
	_ =	sdelay $0x3  }
0x96: {  	_ =	strace s2  }
0x97: {  	_ =	strace $0x8FFFFFFF  }
0x98: {  	s18 =	sld [smem:$0x3FDB];
	_ =	sdelay $0x1  }
0x99: {  	s19 =	simm.s32 $_scs_section_size  }
0x9a: {  	s4 =	simm.s32 $_size__tile_overlayer_lowered;
	s5 =	simm.s32 $_tile_overlayer_lowered  }
0x9b: {  	s22 =	simm.s32 $0x1BFF;
	s21 =	sshll.u32 s5, $0x1;
	s2 =	sadd.s32 s19, s18  }
0x9c: {  	s6 =	simm.s32 $0x0;
	s20 =	sshll.u32 s4, $0x1;
	s4 =	sadd.s32 s21, s2  }
0x9d: {  	[timem:s6], [sflag:s22] =	dma.local [hbm:s4], s20  }
0x9e: {  	_ =	swait.ge [sflag:s22], s20  }
0x9f: {  	s3 =	ssub.s32 $0x0, s20;
	[sflag:s22] =	ssyncset.done $0x0  }
0xa0: {  	[sflag:s22] =	ssyncadd.s32 s3;
	_ =	sdelay $0x1  }
0xa1: {  	s23 =	simm.s32 $0x1B8B  }
0xa2: {  	_ =	swait.ge [sflag:s23], $0x1  }
0xa3: {  	[sflag:s23] =	ssyncset.done $0x0  }
0xa4: {  	s25 =	simm.s32 $0x1B8E;
	s24 =	sld [smem:$0x3FFE];
	[sflag:s23] =	ssyncadd.s32 $0xFFFFFFFF  }
0xa5: {  	s26 =	simm.s32 $execute0_lowered;
	[smem:$0x3FD2] =	sst s25  }
0xa6: {  	s4 =	sshll.u32 s26, $0x1;
	_ =	strace $0x8000004F;
	[dreg:$0x1] =	wrdreg $0xFFFFFFFF  }
0xa7: {  	s28 =	simm.s32 $_size_execute0_lowered;
	s2 =	sadd.s32 s2, s4;
	[dreg:$0x0] =	wrdreg $0x0  }
0xa8: {  	s4 =	sshll.u32 s28, $0x1;
	[dreg:$0x2] =	wrdreg s2  }
0xa9: {  	[dreg:$0x3] =	wrdreg s4  }
0xaa: {  	[dreg:$0x4] =	wrdreg $0xC0  }
0xab: {  	_ =	task [dreg:s6], $0x5FFFF  }
0xac: {  	[dreg:$0x1] =	wrdreg $0xFFFFFFFF  }
0xad: {  	[dreg:$0x0] =	wrdreg $0x60  }
0xae: {  	[dreg:$0x2] =	wrdreg s24  }
0xaf: {  	[dreg:$0x3] =	wrdreg $0xBC000  }
0xb0: {  	[dreg:$0x4] =	wrdreg $0x9  }
0xb1: {  	_ =	task.clear_ibuf [dreg:s6], $0x5FFFF;
	_ =	strace $0x9000004F  }
0xb2: {  	s29 =	simm.s32 $0x9;
	_ =	strace $0x80000051  }
0xb3: {  	_ =	swait.ge [sflag:s29], $0x1  }
0xb4: {  	[sflag:s29] =	ssyncadd.s32 $0xFFFFFFFF  }
0xb5: {  	_ =	strace $0x90000051  }
0xb6: {  	_ =	sfence  }
0xb7: {  	s30 =	sld [smem:$0x0];
	_ =	sdelay $0x2  }
0xb8: {  	s31 =	sshll.u32 s1, $0xD;
	s1 =	sshrl.u32 s1, $0x2  }
0xb9: {  	s3 =	sand.u32 $0x4000, s31;
	s1 =	sadd.s32 s1, s30  }
0xba: {  	s0 =	sor.u32 s3, s0;
	s1 =	sshll.u32 s1, $0x11  }
0xbb: {  	s0 =	sor.u32 s1, s0  }
0xbc: {  	s0 =	sadd.s32 $0x8F2B, s0  }
0xbd: {  	[sflag:s0] =	ssyncadd.remote.s32 $0x1  }
0xbe: {  	_ =	sfence.sel $0xFFFF  }
0xbf: {  	[dreg:$0x0] =	wrdreg $0xFFFFFFFF;
	(pc) =	sbr.abs _section_cstart, $3  }
0xc0: {  	[dreg:$0x1] =	wrdreg $0xFFFFFFFF  }
0xc1: {  	_ =	task.clear_ibuf [dreg:s6], $0x2FFFF;
	_ =	strace $0x9FFFFFFF  }
0xc2: {  	(tm) =	ssettm $0x7FFFFFFF  }
0xc3: {  	_ =	shalt  }
tec
execute0_lowered:
.L_overlay_start_1:
0x0: {  	(tag) =	ssettag $0x1  }
0x1: {  	s0 =	srdreg.scid;
	s1 =	rddreg [dreg:$0x0]  }
0x2: {  	s9 =	stileid.u32;
	s2 =	rddreg [dreg:$0x1]  }
0x3: {  	s21 =	simm.s32 $0x7C00;
	s22 =	simm.s32 $0x4;
	s23 =	simm.s32 $0x3  }
0x4: {  	s24 =	simm.s32 $0x1;
	s25 =	simm.s32 $0x2;
	s26 =	simm.s32 $0x80  }
0x5: {  	s0 =	sand.u32 $0x1, s0;
	s3 =	sshll.u32 s9, $0x1;
	s7 =	smul.u32 $0x50000, s9  }
0x6: {  	s28 =	simm.s32 $0x3C00;
	s12 =	smul.u32 $0x14000, s9;
	s4 =	sor.u32 s0, s3  }
0x7: {  	s3 =	simm.s32 $0x0;
	s6 =	ssub.s32 $0x2, s0;
	s0 =	smul.u32 $0x140000, s0  }
0x8: {  	s29 =	simm.s32 $0x3B00;
	s5 =	smul.u32 $0x2800, s4;
	[smem:$0x7FF] =	sst s3  }
0x9: {  	s4 =	sadd.s32 $0x18A00, s1;
	s8 =	sshrl.u32 s6, $0x1;
	s30 =	sshrl.u32 s7, $0x2  }
0xa: {  	s14 =	sadd.s32 $0x4000, s12;
	s16 =	sadd.s32 $0x8000, s12;
	s17 =	sadd.s32 $0xC000, s12  }
0xb: {  	s18 =	sadd.s32 $0x10000, s12;
	_ =	strace $0x80000050;
	s19 =	ssub.s32 s6, s8  }
0xc: {  	s8 =	sadd.s32 s30, s2;
	s9 =	sadd.s32 s14, s2;
	s10 =	sadd.s32 s16, s2  }
0xd: {  	s11 =	sadd.s32 s17, s2;
	s15 =	sadd.s32 s12, s0;
	s12 =	sadd.s32 s18, s2  }
0xe: {  	s20 =	sadd.s32 s0, s14;
	s16 =	sadd.s32 s0, s16;
	s17 =	sadd.s32 s0, s17  }
0xf: {  	s0 =	sadd.s32 s0, s18;
	s5 =	sshrl.u32 s5, $0x3;
	s15 =	sshrl.u32 s15, $0x3  }
0x10: {  	s31 =	sshrl.u32 s20, $0x3;
	s16 =	sshrl.u32 s16, $0x3;
	s17 =	sshrl.u32 s17, $0x3  }
0x11: {  	s0 =	sshrl.u32 s0, $0x3;
	s19 =	smax.u32 s19, $0x1;
	s20 =	simm.s32 $0x2800  }
0x12: {  	s13 =	sadd.s32 s5, s1;
	s5 =	sadd.s32 $0xE000, s1;
	s1 =	sadd.s32 $0x3FC00, s1  }
0x13: {  	s6 =	sadd.s32 $0xEA00, s13;
	s7 =	sadd.s32 $0x4000, s13;
	s13 =	sadd.s32 $0x4280, s13  }
0x14: {  	s14 =	sadd.s32 s1, s15;
	s15 =	sadd.s32 s1, s31;
	s16 =	sadd.s32 s1, s16  }
0x15: {  	s17 =	sadd.s32 s1, s17;
	s18 =	sadd.s32 s1, s0;
	s1 =	simm.s32 $0x0  }
.LBB2_1:
0x16: {  	[tilespmem:s3], [sflag:$0x1] =	stream.linear.gather [hbm4b:s6+s3], $0x2780, $0x38;
	[tilespmem:$0x1FC00] =	vst v63  }
0x17: {  	_ = 	snop  }
0x18: {  	[tilespmem:s20], [sflag:$0x2] =	stream.linear.gather [hbm4b:s7+s3], $0x1400, $0x38;
	[tilespmem:$0x1FC00] =	vst v63  }
0x19: {  	_ = 	snop  }
0x1a: {  	[tilespmem:s21], [sflag:$0x4] =	stream.linear.gather [hbm4b:s5+s3], $0x4000, $0x38;
	[tilespmem:$0x1FC00] =	vst v63  }
0x1b: {  	_ =	swait.ge [sflag:s22], $0x4000  }
0x1c: {  	[sflag:s22] =	ssyncset.done $0x0  }
0x1d: {  	[sflag:s22] =	ssyncadd.s32 $0xFFFFC000  }
0x1e: {  	[spmem:s8] =	stream.linear.scatter [tilespmem:s21], [sflag:$0x3], $0x4000, $0x38;
	[tilespmem:$0x1FC00] =	vst v63  }
0x1f: {  	_ = 	snop  }
0x20: {  	[spmem:s9] =	stream.linear.scatter [tilespmem:s21], [sflag:$0x3], $0x4000, $0x38;
	[tilespmem:$0x1FC00] =	vst v63  }
0x21: {  	_ = 	snop  }
0x22: {  	[spmem:s10] =	stream.linear.scatter [tilespmem:s21], [sflag:$0x3], $0x4000, $0x38;
	[tilespmem:$0x1FC00] =	vst v63  }
0x23: {  	_ = 	snop  }
0x24: {  	[spmem:s11] =	stream.linear.scatter [tilespmem:s21], [sflag:$0x3], $0x4000, $0x38;
	[tilespmem:$0x1FC00] =	vst v63  }
0x25: {  	_ = 	snop  }
0x26: {  	[spmem:s12] =	stream.linear.scatter [tilespmem:s21], [sflag:$0x3], $0x4000, $0x38;
	[tilespmem:$0x1FC00] =	vst v63  }
0x27: {  	_ =	swait.ge [sflag:s23], $0x4000  }
0x28: {  	[sflag:s23] =	ssyncset.done $0x0  }
0x29: {  	[sflag:s23] =	ssyncadd.s32 $0xFFFFC000  }
0x2a: {  	_ =	swait.ge [sflag:s23], $0x4000  }
0x2b: {  	[sflag:s23] =	ssyncset.done $0x0  }
0x2c: {  	[sflag:s23] =	ssyncadd.s32 $0xFFFFC000  }
0x2d: {  	_ =	swait.ge [sflag:s23], $0x4000  }
0x2e: {  	[sflag:s23] =	ssyncset.done $0x0  }
0x2f: {  	[sflag:s23] =	ssyncadd.s32 $0xFFFFC000  }
0x30: {  	_ =	swait.ge [sflag:s23], $0x4000  }
0x31: {  	[sflag:s23] =	ssyncset.done $0x0  }
0x32: {  	[sflag:s23] =	ssyncadd.s32 $0xFFFFC000  }
0x33: {  	_ =	swait.ge [sflag:s23], $0x4000  }
0x34: {  	[sflag:s23] =	ssyncset.done $0x0  }
0x35: {  	[sflag:s23] =	ssyncadd.s32 $0xFFFFC000  }
0x36: {  	_ =	swait.ge [sflag:s24], $0x2780  }
0x37: {  	[sflag:s24] =	ssyncset.done $0x0  }
0x38: {  	[sflag:s24] =	ssyncadd.s32 $0xFFFFD880  }
0x39: {  	_ =	swait.ge [sflag:s25], $0x1400  }
0x3a: {  	[sflag:s25] =	ssyncset.done $0x0  }
0x3b: {  	[sflag:s25] =	ssyncadd.s32 $0xFFFFEC00  }
0x3c: {  	[bflag:$0x0] =	sbarrier.arrive $0xFFFF  }
0x3d: {  	[tilespmem:s28], [sflag:$0x1] =	stream.indirect.gather [hbm4b:s4+s26], $0x80, s3, s26, $0xb8;
	[tilespmem:$0x1FC00] =	vst v63  }
0x3e: {  	_ = 	snop  }
0x3f: {  	[tilespmem:s21], [sflag:$0x3] =	stream.indirect.gather [hbm4b:s4+s26], $0x80, s26, s26, $0xb8;
	[tilespmem:$0x1FC00] =	vst v63  }
0x40: {  	_ =	swait.ge [sflag:s24], $0x4000  }
0x41: {  	[sflag:s24] =	ssyncset.done $0x0  }
0x42: {  	s0 =	simm.s32 $0x2800;
	[sflag:s24] =	ssyncadd.s32 $0xFFFFC000  }
0x43: {  	[spmem:s2] =	stream.indirect.scatter.add.f32 [tilespmem:s28], [sflag:$0x4], $0x80, s0, s26, $0xb8;
	[tilespmem:$0x1FC00] =	vst v63  }
0x44: {  	_ =	swait.ge [sflag:s22], $0x4000  }
0x45: {  	[sflag:s22] =	ssyncset.done $0x0  }
0x46: {  	s31 =	simm.s32 $0x100;
	[sflag:s22] =	ssyncadd.s32 $0xFFFFC000  }
0x47: {  	[tilespmem:s28], [sflag:$0x1] =	stream.indirect.gather [hbm4b:s4+s26], $0x80, s31, s26, $0xb8;
	[tilespmem:$0x1FC00] =	vst v63  }
0x48: {  	_ =	swait.ge [sflag:s23], $0x4000  }
0x49: {  	[sflag:s23] =	ssyncset.done $0x0  }
0x4a: {  	s31 =	simm.s32 $0x2880;
	[sflag:s23] =	ssyncadd.s32 $0xFFFFC000  }
0x4b: {  	[spmem:s2] =	stream.indirect.scatter.add.f32 [tilespmem:s21], [sflag:$0x4], $0x80, s31, s26, $0xb8;
	[tilespmem:$0x1FC00] =	vst v63  }
0x4c: {  	_ =	swait.ge [sflag:s22], $0x4000  }
0x4d: {  	[sflag:s22] =	ssyncset.done $0x0  }
0x4e: {  	s30 =	simm.s32 $0x180;
	s0 =	simm.s32 $0x400;
	[sflag:s22] =	ssyncadd.s32 $0xFFFFC000  }
.LBB2_2:
0x4f: {  	[tilespmem:s21], [sflag:$0x3] =	stream.indirect.gather [hbm4b:s4+s26], $0x80, s30, s26, $0xb8;
	[tilespmem:$0x1FC00] =	vst v63  }
0x50: {  	s30 =	smov.u32 s0  }
0x51: {  	p0 =	sne.s32 s0, $0x4800;
	s0 =	sadd.s32 $0x400, s0;
	_ =	swait.ge [sflag:s24], $0x4000  }
0x52: {  	s30 =	sshra.s32 s30, $0x2;
	[sflag:s24] =	ssyncset.done $0x0  }
0x53: {  	s31 =	sadd.s32 $0x2800, s30;
	[sflag:s24] =	ssyncadd.s32 $0xFFFFC000  }
0x54: {  	[spmem:s2] =	stream.indirect.scatter.add.f32 [tilespmem:s28], [sflag:$0x4], $0x80, s31, s26, $0xb8;
	[tilespmem:$0x1FC00] =	vst v63  }
0x55: {  	_ =	swait.ge [sflag:s22], $0x4000  }
0x56: {  	[sflag:s22] =	ssyncset.done $0x0  }
0x57: {  	s31 =	sadd.s32 $0x100, s30;
	[sflag:s22] =	ssyncadd.s32 $0xFFFFC000  }
0x58: {  	[tilespmem:s28], [sflag:$0x1] =	stream.indirect.gather [hbm4b:s4+s26], $0x80, s31, s26, $0xb8;
	[tilespmem:$0x1FC00] =	vst v63  }
0x59: {  	_ =	swait.ge [sflag:s23], $0x4000  }
0x5a: {  	[sflag:s23] =	ssyncset.done $0x0  }
.Ltmp0:
0x5b: {  	s31 =	sadd.s32 $0x2880, s30;
	[sflag:s23] =	ssyncadd.s32 $0xFFFFC000;
	(pc) =	sbr.rel @p0 .LBB2_2-.Ltmp0, $4  }
0x5c: {  	[spmem:s2] =	stream.indirect.scatter.add.f32 [tilespmem:s21], [sflag:$0x4], $0x80, s31, s26, $0xb8;
	[tilespmem:$0x1FC00] =	vst v63  }
0x5d: {  	_ =	swait.ge [sflag:s22], $0x4000  }
0x5e: {  	[sflag:s22] =	ssyncset.done $0x0  }
0x5f: {  	s30 =	sadd.s32 $0x180, s30;
	[sflag:s22] =	ssyncadd.s32 $0xFFFFC000  }
0x60: {  	[tilespmem:s21], [sflag:$0x3] =	stream.indirect.gather [hbm4b:s4+s26], $0x80, s30, s26, $0xb8;
	[tilespmem:$0x1FC00] =	vst v63  }
0x61: {  	_ =	swait.ge [sflag:s24], $0x4000  }
0x62: {  	[sflag:s24] =	ssyncset.done $0x0  }
0x63: {  	[sflag:s24] =	ssyncadd.s32 $0xFFFFC000  }
0x64: {  	[spmem:s2] =	stream.indirect.scatter.add.f32 [tilespmem:s28], [sflag:$0x4], $0x80, s29, s26, $0xb8;
	[tilespmem:$0x1FC00] =	vst v63  }
0x65: {  	_ =	swait.ge [sflag:s22], $0x4000  }
0x66: {  	[sflag:s22] =	ssyncset.done $0x0  }
0x67: {  	s0 =	simm.s32 $0x1400;
	[sflag:s22] =	ssyncadd.s32 $0xFFFFC000  }
0x68: {  	[tilespmem:s28], [sflag:$0x1] =	stream.indirect.gather [hbm4b:s4+s26], $0x80, s0, s26, $0xb8;
	[tilespmem:$0x1FC00] =	vst v63  }
0x69: {  	_ =	swait.ge [sflag:s23], $0x4000  }
0x6a: {  	[sflag:s23] =	ssyncset.done $0x0  }
0x6b: {  	s31 =	simm.s32 $0x3B80;
	[sflag:s23] =	ssyncadd.s32 $0xFFFFC000  }
0x6c: {  	[spmem:s2] =	stream.indirect.scatter.add.f32 [tilespmem:s21], [sflag:$0x4], $0x80, s31, s26, $0xb8;
	[tilespmem:$0x1FC00] =	vst v63  }
0x6d: {  	_ =	swait.ge [sflag:s22], $0x4000  }
0x6e: {  	[sflag:s22] =	ssyncset.done $0x0  }
0x6f: {  	s31 =	simm.s32 $0x1480;
	[sflag:s22] =	ssyncadd.s32 $0xFFFFC000  }
0x70: {  	[tilespmem:s21], [sflag:$0x3] =	stream.indirect.gather [hbm4b:s4+s26], $0x80, s31, s26, $0xb8;
	[tilespmem:$0x1FC00] =	vst v63  }
0x71: {  	s31 =	simm.s32 $0x0  }
0x72: {  	[tilespmem:s20], [sflag:$0x4] =	stream.linear.gather [hbm4b:s13+s31], $0x1380, $0x38;
	[tilespmem:$0x1FC00] =	vst v63  }
0x73: {  	_ =	swait.ge [sflag:s22], $0x1380  }
0x74: {  	[sflag:s22] =	ssyncset.done $0x0  }
0x75: {  	[sflag:s22] =	ssyncadd.s32 $0xFFFFEC80  }
0x76: {  	_ =	swait.ge [sflag:s24], $0x4000  }
0x77: {  	[sflag:s24] =	ssyncset.done $0x0  }
0x78: {  	s31 =	simm.s32 $0x2800;
	[sflag:s24] =	ssyncadd.s32 $0xFFFFC000  }
0x79: {  	[spmem:s2] =	stream.indirect.scatter.add.f32 [tilespmem:s28], [sflag:$0x4], $0x80, s31, s26, $0xb8;
	[tilespmem:$0x1FC00] =	vst v63  }
0x7a: {  	_ =	swait.ge [sflag:s22], $0x4000  }
0x7b: {  	[sflag:s22] =	ssyncset.done $0x0  }
0x7c: {  	s31 =	simm.s32 $0x1500;
	[sflag:s22] =	ssyncadd.s32 $0xFFFFC000  }
0x7d: {  	[tilespmem:s28], [sflag:$0x1] =	stream.indirect.gather [hbm4b:s4+s26], $0x80, s31, s26, $0xb8;
	[tilespmem:$0x1FC00] =	vst v63  }
0x7e: {  	_ =	swait.ge [sflag:s23], $0x4000  }
0x7f: {  	[sflag:s23] =	ssyncset.done $0x0  }
0x80: {  	s31 =	simm.s32 $0x2880;
	[sflag:s23] =	ssyncadd.s32 $0xFFFFC000  }
0x81: {  	[spmem:s2] =	stream.indirect.scatter.add.f32 [tilespmem:s21], [sflag:$0x4], $0x80, s31, s26, $0xb8;
	[tilespmem:$0x1FC00] =	vst v63  }
0x82: {  	_ =	swait.ge [sflag:s22], $0x4000  }
0x83: {  	[sflag:s22] =	ssyncset.done $0x0  }
0x84: {  	s30 =	simm.s32 $0x1580;
	s0 =	simm.s32 $0x400;
	[sflag:s22] =	ssyncadd.s32 $0xFFFFC000  }
.LBB2_4:
0x85: {  	[tilespmem:s21], [sflag:$0x3] =	stream.indirect.gather [hbm4b:s4+s26], $0x80, s30, s26, $0xb8;
	[tilespmem:$0x1FC00] =	vst v63  }
0x86: {  	s30 =	smov.u32 s0  }
0x87: {  	p0 =	sne.s32 s0, $0x4400;
	s0 =	sadd.s32 $0x400, s0;
	_ =	swait.ge [sflag:s24], $0x4000  }
0x88: {  	s30 =	sshra.s32 s30, $0x2;
	[sflag:s24] =	ssyncset.done $0x0  }
0x89: {  	s31 =	sadd.s32 $0x2800, s30;
	[sflag:s24] =	ssyncadd.s32 $0xFFFFC000  }
0x8a: {  	[spmem:s2] =	stream.indirect.scatter.add.f32 [tilespmem:s28], [sflag:$0x4], $0x80, s31, s26, $0xb8;
	[tilespmem:$0x1FC00] =	vst v63  }
0x8b: {  	_ =	swait.ge [sflag:s22], $0x4000  }
0x8c: {  	[sflag:s22] =	ssyncset.done $0x0  }
0x8d: {  	s31 =	sadd.s32 $0x1500, s30;
	[sflag:s22] =	ssyncadd.s32 $0xFFFFC000  }
0x8e: {  	[tilespmem:s28], [sflag:$0x1] =	stream.indirect.gather [hbm4b:s4+s26], $0x80, s31, s26, $0xb8;
	[tilespmem:$0x1FC00] =	vst v63  }
0x8f: {  	_ =	swait.ge [sflag:s23], $0x4000  }
0x90: {  	[sflag:s23] =	ssyncset.done $0x0  }
.Ltmp1:
0x91: {  	s31 =	sadd.s32 $0x2880, s30;
	[sflag:s23] =	ssyncadd.s32 $0xFFFFC000;
	(pc) =	sbr.rel @p0 .LBB2_4-.Ltmp1, $4  }
0x92: {  	[spmem:s2] =	stream.indirect.scatter.add.f32 [tilespmem:s21], [sflag:$0x4], $0x80, s31, s26, $0xb8;
	[tilespmem:$0x1FC00] =	vst v63  }
0x93: {  	_ =	swait.ge [sflag:s22], $0x4000  }
0x94: {  	[sflag:s22] =	ssyncset.done $0x0  }
0x95: {  	s30 =	sadd.s32 $0x1580, s30;
	[sflag:s22] =	ssyncadd.s32 $0xFFFFC000  }
0x96: {  	[tilespmem:s21], [sflag:$0x3] =	stream.indirect.gather [hbm4b:s4+s26], $0x80, s30, s26, $0xb8;
	[tilespmem:$0x1FC00] =	vst v63  }
0x97: {  	_ =	swait.ge [sflag:s24], $0x4000  }
0x98: {  	[sflag:s24] =	ssyncset.done $0x0  }
0x99: {  	s0 =	simm.s32 $0x3A00;
	[sflag:s24] =	ssyncadd.s32 $0xFFFFC000  }
0x9a: {  	[spmem:s2] =	stream.indirect.scatter.add.f32 [tilespmem:s28], [sflag:$0x4], $0x80, s0, s26, $0xb8;
	[tilespmem:$0x1FC00] =	vst v63  }
0x9b: {  	_ =	swait.ge [sflag:s22], $0x4000  }
0x9c: {  	[sflag:s22] =	ssyncset.done $0x0  }
0x9d: {  	s30 =	simm.s32 $0x2700;
	[sflag:s22] =	ssyncadd.s32 $0xFFFFC000  }
0x9e: {  	[tilespmem:s28], [sflag:$0x1] =	stream.indirect.gather [hbm4b:s4+s26], $0x80, s30, s26, $0xb8;
	[tilespmem:$0x1FC00] =	vst v63  }
0x9f: {  	_ =	swait.ge [sflag:s23], $0x4000  }
0xa0: {  	[sflag:s23] =	ssyncset.done $0x0  }
0xa1: {  	s31 =	simm.s32 $0x3A80;
	[sflag:s23] =	ssyncadd.s32 $0xFFFFC000  }
0xa2: {  	[spmem:s2] =	stream.indirect.scatter.add.f32 [tilespmem:s21], [sflag:$0x4], $0x80, s31, s26, $0xb8;
	[tilespmem:$0x1FC00] =	vst v63  }
0xa3: {  	_ =	swait.ge [sflag:s22], $0x4000  }
0xa4: {  	[sflag:s22] =	ssyncset.done $0x0  }
0xa5: {  	[sflag:s22] =	ssyncadd.s32 $0xFFFFC000  }
0xa6: {  	_ =	swait.ge [sflag:s24], $0x4000  }
0xa7: {  	[sflag:s24] =	ssyncset.done $0x0  }
0xa8: {  	[sflag:s24] =	ssyncadd.s32 $0xFFFFC000  }
0xa9: {  	[spmem:s2] =	stream.indirect.scatter.add.f32 [tilespmem:s28], [sflag:$0x4], $0x80, s29, s26, $0xb8;
	[tilespmem:$0x1FC00] =	vst v63  }
0xaa: {  	_ =	swait.ge [sflag:s22], $0x4000  }
0xab: {  	[sflag:s22] =	ssyncset.done $0x0  }
0xac: {  	[sflag:s22] =	ssyncadd.s32 $0xFFFFC000  }
0xad: {  	[bflag:$0x0] =	sbarrier.arrive $0xFFFF  }
0xae: {  	[tilespmem:s28], [sflag:$0x4] =	stream.linear.gather [spmem:s8], $0x4000, $0x38;
	[tilespmem:$0x1FC00] =	vst v63  }
0xaf: {  	_ =	swait.ge [sflag:s22], $0x4000  }
0xb0: {  	[sflag:s22] =	ssyncset.done $0x0  }
0xb1: {  	[sflag:s22] =	ssyncadd.s32 $0xFFFFC000  }
0xb2: {  	[hbm4b:s14+s3] =	stream.linear.scatter [tilespmem:s28], [sflag:$0x1], $0x4000, $0x38;
	[tilespmem:$0x1FC00] =	vst v63  }
0xb3: {  	_ = 	snop  }
0xb4: {  	[tilespmem:s21], [sflag:$0x4] =	stream.linear.gather [spmem:s9], $0x4000, $0x38;
	[tilespmem:$0x1FC00] =	vst v63  }
0xb5: {  	_ =	swait.ge [sflag:s22], $0x4000  }
0xb6: {  	[sflag:s22] =	ssyncset.done $0x0  }
0xb7: {  	[sflag:s22] =	ssyncadd.s32 $0xFFFFC000  }
0xb8: {  	[hbm4b:s15+s3] =	stream.linear.scatter [tilespmem:s21], [sflag:$0x3], $0x4000, $0x38;
	[tilespmem:$0x1FC00] =	vst v63  }
0xb9: {  	_ =	swait.ge [sflag:s24], $0x4000  }
0xba: {  	[sflag:s24] =	ssyncset.done $0x0  }
0xbb: {  	[sflag:s24] =	ssyncadd.s32 $0xFFFFC000  }
0xbc: {  	[tilespmem:s28], [sflag:$0x4] =	stream.linear.gather [spmem:s10], $0x4000, $0x38;
	[tilespmem:$0x1FC00] =	vst v63  }
0xbd: {  	_ =	swait.ge [sflag:s22], $0x4000  }
0xbe: {  	[sflag:s22] =	ssyncset.done $0x0  }
0xbf: {  	[sflag:s22] =	ssyncadd.s32 $0xFFFFC000  }
0xc0: {  	[hbm4b:s16+s3] =	stream.linear.scatter [tilespmem:s28], [sflag:$0x1], $0x4000, $0x38;
	[tilespmem:$0x1FC00] =	vst v63  }
0xc1: {  	_ =	swait.ge [sflag:s23], $0x4000  }
0xc2: {  	[sflag:s23] =	ssyncset.done $0x0  }
0xc3: {  	[sflag:s23] =	ssyncadd.s32 $0xFFFFC000  }
0xc4: {  	[tilespmem:s21], [sflag:$0x4] =	stream.linear.gather [spmem:s11], $0x4000, $0x38;
	[tilespmem:$0x1FC00] =	vst v63  }
0xc5: {  	_ =	swait.ge [sflag:s22], $0x4000  }
0xc6: {  	[sflag:s22] =	ssyncset.done $0x0  }
0xc7: {  	[sflag:s22] =	ssyncadd.s32 $0xFFFFC000  }
0xc8: {  	[hbm4b:s17+s3] =	stream.linear.scatter [tilespmem:s21], [sflag:$0x3], $0x4000, $0x38;
	[tilespmem:$0x1FC00] =	vst v63  }
0xc9: {  	_ =	swait.ge [sflag:s24], $0x4000  }
0xca: {  	[sflag:s24] =	ssyncset.done $0x0  }
0xcb: {  	[sflag:s24] =	ssyncadd.s32 $0xFFFFC000  }
0xcc: {  	[tilespmem:s28], [sflag:$0x4] =	stream.linear.gather [spmem:s12], $0x4000, $0x38;
	[tilespmem:$0x1FC00] =	vst v63  }
0xcd: {  	_ =	swait.ge [sflag:s22], $0x4000  }
0xce: {  	[sflag:s22] =	ssyncset.done $0x0  }
0xcf: {  	s1 =	sadd.s32 $0x1, s1;
	[sflag:s22] =	ssyncadd.s32 $0xFFFFC000  }
0xd0: {  	[hbm4b:s18+s3] =	stream.linear.scatter [tilespmem:s28], [sflag:$0x1], $0x4000, $0x38;
	[tilespmem:$0x1FC00] =	vst v63  }
0xd1: {  	p0 =	sne.s32 s1, s19;
	_ =	swait.ge [sflag:s23], $0x4000  }
.Ltmp2:
0xd2: {  	[sflag:s23] =	ssyncset.done $0x0;
	(pc) =	sbr.rel @p0 .LBB2_1-.Ltmp2, $4  }
0xd3: {  	[sflag:s23] =	ssyncadd.s32 $0xFFFFC000  }
0xd4: {  	_ =	swait.ge [sflag:s24], $0x4000  }
0xd5: {  	[sflag:s24] =	ssyncset.done $0x0  }
0xd6: {  	[sflag:s24] =	ssyncadd.s32 $0xFFFFC000  }
0xd7: {  	_ =	sfence.sel $0x180000  }
0xd8: {  	[bflag:$0x0] =	sbarrier.arrive $0xFFFF  }
0xd9: {  	_ =	strace $0x90000050  }
0xda: {  	s0 =	stileid.u32;
	[bflag:$0x2] =	sbarrier.arrive $0xFFFF  }
0xdb: {  	p0 =	sne.s32 s0, $0x0;
	s0 =	rddreg [dreg:$0x2]  }
0xdc: {  	s0 =	sadd.s32 @!p0 $0x100000, s0  }
0xdd: {  	[sflag:s0] =	ssyncadd.tile.s32 @!p0 $0x1;
	_ =	shalt  }
.Lfunc_end2:
_tile_overlayer_lowered:
.L_overlay_start_2:
0xde: {  	(tag) =	ssettag $0x2  }
0xdf: {  	s0 =	rddreg [dreg:$0x0];
	s2 =	stileid.u32  }
0xe0: {  	s1 =	rddreg [dreg:$0x1];
	p0 =	sne.s32 s2, $0x0  }
0xe1: {  	s3 =	rddreg [dreg:$0x2];
	[bflag:$0x3] =	sbarrier.arrive $0xFFFF;
	s2 =	simm.s32 @!p0 $0x1C04  }
0xe2: {  	[timem:s3], [sflag:s2] =	dma.local @!p0 [hbm:s0], s1  }
0xe3: {  	s0 =	simm.s32 @!p0 $0x4  }
0xe4: {  	_ =	swait.ge @!p0 [sflag:s0], s1  }
0xe5: {  	s1 =	ssub.s32 @!p0 $0x0, s1;
	[sflag:s0] =	ssyncset.done @!p0 $0x0  }
0xe6: {  	[sflag:s0] =	ssyncadd.s32 @!p0 s1  }
0xe7: {  	[bflag:$0x3] =	sbarrier.arrive $0xFFFF  }
0xe8: {  	_ =	shalt  }

</sc_bundles>
